<compile_context>
chip_gen: v7x
topology: tpu7x:2x2x1
jax: 0.10.2.dev20260603
libtpu: 0.0.44.dev20260713+nightly
codegen_flags: <defaults>
</compile_context>

<pallas_src>
import jax
import jax.numpy as jnp
from jax import lax
from jax.experimental import pallas as pl
from jax.experimental.pallas import tpu as pltpu
from jax.experimental.pallas import tpu_sc as plsc

_H = 224
_W = 224
_P = _H * _W
_B = 8
_C = 192
_R = 2 * _C
_L = 16
_NC, _NS = 2, 16
_NW = _NC * _NS
_WPB = _NW // _B
_ROWS_PER_W = _H // _WPB
_CHUNK = 32
_CPR = _W // _CHUNK
_NCHUNK = _ROWS_PER_W * _CPR
_NGRP = _CHUNK // _L
_CGRP = _C // _L
_SCALE = 2.0 / (_W - 1)


def _floor_i32(x):
    t = x.astype(jnp.int32)
    return t - (t.astype(jnp.float32) > x).astype(jnp.int32)


def _bf16r(x):
    u = lax.bitcast_convert_type(x, jnp.uint32)
    u = (u + jnp.uint32(0x7FFF) + ((u >> jnp.uint32(16)) & jnp.uint32(1)))
    u = u & jnp.uint32(0xFFFF0000)
    return lax.bitcast_convert_type(u, jnp.float32)


def _body(tv_hbm, th_hbm, out_hbm, th_v,
          i1a, i2a, i1b, i2b, waa, wba, wca, wda, oba,
          wab, wbb, wcb, wdb, obb, p1a, p2a, p1b, p2b, o_v, sem):
    wid = lax.axis_index("s") * _NC + lax.axis_index("c")
    b = wid // _WPB
    i0 = (wid % _WPB) * _ROWS_PER_W
    boff = b * _P

    pltpu.sync_copy(th_hbm.at[b], th_v)
    tv = _bf16r(th_v[...])
    t00 = tv[0]
    t01 = tv[1]
    t02 = tv[2]
    t10 = tv[3]
    t11 = tv[4]
    t12 = tv[5]
    lane = lax.iota(jnp.int32, _L)
    zf = lane.astype(jnp.float32) * 0.0

    sets = (
        (i1a, i2a, waa, wba, wca, wda, oba, p1a, p2a),
        (i1b, i2b, wab, wbb, wcb, wdb, obb, p1b, p2b),
    )

    def compute_idx(u, s):
        i1_v, i2_v, wa_v, wb_v, wc_v, wd_v, ob_v = sets[s][:7]
        i = i0 + u // _CPR
        j0 = (u % _CPR) * _CHUNK
        gxv = _bf16r(zf + (i.astype(jnp.float32) * _SCALE - 1.0))
        for g in range(_NGRP):
            j = j0 + g * _L + lane
            gy = _bf16r(j.astype(jnp.float32) * _SCALE - 1.0)
            px = (t00 * gxv + t01 * gy + t02 + 1.0) * (_W * 0.5)
            py = (t10 * gxv + t11 * gy + t12 + 1.0) * (_H * 0.5)
            x0 = _floor_i32(px)
            y0 = _floor_i32(py)
            x1 = jnp.clip(x0 + 1, 0, _W - 1)
            x0 = jnp.clip(x0, 0, _W - 1)
            y1 = jnp.clip(y0 + 1, 0, _H - 1)
            y0 = jnp.clip(y0, 0, _H - 1)
            sl = pl.ds(g * _L, _L)
            i1_v[sl] = y0 * _W + x0 + boff
            i2_v[sl] = y0 * _W + x1 + boff
            ob_v[sl] = (y1 - y0) * _C
            x0f = x0.astype(jnp.float32)
            x1f = x1.astype(jnp.float32)
            y0f = y0.astype(jnp.float32)
            y1f = y1.astype(jnp.float32)
            wa_v[sl] = (x1f - px) * (y1f - py)
            wb_v[sl] = (x1f - px) * (py - y0f)
            wc_v[sl] = (px - x0f) * (y1f - py)
            wd_v[sl] = (px - x0f) * (py - y0f)

    def fire(s):
        i1_v, i2_v = sets[s][:2]
        p1_v, p2_v = sets[s][7:9]
        pltpu.async_copy(tv_hbm.at[i1_v], p1_v, sem)
        pltpu.async_copy(tv_hbm.at[i2_v], p2_v, sem)

    def drain(s):
        p1_v, p2_v = sets[s][7:9]
        pltpu.make_async_copy(tv_hbm.at[pl.ds(0, _CHUNK)], p1_v, sem).wait()
        pltpu.make_async_copy(tv_hbm.at[pl.ds(0, _CHUNK)], p2_v, sem).wait()

    def combine_and_store(u, s):
        wa_v, wb_v, wc_v, wd_v, ob_v = sets[s][2:7]
        p1_v, p2_v = sets[s][7:9]

        def pt_body(r, c):
            wa = wa_v[pl.ds(r, _L)][0]
            wb = wb_v[pl.ds(r, _L)][0]
            wc = wc_v[pl.ds(r, _L)][0]
            wd = wd_v[pl.ds(r, _L)][0]
            ob = ob_v[pl.ds(r, _L)][0]
            for g2 in range(_CGRP):
                cs = pl.ds(g2 * _L, _L)
                bs = pl.ds(ob + g2 * _L, _L)
                o_v[r, cs] = ((wa * p1_v[r, cs] + wb * p1_v[r, bs])
                              + wc * p2_v[r, cs]) + wd * p2_v[r, bs]
            return c

        lax.fori_loop(0, _CHUNK, pt_body, 0)
        i = i0 + u // _CPR
        j0 = (u % _CPR) * _CHUNK
        base = boff + i * _W + j0
        pltpu.sync_copy(o_v, out_hbm.at[pl.ds(base, _CHUNK)])

    compute_idx(0, 0)
    fire(0)

    def pair_body(t, carry):
        u0 = 2 * t
        compute_idx(u0 + 1, 1)
        fire(1)
        drain(0)
        combine_and_store(u0, 0)

        @pl.when(t < _NCHUNK // 2 - 1)
        def _():
            compute_idx(u0 + 2, 0)
            fire(0)

        drain(1)
        combine_and_store(u0 + 1, 1)
        return carry

    lax.fori_loop(0, _NCHUNK // 2, pair_body, 0)


_sc_sample = pl.kernel(
    _body,
    out_type=jax.ShapeDtypeStruct((_B * _P, _C), jnp.float32),
    mesh=plsc.VectorSubcoreMesh(
        core_axis_name="c", subcore_axis_name="s",
        num_cores=_NC, num_subcores=_NS),
    compiler_params=pltpu.CompilerParams(
        needs_layout_passes=False, use_tc_tiling_on_sc=True),
    scratch_types=[
        pltpu.VMEM((_L,), jnp.float32),
        pltpu.VMEM((_CHUNK,), jnp.int32),
        pltpu.VMEM((_CHUNK,), jnp.int32),
        pltpu.VMEM((_CHUNK,), jnp.int32),
        pltpu.VMEM((_CHUNK,), jnp.int32),
        pltpu.VMEM((_CHUNK + _L,), jnp.float32),
        pltpu.VMEM((_CHUNK + _L,), jnp.float32),
        pltpu.VMEM((_CHUNK + _L,), jnp.float32),
        pltpu.VMEM((_CHUNK + _L,), jnp.float32),
        pltpu.VMEM((_CHUNK + _L,), jnp.int32),
        pltpu.VMEM((_CHUNK + _L,), jnp.float32),
        pltpu.VMEM((_CHUNK + _L,), jnp.float32),
        pltpu.VMEM((_CHUNK + _L,), jnp.float32),
        pltpu.VMEM((_CHUNK + _L,), jnp.float32),
        pltpu.VMEM((_CHUNK + _L,), jnp.int32),
        pltpu.VMEM((_CHUNK, _R), jnp.float32),
        pltpu.VMEM((_CHUNK, _R), jnp.float32),
        pltpu.VMEM((_CHUNK, _R), jnp.float32),
        pltpu.VMEM((_CHUNK, _R), jnp.float32),
        pltpu.VMEM((_CHUNK, _C), jnp.float32),
        pltpu.SemaphoreType.DMA,
    ],
)


def kernel(X, affine_transformation):
    main = jnp.concatenate([X[:, :-1], X[:, 1:]], axis=-1)
    last = jnp.concatenate([X[:, -1:], X[:, -1:]], axis=-1)
    tv_table = jnp.concatenate([main, last], axis=1).reshape(_B * _P, _R)
    th = jnp.zeros((_B, _L), jnp.float32).at[:, :6].set(
        affine_transformation.astype(jnp.float32))
    out = _sc_sample(tv_table, th)
    return out.reshape(_B, _H, _W, _C)

# --- scband reference (transcript-rebuilt; emitter-appended) ---
"""Pipeline reference for scband-bilinear-interpolation-26620207301156 (READ-ONLY COPY).

The authoritative reference and input builder live on the scoring server;
editing this copy changes nothing except your own understanding.
"""

import jax, jax.numpy as jnp
import numpy as np

OUT_H, OUT_W = 224, 224


def _make_regular_grids(batch_size, height, width):
    x_linspace = jnp.linspace(-1.0, 1.0, width, dtype=jnp.float32)
    y_linspace = jnp.linspace(-1.0, 1.0, height, dtype=jnp.float32)
    x_coords, y_coords = jnp.meshgrid(x_linspace, y_linspace, indexing='ij')
    x_coords = x_coords.reshape(-1)
    y_coords = y_coords.reshape(-1)
    ones = jnp.ones_like(x_coords)
    grid = jnp.stack([x_coords, y_coords, ones], axis=0)  # [3, P]
    return jnp.broadcast_to(grid[None, :, :], (batch_size,) + grid.shape)


def _interpolate(image_nhwc, sampled_grids):
    image = jnp.transpose(image_nhwc, (0, 3, 1, 2))  # [B, C, H, W]
    B, C, H, W = image.shape
    x = (sampled_grids[:, 0, :] + 1.0) * W * 0.5  # [B, P]
    y = (sampled_grids[:, 1, :] + 1.0) * H * 0.5
    x0 = jnp.floor(x).astype(jnp.int32)
    x1 = x0 + 1
    y0 = jnp.floor(y).astype(jnp.int32)
    y1 = y0 + 1
    x0 = jnp.clip(x0, 0, W - 1)
    x1 = jnp.clip(x1, 0, W - 1)
    y0 = jnp.clip(y0, 0, H - 1)
    y1 = jnp.clip(y1, 0, H - 1)
    flat_image = image.reshape(B, C, H * W)
    indices_a = y0 * W + x0
    indices_b = y1 * W + x0
    indices_c = y0 * W + x1
    indices_d = y1 * W + x1
    def gath(idx):
        return jnp.take_along_axis(flat_image, idx[:, None, :], axis=2)  # [B, C, P]
    pa = gath(indices_a)
    pb = gath(indices_b)
    pc = gath(indices_c)
    pd = gath(indices_d)
    x0f = x0.astype(x.dtype)
    x1f = x1.astype(x.dtype)
    y0f = y0.astype(y.dtype)
    y1f = y1.astype(y.dtype)
    area_a = ((x1f - x) * (y1f - y))[:, None, :]
    area_b = ((x1f - x) * (y - y0f))[:, None, :]
    area_c = ((x - x0f) * (y1f - y))[:, None, :]
    area_d = ((x - x0f) * (y - y0f))[:, None, :]
    return area_a * pa + area_b * pb + area_c * pc + area_d * pd  # [B, C, P]


def _transform(X, affine_transformation):
    B = X.shape[0]
    C = X.shape[3]
    theta = affine_transformation.reshape(B, 2, 3)
    regular_grids = _make_regular_grids(B, OUT_H, OUT_W)
    sampled_grids = jnp.einsum('bij,bjp->bip', theta, regular_grids)
    interp = _interpolate(X, sampled_grids)  # [B, C, P]
    out = interp.reshape(B, C, OUT_H, OUT_W)
    return jnp.transpose(out, (0, 2, 3, 1))  # [B, OUT_H, OUT_W, C]


def setup_inputs(seed: int = 0) -> dict:
    key = jax.random.key(seed)
    k1, k2 = jax.random.split(key)
    X = jax.random.normal(k1, (8, 224, 224, 192), dtype=jnp.float32)
    affine_transformation = jax.random.normal(k2, (8, 6), dtype=jnp.float32)
    return {"X": X, "affine_transformation": affine_transformation}


def reference(X, affine_transformation):
    return _transform(X, affine_transformation)

if __name__ == "__main__":
    import jax
    _d = setup_inputs()
    print(jax.jit(kernel)(*tuple(_d.values())))

</pallas_src>

<mosaic_0001>
#map = affine_map<(d0, d1) -> (0, 0)>
module attributes {stable_mosaic.version = 14 : i64} {
  func.func @_body(%arg0: i32, %arg1: i32, %arg2: memref<401408x384xf32, #tpu.memory_space<hbm>>, %arg3: memref<8x16xf32, #tpu.memory_space<hbm>>, %arg4: memref<401408x192xf32, #tpu.memory_space<hbm>>, %arg5: memref<16xf32, #tpu.memory_space<vmem>>, %arg6: memref<32xi32, #tpu.memory_space<vmem>>, %arg7: memref<32xi32, #tpu.memory_space<vmem>>, %arg8: memref<32xi32, #tpu.memory_space<vmem>>, %arg9: memref<32xi32, #tpu.memory_space<vmem>>, %arg10: memref<48xf32, #tpu.memory_space<vmem>>, %arg11: memref<48xf32, #tpu.memory_space<vmem>>, %arg12: memref<48xf32, #tpu.memory_space<vmem>>, %arg13: memref<48xf32, #tpu.memory_space<vmem>>, %arg14: memref<48xi32, #tpu.memory_space<vmem>>, %arg15: memref<48xf32, #tpu.memory_space<vmem>>, %arg16: memref<48xf32, #tpu.memory_space<vmem>>, %arg17: memref<48xf32, #tpu.memory_space<vmem>>, %arg18: memref<48xf32, #tpu.memory_space<vmem>>, %arg19: memref<48xi32, #tpu.memory_space<vmem>>, %arg20: memref<32x384xf32, #tpu.memory_space<vmem>>, %arg21: memref<32x384xf32, #tpu.memory_space<vmem>>, %arg22: memref<32x384xf32, #tpu.memory_space<vmem>>, %arg23: memref<32x384xf32, #tpu.memory_space<vmem>>, %arg24: memref<32x192xf32, #tpu.memory_space<vmem>>, %arg25: memref<!tpu.dma_semaphore, #tpu.memory_space<semaphore_mem>>) attributes {dimension_semantics = [#tpu.dimension_semantics<core_parallel>, #tpu.dimension_semantics<subcore_parallel>], iteration_bounds = array<i64: 2, 16>, scalar_prefetch = 0 : i64, scratch_operands = 21 : i64, tpu.core_type = #tpu.core_type<sc_vector_subcore>, window_params = [{transform_indices = #map}, {transform_indices = #map}, {transform_indices = #map}]} {
    %mul3A = arith.constant 2 : i32
    %mul3A_0 = arith.muli %arg1, %mul3A : i32
    %add3A = arith.addi %mul3A_0, %arg0 : i32
    %jit3A = arith.constant 4 : i32
    %div3A = arith.divsi %add3A, %jit3A : i32
    %sign3A = arith.constant 0 : i32
    %sign3A_1 = arith.cmpi sgt, %add3A, %sign3A : i32
    %sign3A_2 = arith.extui %sign3A_1 : i1 to i32
    %sign3A_3 = arith.constant 0 : i32
    %sign3A_4 = arith.cmpi slt, %add3A, %sign3A_3 : i32
    %sign3A_5 = arith.extui %sign3A_4 : i1 to i32
    %sign3A_6 = arith.subi %sign3A_2, %sign3A_5 : i32
    %sign3A_7 = arith.constant 0 : i32
    %sign3A_8 = arith.cmpi sgt, %jit3A, %sign3A_7 : i32
    %sign3A_9 = arith.extui %sign3A_8 : i1 to i32
    %sign3A_10 = arith.constant 0 : i32
    %sign3A_11 = arith.cmpi slt, %jit3A, %sign3A_10 : i32
    %sign3A_12 = arith.extui %sign3A_11 : i1 to i32
    %sign3A_13 = arith.subi %sign3A_9, %sign3A_12 : i32
    %ne3A = arith.cmpi ne, %sign3A_6, %sign3A_13 : i32
    %rem3A = arith.remsi %add3A, %jit3A : i32
    %ne3A_14 = arith.constant 0 : i32
    %ne3A_15 = arith.cmpi ne, %rem3A, %ne3A_14 : i32
    %and3A = arith.andi %ne3A, %ne3A_15 : i1
    %sub3A = arith.constant 1 : i32
    %sub3A_16 = arith.subi %div3A, %sub3A : i32
    %select_n3A = arith.select %and3A, %sub3A_16, %div3A : i32
    %jit3A_17 = arith.constant 4 : i32
    %eq3A = arith.constant 0 : i32
    %eq3A_18 = arith.cmpi eq, %jit3A_17, %eq3A : i32
    %jit3A_19 = arith.constant 1 : i32
    %select_n3A_20 = arith.select %eq3A_18, %jit3A_19, %jit3A_17 : i32
    %rem3A_21 = arith.remsi %add3A, %select_n3A_20 : i32
    %ne3A_22 = arith.constant 0 : i32
    %ne3A_23 = arith.cmpi ne, %rem3A_21, %ne3A_22 : i32
    %lt3A = arith.constant 0 : i32
    %lt3A_24 = arith.cmpi slt, %rem3A_21, %lt3A : i32
    %lt3A_25 = arith.constant 0 : i32
    %lt3A_26 = arith.cmpi slt, %select_n3A_20, %lt3A_25 : i32
    %ne3A_27 = arith.xori %lt3A_24, %lt3A_26 : i1
    %and3A_28 = arith.andi %ne3A_27, %ne3A_23 : i1
    %add3A_29 = arith.addi %rem3A_21, %select_n3A_20 : i32
    %select_n3A_30 = arith.select %and3A_28, %add3A_29, %rem3A_21 : i32
    %mul3A_31 = arith.constant 56 : i32
    %mul3A_32 = arith.muli %select_n3A_30, %mul3A_31 : i32
    %mul3A_33 = arith.constant 50176 : i32
    %mul3A_34 = arith.muli %select_n3A, %mul3A_33 : i32
    "tpu.region"() ({
      %run_scoped3A = tpu.sem_alloc : memref<!tpu.dma_semaphore, #tpu.memory_space<semaphore_mem>>
      %dma_start3A_366 = arith.constant 0 : i32
      %dma_start3A_367 = tpu.memref_slice %arg3[%select_n3A, %dma_start3A_366] : memref<8x16xf32, #tpu.memory_space<hbm>> -> memref<1x16xf32, #tpu.memory_space<hbm>>
      %dma_start3A_368 = tpu.memref_squeeze %dma_start3A_367 : memref<1x16xf32, #tpu.memory_space<hbm>> -> memref<16xf32, #tpu.memory_space<hbm>>
      %dma_start3A_369 = arith.constant 0 : i32
      %dma_start3A_370 = tpu.memref_slice %arg3[%select_n3A, %dma_start3A_369] : memref<8x16xf32, #tpu.memory_space<hbm>> -> memref<1x16xf32, #tpu.memory_space<hbm>>
      %dma_start3A_371 = tpu.memref_squeeze %dma_start3A_370 : memref<1x16xf32, #tpu.memory_space<hbm>> -> memref<16xf32, #tpu.memory_space<hbm>>
      tpu.enqueue_dma source(%dma_start3A_371 : memref<16xf32, #tpu.memory_space<hbm>>) target(%arg5 : memref<16xf32, #tpu.memory_space<vmem>>) target_semaphore(%run_scoped3A : memref<!tpu.dma_semaphore, #tpu.memory_space<semaphore_mem>>)
      %dma_wait3A = arith.constant 0 : i32
      %dma_wait3A_372 = tpu.memref_slice %arg3[%select_n3A, %dma_wait3A] : memref<8x16xf32, #tpu.memory_space<hbm>> -> memref<1x16xf32, #tpu.memory_space<hbm>>
      %dma_wait3A_373 = tpu.memref_squeeze %dma_wait3A_372 : memref<1x16xf32, #tpu.memory_space<hbm>> -> memref<16xf32, #tpu.memory_space<hbm>>
      %dma_wait3A_374 = arith.constant 0 : i32
      %dma_wait3A_375 = tpu.memref_slice %arg3[%select_n3A, %dma_wait3A_374] : memref<8x16xf32, #tpu.memory_space<hbm>> -> memref<1x16xf32, #tpu.memory_space<hbm>>
      %dma_wait3A_376 = tpu.memref_squeeze %dma_wait3A_375 : memref<1x16xf32, #tpu.memory_space<hbm>> -> memref<16xf32, #tpu.memory_space<hbm>>
      tpu.wait_dma2 semaphore(%run_scoped3A : memref<!tpu.dma_semaphore, #tpu.memory_space<semaphore_mem>>) src(%dma_wait3A_376 : memref<16xf32, #tpu.memory_space<hbm>>) dst(%arg5 : memref<16xf32, #tpu.memory_space<vmem>>)
      tpu.yield
    }) : () -> ()
    %get3A = arith.constant 0 : index
    %get3A_35 = tpu.vector_load %arg5[%get3A] {strides = array<i32>} : memref<16xf32, #tpu.memory_space<vmem>>, vector<16xf32>,
    %bitcast_convert_type3A = tpu.bitcast %get3A_35 : vector<16xf32> -> vector<16xi32>
    %add3A_36 = arith.constant 32767 : i32
    %add3A_37 = vector.broadcast %add3A_36 : i32 to vector<16xi32>
    %add3A_38 = arith.addi %bitcast_convert_type3A, %add3A_37 : vector<16xi32>
    %shift_right_logical3A = arith.constant 16 : i32
    %shift_right_logical3A_39 = vector.broadcast %shift_right_logical3A : i32 to vector<16xi32>
    %shift_right_logical3A_40 = arith.shrui %bitcast_convert_type3A, %shift_right_logical3A_39 : vector<16xi32>
    %and3A_41 = arith.constant 1 : i32
    %and3A_42 = vector.broadcast %and3A_41 : i32 to vector<16xi32>
    %and3A_43 = arith.andi %shift_right_logical3A_40, %and3A_42 : vector<16xi32>
    %add3A_44 = arith.addi %add3A_38, %and3A_43 : vector<16xi32>
    %and3A_45 = arith.constant -65536 : i32
    %and3A_46 = vector.broadcast %and3A_45 : i32 to vector<16xi32>
    %and3A_47 = arith.andi %add3A_44, %and3A_46 : vector<16xi32>
    %bitcast_convert_type3A_48 = tpu.bitcast %and3A_47 : vector<16xi32> -> vector<16xf32>
    %slice3A = vector.extract_strided_slice %bitcast_convert_type3A_48 {offsets = [0], sizes = [1], strides = [1]} : vector<16xf32> to vector<1xf32>
    %squeeze3A = vector.extract %slice3A[0] : f32 from vector<1xf32>
    %slice3A_49 = vector.extract_strided_slice %bitcast_convert_type3A_48 {offsets = [1], sizes = [1], strides = [1]} : vector<16xf32> to vector<1xf32>
    %squeeze3A_50 = vector.extract %slice3A_49[0] : f32 from vector<1xf32>
    %slice3A_51 = vector.extract_strided_slice %bitcast_convert_type3A_48 {offsets = [2], sizes = [1], strides = [1]} : vector<16xf32> to vector<1xf32>
    %squeeze3A_52 = vector.extract %slice3A_51[0] : f32 from vector<1xf32>
    %slice3A_53 = vector.extract_strided_slice %bitcast_convert_type3A_48 {offsets = [3], sizes = [1], strides = [1]} : vector<16xf32> to vector<1xf32>
    %squeeze3A_54 = vector.extract %slice3A_53[0] : f32 from vector<1xf32>
    %slice3A_55 = vector.extract_strided_slice %bitcast_convert_type3A_48 {offsets = [4], sizes = [1], strides = [1]} : vector<16xf32> to vector<1xf32>
    %squeeze3A_56 = vector.extract %slice3A_55[0] : f32 from vector<1xf32>
    %slice3A_57 = vector.extract_strided_slice %bitcast_convert_type3A_48 {offsets = [5], sizes = [1], strides = [1]} : vector<16xf32> to vector<1xf32>
    %squeeze3A_58 = vector.extract %slice3A_57[0] : f32 from vector<1xf32>
    %iota3A = tpu.iota {dimensions = array<i32: 0>} : vector<16xi32>
    %convert_element_type3A = arith.sitofp %iota3A : vector<16xi32> to vector<16xf32>
    %mul3A_59 = arith.constant 0.000000e+00 : f32
    %mul3A_60 = vector.broadcast %mul3A_59 : f32 to vector<16xf32>
    %mul3A_61 = arith.mulf %convert_element_type3A, %mul3A_60 : vector<16xf32>
    %add3A_62 = arith.constant 0 : i32
    %add3A_63 = arith.addi %mul3A_32, %add3A_62 : i32
    %convert_element_type3A_64 = arith.sitofp %add3A_63 : i32 to f32
    %mul3A_65 = arith.constant 8.968610e-03 : f32
    %mul3A_66 = arith.mulf %convert_element_type3A_64, %mul3A_65 : f32
    %sub3A_67 = arith.constant 1.000000e+00 : f32
    %sub3A_68 = arith.subf %mul3A_66, %sub3A_67 : f32
    %add3A_69 = vector.broadcast %sub3A_68 : f32 to vector<16xf32>
    %add3A_70 = arith.addf %mul3A_61, %add3A_69 : vector<16xf32>
    %bitcast_convert_type3A_71 = tpu.bitcast %add3A_70 : vector<16xf32> -> vector<16xi32>
    %add3A_72 = arith.constant 32767 : i32
    %add3A_73 = vector.broadcast %add3A_72 : i32 to vector<16xi32>
    %add3A_74 = arith.addi %bitcast_convert_type3A_71, %add3A_73 : vector<16xi32>
    %shift_right_logical3A_75 = arith.constant 16 : i32
    %shift_right_logical3A_76 = vector.broadcast %shift_right_logical3A_75 : i32 to vector<16xi32>
    %shift_right_logical3A_77 = arith.shrui %bitcast_convert_type3A_71, %shift_right_logical3A_76 : vector<16xi32>
    %and3A_78 = arith.constant 1 : i32
    %and3A_79 = vector.broadcast %and3A_78 : i32 to vector<16xi32>
    %and3A_80 = arith.andi %shift_right_logical3A_77, %and3A_79 : vector<16xi32>
    %add3A_81 = arith.addi %add3A_74, %and3A_80 : vector<16xi32>
    %and3A_82 = arith.constant -65536 : i32
    %and3A_83 = vector.broadcast %and3A_82 : i32 to vector<16xi32>
    %and3A_84 = arith.andi %add3A_81, %and3A_83 : vector<16xi32>
    %bitcast_convert_type3A_85 = tpu.bitcast %and3A_84 : vector<16xi32> -> vector<16xf32>
    %add3A_86 = arith.constant 0 : i32
    %add3A_87 = vector.broadcast %add3A_86 : i32 to vector<16xi32>
    %add3A_88 = arith.addi %add3A_87, %iota3A : vector<16xi32>
    %convert_element_type3A_89 = arith.sitofp %add3A_88 : vector<16xi32> to vector<16xf32>
    %mul3A_90 = arith.constant 8.968610e-03 : f32
    %mul3A_91 = vector.broadcast %mul3A_90 : f32 to vector<16xf32>
    %mul3A_92 = arith.mulf %convert_element_type3A_89, %mul3A_91 : vector<16xf32>
    %sub3A_93 = arith.constant 1.000000e+00 : f32
    %sub3A_94 = vector.broadcast %sub3A_93 : f32 to vector<16xf32>
    %sub3A_95 = arith.subf %mul3A_92, %sub3A_94 : vector<16xf32>
    %bitcast_convert_type3A_96 = tpu.bitcast %sub3A_95 : vector<16xf32> -> vector<16xi32>
    %add3A_97 = arith.constant 32767 : i32
    %add3A_98 = vector.broadcast %add3A_97 : i32 to vector<16xi32>
    %add3A_99 = arith.addi %bitcast_convert_type3A_96, %add3A_98 : vector<16xi32>
    %shift_right_logical3A_100 = arith.constant 16 : i32
    %shift_right_logical3A_101 = vector.broadcast %shift_right_logical3A_100 : i32 to vector<16xi32>
    %shift_right_logical3A_102 = arith.shrui %bitcast_convert_type3A_96, %shift_right_logical3A_101 : vector<16xi32>
    %and3A_103 = arith.constant 1 : i32
    %and3A_104 = vector.broadcast %and3A_103 : i32 to vector<16xi32>
    %and3A_105 = arith.andi %shift_right_logical3A_102, %and3A_104 : vector<16xi32>
    %add3A_106 = arith.addi %add3A_99, %and3A_105 : vector<16xi32>
    %and3A_107 = arith.constant -65536 : i32
    %and3A_108 = vector.broadcast %and3A_107 : i32 to vector<16xi32>
    %and3A_109 = arith.andi %add3A_106, %and3A_108 : vector<16xi32>
    %bitcast_convert_type3A_110 = tpu.bitcast %and3A_109 : vector<16xi32> -> vector<16xf32>
    %mul3A_111 = vector.broadcast %squeeze3A : f32 to vector<16xf32>
    %mul3A_112 = arith.mulf %mul3A_111, %bitcast_convert_type3A_85 : vector<16xf32>
    %mul3A_113 = vector.broadcast %squeeze3A_50 : f32 to vector<16xf32>
    %mul3A_114 = arith.mulf %mul3A_113, %bitcast_convert_type3A_110 : vector<16xf32>
    %add3A_115 = arith.addf %mul3A_112, %mul3A_114 : vector<16xf32>
    %add3A_116 = vector.broadcast %squeeze3A_52 : f32 to vector<16xf32>
    %add3A_117 = arith.addf %add3A_115, %add3A_116 : vector<16xf32>
    %add3A_118 = arith.constant 1.000000e+00 : f32
    %add3A_119 = vector.broadcast %add3A_118 : f32 to vector<16xf32>
    %add3A_120 = arith.addf %add3A_117, %add3A_119 : vector<16xf32>
    %mul3A_121 = arith.constant 1.120000e+02 : f32
    %mul3A_122 = vector.broadcast %mul3A_121 : f32 to vector<16xf32>
    %mul3A_123 = arith.mulf %add3A_120, %mul3A_122 : vector<16xf32>
    %mul3A_124 = vector.broadcast %squeeze3A_54 : f32 to vector<16xf32>
    %mul3A_125 = arith.mulf %mul3A_124, %bitcast_convert_type3A_85 : vector<16xf32>
    %mul3A_126 = vector.broadcast %squeeze3A_56 : f32 to vector<16xf32>
    %mul3A_127 = arith.mulf %mul3A_126, %bitcast_convert_type3A_110 : vector<16xf32>
    %add3A_128 = arith.addf %mul3A_125, %mul3A_127 : vector<16xf32>
    %add3A_129 = vector.broadcast %squeeze3A_58 : f32 to vector<16xf32>
    %add3A_130 = arith.addf %add3A_128, %add3A_129 : vector<16xf32>
    %add3A_131 = arith.constant 1.000000e+00 : f32
    %add3A_132 = vector.broadcast %add3A_131 : f32 to vector<16xf32>
    %add3A_133 = arith.addf %add3A_130, %add3A_132 : vector<16xf32>
    %mul3A_134 = arith.constant 1.120000e+02 : f32
    %mul3A_135 = vector.broadcast %mul3A_134 : f32 to vector<16xf32>
    %mul3A_136 = arith.mulf %add3A_133, %mul3A_135 : vector<16xf32>
    %convert_element_type3A_137 = arith.fptosi %mul3A_123 : vector<16xf32> to vector<16xi32>
    %convert_element_type3A_138 = arith.sitofp %convert_element_type3A_137 : vector<16xi32> to vector<16xf32>
    %gt3A = arith.cmpf ogt, %convert_element_type3A_138, %mul3A_123 : vector<16xf32>
    %convert_element_type3A_139 = arith.extui %gt3A : vector<16xi1> to vector<16xi32>
    %sub3A_140 = arith.subi %convert_element_type3A_137, %convert_element_type3A_139 : vector<16xi32>
    %convert_element_type3A_141 = arith.fptosi %mul3A_136 : vector<16xf32> to vector<16xi32>
    %convert_element_type3A_142 = arith.sitofp %convert_element_type3A_141 : vector<16xi32> to vector<16xf32>
    %gt3A_143 = arith.cmpf ogt, %convert_element_type3A_142, %mul3A_136 : vector<16xf32>
    %convert_element_type3A_144 = arith.extui %gt3A_143 : vector<16xi1> to vector<16xi32>
    %sub3A_145 = arith.subi %convert_element_type3A_141, %convert_element_type3A_144 : vector<16xi32>
    %add3A_146 = arith.constant 1 : i32
    %add3A_147 = vector.broadcast %add3A_146 : i32 to vector<16xi32>
    %add3A_148 = arith.addi %sub3A_140, %add3A_147 : vector<16xi32>
    %jit3A_149 = arith.constant 0 : i32
    %jit3A_150 = arith.constant 223 : i32
    %max3A = vector.broadcast %jit3A_149 : i32 to vector<16xi32>
    %max3A_151 = arith.maxsi %max3A, %add3A_148 : vector<16xi32>
    %min3A = vector.broadcast %jit3A_150 : i32 to vector<16xi32>
    %min3A_152 = arith.minsi %min3A, %max3A_151 : vector<16xi32>
    %jit3A_153 = arith.constant 0 : i32
    %jit3A_154 = arith.constant 223 : i32
    %max3A_155 = vector.broadcast %jit3A_153 : i32 to vector<16xi32>
    %max3A_156 = arith.maxsi %max3A_155, %sub3A_140 : vector<16xi32>
    %min3A_157 = vector.broadcast %jit3A_154 : i32 to vector<16xi32>
    %min3A_158 = arith.minsi %min3A_157, %max3A_156 : vector<16xi32>
    %add3A_159 = arith.constant 1 : i32
    %add3A_160 = vector.broadcast %add3A_159 : i32 to vector<16xi32>
    %add3A_161 = arith.addi %sub3A_145, %add3A_160 : vector<16xi32>
    %jit3A_162 = arith.constant 0 : i32
    %jit3A_163 = arith.constant 223 : i32
    %max3A_164 = vector.broadcast %jit3A_162 : i32 to vector<16xi32>
    %max3A_165 = arith.maxsi %max3A_164, %add3A_161 : vector<16xi32>
    %min3A_166 = vector.broadcast %jit3A_163 : i32 to vector<16xi32>
    %min3A_167 = arith.minsi %min3A_166, %max3A_165 : vector<16xi32>
    %jit3A_168 = arith.constant 0 : i32
    %jit3A_169 = arith.constant 223 : i32
    %max3A_170 = vector.broadcast %jit3A_168 : i32 to vector<16xi32>
    %max3A_171 = arith.maxsi %max3A_170, %sub3A_145 : vector<16xi32>
    %min3A_172 = vector.broadcast %jit3A_169 : i32 to vector<16xi32>
    %min3A_173 = arith.minsi %min3A_172, %max3A_171 : vector<16xi32>
    %mul3A_174 = arith.constant 224 : i32
    %mul3A_175 = vector.broadcast %mul3A_174 : i32 to vector<16xi32>
    %mul3A_176 = arith.muli %min3A_173, %mul3A_175 : vector<16xi32>
    %add3A_177 = arith.addi %mul3A_176, %min3A_158 : vector<16xi32>
    %add3A_178 = vector.broadcast %mul3A_34 : i32 to vector<16xi32>
    %add3A_179 = arith.addi %add3A_177, %add3A_178 : vector<16xi32>
    %swap3A = arith.constant 0 : index
    %swap3A_180 = tpu.vector_load %arg6[%swap3A] {strides = array<i32>} : memref<32xi32, #tpu.memory_space<vmem>>, vector<16xi32>,
    tpu.vector_store %arg6[%swap3A], %add3A_179 {strides = array<i32>} : memref<32xi32, #tpu.memory_space<vmem>>, vector<16xi32>,
    %mul3A_181 = arith.constant 224 : i32
    %mul3A_182 = vector.broadcast %mul3A_181 : i32 to vector<16xi32>
    %mul3A_183 = arith.muli %min3A_173, %mul3A_182 : vector<16xi32>
    %add3A_184 = arith.addi %mul3A_183, %min3A_152 : vector<16xi32>
    %add3A_185 = vector.broadcast %mul3A_34 : i32 to vector<16xi32>
    %add3A_186 = arith.addi %add3A_184, %add3A_185 : vector<16xi32>
    %swap3A_187 = arith.constant 0 : index
    %swap3A_188 = tpu.vector_load %arg7[%swap3A_187] {strides = array<i32>} : memref<32xi32, #tpu.memory_space<vmem>>, vector<16xi32>,
    tpu.vector_store %arg7[%swap3A_187], %add3A_186 {strides = array<i32>} : memref<32xi32, #tpu.memory_space<vmem>>, vector<16xi32>,
    %sub3A_189 = arith.subi %min3A_167, %min3A_173 : vector<16xi32>
    %mul3A_190 = arith.constant 192 : i32
    %mul3A_191 = vector.broadcast %mul3A_190 : i32 to vector<16xi32>
    %mul3A_192 = arith.muli %sub3A_189, %mul3A_191 : vector<16xi32>
    %swap3A_193 = arith.constant 0 : index
    %swap3A_194 = tpu.vector_load %arg14[%swap3A_193] {strides = array<i32>} : memref<48xi32, #tpu.memory_space<vmem>>, vector<16xi32>,
    tpu.vector_store %arg14[%swap3A_193], %mul3A_192 {strides = array<i32>} : memref<48xi32, #tpu.memory_space<vmem>>, vector<16xi32>,
    %convert_element_type3A_195 = arith.sitofp %min3A_158 : vector<16xi32> to vector<16xf32>
    %convert_element_type3A_196 = arith.sitofp %min3A_152 : vector<16xi32> to vector<16xf32>
    %convert_element_type3A_197 = arith.sitofp %min3A_173 : vector<16xi32> to vector<16xf32>
    %convert_element_type3A_198 = arith.sitofp %min3A_167 : vector<16xi32> to vector<16xf32>
    %sub3A_199 = arith.subf %convert_element_type3A_196, %mul3A_123 : vector<16xf32>
    %sub3A_200 = arith.subf %convert_element_type3A_198, %mul3A_136 : vector<16xf32>
    %mul3A_201 = arith.mulf %sub3A_199, %sub3A_200 : vector<16xf32>
    %swap3A_202 = arith.constant 0 : index
    %swap3A_203 = tpu.vector_load %arg10[%swap3A_202] {strides = array<i32>} : memref<48xf32, #tpu.memory_space<vmem>>, vector<16xf32>,
    tpu.vector_store %arg10[%swap3A_202], %mul3A_201 {strides = array<i32>} : memref<48xf32, #tpu.memory_space<vmem>>, vector<16xf32>,
    %sub3A_204 = arith.subf %convert_element_type3A_196, %mul3A_123 : vector<16xf32>
    %sub3A_205 = arith.subf %mul3A_136, %convert_element_type3A_197 : vector<16xf32>
    %mul3A_206 = arith.mulf %sub3A_204, %sub3A_205 : vector<16xf32>
    %swap3A_207 = arith.constant 0 : index
    %swap3A_208 = tpu.vector_load %arg11[%swap3A_207] {strides = array<i32>} : memref<48xf32, #tpu.memory_space<vmem>>, vector<16xf32>,
    tpu.vector_store %arg11[%swap3A_207], %mul3A_206 {strides = array<i32>} : memref<48xf32, #tpu.memory_space<vmem>>, vector<16xf32>,
    %sub3A_209 = arith.subf %mul3A_123, %convert_element_type3A_195 : vector<16xf32>
    %sub3A_210 = arith.subf %convert_element_type3A_198, %mul3A_136 : vector<16xf32>
    %mul3A_211 = arith.mulf %sub3A_209, %sub3A_210 : vector<16xf32>
    %swap3A_212 = arith.constant 0 : index
    %swap3A_213 = tpu.vector_load %arg12[%swap3A_212] {strides = array<i32>} : memref<48xf32, #tpu.memory_space<vmem>>, vector<16xf32>,
    tpu.vector_store %arg12[%swap3A_212], %mul3A_211 {strides = array<i32>} : memref<48xf32, #tpu.memory_space<vmem>>, vector<16xf32>,
    %sub3A_214 = arith.subf %mul3A_123, %convert_element_type3A_195 : vector<16xf32>
    %sub3A_215 = arith.subf %mul3A_136, %convert_element_type3A_197 : vector<16xf32>
    %mul3A_216 = arith.mulf %sub3A_214, %sub3A_215 : vector<16xf32>
    %swap3A_217 = arith.constant 0 : index
    %swap3A_218 = tpu.vector_load %arg13[%swap3A_217] {strides = array<i32>} : memref<48xf32, #tpu.memory_space<vmem>>, vector<16xf32>,
    tpu.vector_store %arg13[%swap3A_217], %mul3A_216 {strides = array<i32>} : memref<48xf32, #tpu.memory_space<vmem>>, vector<16xf32>,
    %add3A_219 = arith.constant 16 : i32
    %add3A_220 = vector.broadcast %add3A_219 : i32 to vector<16xi32>
    %add3A_221 = arith.addi %add3A_220, %iota3A : vector<16xi32>
    %convert_element_type3A_222 = arith.sitofp %add3A_221 : vector<16xi32> to vector<16xf32>
    %mul3A_223 = arith.constant 8.968610e-03 : f32
    %mul3A_224 = vector.broadcast %mul3A_223 : f32 to vector<16xf32>
    %mul3A_225 = arith.mulf %convert_element_type3A_222, %mul3A_224 : vector<16xf32>
    %sub3A_226 = arith.constant 1.000000e+00 : f32
    %sub3A_227 = vector.broadcast %sub3A_226 : f32 to vector<16xf32>
    %sub3A_228 = arith.subf %mul3A_225, %sub3A_227 : vector<16xf32>
    %bitcast_convert_type3A_229 = tpu.bitcast %sub3A_228 : vector<16xf32> -> vector<16xi32>
    %add3A_230 = arith.constant 32767 : i32
    %add3A_231 = vector.broadcast %add3A_230 : i32 to vector<16xi32>
    %add3A_232 = arith.addi %bitcast_convert_type3A_229, %add3A_231 : vector<16xi32>
    %shift_right_logical3A_233 = arith.constant 16 : i32
    %shift_right_logical3A_234 = vector.broadcast %shift_right_logical3A_233 : i32 to vector<16xi32>
    %shift_right_logical3A_235 = arith.shrui %bitcast_convert_type3A_229, %shift_right_logical3A_234 : vector<16xi32>
    %and3A_236 = arith.constant 1 : i32
    %and3A_237 = vector.broadcast %and3A_236 : i32 to vector<16xi32>
    %and3A_238 = arith.andi %shift_right_logical3A_235, %and3A_237 : vector<16xi32>
    %add3A_239 = arith.addi %add3A_232, %and3A_238 : vector<16xi32>
    %and3A_240 = arith.constant -65536 : i32
    %and3A_241 = vector.broadcast %and3A_240 : i32 to vector<16xi32>
    %and3A_242 = arith.andi %add3A_239, %and3A_241 : vector<16xi32>
    %bitcast_convert_type3A_243 = tpu.bitcast %and3A_242 : vector<16xi32> -> vector<16xf32>
    %mul3A_244 = vector.broadcast %squeeze3A : f32 to vector<16xf32>
    %mul3A_245 = arith.mulf %mul3A_244, %bitcast_convert_type3A_85 : vector<16xf32>
    %mul3A_246 = vector.broadcast %squeeze3A_50 : f32 to vector<16xf32>
    %mul3A_247 = arith.mulf %mul3A_246, %bitcast_convert_type3A_243 : vector<16xf32>
    %add3A_248 = arith.addf %mul3A_245, %mul3A_247 : vector<16xf32>
    %add3A_249 = vector.broadcast %squeeze3A_52 : f32 to vector<16xf32>
    %add3A_250 = arith.addf %add3A_248, %add3A_249 : vector<16xf32>
    %add3A_251 = arith.constant 1.000000e+00 : f32
    %add3A_252 = vector.broadcast %add3A_251 : f32 to vector<16xf32>
    %add3A_253 = arith.addf %add3A_250, %add3A_252 : vector<16xf32>
    %mul3A_254 = arith.constant 1.120000e+02 : f32
    %mul3A_255 = vector.broadcast %mul3A_254 : f32 to vector<16xf32>
    %mul3A_256 = arith.mulf %add3A_253, %mul3A_255 : vector<16xf32>
    %mul3A_257 = vector.broadcast %squeeze3A_54 : f32 to vector<16xf32>
    %mul3A_258 = arith.mulf %mul3A_257, %bitcast_convert_type3A_85 : vector<16xf32>
    %mul3A_259 = vector.broadcast %squeeze3A_56 : f32 to vector<16xf32>
    %mul3A_260 = arith.mulf %mul3A_259, %bitcast_convert_type3A_243 : vector<16xf32>
    %add3A_261 = arith.addf %mul3A_258, %mul3A_260 : vector<16xf32>
    %add3A_262 = vector.broadcast %squeeze3A_58 : f32 to vector<16xf32>
    %add3A_263 = arith.addf %add3A_261, %add3A_262 : vector<16xf32>
    %add3A_264 = arith.constant 1.000000e+00 : f32
    %add3A_265 = vector.broadcast %add3A_264 : f32 to vector<16xf32>
    %add3A_266 = arith.addf %add3A_263, %add3A_265 : vector<16xf32>
    %mul3A_267 = arith.constant 1.120000e+02 : f32
    %mul3A_268 = vector.broadcast %mul3A_267 : f32 to vector<16xf32>
    %mul3A_269 = arith.mulf %add3A_266, %mul3A_268 : vector<16xf32>
    %convert_element_type3A_270 = arith.fptosi %mul3A_256 : vector<16xf32> to vector<16xi32>
    %convert_element_type3A_271 = arith.sitofp %convert_element_type3A_270 : vector<16xi32> to vector<16xf32>
    %gt3A_272 = arith.cmpf ogt, %convert_element_type3A_271, %mul3A_256 : vector<16xf32>
    %convert_element_type3A_273 = arith.extui %gt3A_272 : vector<16xi1> to vector<16xi32>
    %sub3A_274 = arith.subi %convert_element_type3A_270, %convert_element_type3A_273 : vector<16xi32>
    %convert_element_type3A_275 = arith.fptosi %mul3A_269 : vector<16xf32> to vector<16xi32>
    %convert_element_type3A_276 = arith.sitofp %convert_element_type3A_275 : vector<16xi32> to vector<16xf32>
    %gt3A_277 = arith.cmpf ogt, %convert_element_type3A_276, %mul3A_269 : vector<16xf32>
    %convert_element_type3A_278 = arith.extui %gt3A_277 : vector<16xi1> to vector<16xi32>
    %sub3A_279 = arith.subi %convert_element_type3A_275, %convert_element_type3A_278 : vector<16xi32>
    %add3A_280 = arith.constant 1 : i32
    %add3A_281 = vector.broadcast %add3A_280 : i32 to vector<16xi32>
    %add3A_282 = arith.addi %sub3A_274, %add3A_281 : vector<16xi32>
    %jit3A_283 = arith.constant 0 : i32
    %jit3A_284 = arith.constant 223 : i32
    %max3A_285 = vector.broadcast %jit3A_283 : i32 to vector<16xi32>
    %max3A_286 = arith.maxsi %max3A_285, %add3A_282 : vector<16xi32>
    %min3A_287 = vector.broadcast %jit3A_284 : i32 to vector<16xi32>
    %min3A_288 = arith.minsi %min3A_287, %max3A_286 : vector<16xi32>
    %jit3A_289 = arith.constant 0 : i32
    %jit3A_290 = arith.constant 223 : i32
    %max3A_291 = vector.broadcast %jit3A_289 : i32 to vector<16xi32>
    %max3A_292 = arith.maxsi %max3A_291, %sub3A_274 : vector<16xi32>
    %min3A_293 = vector.broadcast %jit3A_290 : i32 to vector<16xi32>
    %min3A_294 = arith.minsi %min3A_293, %max3A_292 : vector<16xi32>
    %add3A_295 = arith.constant 1 : i32
    %add3A_296 = vector.broadcast %add3A_295 : i32 to vector<16xi32>
    %add3A_297 = arith.addi %sub3A_279, %add3A_296 : vector<16xi32>
    %jit3A_298 = arith.constant 0 : i32
    %jit3A_299 = arith.constant 223 : i32
    %max3A_300 = vector.broadcast %jit3A_298 : i32 to vector<16xi32>
    %max3A_301 = arith.maxsi %max3A_300, %add3A_297 : vector<16xi32>
    %min3A_302 = vector.broadcast %jit3A_299 : i32 to vector<16xi32>
    %min3A_303 = arith.minsi %min3A_302, %max3A_301 : vector<16xi32>
    %jit3A_304 = arith.constant 0 : i32
    %jit3A_305 = arith.constant 223 : i32
    %max3A_306 = vector.broadcast %jit3A_304 : i32 to vector<16xi32>
    %max3A_307 = arith.maxsi %max3A_306, %sub3A_279 : vector<16xi32>
    %min3A_308 = vector.broadcast %jit3A_305 : i32 to vector<16xi32>
    %min3A_309 = arith.minsi %min3A_308, %max3A_307 : vector<16xi32>
    %mul3A_310 = arith.constant 224 : i32
    %mul3A_311 = vector.broadcast %mul3A_310 : i32 to vector<16xi32>
    %mul3A_312 = arith.muli %min3A_309, %mul3A_311 : vector<16xi32>
    %add3A_313 = arith.addi %mul3A_312, %min3A_294 : vector<16xi32>
    %add3A_314 = vector.broadcast %mul3A_34 : i32 to vector<16xi32>
    %add3A_315 = arith.addi %add3A_313, %add3A_314 : vector<16xi32>
    %swap3A_316 = arith.constant 16 : index
    %swap3A_317 = tpu.vector_load %arg6[%swap3A_316] {strides = array<i32>} : memref<32xi32, #tpu.memory_space<vmem>>, vector<16xi32>,
    tpu.vector_store %arg6[%swap3A_316], %add3A_315 {strides = array<i32>} : memref<32xi32, #tpu.memory_space<vmem>>, vector<16xi32>,
    %mul3A_318 = arith.constant 224 : i32
    %mul3A_319 = vector.broadcast %mul3A_318 : i32 to vector<16xi32>
    %mul3A_320 = arith.muli %min3A_309, %mul3A_319 : vector<16xi32>
    %add3A_321 = arith.addi %mul3A_320, %min3A_288 : vector<16xi32>
    %add3A_322 = vector.broadcast %mul3A_34 : i32 to vector<16xi32>
    %add3A_323 = arith.addi %add3A_321, %add3A_322 : vector<16xi32>
    %swap3A_324 = arith.constant 16 : index
    %swap3A_325 = tpu.vector_load %arg7[%swap3A_324] {strides = array<i32>} : memref<32xi32, #tpu.memory_space<vmem>>, vector<16xi32>,
    tpu.vector_store %arg7[%swap3A_324], %add3A_323 {strides = array<i32>} : memref<32xi32, #tpu.memory_space<vmem>>, vector<16xi32>,
    %sub3A_326 = arith.subi %min3A_303, %min3A_309 : vector<16xi32>
    %mul3A_327 = arith.constant 192 : i32
    %mul3A_328 = vector.broadcast %mul3A_327 : i32 to vector<16xi32>
    %mul3A_329 = arith.muli %sub3A_326, %mul3A_328 : vector<16xi32>
    %swap3A_330 = arith.constant 16 : index
    %swap3A_331 = tpu.vector_load %arg14[%swap3A_330] {strides = array<i32>} : memref<48xi32, #tpu.memory_space<vmem>>, vector<16xi32>,
    tpu.vector_store %arg14[%swap3A_330], %mul3A_329 {strides = array<i32>} : memref<48xi32, #tpu.memory_space<vmem>>, vector<16xi32>,
    %convert_element_type3A_332 = arith.sitofp %min3A_294 : vector<16xi32> to vector<16xf32>
    %convert_element_type3A_333 = arith.sitofp %min3A_288 : vector<16xi32> to vector<16xf32>
    %convert_element_type3A_334 = arith.sitofp %min3A_309 : vector<16xi32> to vector<16xf32>
    %convert_element_type3A_335 = arith.sitofp %min3A_303 : vector<16xi32> to vector<16xf32>
    %sub3A_336 = arith.subf %convert_element_type3A_333, %mul3A_256 : vector<16xf32>
    %sub3A_337 = arith.subf %convert_element_type3A_335, %mul3A_269 : vector<16xf32>
    %mul3A_338 = arith.mulf %sub3A_336, %sub3A_337 : vector<16xf32>
    %swap3A_339 = arith.constant 16 : index
    %swap3A_340 = tpu.vector_load %arg10[%swap3A_339] {strides = array<i32>} : memref<48xf32, #tpu.memory_space<vmem>>, vector<16xf32>,
    tpu.vector_store %arg10[%swap3A_339], %mul3A_338 {strides = array<i32>} : memref<48xf32, #tpu.memory_space<vmem>>, vector<16xf32>,
    %sub3A_341 = arith.subf %convert_element_type3A_333, %mul3A_256 : vector<16xf32>
    %sub3A_342 = arith.subf %mul3A_269, %convert_element_type3A_334 : vector<16xf32>
    %mul3A_343 = arith.mulf %sub3A_341, %sub3A_342 : vector<16xf32>
    %swap3A_344 = arith.constant 16 : index
    %swap3A_345 = tpu.vector_load %arg11[%swap3A_344] {strides = array<i32>} : memref<48xf32, #tpu.memory_space<vmem>>, vector<16xf32>,
    tpu.vector_store %arg11[%swap3A_344], %mul3A_343 {strides = array<i32>} : memref<48xf32, #tpu.memory_space<vmem>>, vector<16xf32>,
    %sub3A_346 = arith.subf %mul3A_256, %convert_element_type3A_332 : vector<16xf32>
    %sub3A_347 = arith.subf %convert_element_type3A_335, %mul3A_269 : vector<16xf32>
    %mul3A_348 = arith.mulf %sub3A_346, %sub3A_347 : vector<16xf32>
    %swap3A_349 = arith.constant 16 : index
    %swap3A_350 = tpu.vector_load %arg12[%swap3A_349] {strides = array<i32>} : memref<48xf32, #tpu.memory_space<vmem>>, vector<16xf32>,
    tpu.vector_store %arg12[%swap3A_349], %mul3A_348 {strides = array<i32>} : memref<48xf32, #tpu.memory_space<vmem>>, vector<16xf32>,
    %sub3A_351 = arith.subf %mul3A_256, %convert_element_type3A_332 : vector<16xf32>
    %sub3A_352 = arith.subf %mul3A_269, %convert_element_type3A_334 : vector<16xf32>
    %mul3A_353 = arith.mulf %sub3A_351, %sub3A_352 : vector<16xf32>
    %swap3A_354 = arith.constant 16 : index
    %swap3A_355 = tpu.vector_load %arg13[%swap3A_354] {strides = array<i32>} : memref<48xf32, #tpu.memory_space<vmem>>, vector<16xf32>,
    tpu.vector_store %arg13[%swap3A_354], %mul3A_353 {strides = array<i32>} : memref<48xf32, #tpu.memory_space<vmem>>, vector<16xf32>,
    %dma_start3A = arith.constant 0 : i32
    %dma_start3A_356 = arith.constant 0 : i32
    %dma_start3A_357 = tpu.memref_slice %arg2[%dma_start3A, %dma_start3A_356] : memref<401408x384xf32, #tpu.memory_space<hbm>> -> memref<401408x384xf32, #tpu.memory_space<hbm>>
    tpu.enqueue_indirect_dma source(%dma_start3A_357 : memref<401408x384xf32, #tpu.memory_space<hbm>>) target(%arg20 : memref<32x384xf32, #tpu.memory_space<vmem>>) offsets(%arg6 : memref<32xi32, #tpu.memory_space<vmem>>) semaphore(%arg25 : memref<!tpu.dma_semaphore, #tpu.memory_space<semaphore_mem>>)
    %dma_start3A_358 = arith.constant 0 : i32
    %dma_start3A_359 = arith.constant 0 : i32
    %dma_start3A_360 = tpu.memref_slice %arg2[%dma_start3A_358, %dma_start3A_359] : memref<401408x384xf32, #tpu.memory_space<hbm>> -> memref<401408x384xf32, #tpu.memory_space<hbm>>
    tpu.enqueue_indirect_dma source(%dma_start3A_360 : memref<401408x384xf32, #tpu.memory_space<hbm>>) target(%arg21 : memref<32x384xf32, #tpu.memory_space<vmem>>) offsets(%arg7 : memref<32xi32, #tpu.memory_space<vmem>>) semaphore(%arg25 : memref<!tpu.dma_semaphore, #tpu.memory_space<semaphore_mem>>)
    %scan3A = arith.constant 0 : i32
    %scan3A_361 = arith.constant 0 : i32
    %scan3A_362 = arith.constant 196 : i32
    %scan3A_363 = arith.addi %scan3A_361, %scan3A_362 : i32
    %scan3A_364 = arith.constant 1 : i32
    scf.for %scan3A_366 = %scan3A_361 to %scan3A_363 step %scan3A_364  : i32 {
      %mul3A_367 = arith.constant 2 : i32
      %mul3A_368 = arith.muli %mul3A_367, %scan3A_366 : i32
      %add3A_369 = arith.constant 1 : i32
      %add3A_370 = arith.addi %mul3A_368, %add3A_369 : i32
      %jit3A_371 = arith.constant 7 : i32
      %div3A_372 = arith.divsi %add3A_370, %jit3A_371 : i32
      %sign3A_373 = arith.constant 0 : i32
      %sign3A_374 = arith.cmpi sgt, %add3A_370, %sign3A_373 : i32
      %sign3A_375 = arith.extui %sign3A_374 : i1 to i32
      %sign3A_376 = arith.constant 0 : i32
      %sign3A_377 = arith.cmpi slt, %add3A_370, %sign3A_376 : i32
      %sign3A_378 = arith.extui %sign3A_377 : i1 to i32
      %sign3A_379 = arith.subi %sign3A_375, %sign3A_378 : i32
      %sign3A_380 = arith.constant 0 : i32
      %sign3A_381 = arith.cmpi sgt, %jit3A_371, %sign3A_380 : i32
      %sign3A_382 = arith.extui %sign3A_381 : i1 to i32
      %sign3A_383 = arith.constant 0 : i32
      %sign3A_384 = arith.cmpi slt, %jit3A_371, %sign3A_383 : i32
      %sign3A_385 = arith.extui %sign3A_384 : i1 to i32
      %sign3A_386 = arith.subi %sign3A_382, %sign3A_385 : i32
      %ne3A_387 = arith.cmpi ne, %sign3A_379, %sign3A_386 : i32
      %rem3A_388 = arith.remsi %add3A_370, %jit3A_371 : i32
      %ne3A_389 = arith.constant 0 : i32
      %ne3A_390 = arith.cmpi ne, %rem3A_388, %ne3A_389 : i32
      %and3A_391 = arith.andi %ne3A_387, %ne3A_390 : i1
      %sub3A_392 = arith.constant 1 : i32
      %sub3A_393 = arith.subi %div3A_372, %sub3A_392 : i32
      %select_n3A_394 = arith.select %and3A_391, %sub3A_393, %div3A_372 : i32
      %add3A_395 = arith.addi %mul3A_32, %select_n3A_394 : i32
      %jit3A_396 = arith.constant 7 : i32
      %eq3A_397 = arith.constant 0 : i32
      %eq3A_398 = arith.cmpi eq, %jit3A_396, %eq3A_397 : i32
      %jit3A_399 = arith.constant 1 : i32
      %select_n3A_400 = arith.select %eq3A_398, %jit3A_399, %jit3A_396 : i32
      %rem3A_401 = arith.remsi %add3A_370, %select_n3A_400 : i32
      %ne3A_402 = arith.constant 0 : i32
      %ne3A_403 = arith.cmpi ne, %rem3A_401, %ne3A_402 : i32
      %lt3A_404 = arith.constant 0 : i32
      %lt3A_405 = arith.cmpi slt, %rem3A_401, %lt3A_404 : i32
      %lt3A_406 = arith.constant 0 : i32
      %lt3A_407 = arith.cmpi slt, %select_n3A_400, %lt3A_406 : i32
      %ne3A_408 = arith.xori %lt3A_405, %lt3A_407 : i1
      %and3A_409 = arith.andi %ne3A_408, %ne3A_403 : i1
      %add3A_410 = arith.addi %rem3A_401, %select_n3A_400 : i32
      %select_n3A_411 = arith.select %and3A_409, %add3A_410, %rem3A_401 : i32
      %mul3A_412 = arith.constant 32 : i32
      %mul3A_413 = arith.muli %select_n3A_411, %mul3A_412 : i32
      %convert_element_type3A_414 = arith.sitofp %add3A_395 : i32 to f32
      %mul3A_415 = arith.constant 8.968610e-03 : f32
      %mul3A_416 = arith.mulf %convert_element_type3A_414, %mul3A_415 : f32
      %sub3A_417 = arith.constant 1.000000e+00 : f32
      %sub3A_418 = arith.subf %mul3A_416, %sub3A_417 : f32
      %add3A_419 = vector.broadcast %sub3A_418 : f32 to vector<16xf32>
      %add3A_420 = arith.addf %mul3A_61, %add3A_419 : vector<16xf32>
      %bitcast_convert_type3A_421 = tpu.bitcast %add3A_420 : vector<16xf32> -> vector<16xi32>
      %add3A_422 = arith.constant 32767 : i32
      %add3A_423 = vector.broadcast %add3A_422 : i32 to vector<16xi32>
      %add3A_424 = arith.addi %bitcast_convert_type3A_421, %add3A_423 : vector<16xi32>
      %shift_right_logical3A_425 = arith.constant 16 : i32
      %shift_right_logical3A_426 = vector.broadcast %shift_right_logical3A_425 : i32 to vector<16xi32>
      %shift_right_logical3A_427 = arith.shrui %bitcast_convert_type3A_421, %shift_right_logical3A_426 : vector<16xi32>
      %and3A_428 = arith.constant 1 : i32
      %and3A_429 = vector.broadcast %and3A_428 : i32 to vector<16xi32>
      %and3A_430 = arith.andi %shift_right_logical3A_427, %and3A_429 : vector<16xi32>
      %add3A_431 = arith.addi %add3A_424, %and3A_430 : vector<16xi32>
      %and3A_432 = arith.constant -65536 : i32
      %and3A_433 = vector.broadcast %and3A_432 : i32 to vector<16xi32>
      %and3A_434 = arith.andi %add3A_431, %and3A_433 : vector<16xi32>
      %bitcast_convert_type3A_435 = tpu.bitcast %and3A_434 : vector<16xi32> -> vector<16xf32>
      %add3A_436 = arith.constant 0 : i32
      %add3A_437 = arith.addi %mul3A_413, %add3A_436 : i32
      %add3A_438 = vector.broadcast %add3A_437 : i32 to vector<16xi32>
      %add3A_439 = arith.addi %add3A_438, %iota3A : vector<16xi32>
      %convert_element_type3A_440 = arith.sitofp %add3A_439 : vector<16xi32> to vector<16xf32>
      %mul3A_441 = arith.constant 8.968610e-03 : f32
      %mul3A_442 = vector.broadcast %mul3A_441 : f32 to vector<16xf32>
      %mul3A_443 = arith.mulf %convert_element_type3A_440, %mul3A_442 : vector<16xf32>
      %sub3A_444 = arith.constant 1.000000e+00 : f32
      %sub3A_445 = vector.broadcast %sub3A_444 : f32 to vector<16xf32>
      %sub3A_446 = arith.subf %mul3A_443, %sub3A_445 : vector<16xf32>
      %bitcast_convert_type3A_447 = tpu.bitcast %sub3A_446 : vector<16xf32> -> vector<16xi32>
      %add3A_448 = arith.constant 32767 : i32
      %add3A_449 = vector.broadcast %add3A_448 : i32 to vector<16xi32>
      %add3A_450 = arith.addi %bitcast_convert_type3A_447, %add3A_449 : vector<16xi32>
      %shift_right_logical3A_451 = arith.constant 16 : i32
      %shift_right_logical3A_452 = vector.broadcast %shift_right_logical3A_451 : i32 to vector<16xi32>
      %shift_right_logical3A_453 = arith.shrui %bitcast_convert_type3A_447, %shift_right_logical3A_452 : vector<16xi32>
      %and3A_454 = arith.constant 1 : i32
      %and3A_455 = vector.broadcast %and3A_454 : i32 to vector<16xi32>
      %and3A_456 = arith.andi %shift_right_logical3A_453, %and3A_455 : vector<16xi32>
      %add3A_457 = arith.addi %add3A_450, %and3A_456 : vector<16xi32>
      %and3A_458 = arith.constant -65536 : i32
      %and3A_459 = vector.broadcast %and3A_458 : i32 to vector<16xi32>
      %and3A_460 = arith.andi %add3A_457, %and3A_459 : vector<16xi32>
      %bitcast_convert_type3A_461 = tpu.bitcast %and3A_460 : vector<16xi32> -> vector<16xf32>
      %mul3A_462 = vector.broadcast %squeeze3A : f32 to vector<16xf32>
      %mul3A_463 = arith.mulf %mul3A_462, %bitcast_convert_type3A_435 : vector<16xf32>
      %mul3A_464 = vector.broadcast %squeeze3A_50 : f32 to vector<16xf32>
      %mul3A_465 = arith.mulf %mul3A_464, %bitcast_convert_type3A_461 : vector<16xf32>
      %add3A_466 = arith.addf %mul3A_463, %mul3A_465 : vector<16xf32>
      %add3A_467 = vector.broadcast %squeeze3A_52 : f32 to vector<16xf32>
      %add3A_468 = arith.addf %add3A_466, %add3A_467 : vector<16xf32>
      %add3A_469 = arith.constant 1.000000e+00 : f32
      %add3A_470 = vector.broadcast %add3A_469 : f32 to vector<16xf32>
      %add3A_471 = arith.addf %add3A_468, %add3A_470 : vector<16xf32>
      %mul3A_472 = arith.constant 1.120000e+02 : f32
      %mul3A_473 = vector.broadcast %mul3A_472 : f32 to vector<16xf32>
      %mul3A_474 = arith.mulf %add3A_471, %mul3A_473 : vector<16xf32>
      %mul3A_475 = vector.broadcast %squeeze3A_54 : f32 to vector<16xf32>
      %mul3A_476 = arith.mulf %mul3A_475, %bitcast_convert_type3A_435 : vector<16xf32>
      %mul3A_477 = vector.broadcast %squeeze3A_56 : f32 to vector<16xf32>
      %mul3A_478 = arith.mulf %mul3A_477, %bitcast_convert_type3A_461 : vector<16xf32>
      %add3A_479 = arith.addf %mul3A_476, %mul3A_478 : vector<16xf32>
      %add3A_480 = vector.broadcast %squeeze3A_58 : f32 to vector<16xf32>
      %add3A_481 = arith.addf %add3A_479, %add3A_480 : vector<16xf32>
      %add3A_482 = arith.constant 1.000000e+00 : f32
      %add3A_483 = vector.broadcast %add3A_482 : f32 to vector<16xf32>
      %add3A_484 = arith.addf %add3A_481, %add3A_483 : vector<16xf32>
      %mul3A_485 = arith.constant 1.120000e+02 : f32
      %mul3A_486 = vector.broadcast %mul3A_485 : f32 to vector<16xf32>
      %mul3A_487 = arith.mulf %add3A_484, %mul3A_486 : vector<16xf32>
      %convert_element_type3A_488 = arith.fptosi %mul3A_474 : vector<16xf32> to vector<16xi32>
      %convert_element_type3A_489 = arith.sitofp %convert_element_type3A_488 : vector<16xi32> to vector<16xf32>
      %gt3A_490 = arith.cmpf ogt, %convert_element_type3A_489, %mul3A_474 : vector<16xf32>
      %convert_element_type3A_491 = arith.extui %gt3A_490 : vector<16xi1> to vector<16xi32>
      %sub3A_492 = arith.subi %convert_element_type3A_488, %convert_element_type3A_491 : vector<16xi32>
      %convert_element_type3A_493 = arith.fptosi %mul3A_487 : vector<16xf32> to vector<16xi32>
      %convert_element_type3A_494 = arith.sitofp %convert_element_type3A_493 : vector<16xi32> to vector<16xf32>
      %gt3A_495 = arith.cmpf ogt, %convert_element_type3A_494, %mul3A_487 : vector<16xf32>
      %convert_element_type3A_496 = arith.extui %gt3A_495 : vector<16xi1> to vector<16xi32>
      %sub3A_497 = arith.subi %convert_element_type3A_493, %convert_element_type3A_496 : vector<16xi32>
      %add3A_498 = arith.constant 1 : i32
      %add3A_499 = vector.broadcast %add3A_498 : i32 to vector<16xi32>
      %add3A_500 = arith.addi %sub3A_492, %add3A_499 : vector<16xi32>
      %jit3A_501 = arith.constant 0 : i32
      %jit3A_502 = arith.constant 223 : i32
      %max3A_503 = vector.broadcast %jit3A_501 : i32 to vector<16xi32>
      %max3A_504 = arith.maxsi %max3A_503, %add3A_500 : vector<16xi32>
      %min3A_505 = vector.broadcast %jit3A_502 : i32 to vector<16xi32>
      %min3A_506 = arith.minsi %min3A_505, %max3A_504 : vector<16xi32>
      %jit3A_507 = arith.constant 0 : i32
      %jit3A_508 = arith.constant 223 : i32
      %max3A_509 = vector.broadcast %jit3A_507 : i32 to vector<16xi32>
      %max3A_510 = arith.maxsi %max3A_509, %sub3A_492 : vector<16xi32>
      %min3A_511 = vector.broadcast %jit3A_508 : i32 to vector<16xi32>
      %min3A_512 = arith.minsi %min3A_511, %max3A_510 : vector<16xi32>
      %add3A_513 = arith.constant 1 : i32
      %add3A_514 = vector.broadcast %add3A_513 : i32 to vector<16xi32>
      %add3A_515 = arith.addi %sub3A_497, %add3A_514 : vector<16xi32>
      %jit3A_516 = arith.constant 0 : i32
      %jit3A_517 = arith.constant 223 : i32
      %max3A_518 = vector.broadcast %jit3A_516 : i32 to vector<16xi32>
      %max3A_519 = arith.maxsi %max3A_518, %add3A_515 : vector<16xi32>
      %min3A_520 = vector.broadcast %jit3A_517 : i32 to vector<16xi32>
      %min3A_521 = arith.minsi %min3A_520, %max3A_519 : vector<16xi32>
      %jit3A_522 = arith.constant 0 : i32
      %jit3A_523 = arith.constant 223 : i32
      %max3A_524 = vector.broadcast %jit3A_522 : i32 to vector<16xi32>
      %max3A_525 = arith.maxsi %max3A_524, %sub3A_497 : vector<16xi32>
      %min3A_526 = vector.broadcast %jit3A_523 : i32 to vector<16xi32>
      %min3A_527 = arith.minsi %min3A_526, %max3A_525 : vector<16xi32>
      %mul3A_528 = arith.constant 224 : i32
      %mul3A_529 = vector.broadcast %mul3A_528 : i32 to vector<16xi32>
      %mul3A_530 = arith.muli %min3A_527, %mul3A_529 : vector<16xi32>
      %add3A_531 = arith.addi %mul3A_530, %min3A_512 : vector<16xi32>
      %add3A_532 = vector.broadcast %mul3A_34 : i32 to vector<16xi32>
      %add3A_533 = arith.addi %add3A_531, %add3A_532 : vector<16xi32>
      %swap3A_534 = arith.constant 0 : index
      %swap3A_535 = tpu.vector_load %arg8[%swap3A_534] {strides = array<i32>} : memref<32xi32, #tpu.memory_space<vmem>>, vector<16xi32>,
      tpu.vector_store %arg8[%swap3A_534], %add3A_533 {strides = array<i32>} : memref<32xi32, #tpu.memory_space<vmem>>, vector<16xi32>,
      %mul3A_536 = arith.constant 224 : i32
      %mul3A_537 = vector.broadcast %mul3A_536 : i32 to vector<16xi32>
      %mul3A_538 = arith.muli %min3A_527, %mul3A_537 : vector<16xi32>
      %add3A_539 = arith.addi %mul3A_538, %min3A_506 : vector<16xi32>
      %add3A_540 = vector.broadcast %mul3A_34 : i32 to vector<16xi32>
      %add3A_541 = arith.addi %add3A_539, %add3A_540 : vector<16xi32>
      %swap3A_542 = arith.constant 0 : index
      %swap3A_543 = tpu.vector_load %arg9[%swap3A_542] {strides = array<i32>} : memref<32xi32, #tpu.memory_space<vmem>>, vector<16xi32>,
      tpu.vector_store %arg9[%swap3A_542], %add3A_541 {strides = array<i32>} : memref<32xi32, #tpu.memory_space<vmem>>, vector<16xi32>,
      %sub3A_544 = arith.subi %min3A_521, %min3A_527 : vector<16xi32>
      %mul3A_545 = arith.constant 192 : i32
      %mul3A_546 = vector.broadcast %mul3A_545 : i32 to vector<16xi32>
      %mul3A_547 = arith.muli %sub3A_544, %mul3A_546 : vector<16xi32>
      %swap3A_548 = arith.constant 0 : index
      %swap3A_549 = tpu.vector_load %arg19[%swap3A_548] {strides = array<i32>} : memref<48xi32, #tpu.memory_space<vmem>>, vector<16xi32>,
      tpu.vector_store %arg19[%swap3A_548], %mul3A_547 {strides = array<i32>} : memref<48xi32, #tpu.memory_space<vmem>>, vector<16xi32>,
      %convert_element_type3A_550 = arith.sitofp %min3A_512 : vector<16xi32> to vector<16xf32>
      %convert_element_type3A_551 = arith.sitofp %min3A_506 : vector<16xi32> to vector<16xf32>
      %convert_element_type3A_552 = arith.sitofp %min3A_527 : vector<16xi32> to vector<16xf32>
      %convert_element_type3A_553 = arith.sitofp %min3A_521 : vector<16xi32> to vector<16xf32>
      %sub3A_554 = arith.subf %convert_element_type3A_551, %mul3A_474 : vector<16xf32>
      %sub3A_555 = arith.subf %convert_element_type3A_553, %mul3A_487 : vector<16xf32>
      %mul3A_556 = arith.mulf %sub3A_554, %sub3A_555 : vector<16xf32>
      %swap3A_557 = arith.constant 0 : index
      %swap3A_558 = tpu.vector_load %arg15[%swap3A_557] {strides = array<i32>} : memref<48xf32, #tpu.memory_space<vmem>>, vector<16xf32>,
      tpu.vector_store %arg15[%swap3A_557], %mul3A_556 {strides = array<i32>} : memref<48xf32, #tpu.memory_space<vmem>>, vector<16xf32>,
      %sub3A_559 = arith.subf %convert_element_type3A_551, %mul3A_474 : vector<16xf32>
      %sub3A_560 = arith.subf %mul3A_487, %convert_element_type3A_552 : vector<16xf32>
      %mul3A_561 = arith.mulf %sub3A_559, %sub3A_560 : vector<16xf32>
      %swap3A_562 = arith.constant 0 : index
      %swap3A_563 = tpu.vector_load %arg16[%swap3A_562] {strides = array<i32>} : memref<48xf32, #tpu.memory_space<vmem>>, vector<16xf32>,
      tpu.vector_store %arg16[%swap3A_562], %mul3A_561 {strides = array<i32>} : memref<48xf32, #tpu.memory_space<vmem>>, vector<16xf32>,
      %sub3A_564 = arith.subf %mul3A_474, %convert_element_type3A_550 : vector<16xf32>
      %sub3A_565 = arith.subf %convert_element_type3A_553, %mul3A_487 : vector<16xf32>
      %mul3A_566 = arith.mulf %sub3A_564, %sub3A_565 : vector<16xf32>
      %swap3A_567 = arith.constant 0 : index
      %swap3A_568 = tpu.vector_load %arg17[%swap3A_567] {strides = array<i32>} : memref<48xf32, #tpu.memory_space<vmem>>, vector<16xf32>,
      tpu.vector_store %arg17[%swap3A_567], %mul3A_566 {strides = array<i32>} : memref<48xf32, #tpu.memory_space<vmem>>, vector<16xf32>,
      %sub3A_569 = arith.subf %mul3A_474, %convert_element_type3A_550 : vector<16xf32>
      %sub3A_570 = arith.subf %mul3A_487, %convert_element_type3A_552 : vector<16xf32>
      %mul3A_571 = arith.mulf %sub3A_569, %sub3A_570 : vector<16xf32>
      %swap3A_572 = arith.constant 0 : index
      %swap3A_573 = tpu.vector_load %arg18[%swap3A_572] {strides = array<i32>} : memref<48xf32, #tpu.memory_space<vmem>>, vector<16xf32>,
      tpu.vector_store %arg18[%swap3A_572], %mul3A_571 {strides = array<i32>} : memref<48xf32, #tpu.memory_space<vmem>>, vector<16xf32>,
      %add3A_574 = arith.constant 16 : i32
      %add3A_575 = arith.addi %mul3A_413, %add3A_574 : i32
      %add3A_576 = vector.broadcast %add3A_575 : i32 to vector<16xi32>
      %add3A_577 = arith.addi %add3A_576, %iota3A : vector<16xi32>
      %convert_element_type3A_578 = arith.sitofp %add3A_577 : vector<16xi32> to vector<16xf32>
      %mul3A_579 = arith.constant 8.968610e-03 : f32
      %mul3A_580 = vector.broadcast %mul3A_579 : f32 to vector<16xf32>
      %mul3A_581 = arith.mulf %convert_element_type3A_578, %mul3A_580 : vector<16xf32>
      %sub3A_582 = arith.constant 1.000000e+00 : f32
      %sub3A_583 = vector.broadcast %sub3A_582 : f32 to vector<16xf32>
      %sub3A_584 = arith.subf %mul3A_581, %sub3A_583 : vector<16xf32>
      %bitcast_convert_type3A_585 = tpu.bitcast %sub3A_584 : vector<16xf32> -> vector<16xi32>
      %add3A_586 = arith.constant 32767 : i32
      %add3A_587 = vector.broadcast %add3A_586 : i32 to vector<16xi32>
      %add3A_588 = arith.addi %bitcast_convert_type3A_585, %add3A_587 : vector<16xi32>
      %shift_right_logical3A_589 = arith.constant 16 : i32
      %shift_right_logical3A_590 = vector.broadcast %shift_right_logical3A_589 : i32 to vector<16xi32>
      %shift_right_logical3A_591 = arith.shrui %bitcast_convert_type3A_585, %shift_right_logical3A_590 : vector<16xi32>
      %and3A_592 = arith.constant 1 : i32
      %and3A_593 = vector.broadcast %and3A_592 : i32 to vector<16xi32>
      %and3A_594 = arith.andi %shift_right_logical3A_591, %and3A_593 : vector<16xi32>
      %add3A_595 = arith.addi %add3A_588, %and3A_594 : vector<16xi32>
      %and3A_596 = arith.constant -65536 : i32
      %and3A_597 = vector.broadcast %and3A_596 : i32 to vector<16xi32>
      %and3A_598 = arith.andi %add3A_595, %and3A_597 : vector<16xi32>
      %bitcast_convert_type3A_599 = tpu.bitcast %and3A_598 : vector<16xi32> -> vector<16xf32>
      %mul3A_600 = vector.broadcast %squeeze3A : f32 to vector<16xf32>
      %mul3A_601 = arith.mulf %mul3A_600, %bitcast_convert_type3A_435 : vector<16xf32>
      %mul3A_602 = vector.broadcast %squeeze3A_50 : f32 to vector<16xf32>
      %mul3A_603 = arith.mulf %mul3A_602, %bitcast_convert_type3A_599 : vector<16xf32>
      %add3A_604 = arith.addf %mul3A_601, %mul3A_603 : vector<16xf32>
      %add3A_605 = vector.broadcast %squeeze3A_52 : f32 to vector<16xf32>
      %add3A_606 = arith.addf %add3A_604, %add3A_605 : vector<16xf32>
      %add3A_607 = arith.constant 1.000000e+00 : f32
      %add3A_608 = vector.broadcast %add3A_607 : f32 to vector<16xf32>
      %add3A_609 = arith.addf %add3A_606, %add3A_608 : vector<16xf32>
      %mul3A_610 = arith.constant 1.120000e+02 : f32
      %mul3A_611 = vector.broadcast %mul3A_610 : f32 to vector<16xf32>
      %mul3A_612 = arith.mulf %add3A_609, %mul3A_611 : vector<16xf32>
      %mul3A_613 = vector.broadcast %squeeze3A_54 : f32 to vector<16xf32>
      %mul3A_614 = arith.mulf %mul3A_613, %bitcast_convert_type3A_435 : vector<16xf32>
      %mul3A_615 = vector.broadcast %squeeze3A_56 : f32 to vector<16xf32>
      %mul3A_616 = arith.mulf %mul3A_615, %bitcast_convert_type3A_599 : vector<16xf32>
      %add3A_617 = arith.addf %mul3A_614, %mul3A_616 : vector<16xf32>
      %add3A_618 = vector.broadcast %squeeze3A_58 : f32 to vector<16xf32>
      %add3A_619 = arith.addf %add3A_617, %add3A_618 : vector<16xf32>
      %add3A_620 = arith.constant 1.000000e+00 : f32
      %add3A_621 = vector.broadcast %add3A_620 : f32 to vector<16xf32>
      %add3A_622 = arith.addf %add3A_619, %add3A_621 : vector<16xf32>
      %mul3A_623 = arith.constant 1.120000e+02 : f32
      %mul3A_624 = vector.broadcast %mul3A_623 : f32 to vector<16xf32>
      %mul3A_625 = arith.mulf %add3A_622, %mul3A_624 : vector<16xf32>
      %convert_element_type3A_626 = arith.fptosi %mul3A_612 : vector<16xf32> to vector<16xi32>
      %convert_element_type3A_627 = arith.sitofp %convert_element_type3A_626 : vector<16xi32> to vector<16xf32>
      %gt3A_628 = arith.cmpf ogt, %convert_element_type3A_627, %mul3A_612 : vector<16xf32>
      %convert_element_type3A_629 = arith.extui %gt3A_628 : vector<16xi1> to vector<16xi32>
      %sub3A_630 = arith.subi %convert_element_type3A_626, %convert_element_type3A_629 : vector<16xi32>
      %convert_element_type3A_631 = arith.fptosi %mul3A_625 : vector<16xf32> to vector<16xi32>
      %convert_element_type3A_632 = arith.sitofp %convert_element_type3A_631 : vector<16xi32> to vector<16xf32>
      %gt3A_633 = arith.cmpf ogt, %convert_element_type3A_632, %mul3A_625 : vector<16xf32>
      %convert_element_type3A_634 = arith.extui %gt3A_633 : vector<16xi1> to vector<16xi32>
      %sub3A_635 = arith.subi %convert_element_type3A_631, %convert_element_type3A_634 : vector<16xi32>
      %add3A_636 = arith.constant 1 : i32
      %add3A_637 = vector.broadcast %add3A_636 : i32 to vector<16xi32>
      %add3A_638 = arith.addi %sub3A_630, %add3A_637 : vector<16xi32>
      %jit3A_639 = arith.constant 0 : i32
      %jit3A_640 = arith.constant 223 : i32
      %max3A_641 = vector.broadcast %jit3A_639 : i32 to vector<16xi32>
      %max3A_642 = arith.maxsi %max3A_641, %add3A_638 : vector<16xi32>
      %min3A_643 = vector.broadcast %jit3A_640 : i32 to vector<16xi32>
      %min3A_644 = arith.minsi %min3A_643, %max3A_642 : vector<16xi32>
      %jit3A_645 = arith.constant 0 : i32
      %jit3A_646 = arith.constant 223 : i32
      %max3A_647 = vector.broadcast %jit3A_645 : i32 to vector<16xi32>
      %max3A_648 = arith.maxsi %max3A_647, %sub3A_630 : vector<16xi32>
      %min3A_649 = vector.broadcast %jit3A_646 : i32 to vector<16xi32>
      %min3A_650 = arith.minsi %min3A_649, %max3A_648 : vector<16xi32>
      %add3A_651 = arith.constant 1 : i32
      %add3A_652 = vector.broadcast %add3A_651 : i32 to vector<16xi32>
      %add3A_653 = arith.addi %sub3A_635, %add3A_652 : vector<16xi32>
      %jit3A_654 = arith.constant 0 : i32
      %jit3A_655 = arith.constant 223 : i32
      %max3A_656 = vector.broadcast %jit3A_654 : i32 to vector<16xi32>
      %max3A_657 = arith.maxsi %max3A_656, %add3A_653 : vector<16xi32>
      %min3A_658 = vector.broadcast %jit3A_655 : i32 to vector<16xi32>
      %min3A_659 = arith.minsi %min3A_658, %max3A_657 : vector<16xi32>
      %jit3A_660 = arith.constant 0 : i32
      %jit3A_661 = arith.constant 223 : i32
      %max3A_662 = vector.broadcast %jit3A_660 : i32 to vector<16xi32>
      %max3A_663 = arith.maxsi %max3A_662, %sub3A_635 : vector<16xi32>
      %min3A_664 = vector.broadcast %jit3A_661 : i32 to vector<16xi32>
      %min3A_665 = arith.minsi %min3A_664, %max3A_663 : vector<16xi32>
      %mul3A_666 = arith.constant 224 : i32
      %mul3A_667 = vector.broadcast %mul3A_666 : i32 to vector<16xi32>
      %mul3A_668 = arith.muli %min3A_665, %mul3A_667 : vector<16xi32>
      %add3A_669 = arith.addi %mul3A_668, %min3A_650 : vector<16xi32>
      %add3A_670 = vector.broadcast %mul3A_34 : i32 to vector<16xi32>
      %add3A_671 = arith.addi %add3A_669, %add3A_670 : vector<16xi32>
      %swap3A_672 = arith.constant 16 : index
      %swap3A_673 = tpu.vector_load %arg8[%swap3A_672] {strides = array<i32>} : memref<32xi32, #tpu.memory_space<vmem>>, vector<16xi32>,
      tpu.vector_store %arg8[%swap3A_672], %add3A_671 {strides = array<i32>} : memref<32xi32, #tpu.memory_space<vmem>>, vector<16xi32>,
      %mul3A_674 = arith.constant 224 : i32
      %mul3A_675 = vector.broadcast %mul3A_674 : i32 to vector<16xi32>
      %mul3A_676 = arith.muli %min3A_665, %mul3A_675 : vector<16xi32>
      %add3A_677 = arith.addi %mul3A_676, %min3A_644 : vector<16xi32>
      %add3A_678 = vector.broadcast %mul3A_34 : i32 to vector<16xi32>
      %add3A_679 = arith.addi %add3A_677, %add3A_678 : vector<16xi32>
      %swap3A_680 = arith.constant 16 : index
      %swap3A_681 = tpu.vector_load %arg9[%swap3A_680] {strides = array<i32>} : memref<32xi32, #tpu.memory_space<vmem>>, vector<16xi32>,
      tpu.vector_store %arg9[%swap3A_680], %add3A_679 {strides = array<i32>} : memref<32xi32, #tpu.memory_space<vmem>>, vector<16xi32>,
      %sub3A_682 = arith.subi %min3A_659, %min3A_665 : vector<16xi32>
      %mul3A_683 = arith.constant 192 : i32
      %mul3A_684 = vector.broadcast %mul3A_683 : i32 to vector<16xi32>
      %mul3A_685 = arith.muli %sub3A_682, %mul3A_684 : vector<16xi32>
      %swap3A_686 = arith.constant 16 : index
      %swap3A_687 = tpu.vector_load %arg19[%swap3A_686] {strides = array<i32>} : memref<48xi32, #tpu.memory_space<vmem>>, vector<16xi32>,
      tpu.vector_store %arg19[%swap3A_686], %mul3A_685 {strides = array<i32>} : memref<48xi32, #tpu.memory_space<vmem>>, vector<16xi32>,
      %convert_element_type3A_688 = arith.sitofp %min3A_650 : vector<16xi32> to vector<16xf32>
      %convert_element_type3A_689 = arith.sitofp %min3A_644 : vector<16xi32> to vector<16xf32>
      %convert_element_type3A_690 = arith.sitofp %min3A_665 : vector<16xi32> to vector<16xf32>
      %convert_element_type3A_691 = arith.sitofp %min3A_659 : vector<16xi32> to vector<16xf32>
      %sub3A_692 = arith.subf %convert_element_type3A_689, %mul3A_612 : vector<16xf32>
      %sub3A_693 = arith.subf %convert_element_type3A_691, %mul3A_625 : vector<16xf32>
      %mul3A_694 = arith.mulf %sub3A_692, %sub3A_693 : vector<16xf32>
      %swap3A_695 = arith.constant 16 : index
      %swap3A_696 = tpu.vector_load %arg15[%swap3A_695] {strides = array<i32>} : memref<48xf32, #tpu.memory_space<vmem>>, vector<16xf32>,
      tpu.vector_store %arg15[%swap3A_695], %mul3A_694 {strides = array<i32>} : memref<48xf32, #tpu.memory_space<vmem>>, vector<16xf32>,
      %sub3A_697 = arith.subf %convert_element_type3A_689, %mul3A_612 : vector<16xf32>
      %sub3A_698 = arith.subf %mul3A_625, %convert_element_type3A_690 : vector<16xf32>
      %mul3A_699 = arith.mulf %sub3A_697, %sub3A_698 : vector<16xf32>
      %swap3A_700 = arith.constant 16 : index
      %swap3A_701 = tpu.vector_load %arg16[%swap3A_700] {strides = array<i32>} : memref<48xf32, #tpu.memory_space<vmem>>, vector<16xf32>,
      tpu.vector_store %arg16[%swap3A_700], %mul3A_699 {strides = array<i32>} : memref<48xf32, #tpu.memory_space<vmem>>, vector<16xf32>,
      %sub3A_702 = arith.subf %mul3A_612, %convert_element_type3A_688 : vector<16xf32>
      %sub3A_703 = arith.subf %convert_element_type3A_691, %mul3A_625 : vector<16xf32>
      %mul3A_704 = arith.mulf %sub3A_702, %sub3A_703 : vector<16xf32>
      %swap3A_705 = arith.constant 16 : index
      %swap3A_706 = tpu.vector_load %arg17[%swap3A_705] {strides = array<i32>} : memref<48xf32, #tpu.memory_space<vmem>>, vector<16xf32>,
      tpu.vector_store %arg17[%swap3A_705], %mul3A_704 {strides = array<i32>} : memref<48xf32, #tpu.memory_space<vmem>>, vector<16xf32>,
      %sub3A_707 = arith.subf %mul3A_612, %convert_element_type3A_688 : vector<16xf32>
      %sub3A_708 = arith.subf %mul3A_625, %convert_element_type3A_690 : vector<16xf32>
      %mul3A_709 = arith.mulf %sub3A_707, %sub3A_708 : vector<16xf32>
      %swap3A_710 = arith.constant 16 : index
      %swap3A_711 = tpu.vector_load %arg18[%swap3A_710] {strides = array<i32>} : memref<48xf32, #tpu.memory_space<vmem>>, vector<16xf32>,
      tpu.vector_store %arg18[%swap3A_710], %mul3A_709 {strides = array<i32>} : memref<48xf32, #tpu.memory_space<vmem>>, vector<16xf32>,
      %dma_start3A_712 = arith.constant 0 : i32
      %dma_start3A_713 = arith.constant 0 : i32
      %dma_start3A_714 = tpu.memref_slice %arg2[%dma_start3A_712, %dma_start3A_713] : memref<401408x384xf32, #tpu.memory_space<hbm>> -> memref<401408x384xf32, #tpu.memory_space<hbm>>
      tpu.enqueue_indirect_dma source(%dma_start3A_714 : memref<401408x384xf32, #tpu.memory_space<hbm>>) target(%arg22 : memref<32x384xf32, #tpu.memory_space<vmem>>) offsets(%arg8 : memref<32xi32, #tpu.memory_space<vmem>>) semaphore(%arg25 : memref<!tpu.dma_semaphore, #tpu.memory_space<semaphore_mem>>)
      %dma_start3A_715 = arith.constant 0 : i32
      %dma_start3A_716 = arith.constant 0 : i32
      %dma_start3A_717 = tpu.memref_slice %arg2[%dma_start3A_715, %dma_start3A_716] : memref<401408x384xf32, #tpu.memory_space<hbm>> -> memref<401408x384xf32, #tpu.memory_space<hbm>>
      tpu.enqueue_indirect_dma source(%dma_start3A_717 : memref<401408x384xf32, #tpu.memory_space<hbm>>) target(%arg23 : memref<32x384xf32, #tpu.memory_space<vmem>>) offsets(%arg9 : memref<32xi32, #tpu.memory_space<vmem>>) semaphore(%arg25 : memref<!tpu.dma_semaphore, #tpu.memory_space<semaphore_mem>>)
      %dma_wait3A = arith.constant 0 : i32
      %dma_wait3A_718 = arith.constant 0 : i32
      %dma_wait3A_719 = tpu.memref_slice %arg2[%dma_wait3A, %dma_wait3A_718] : memref<401408x384xf32, #tpu.memory_space<hbm>> -> memref<32x384xf32, #tpu.memory_space<hbm>>
      %dma_wait3A_720 = arith.constant 0 : i32
      %dma_wait3A_721 = arith.constant 0 : i32
      %dma_wait3A_722 = tpu.memref_slice %arg2[%dma_wait3A_720, %dma_wait3A_721] : memref<401408x384xf32, #tpu.memory_space<hbm>> -> memref<32x384xf32, #tpu.memory_space<hbm>>
      tpu.wait_dma2 semaphore(%arg25 : memref<!tpu.dma_semaphore, #tpu.memory_space<semaphore_mem>>) src(%dma_wait3A_722 : memref<32x384xf32, #tpu.memory_space<hbm>>) dst(%arg20 : memref<32x384xf32, #tpu.memory_space<vmem>>)
      %dma_wait3A_723 = arith.constant 0 : i32
      %dma_wait3A_724 = arith.constant 0 : i32
      %dma_wait3A_725 = tpu.memref_slice %arg2[%dma_wait3A_723, %dma_wait3A_724] : memref<401408x384xf32, #tpu.memory_space<hbm>> -> memref<32x384xf32, #tpu.memory_space<hbm>>
      %dma_wait3A_726 = arith.constant 0 : i32
      %dma_wait3A_727 = arith.constant 0 : i32
      %dma_wait3A_728 = tpu.memref_slice %arg2[%dma_wait3A_726, %dma_wait3A_727] : memref<401408x384xf32, #tpu.memory_space<hbm>> -> memref<32x384xf32, #tpu.memory_space<hbm>>
      tpu.wait_dma2 semaphore(%arg25 : memref<!tpu.dma_semaphore, #tpu.memory_space<semaphore_mem>>) src(%dma_wait3A_728 : memref<32x384xf32, #tpu.memory_space<hbm>>) dst(%arg21 : memref<32x384xf32, #tpu.memory_space<vmem>>)
      %scan3A_729 = arith.constant 0 : i32
      %scan3A_730 = arith.constant 0 : i32
      %scan3A_731 = arith.constant 32 : i32
      %scan3A_732 = arith.addi %scan3A_730, %scan3A_731 : i32
      %scan3A_733 = arith.constant 1 : i32
      scf.for %scan3A_853 = %scan3A_730 to %scan3A_732 step %scan3A_733  : i32 {
        %get3A_854 = arith.index_cast %scan3A_853 : i32 to index
        %get3A_855 = tpu.vector_load %arg10[%get3A_854] {strides = array<i32>} : memref<48xf32, #tpu.memory_space<vmem>>, vector<16xf32>,
        %slice3A_856 = vector.extract_strided_slice %get3A_855 {offsets = [0], sizes = [1], strides = [1]} : vector<16xf32> to vector<1xf32>
        %squeeze3A_857 = vector.extract %slice3A_856[0] : f32 from vector<1xf32>
        %get3A_858 = arith.index_cast %scan3A_853 : i32 to index
        %get3A_859 = tpu.vector_load %arg11[%get3A_858] {strides = array<i32>} : memref<48xf32, #tpu.memory_space<vmem>>, vector<16xf32>,
        %slice3A_860 = vector.extract_strided_slice %get3A_859 {offsets = [0], sizes = [1], strides = [1]} : vector<16xf32> to vector<1xf32>
        %squeeze3A_861 = vector.extract %slice3A_860[0] : f32 from vector<1xf32>
        %get3A_862 = arith.index_cast %scan3A_853 : i32 to index
        %get3A_863 = tpu.vector_load %arg12[%get3A_862] {strides = array<i32>} : memref<48xf32, #tpu.memory_space<vmem>>, vector<16xf32>,
        %slice3A_864 = vector.extract_strided_slice %get3A_863 {offsets = [0], sizes = [1], strides = [1]} : vector<16xf32> to vector<1xf32>
        %squeeze3A_865 = vector.extract %slice3A_864[0] : f32 from vector<1xf32>
        %get3A_866 = arith.index_cast %scan3A_853 : i32 to index
        %get3A_867 = tpu.vector_load %arg13[%get3A_866] {strides = array<i32>} : memref<48xf32, #tpu.memory_space<vmem>>, vector<16xf32>,
        %slice3A_868 = vector.extract_strided_slice %get3A_867 {offsets = [0], sizes = [1], strides = [1]} : vector<16xf32> to vector<1xf32>
        %squeeze3A_869 = vector.extract %slice3A_868[0] : f32 from vector<1xf32>
        %get3A_870 = arith.index_cast %scan3A_853 : i32 to index
        %get3A_871 = tpu.vector_load %arg14[%get3A_870] {strides = array<i32>} : memref<48xi32, #tpu.memory_space<vmem>>, vector<16xi32>,
        %slice3A_872 = vector.extract_strided_slice %get3A_871 {offsets = [0], sizes = [1], strides = [1]} : vector<16xi32> to vector<1xi32>
        %squeeze3A_873 = vector.extract %slice3A_872[0] : i32 from vector<1xi32>
        %add3A_874 = arith.constant 0 : i32
        %add3A_875 = arith.addi %squeeze3A_873, %add3A_874 : i32
        %get3A_876 = arith.index_cast %scan3A_853 : i32 to index
        %get3A_877 = arith.constant 0 : index
        %get3A_878 = tpu.vector_load %arg20[%get3A_876, %get3A_877] {strides = array<i32>} : memref<32x384xf32, #tpu.memory_space<vmem>>, vector<16xf32>,
        %mul3A_879 = vector.broadcast %squeeze3A_857 : f32 to vector<16xf32>
        %mul3A_880 = arith.mulf %mul3A_879, %get3A_878 : vector<16xf32>
        %get3A_881 = arith.index_cast %scan3A_853 : i32 to index
        %get3A_882 = arith.index_cast %add3A_875 : i32 to index
        %get3A_883 = tpu.vector_load %arg20[%get3A_881, %get3A_882] {strides = array<i32>} : memref<32x384xf32, #tpu.memory_space<vmem>>, vector<16xf32>,
        %mul3A_884 = vector.broadcast %squeeze3A_861 : f32 to vector<16xf32>
        %mul3A_885 = arith.mulf %mul3A_884, %get3A_883 : vector<16xf32>
        %add3A_886 = arith.addf %mul3A_880, %mul3A_885 : vector<16xf32>
        %get3A_887 = arith.index_cast %scan3A_853 : i32 to index
        %get3A_888 = arith.constant 0 : index
        %get3A_889 = tpu.vector_load %arg21[%get3A_887, %get3A_888] {strides = array<i32>} : memref<32x384xf32, #tpu.memory_space<vmem>>, vector<16xf32>,
        %mul3A_890 = vector.broadcast %squeeze3A_865 : f32 to vector<16xf32>
        %mul3A_891 = arith.mulf %mul3A_890, %get3A_889 : vector<16xf32>
        %add3A_892 = arith.addf %add3A_886, %mul3A_891 : vector<16xf32>
        %get3A_893 = arith.index_cast %scan3A_853 : i32 to index
        %get3A_894 = arith.index_cast %add3A_875 : i32 to index
        %get3A_895 = tpu.vector_load %arg21[%get3A_893, %get3A_894] {strides = array<i32>} : memref<32x384xf32, #tpu.memory_space<vmem>>, vector<16xf32>,
        %mul3A_896 = vector.broadcast %squeeze3A_869 : f32 to vector<16xf32>
        %mul3A_897 = arith.mulf %mul3A_896, %get3A_895 : vector<16xf32>
        %add3A_898 = arith.addf %add3A_892, %mul3A_897 : vector<16xf32>
        %swap3A_899 = arith.index_cast %scan3A_853 : i32 to index
        %swap3A_900 = arith.constant 0 : index
        %swap3A_901 = tpu.vector_load %arg24[%swap3A_899, %swap3A_900] {strides = array<i32>} : memref<32x192xf32, #tpu.memory_space<vmem>>, vector<16xf32>,
        tpu.vector_store %arg24[%swap3A_899, %swap3A_900], %add3A_898 {strides = array<i32>} : memref<32x192xf32, #tpu.memory_space<vmem>>, vector<16xf32>,
        %add3A_902 = arith.constant 16 : i32
        %add3A_903 = arith.addi %squeeze3A_873, %add3A_902 : i32
        %get3A_904 = arith.index_cast %scan3A_853 : i32 to index
        %get3A_905 = arith.constant 16 : index
        %get3A_906 = tpu.vector_load %arg20[%get3A_904, %get3A_905] {strides = array<i32>} : memref<32x384xf32, #tpu.memory_space<vmem>>, vector<16xf32>,
        %mul3A_907 = vector.broadcast %squeeze3A_857 : f32 to vector<16xf32>
        %mul3A_908 = arith.mulf %mul3A_907, %get3A_906 : vector<16xf32>
        %get3A_909 = arith.index_cast %scan3A_853 : i32 to index
        %get3A_910 = arith.index_cast %add3A_903 : i32 to index
        %get3A_911 = tpu.vector_load %arg20[%get3A_909, %get3A_910] {strides = array<i32>} : memref<32x384xf32, #tpu.memory_space<vmem>>, vector<16xf32>,
        %mul3A_912 = vector.broadcast %squeeze3A_861 : f32 to vector<16xf32>
        %mul3A_913 = arith.mulf %mul3A_912, %get3A_911 : vector<16xf32>
        %add3A_914 = arith.addf %mul3A_908, %mul3A_913 : vector<16xf32>
        %get3A_915 = arith.index_cast %scan3A_853 : i32 to index
        %get3A_916 = arith.constant 16 : index
        %get3A_917 = tpu.vector_load %arg21[%get3A_915, %get3A_916] {strides = array<i32>} : memref<32x384xf32, #tpu.memory_space<vmem>>, vector<16xf32>,
        %mul3A_918 = vector.broadcast %squeeze3A_865 : f32 to vector<16xf32>
        %mul3A_919 = arith.mulf %mul3A_918, %get3A_917 : vector<16xf32>
        %add3A_920 = arith.addf %add3A_914, %mul3A_919 : vector<16xf32>
        %get3A_921 = arith.index_cast %scan3A_853 : i32 to index
        %get3A_922 = arith.index_cast %add3A_903 : i32 to index
        %get3A_923 = tpu.vector_load %arg21[%get3A_921, %get3A_922] {strides = array<i32>} : memref<32x384xf32, #tpu.memory_space<vmem>>, vector<16xf32>,
        %mul3A_924 = vector.broadcast %squeeze3A_869 : f32 to vector<16xf32>
        %mul3A_925 = arith.mulf %mul3A_924, %get3A_923 : vector<16xf32>
        %add3A_926 = arith.addf %add3A_920, %mul3A_925 : vector<16xf32>
        %swap3A_927 = arith.index_cast %scan3A_853 : i32 to index
        %swap3A_928 = arith.constant 16 : index
        %swap3A_929 = tpu.vector_load %arg24[%swap3A_927, %swap3A_928] {strides = array<i32>} : memref<32x192xf32, #tpu.memory_space<vmem>>, vector<16xf32>,
        tpu.vector_store %arg24[%swap3A_927, %swap3A_928], %add3A_926 {strides = array<i32>} : memref<32x192xf32, #tpu.memory_space<vmem>>, vector<16xf32>,
        %add3A_930 = arith.constant 32 : i32
        %add3A_931 = arith.addi %squeeze3A_873, %add3A_930 : i32
        %get3A_932 = arith.index_cast %scan3A_853 : i32 to index
        %get3A_933 = arith.constant 32 : index
        %get3A_934 = tpu.vector_load %arg20[%get3A_932, %get3A_933] {strides = array<i32>} : memref<32x384xf32, #tpu.memory_space<vmem>>, vector<16xf32>,
        %mul3A_935 = vector.broadcast %squeeze3A_857 : f32 to vector<16xf32>
        %mul3A_936 = arith.mulf %mul3A_935, %get3A_934 : vector<16xf32>
        %get3A_937 = arith.index_cast %scan3A_853 : i32 to index
        %get3A_938 = arith.index_cast %add3A_931 : i32 to index
        %get3A_939 = tpu.vector_load %arg20[%get3A_937, %get3A_938] {strides = array<i32>} : memref<32x384xf32, #tpu.memory_space<vmem>>, vector<16xf32>,
        %mul3A_940 = vector.broadcast %squeeze3A_861 : f32 to vector<16xf32>
        %mul3A_941 = arith.mulf %mul3A_940, %get3A_939 : vector<16xf32>
        %add3A_942 = arith.addf %mul3A_936, %mul3A_941 : vector<16xf32>
        %get3A_943 = arith.index_cast %scan3A_853 : i32 to index
        %get3A_944 = arith.constant 32 : index
        %get3A_945 = tpu.vector_load %arg21[%get3A_943, %get3A_944] {strides = array<i32>} : memref<32x384xf32, #tpu.memory_space<vmem>>, vector<16xf32>,
        %mul3A_946 = vector.broadcast %squeeze3A_865 : f32 to vector<16xf32>
        %mul3A_947 = arith.mulf %mul3A_946, %get3A_945 : vector<16xf32>
        %add3A_948 = arith.addf %add3A_942, %mul3A_947 : vector<16xf32>
        %get3A_949 = arith.index_cast %scan3A_853 : i32 to index
        %get3A_950 = arith.index_cast %add3A_931 : i32 to index
        %get3A_951 = tpu.vector_load %arg21[%get3A_949, %get3A_950] {strides = array<i32>} : memref<32x384xf32, #tpu.memory_space<vmem>>, vector<16xf32>,
        %mul3A_952 = vector.broadcast %squeeze3A_869 : f32 to vector<16xf32>
        %mul3A_953 = arith.mulf %mul3A_952, %get3A_951 : vector<16xf32>
        %add3A_954 = arith.addf %add3A_948, %mul3A_953 : vector<16xf32>
        %swap3A_955 = arith.index_cast %scan3A_853 : i32 to index
        %swap3A_956 = arith.constant 32 : index
        %swap3A_957 = tpu.vector_load %arg24[%swap3A_955, %swap3A_956] {strides = array<i32>} : memref<32x192xf32, #tpu.memory_space<vmem>>, vector<16xf32>,
        tpu.vector_store %arg24[%swap3A_955, %swap3A_956], %add3A_954 {strides = array<i32>} : memref<32x192xf32, #tpu.memory_space<vmem>>, vector<16xf32>,
        %add3A_958 = arith.constant 48 : i32
        %add3A_959 = arith.addi %squeeze3A_873, %add3A_958 : i32
        %get3A_960 = arith.index_cast %scan3A_853 : i32 to index
        %get3A_961 = arith.constant 48 : index
        %get3A_962 = tpu.vector_load %arg20[%get3A_960, %get3A_961] {strides = array<i32>} : memref<32x384xf32, #tpu.memory_space<vmem>>, vector<16xf32>,
        %mul3A_963 = vector.broadcast %squeeze3A_857 : f32 to vector<16xf32>
        %mul3A_964 = arith.mulf %mul3A_963, %get3A_962 : vector<16xf32>
        %get3A_965 = arith.index_cast %scan3A_853 : i32 to index
        %get3A_966 = arith.index_cast %add3A_959 : i32 to index
        %get3A_967 = tpu.vector_load %arg20[%get3A_965, %get3A_966] {strides = array<i32>} : memref<32x384xf32, #tpu.memory_space<vmem>>, vector<16xf32>,
        %mul3A_968 = vector.broadcast %squeeze3A_861 : f32 to vector<16xf32>
        %mul3A_969 = arith.mulf %mul3A_968, %get3A_967 : vector<16xf32>
        %add3A_970 = arith.addf %mul3A_964, %mul3A_969 : vector<16xf32>
        %get3A_971 = arith.index_cast %scan3A_853 : i32 to index
        %get3A_972 = arith.constant 48 : index
        %get3A_973 = tpu.vector_load %arg21[%get3A_971, %get3A_972] {strides = array<i32>} : memref<32x384xf32, #tpu.memory_space<vmem>>, vector<16xf32>,
        %mul3A_974 = vector.broadcast %squeeze3A_865 : f32 to vector<16xf32>
        %mul3A_975 = arith.mulf %mul3A_974, %get3A_973 : vector<16xf32>
        %add3A_976 = arith.addf %add3A_970, %mul3A_975 : vector<16xf32>
        %get3A_977 = arith.index_cast %scan3A_853 : i32 to index
        %get3A_978 = arith.index_cast %add3A_959 : i32 to index
        %get3A_979 = tpu.vector_load %arg21[%get3A_977, %get3A_978] {strides = array<i32>} : memref<32x384xf32, #tpu.memory_space<vmem>>, vector<16xf32>,
        %mul3A_980 = vector.broadcast %squeeze3A_869 : f32 to vector<16xf32>
        %mul3A_981 = arith.mulf %mul3A_980, %get3A_979 : vector<16xf32>
        %add3A_982 = arith.addf %add3A_976, %mul3A_981 : vector<16xf32>
        %swap3A_983 = arith.index_cast %scan3A_853 : i32 to index
        %swap3A_984 = arith.constant 48 : index
        %swap3A_985 = tpu.vector_load %arg24[%swap3A_983, %swap3A_984] {strides = array<i32>} : memref<32x192xf32, #tpu.memory_space<vmem>>, vector<16xf32>,
        tpu.vector_store %arg24[%swap3A_983, %swap3A_984], %add3A_982 {strides = array<i32>} : memref<32x192xf32, #tpu.memory_space<vmem>>, vector<16xf32>,
        %add3A_986 = arith.constant 64 : i32
        %add3A_987 = arith.addi %squeeze3A_873, %add3A_986 : i32
        %get3A_988 = arith.index_cast %scan3A_853 : i32 to index
        %get3A_989 = arith.constant 64 : index
        %get3A_990 = tpu.vector_load %arg20[%get3A_988, %get3A_989] {strides = array<i32>} : memref<32x384xf32, #tpu.memory_space<vmem>>, vector<16xf32>,
        %mul3A_991 = vector.broadcast %squeeze3A_857 : f32 to vector<16xf32>
        %mul3A_992 = arith.mulf %mul3A_991, %get3A_990 : vector<16xf32>
        %get3A_993 = arith.index_cast %scan3A_853 : i32 to index
        %get3A_994 = arith.index_cast %add3A_987 : i32 to index
        %get3A_995 = tpu.vector_load %arg20[%get3A_993, %get3A_994] {strides = array<i32>} : memref<32x384xf32, #tpu.memory_space<vmem>>, vector<16xf32>,
        %mul3A_996 = vector.broadcast %squeeze3A_861 : f32 to vector<16xf32>
        %mul3A_997 = arith.mulf %mul3A_996, %get3A_995 : vector<16xf32>
        %add3A_998 = arith.addf %mul3A_992, %mul3A_997 : vector<16xf32>
        %get3A_999 = arith.index_cast %scan3A_853 : i32 to index
        %get3A_1000 = arith.constant 64 : index
        %get3A_1001 = tpu.vector_load %arg21[%get3A_999, %get3A_1000] {strides = array<i32>} : memref<32x384xf32, #tpu.memory_space<vmem>>, vector<16xf32>,
        %mul3A_1002 = vector.broadcast %squeeze3A_865 : f32 to vector<16xf32>
        %mul3A_1003 = arith.mulf %mul3A_1002, %get3A_1001 : vector<16xf32>
        %add3A_1004 = arith.addf %add3A_998, %mul3A_1003 : vector<16xf32>
        %get3A_1005 = arith.index_cast %scan3A_853 : i32 to index
        %get3A_1006 = arith.index_cast %add3A_987 : i32 to index
        %get3A_1007 = tpu.vector_load %arg21[%get3A_1005, %get3A_1006] {strides = array<i32>} : memref<32x384xf32, #tpu.memory_space<vmem>>, vector<16xf32>,
        %mul3A_1008 = vector.broadcast %squeeze3A_869 : f32 to vector<16xf32>
        %mul3A_1009 = arith.mulf %mul3A_1008, %get3A_1007 : vector<16xf32>
        %add3A_1010 = arith.addf %add3A_1004, %mul3A_1009 : vector<16xf32>
        %swap3A_1011 = arith.index_cast %scan3A_853 : i32 to index
        %swap3A_1012 = arith.constant 64 : index
        %swap3A_1013 = tpu.vector_load %arg24[%swap3A_1011, %swap3A_1012] {strides = array<i32>} : memref<32x192xf32, #tpu.memory_space<vmem>>, vector<16xf32>,
        tpu.vector_store %arg24[%swap3A_1011, %swap3A_1012], %add3A_1010 {strides = array<i32>} : memref<32x192xf32, #tpu.memory_space<vmem>>, vector<16xf32>,
        %add3A_1014 = arith.constant 80 : i32
        %add3A_1015 = arith.addi %squeeze3A_873, %add3A_1014 : i32
        %get3A_1016 = arith.index_cast %scan3A_853 : i32 to index
        %get3A_1017 = arith.constant 80 : index
        %get3A_1018 = tpu.vector_load %arg20[%get3A_1016, %get3A_1017] {strides = array<i32>} : memref<32x384xf32, #tpu.memory_space<vmem>>, vector<16xf32>,
        %mul3A_1019 = vector.broadcast %squeeze3A_857 : f32 to vector<16xf32>
        %mul3A_1020 = arith.mulf %mul3A_1019, %get3A_1018 : vector<16xf32>
        %get3A_1021 = arith.index_cast %scan3A_853 : i32 to index
        %get3A_1022 = arith.index_cast %add3A_1015 : i32 to index
        %get3A_1023 = tpu.vector_load %arg20[%get3A_1021, %get3A_1022] {strides = array<i32>} : memref<32x384xf32, #tpu.memory_space<vmem>>, vector<16xf32>,
        %mul3A_1024 = vector.broadcast %squeeze3A_861 : f32 to vector<16xf32>
        %mul3A_1025 = arith.mulf %mul3A_1024, %get3A_1023 : vector<16xf32>
        %add3A_1026 = arith.addf %mul3A_1020, %mul3A_1025 : vector<16xf32>
        %get3A_1027 = arith.index_cast %scan3A_853 : i32 to index
        %get3A_1028 = arith.constant 80 : index
        %get3A_1029 = tpu.vector_load %arg21[%get3A_1027, %get3A_1028] {strides = array<i32>} : memref<32x384xf32, #tpu.memory_space<vmem>>, vector<16xf32>,
        %mul3A_1030 = vector.broadcast %squeeze3A_865 : f32 to vector<16xf32>
        %mul3A_1031 = arith.mulf %mul3A_1030, %get3A_1029 : vector<16xf32>
        %add3A_1032 = arith.addf %add3A_1026, %mul3A_1031 : vector<16xf32>
        %get3A_1033 = arith.index_cast %scan3A_853 : i32 to index
        %get3A_1034 = arith.index_cast %add3A_1015 : i32 to index
        %get3A_1035 = tpu.vector_load %arg21[%get3A_1033, %get3A_1034] {strides = array<i32>} : memref<32x384xf32, #tpu.memory_space<vmem>>, vector<16xf32>,
        %mul3A_1036 = vector.broadcast %squeeze3A_869 : f32 to vector<16xf32>
        %mul3A_1037 = arith.mulf %mul3A_1036, %get3A_1035 : vector<16xf32>
        %add3A_1038 = arith.addf %add3A_1032, %mul3A_1037 : vector<16xf32>
        %swap3A_1039 = arith.index_cast %scan3A_853 : i32 to index
        %swap3A_1040 = arith.constant 80 : index
        %swap3A_1041 = tpu.vector_load %arg24[%swap3A_1039, %swap3A_1040] {strides = array<i32>} : memref<32x192xf32, #tpu.memory_space<vmem>>, vector<16xf32>,
        tpu.vector_store %arg24[%swap3A_1039, %swap3A_1040], %add3A_1038 {strides = array<i32>} : memref<32x192xf32, #tpu.memory_space<vmem>>, vector<16xf32>,
        %add3A_1042 = arith.constant 96 : i32
        %add3A_1043 = arith.addi %squeeze3A_873, %add3A_1042 : i32
        %get3A_1044 = arith.index_cast %scan3A_853 : i32 to index
        %get3A_1045 = arith.constant 96 : index
        %get3A_1046 = tpu.vector_load %arg20[%get3A_1044, %get3A_1045] {strides = array<i32>} : memref<32x384xf32, #tpu.memory_space<vmem>>, vector<16xf32>,
        %mul3A_1047 = vector.broadcast %squeeze3A_857 : f32 to vector<16xf32>
        %mul3A_1048 = arith.mulf %mul3A_1047, %get3A_1046 : vector<16xf32>
        %get3A_1049 = arith.index_cast %scan3A_853 : i32 to index
        %get3A_1050 = arith.index_cast %add3A_1043 : i32 to index
        %get3A_1051 = tpu.vector_load %arg20[%get3A_1049, %get3A_1050] {strides = array<i32>} : memref<32x384xf32, #tpu.memory_space<vmem>>, vector<16xf32>,
        %mul3A_1052 = vector.broadcast %squeeze3A_861 : f32 to vector<16xf32>
        %mul3A_1053 = arith.mulf %mul3A_1052, %get3A_1051 : vector<16xf32>
        %add3A_1054 = arith.addf %mul3A_1048, %mul3A_1053 : vector<16xf32>
        %get3A_1055 = arith.index_cast %scan3A_853 : i32 to index
        %get3A_1056 = arith.constant 96 : index
        %get3A_1057 = tpu.vector_load %arg21[%get3A_1055, %get3A_1056] {strides = array<i32>} : memref<32x384xf32, #tpu.memory_space<vmem>>, vector<16xf32>,
        %mul3A_1058 = vector.broadcast %squeeze3A_865 : f32 to vector<16xf32>
        %mul3A_1059 = arith.mulf %mul3A_1058, %get3A_1057 : vector<16xf32>
        %add3A_1060 = arith.addf %add3A_1054, %mul3A_1059 : vector<16xf32>
        %get3A_1061 = arith.index_cast %scan3A_853 : i32 to index
        %get3A_1062 = arith.index_cast %add3A_1043 : i32 to index
        %get3A_1063 = tpu.vector_load %arg21[%get3A_1061, %get3A_1062] {strides = array<i32>} : memref<32x384xf32, #tpu.memory_space<vmem>>, vector<16xf32>,
        %mul3A_1064 = vector.broadcast %squeeze3A_869 : f32 to vector<16xf32>
        %mul3A_1065 = arith.mulf %mul3A_1064, %get3A_1063 : vector<16xf32>
        %add3A_1066 = arith.addf %add3A_1060, %mul3A_1065 : vector<16xf32>
        %swap3A_1067 = arith.index_cast %scan3A_853 : i32 to index
        %swap3A_1068 = arith.constant 96 : index
        %swap3A_1069 = tpu.vector_load %arg24[%swap3A_1067, %swap3A_1068] {strides = array<i32>} : memref<32x192xf32, #tpu.memory_space<vmem>>, vector<16xf32>,
        tpu.vector_store %arg24[%swap3A_1067, %swap3A_1068], %add3A_1066 {strides = array<i32>} : memref<32x192xf32, #tpu.memory_space<vmem>>, vector<16xf32>,
        %add3A_1070 = arith.constant 112 : i32
        %add3A_1071 = arith.addi %squeeze3A_873, %add3A_1070 : i32
        %get3A_1072 = arith.index_cast %scan3A_853 : i32 to index
        %get3A_1073 = arith.constant 112 : index
        %get3A_1074 = tpu.vector_load %arg20[%get3A_1072, %get3A_1073] {strides = array<i32>} : memref<32x384xf32, #tpu.memory_space<vmem>>, vector<16xf32>,
        %mul3A_1075 = vector.broadcast %squeeze3A_857 : f32 to vector<16xf32>
        %mul3A_1076 = arith.mulf %mul3A_1075, %get3A_1074 : vector<16xf32>
        %get3A_1077 = arith.index_cast %scan3A_853 : i32 to index
        %get3A_1078 = arith.index_cast %add3A_1071 : i32 to index
        %get3A_1079 = tpu.vector_load %arg20[%get3A_1077, %get3A_1078] {strides = array<i32>} : memref<32x384xf32, #tpu.memory_space<vmem>>, vector<16xf32>,
        %mul3A_1080 = vector.broadcast %squeeze3A_861 : f32 to vector<16xf32>
        %mul3A_1081 = arith.mulf %mul3A_1080, %get3A_1079 : vector<16xf32>
        %add3A_1082 = arith.addf %mul3A_1076, %mul3A_1081 : vector<16xf32>
        %get3A_1083 = arith.index_cast %scan3A_853 : i32 to index
        %get3A_1084 = arith.constant 112 : index
        %get3A_1085 = tpu.vector_load %arg21[%get3A_1083, %get3A_1084] {strides = array<i32>} : memref<32x384xf32, #tpu.memory_space<vmem>>, vector<16xf32>,
        %mul3A_1086 = vector.broadcast %squeeze3A_865 : f32 to vector<16xf32>
        %mul3A_1087 = arith.mulf %mul3A_1086, %get3A_1085 : vector<16xf32>
        %add3A_1088 = arith.addf %add3A_1082, %mul3A_1087 : vector<16xf32>
        %get3A_1089 = arith.index_cast %scan3A_853 : i32 to index
        %get3A_1090 = arith.index_cast %add3A_1071 : i32 to index
        %get3A_1091 = tpu.vector_load %arg21[%get3A_1089, %get3A_1090] {strides = array<i32>} : memref<32x384xf32, #tpu.memory_space<vmem>>, vector<16xf32>,
        %mul3A_1092 = vector.broadcast %squeeze3A_869 : f32 to vector<16xf32>
        %mul3A_1093 = arith.mulf %mul3A_1092, %get3A_1091 : vector<16xf32>
        %add3A_1094 = arith.addf %add3A_1088, %mul3A_1093 : vector<16xf32>
        %swap3A_1095 = arith.index_cast %scan3A_853 : i32 to index
        %swap3A_1096 = arith.constant 112 : index
        %swap3A_1097 = tpu.vector_load %arg24[%swap3A_1095, %swap3A_1096] {strides = array<i32>} : memref<32x192xf32, #tpu.memory_space<vmem>>, vector<16xf32>,
        tpu.vector_store %arg24[%swap3A_1095, %swap3A_1096], %add3A_1094 {strides = array<i32>} : memref<32x192xf32, #tpu.memory_space<vmem>>, vector<16xf32>,
        %add3A_1098 = arith.constant 128 : i32
        %add3A_1099 = arith.addi %squeeze3A_873, %add3A_1098 : i32
        %get3A_1100 = arith.index_cast %scan3A_853 : i32 to index
        %get3A_1101 = arith.constant 128 : index
        %get3A_1102 = tpu.vector_load %arg20[%get3A_1100, %get3A_1101] {strides = array<i32>} : memref<32x384xf32, #tpu.memory_space<vmem>>, vector<16xf32>,
        %mul3A_1103 = vector.broadcast %squeeze3A_857 : f32 to vector<16xf32>
        %mul3A_1104 = arith.mulf %mul3A_1103, %get3A_1102 : vector<16xf32>
        %get3A_1105 = arith.index_cast %scan3A_853 : i32 to index
        %get3A_1106 = arith.index_cast %add3A_1099 : i32 to index
        %get3A_1107 = tpu.vector_load %arg20[%get3A_1105, %get3A_1106] {strides = array<i32>} : memref<32x384xf32, #tpu.memory_space<vmem>>, vector<16xf32>,
        %mul3A_1108 = vector.broadcast %squeeze3A_861 : f32 to vector<16xf32>
        %mul3A_1109 = arith.mulf %mul3A_1108, %get3A_1107 : vector<16xf32>
        %add3A_1110 = arith.addf %mul3A_1104, %mul3A_1109 : vector<16xf32>
        %get3A_1111 = arith.index_cast %scan3A_853 : i32 to index
        %get3A_1112 = arith.constant 128 : index
        %get3A_1113 = tpu.vector_load %arg21[%get3A_1111, %get3A_1112] {strides = array<i32>} : memref<32x384xf32, #tpu.memory_space<vmem>>, vector<16xf32>,
        %mul3A_1114 = vector.broadcast %squeeze3A_865 : f32 to vector<16xf32>
        %mul3A_1115 = arith.mulf %mul3A_1114, %get3A_1113 : vector<16xf32>
        %add3A_1116 = arith.addf %add3A_1110, %mul3A_1115 : vector<16xf32>
        %get3A_1117 = arith.index_cast %scan3A_853 : i32 to index
        %get3A_1118 = arith.index_cast %add3A_1099 : i32 to index
        %get3A_1119 = tpu.vector_load %arg21[%get3A_1117, %get3A_1118] {strides = array<i32>} : memref<32x384xf32, #tpu.memory_space<vmem>>, vector<16xf32>,
        %mul3A_1120 = vector.broadcast %squeeze3A_869 : f32 to vector<16xf32>
        %mul3A_1121 = arith.mulf %mul3A_1120, %get3A_1119 : vector<16xf32>
        %add3A_1122 = arith.addf %add3A_1116, %mul3A_1121 : vector<16xf32>
        %swap3A_1123 = arith.index_cast %scan3A_853 : i32 to index
        %swap3A_1124 = arith.constant 128 : index
        %swap3A_1125 = tpu.vector_load %arg24[%swap3A_1123, %swap3A_1124] {strides = array<i32>} : memref<32x192xf32, #tpu.memory_space<vmem>>, vector<16xf32>,
        tpu.vector_store %arg24[%swap3A_1123, %swap3A_1124], %add3A_1122 {strides = array<i32>} : memref<32x192xf32, #tpu.memory_space<vmem>>, vector<16xf32>,
        %add3A_1126 = arith.constant 144 : i32
        %add3A_1127 = arith.addi %squeeze3A_873, %add3A_1126 : i32
        %get3A_1128 = arith.index_cast %scan3A_853 : i32 to index
        %get3A_1129 = arith.constant 144 : index
        %get3A_1130 = tpu.vector_load %arg20[%get3A_1128, %get3A_1129] {strides = array<i32>} : memref<32x384xf32, #tpu.memory_space<vmem>>, vector<16xf32>,
        %mul3A_1131 = vector.broadcast %squeeze3A_857 : f32 to vector<16xf32>
        %mul3A_1132 = arith.mulf %mul3A_1131, %get3A_1130 : vector<16xf32>
        %get3A_1133 = arith.index_cast %scan3A_853 : i32 to index
        %get3A_1134 = arith.index_cast %add3A_1127 : i32 to index
        %get3A_1135 = tpu.vector_load %arg20[%get3A_1133, %get3A_1134] {strides = array<i32>} : memref<32x384xf32, #tpu.memory_space<vmem>>, vector<16xf32>,
        %mul3A_1136 = vector.broadcast %squeeze3A_861 : f32 to vector<16xf32>
        %mul3A_1137 = arith.mulf %mul3A_1136, %get3A_1135 : vector<16xf32>
        %add3A_1138 = arith.addf %mul3A_1132, %mul3A_1137 : vector<16xf32>
        %get3A_1139 = arith.index_cast %scan3A_853 : i32 to index
        %get3A_1140 = arith.constant 144 : index
        %get3A_1141 = tpu.vector_load %arg21[%get3A_1139, %get3A_1140] {strides = array<i32>} : memref<32x384xf32, #tpu.memory_space<vmem>>, vector<16xf32>,
        %mul3A_1142 = vector.broadcast %squeeze3A_865 : f32 to vector<16xf32>
        %mul3A_1143 = arith.mulf %mul3A_1142, %get3A_1141 : vector<16xf32>
        %add3A_1144 = arith.addf %add3A_1138, %mul3A_1143 : vector<16xf32>
        %get3A_1145 = arith.index_cast %scan3A_853 : i32 to index
        %get3A_1146 = arith.index_cast %add3A_1127 : i32 to index
        %get3A_1147 = tpu.vector_load %arg21[%get3A_1145, %get3A_1146] {strides = array<i32>} : memref<32x384xf32, #tpu.memory_space<vmem>>, vector<16xf32>,
        %mul3A_1148 = vector.broadcast %squeeze3A_869 : f32 to vector<16xf32>
        %mul3A_1149 = arith.mulf %mul3A_1148, %get3A_1147 : vector<16xf32>
        %add3A_1150 = arith.addf %add3A_1144, %mul3A_1149 : vector<16xf32>
        %swap3A_1151 = arith.index_cast %scan3A_853 : i32 to index
        %swap3A_1152 = arith.constant 144 : index
        %swap3A_1153 = tpu.vector_load %arg24[%swap3A_1151, %swap3A_1152] {strides = array<i32>} : memref<32x192xf32, #tpu.memory_space<vmem>>, vector<16xf32>,
        tpu.vector_store %arg24[%swap3A_1151, %swap3A_1152], %add3A_1150 {strides = array<i32>} : memref<32x192xf32, #tpu.memory_space<vmem>>, vector<16xf32>,
        %add3A_1154 = arith.constant 160 : i32
        %add3A_1155 = arith.addi %squeeze3A_873, %add3A_1154 : i32
        %get3A_1156 = arith.index_cast %scan3A_853 : i32 to index
        %get3A_1157 = arith.constant 160 : index
        %get3A_1158 = tpu.vector_load %arg20[%get3A_1156, %get3A_1157] {strides = array<i32>} : memref<32x384xf32, #tpu.memory_space<vmem>>, vector<16xf32>,
        %mul3A_1159 = vector.broadcast %squeeze3A_857 : f32 to vector<16xf32>
        %mul3A_1160 = arith.mulf %mul3A_1159, %get3A_1158 : vector<16xf32>
        %get3A_1161 = arith.index_cast %scan3A_853 : i32 to index
        %get3A_1162 = arith.index_cast %add3A_1155 : i32 to index
        %get3A_1163 = tpu.vector_load %arg20[%get3A_1161, %get3A_1162] {strides = array<i32>} : memref<32x384xf32, #tpu.memory_space<vmem>>, vector<16xf32>,
        %mul3A_1164 = vector.broadcast %squeeze3A_861 : f32 to vector<16xf32>
        %mul3A_1165 = arith.mulf %mul3A_1164, %get3A_1163 : vector<16xf32>
        %add3A_1166 = arith.addf %mul3A_1160, %mul3A_1165 : vector<16xf32>
        %get3A_1167 = arith.index_cast %scan3A_853 : i32 to index
        %get3A_1168 = arith.constant 160 : index
        %get3A_1169 = tpu.vector_load %arg21[%get3A_1167, %get3A_1168] {strides = array<i32>} : memref<32x384xf32, #tpu.memory_space<vmem>>, vector<16xf32>,
        %mul3A_1170 = vector.broadcast %squeeze3A_865 : f32 to vector<16xf32>
        %mul3A_1171 = arith.mulf %mul3A_1170, %get3A_1169 : vector<16xf32>
        %add3A_1172 = arith.addf %add3A_1166, %mul3A_1171 : vector<16xf32>
        %get3A_1173 = arith.index_cast %scan3A_853 : i32 to index
        %get3A_1174 = arith.index_cast %add3A_1155 : i32 to index
        %get3A_1175 = tpu.vector_load %arg21[%get3A_1173, %get3A_1174] {strides = array<i32>} : memref<32x384xf32, #tpu.memory_space<vmem>>, vector<16xf32>,
        %mul3A_1176 = vector.broadcast %squeeze3A_869 : f32 to vector<16xf32>
        %mul3A_1177 = arith.mulf %mul3A_1176, %get3A_1175 : vector<16xf32>
        %add3A_1178 = arith.addf %add3A_1172, %mul3A_1177 : vector<16xf32>
        %swap3A_1179 = arith.index_cast %scan3A_853 : i32 to index
        %swap3A_1180 = arith.constant 160 : index
        %swap3A_1181 = tpu.vector_load %arg24[%swap3A_1179, %swap3A_1180] {strides = array<i32>} : memref<32x192xf32, #tpu.memory_space<vmem>>, vector<16xf32>,
        tpu.vector_store %arg24[%swap3A_1179, %swap3A_1180], %add3A_1178 {strides = array<i32>} : memref<32x192xf32, #tpu.memory_space<vmem>>, vector<16xf32>,
        %add3A_1182 = arith.constant 176 : i32
        %add3A_1183 = arith.addi %squeeze3A_873, %add3A_1182 : i32
        %get3A_1184 = arith.index_cast %scan3A_853 : i32 to index
        %get3A_1185 = arith.constant 176 : index
        %get3A_1186 = tpu.vector_load %arg20[%get3A_1184, %get3A_1185] {strides = array<i32>} : memref<32x384xf32, #tpu.memory_space<vmem>>, vector<16xf32>,
        %mul3A_1187 = vector.broadcast %squeeze3A_857 : f32 to vector<16xf32>
        %mul3A_1188 = arith.mulf %mul3A_1187, %get3A_1186 : vector<16xf32>
        %get3A_1189 = arith.index_cast %scan3A_853 : i32 to index
        %get3A_1190 = arith.index_cast %add3A_1183 : i32 to index
        %get3A_1191 = tpu.vector_load %arg20[%get3A_1189, %get3A_1190] {strides = array<i32>} : memref<32x384xf32, #tpu.memory_space<vmem>>, vector<16xf32>,
        %mul3A_1192 = vector.broadcast %squeeze3A_861 : f32 to vector<16xf32>
        %mul3A_1193 = arith.mulf %mul3A_1192, %get3A_1191 : vector<16xf32>
        %add3A_1194 = arith.addf %mul3A_1188, %mul3A_1193 : vector<16xf32>
        %get3A_1195 = arith.index_cast %scan3A_853 : i32 to index
        %get3A_1196 = arith.constant 176 : index
        %get3A_1197 = tpu.vector_load %arg21[%get3A_1195, %get3A_1196] {strides = array<i32>} : memref<32x384xf32, #tpu.memory_space<vmem>>, vector<16xf32>,
        %mul3A_1198 = vector.broadcast %squeeze3A_865 : f32 to vector<16xf32>
        %mul3A_1199 = arith.mulf %mul3A_1198, %get3A_1197 : vector<16xf32>
        %add3A_1200 = arith.addf %add3A_1194, %mul3A_1199 : vector<16xf32>
        %get3A_1201 = arith.index_cast %scan3A_853 : i32 to index
        %get3A_1202 = arith.index_cast %add3A_1183 : i32 to index
        %get3A_1203 = tpu.vector_load %arg21[%get3A_1201, %get3A_1202] {strides = array<i32>} : memref<32x384xf32, #tpu.memory_space<vmem>>, vector<16xf32>,
        %mul3A_1204 = vector.broadcast %squeeze3A_869 : f32 to vector<16xf32>
        %mul3A_1205 = arith.mulf %mul3A_1204, %get3A_1203 : vector<16xf32>
        %add3A_1206 = arith.addf %add3A_1200, %mul3A_1205 : vector<16xf32>
        %swap3A_1207 = arith.index_cast %scan3A_853 : i32 to index
        %swap3A_1208 = arith.constant 176 : index
        %swap3A_1209 = tpu.vector_load %arg24[%swap3A_1207, %swap3A_1208] {strides = array<i32>} : memref<32x192xf32, #tpu.memory_space<vmem>>, vector<16xf32>,
        tpu.vector_store %arg24[%swap3A_1207, %swap3A_1208], %add3A_1206 {strides = array<i32>} : memref<32x192xf32, #tpu.memory_space<vmem>>, vector<16xf32>,
      }
      %scan3A_734 = arith.constant 32 : i32
      %jit3A_735 = arith.constant 7 : i32
      %div3A_736 = arith.divsi %mul3A_368, %jit3A_735 : i32
      %sign3A_737 = arith.constant 0 : i32
      %sign3A_738 = arith.cmpi sgt, %mul3A_368, %sign3A_737 : i32
      %sign3A_739 = arith.extui %sign3A_738 : i1 to i32
      %sign3A_740 = arith.constant 0 : i32
      %sign3A_741 = arith.cmpi slt, %mul3A_368, %sign3A_740 : i32
      %sign3A_742 = arith.extui %sign3A_741 : i1 to i32
      %sign3A_743 = arith.subi %sign3A_739, %sign3A_742 : i32
      %sign3A_744 = arith.constant 0 : i32
      %sign3A_745 = arith.cmpi sgt, %jit3A_735, %sign3A_744 : i32
      %sign3A_746 = arith.extui %sign3A_745 : i1 to i32
      %sign3A_747 = arith.constant 0 : i32
      %sign3A_748 = arith.cmpi slt, %jit3A_735, %sign3A_747 : i32
      %sign3A_749 = arith.extui %sign3A_748 : i1 to i32
      %sign3A_750 = arith.subi %sign3A_746, %sign3A_749 : i32
      %ne3A_751 = arith.cmpi ne, %sign3A_743, %sign3A_750 : i32
      %rem3A_752 = arith.remsi %mul3A_368, %jit3A_735 : i32
      %ne3A_753 = arith.constant 0 : i32
      %ne3A_754 = arith.cmpi ne, %rem3A_752, %ne3A_753 : i32
      %and3A_755 = arith.andi %ne3A_751, %ne3A_754 : i1
      %sub3A_756 = arith.constant 1 : i32
      %sub3A_757 = arith.subi %div3A_736, %sub3A_756 : i32
      %select_n3A_758 = arith.select %and3A_755, %sub3A_757, %div3A_736 : i32
      %add3A_759 = arith.addi %mul3A_32, %select_n3A_758 : i32
      %jit3A_760 = arith.constant 7 : i32
      %eq3A_761 = arith.constant 0 : i32
      %eq3A_762 = arith.cmpi eq, %jit3A_760, %eq3A_761 : i32
      %jit3A_763 = arith.constant 1 : i32
      %select_n3A_764 = arith.select %eq3A_762, %jit3A_763, %jit3A_760 : i32
      %rem3A_765 = arith.remsi %mul3A_368, %select_n3A_764 : i32
      %ne3A_766 = arith.constant 0 : i32
      %ne3A_767 = arith.cmpi ne, %rem3A_765, %ne3A_766 : i32
      %lt3A_768 = arith.constant 0 : i32
      %lt3A_769 = arith.cmpi slt, %rem3A_765, %lt3A_768 : i32
      %lt3A_770 = arith.constant 0 : i32
      %lt3A_771 = arith.cmpi slt, %select_n3A_764, %lt3A_770 : i32
      %ne3A_772 = arith.xori %lt3A_769, %lt3A_771 : i1
      %and3A_773 = arith.andi %ne3A_772, %ne3A_767 : i1
      %add3A_774 = arith.addi %rem3A_765, %select_n3A_764 : i32
      %select_n3A_775 = arith.select %and3A_773, %add3A_774, %rem3A_765 : i32
      %mul3A_776 = arith.constant 32 : i32
      %mul3A_777 = arith.muli %select_n3A_775, %mul3A_776 : i32
      %mul3A_778 = arith.constant 224 : i32
      %mul3A_779 = arith.muli %add3A_759, %mul3A_778 : i32
      %add3A_780 = arith.addi %mul3A_34, %mul3A_779 : i32
      %add3A_781 = arith.addi %add3A_780, %mul3A_777 : i32
      "tpu.region"() ({
        %run_scoped3A = tpu.sem_alloc : memref<!tpu.dma_semaphore, #tpu.memory_space<semaphore_mem>>
        %dma_start3A_853 = arith.constant 0 : i32
        %dma_start3A_854 = tpu.memref_slice %arg4[%add3A_781, %dma_start3A_853] : memref<401408x192xf32, #tpu.memory_space<hbm>> -> memref<32x192xf32, #tpu.memory_space<hbm>>
        %dma_start3A_855 = arith.constant 0 : i32
        %dma_start3A_856 = tpu.memref_slice %arg4[%add3A_781, %dma_start3A_855] : memref<401408x192xf32, #tpu.memory_space<hbm>> -> memref<32x192xf32, #tpu.memory_space<hbm>>
        tpu.enqueue_dma source(%arg24 : memref<32x192xf32, #tpu.memory_space<vmem>>) target(%dma_start3A_856 : memref<32x192xf32, #tpu.memory_space<hbm>>) target_semaphore(%run_scoped3A : memref<!tpu.dma_semaphore, #tpu.memory_space<semaphore_mem>>)
        %dma_wait3A_857 = arith.constant 0 : i32
        %dma_wait3A_858 = tpu.memref_slice %arg4[%add3A_781, %dma_wait3A_857] : memref<401408x192xf32, #tpu.memory_space<hbm>> -> memref<32x192xf32, #tpu.memory_space<hbm>>
        %dma_wait3A_859 = arith.constant 0 : i32
        %dma_wait3A_860 = tpu.memref_slice %arg4[%add3A_781, %dma_wait3A_859] : memref<401408x192xf32, #tpu.memory_space<hbm>> -> memref<32x192xf32, #tpu.memory_space<hbm>>
        tpu.wait_dma2 semaphore(%run_scoped3A : memref<!tpu.dma_semaphore, #tpu.memory_space<semaphore_mem>>) src(%arg24 : memref<32x192xf32, #tpu.memory_space<vmem>>) dst(%dma_wait3A_860 : memref<32x192xf32, #tpu.memory_space<hbm>>)
        tpu.yield
      }) : () -> ()
      %lt3A_782 = arith.constant 195 : i32
      %lt3A_783 = arith.cmpi slt, %scan3A_366, %lt3A_782 : i32
      %convert_element_type3A_784 = arith.extui %lt3A_783 : i1 to i32
      %cond3A = arith.constant 0 : i32
      %cond3A_785 = arith.cmpi ne, %convert_element_type3A_784, %cond3A : i32
      scf.if %cond3A_785 {
        %add3A_853 = arith.constant 2 : i32
        %add3A_854 = arith.addi %mul3A_368, %add3A_853 : i32
        %jit3A_855 = arith.constant 7 : i32
        %div3A_856 = arith.divsi %add3A_854, %jit3A_855 : i32
        %sign3A_857 = arith.constant 0 : i32
        %sign3A_858 = arith.cmpi sgt, %add3A_854, %sign3A_857 : i32
        %sign3A_859 = arith.extui %sign3A_858 : i1 to i32
        %sign3A_860 = arith.constant 0 : i32
        %sign3A_861 = arith.cmpi slt, %add3A_854, %sign3A_860 : i32
        %sign3A_862 = arith.extui %sign3A_861 : i1 to i32
        %sign3A_863 = arith.subi %sign3A_859, %sign3A_862 : i32
        %sign3A_864 = arith.constant 0 : i32
        %sign3A_865 = arith.cmpi sgt, %jit3A_855, %sign3A_864 : i32
        %sign3A_866 = arith.extui %sign3A_865 : i1 to i32
        %sign3A_867 = arith.constant 0 : i32
        %sign3A_868 = arith.cmpi slt, %jit3A_855, %sign3A_867 : i32
        %sign3A_869 = arith.extui %sign3A_868 : i1 to i32
        %sign3A_870 = arith.subi %sign3A_866, %sign3A_869 : i32
        %ne3A_871 = arith.cmpi ne, %sign3A_863, %sign3A_870 : i32
        %rem3A_872 = arith.remsi %add3A_854, %jit3A_855 : i32
        %ne3A_873 = arith.constant 0 : i32
        %ne3A_874 = arith.cmpi ne, %rem3A_872, %ne3A_873 : i32
        %and3A_875 = arith.andi %ne3A_871, %ne3A_874 : i1
        %sub3A_876 = arith.constant 1 : i32
        %sub3A_877 = arith.subi %div3A_856, %sub3A_876 : i32
        %select_n3A_878 = arith.select %and3A_875, %sub3A_877, %div3A_856 : i32
        %add3A_879 = arith.addi %mul3A_32, %select_n3A_878 : i32
        %jit3A_880 = arith.constant 7 : i32
        %eq3A_881 = arith.constant 0 : i32
        %eq3A_882 = arith.cmpi eq, %jit3A_880, %eq3A_881 : i32
        %jit3A_883 = arith.constant 1 : i32
        %select_n3A_884 = arith.select %eq3A_882, %jit3A_883, %jit3A_880 : i32
        %rem3A_885 = arith.remsi %add3A_854, %select_n3A_884 : i32
        %ne3A_886 = arith.constant 0 : i32
        %ne3A_887 = arith.cmpi ne, %rem3A_885, %ne3A_886 : i32
        %lt3A_888 = arith.constant 0 : i32
        %lt3A_889 = arith.cmpi slt, %rem3A_885, %lt3A_888 : i32
        %lt3A_890 = arith.constant 0 : i32
        %lt3A_891 = arith.cmpi slt, %select_n3A_884, %lt3A_890 : i32
        %ne3A_892 = arith.xori %lt3A_889, %lt3A_891 : i1
        %and3A_893 = arith.andi %ne3A_892, %ne3A_887 : i1
        %add3A_894 = arith.addi %rem3A_885, %select_n3A_884 : i32
        %select_n3A_895 = arith.select %and3A_893, %add3A_894, %rem3A_885 : i32
        %mul3A_896 = arith.constant 32 : i32
        %mul3A_897 = arith.muli %select_n3A_895, %mul3A_896 : i32
        %convert_element_type3A_898 = arith.sitofp %add3A_879 : i32 to f32
        %mul3A_899 = arith.constant 8.968610e-03 : f32
        %mul3A_900 = arith.mulf %convert_element_type3A_898, %mul3A_899 : f32
        %sub3A_901 = arith.constant 1.000000e+00 : f32
        %sub3A_902 = arith.subf %mul3A_900, %sub3A_901 : f32
        %add3A_903 = vector.broadcast %sub3A_902 : f32 to vector<16xf32>
        %add3A_904 = arith.addf %mul3A_61, %add3A_903 : vector<16xf32>
        %bitcast_convert_type3A_905 = tpu.bitcast %add3A_904 : vector<16xf32> -> vector<16xi32>
        %add3A_906 = arith.constant 32767 : i32
        %add3A_907 = vector.broadcast %add3A_906 : i32 to vector<16xi32>
        %add3A_908 = arith.addi %bitcast_convert_type3A_905, %add3A_907 : vector<16xi32>
        %shift_right_logical3A_909 = arith.constant 16 : i32
        %shift_right_logical3A_910 = vector.broadcast %shift_right_logical3A_909 : i32 to vector<16xi32>
        %shift_right_logical3A_911 = arith.shrui %bitcast_convert_type3A_905, %shift_right_logical3A_910 : vector<16xi32>
        %and3A_912 = arith.constant 1 : i32
        %and3A_913 = vector.broadcast %and3A_912 : i32 to vector<16xi32>
        %and3A_914 = arith.andi %shift_right_logical3A_911, %and3A_913 : vector<16xi32>
        %add3A_915 = arith.addi %add3A_908, %and3A_914 : vector<16xi32>
        %and3A_916 = arith.constant -65536 : i32
        %and3A_917 = vector.broadcast %and3A_916 : i32 to vector<16xi32>
        %and3A_918 = arith.andi %add3A_915, %and3A_917 : vector<16xi32>
        %bitcast_convert_type3A_919 = tpu.bitcast %and3A_918 : vector<16xi32> -> vector<16xf32>
        %add3A_920 = arith.constant 0 : i32
        %add3A_921 = arith.addi %mul3A_897, %add3A_920 : i32
        %add3A_922 = vector.broadcast %add3A_921 : i32 to vector<16xi32>
        %add3A_923 = arith.addi %add3A_922, %iota3A : vector<16xi32>
        %convert_element_type3A_924 = arith.sitofp %add3A_923 : vector<16xi32> to vector<16xf32>
        %mul3A_925 = arith.constant 8.968610e-03 : f32
        %mul3A_926 = vector.broadcast %mul3A_925 : f32 to vector<16xf32>
        %mul3A_927 = arith.mulf %convert_element_type3A_924, %mul3A_926 : vector<16xf32>
        %sub3A_928 = arith.constant 1.000000e+00 : f32
        %sub3A_929 = vector.broadcast %sub3A_928 : f32 to vector<16xf32>
        %sub3A_930 = arith.subf %mul3A_927, %sub3A_929 : vector<16xf32>
        %bitcast_convert_type3A_931 = tpu.bitcast %sub3A_930 : vector<16xf32> -> vector<16xi32>
        %add3A_932 = arith.constant 32767 : i32
        %add3A_933 = vector.broadcast %add3A_932 : i32 to vector<16xi32>
        %add3A_934 = arith.addi %bitcast_convert_type3A_931, %add3A_933 : vector<16xi32>
        %shift_right_logical3A_935 = arith.constant 16 : i32
        %shift_right_logical3A_936 = vector.broadcast %shift_right_logical3A_935 : i32 to vector<16xi32>
        %shift_right_logical3A_937 = arith.shrui %bitcast_convert_type3A_931, %shift_right_logical3A_936 : vector<16xi32>
        %and3A_938 = arith.constant 1 : i32
        %and3A_939 = vector.broadcast %and3A_938 : i32 to vector<16xi32>
        %and3A_940 = arith.andi %shift_right_logical3A_937, %and3A_939 : vector<16xi32>
        %add3A_941 = arith.addi %add3A_934, %and3A_940 : vector<16xi32>
        %and3A_942 = arith.constant -65536 : i32
        %and3A_943 = vector.broadcast %and3A_942 : i32 to vector<16xi32>
        %and3A_944 = arith.andi %add3A_941, %and3A_943 : vector<16xi32>
        %bitcast_convert_type3A_945 = tpu.bitcast %and3A_944 : vector<16xi32> -> vector<16xf32>
        %mul3A_946 = vector.broadcast %squeeze3A : f32 to vector<16xf32>
        %mul3A_947 = arith.mulf %mul3A_946, %bitcast_convert_type3A_919 : vector<16xf32>
        %mul3A_948 = vector.broadcast %squeeze3A_50 : f32 to vector<16xf32>
        %mul3A_949 = arith.mulf %mul3A_948, %bitcast_convert_type3A_945 : vector<16xf32>
        %add3A_950 = arith.addf %mul3A_947, %mul3A_949 : vector<16xf32>
        %add3A_951 = vector.broadcast %squeeze3A_52 : f32 to vector<16xf32>
        %add3A_952 = arith.addf %add3A_950, %add3A_951 : vector<16xf32>
        %add3A_953 = arith.constant 1.000000e+00 : f32
        %add3A_954 = vector.broadcast %add3A_953 : f32 to vector<16xf32>
        %add3A_955 = arith.addf %add3A_952, %add3A_954 : vector<16xf32>
        %mul3A_956 = arith.constant 1.120000e+02 : f32
        %mul3A_957 = vector.broadcast %mul3A_956 : f32 to vector<16xf32>
        %mul3A_958 = arith.mulf %add3A_955, %mul3A_957 : vector<16xf32>
        %mul3A_959 = vector.broadcast %squeeze3A_54 : f32 to vector<16xf32>
        %mul3A_960 = arith.mulf %mul3A_959, %bitcast_convert_type3A_919 : vector<16xf32>
        %mul3A_961 = vector.broadcast %squeeze3A_56 : f32 to vector<16xf32>
        %mul3A_962 = arith.mulf %mul3A_961, %bitcast_convert_type3A_945 : vector<16xf32>
        %add3A_963 = arith.addf %mul3A_960, %mul3A_962 : vector<16xf32>
        %add3A_964 = vector.broadcast %squeeze3A_58 : f32 to vector<16xf32>
        %add3A_965 = arith.addf %add3A_963, %add3A_964 : vector<16xf32>
        %add3A_966 = arith.constant 1.000000e+00 : f32
        %add3A_967 = vector.broadcast %add3A_966 : f32 to vector<16xf32>
        %add3A_968 = arith.addf %add3A_965, %add3A_967 : vector<16xf32>
        %mul3A_969 = arith.constant 1.120000e+02 : f32
        %mul3A_970 = vector.broadcast %mul3A_969 : f32 to vector<16xf32>
        %mul3A_971 = arith.mulf %add3A_968, %mul3A_970 : vector<16xf32>
        %convert_element_type3A_972 = arith.fptosi %mul3A_958 : vector<16xf32> to vector<16xi32>
        %convert_element_type3A_973 = arith.sitofp %convert_element_type3A_972 : vector<16xi32> to vector<16xf32>
        %gt3A_974 = arith.cmpf ogt, %convert_element_type3A_973, %mul3A_958 : vector<16xf32>
        %convert_element_type3A_975 = arith.extui %gt3A_974 : vector<16xi1> to vector<16xi32>
        %sub3A_976 = arith.subi %convert_element_type3A_972, %convert_element_type3A_975 : vector<16xi32>
        %convert_element_type3A_977 = arith.fptosi %mul3A_971 : vector<16xf32> to vector<16xi32>
        %convert_element_type3A_978 = arith.sitofp %convert_element_type3A_977 : vector<16xi32> to vector<16xf32>
        %gt3A_979 = arith.cmpf ogt, %convert_element_type3A_978, %mul3A_971 : vector<16xf32>
        %convert_element_type3A_980 = arith.extui %gt3A_979 : vector<16xi1> to vector<16xi32>
        %sub3A_981 = arith.subi %convert_element_type3A_977, %convert_element_type3A_980 : vector<16xi32>
        %add3A_982 = arith.constant 1 : i32
        %add3A_983 = vector.broadcast %add3A_982 : i32 to vector<16xi32>
        %add3A_984 = arith.addi %sub3A_976, %add3A_983 : vector<16xi32>
        %jit3A_985 = arith.constant 0 : i32
        %jit3A_986 = arith.constant 223 : i32
        %max3A_987 = vector.broadcast %jit3A_985 : i32 to vector<16xi32>
        %max3A_988 = arith.maxsi %max3A_987, %add3A_984 : vector<16xi32>
        %min3A_989 = vector.broadcast %jit3A_986 : i32 to vector<16xi32>
        %min3A_990 = arith.minsi %min3A_989, %max3A_988 : vector<16xi32>
        %jit3A_991 = arith.constant 0 : i32
        %jit3A_992 = arith.constant 223 : i32
        %max3A_993 = vector.broadcast %jit3A_991 : i32 to vector<16xi32>
        %max3A_994 = arith.maxsi %max3A_993, %sub3A_976 : vector<16xi32>
        %min3A_995 = vector.broadcast %jit3A_992 : i32 to vector<16xi32>
        %min3A_996 = arith.minsi %min3A_995, %max3A_994 : vector<16xi32>
        %add3A_997 = arith.constant 1 : i32
        %add3A_998 = vector.broadcast %add3A_997 : i32 to vector<16xi32>
        %add3A_999 = arith.addi %sub3A_981, %add3A_998 : vector<16xi32>
        %jit3A_1000 = arith.constant 0 : i32
        %jit3A_1001 = arith.constant 223 : i32
        %max3A_1002 = vector.broadcast %jit3A_1000 : i32 to vector<16xi32>
        %max3A_1003 = arith.maxsi %max3A_1002, %add3A_999 : vector<16xi32>
        %min3A_1004 = vector.broadcast %jit3A_1001 : i32 to vector<16xi32>
        %min3A_1005 = arith.minsi %min3A_1004, %max3A_1003 : vector<16xi32>
        %jit3A_1006 = arith.constant 0 : i32
        %jit3A_1007 = arith.constant 223 : i32
        %max3A_1008 = vector.broadcast %jit3A_1006 : i32 to vector<16xi32>
        %max3A_1009 = arith.maxsi %max3A_1008, %sub3A_981 : vector<16xi32>
        %min3A_1010 = vector.broadcast %jit3A_1007 : i32 to vector<16xi32>
        %min3A_1011 = arith.minsi %min3A_1010, %max3A_1009 : vector<16xi32>
        %mul3A_1012 = arith.constant 224 : i32
        %mul3A_1013 = vector.broadcast %mul3A_1012 : i32 to vector<16xi32>
        %mul3A_1014 = arith.muli %min3A_1011, %mul3A_1013 : vector<16xi32>
        %add3A_1015 = arith.addi %mul3A_1014, %min3A_996 : vector<16xi32>
        %add3A_1016 = vector.broadcast %mul3A_34 : i32 to vector<16xi32>
        %add3A_1017 = arith.addi %add3A_1015, %add3A_1016 : vector<16xi32>
        %swap3A_1018 = arith.constant 0 : index
        %swap3A_1019 = tpu.vector_load %arg6[%swap3A_1018] {strides = array<i32>} : memref<32xi32, #tpu.memory_space<vmem>>, vector<16xi32>,
        tpu.vector_store %arg6[%swap3A_1018], %add3A_1017 {strides = array<i32>} : memref<32xi32, #tpu.memory_space<vmem>>, vector<16xi32>,
        %mul3A_1020 = arith.constant 224 : i32
        %mul3A_1021 = vector.broadcast %mul3A_1020 : i32 to vector<16xi32>
        %mul3A_1022 = arith.muli %min3A_1011, %mul3A_1021 : vector<16xi32>
        %add3A_1023 = arith.addi %mul3A_1022, %min3A_990 : vector<16xi32>
        %add3A_1024 = vector.broadcast %mul3A_34 : i32 to vector<16xi32>
        %add3A_1025 = arith.addi %add3A_1023, %add3A_1024 : vector<16xi32>
        %swap3A_1026 = arith.constant 0 : index
        %swap3A_1027 = tpu.vector_load %arg7[%swap3A_1026] {strides = array<i32>} : memref<32xi32, #tpu.memory_space<vmem>>, vector<16xi32>,
        tpu.vector_store %arg7[%swap3A_1026], %add3A_1025 {strides = array<i32>} : memref<32xi32, #tpu.memory_space<vmem>>, vector<16xi32>,
        %sub3A_1028 = arith.subi %min3A_1005, %min3A_1011 : vector<16xi32>
        %mul3A_1029 = arith.constant 192 : i32
        %mul3A_1030 = vector.broadcast %mul3A_1029 : i32 to vector<16xi32>
        %mul3A_1031 = arith.muli %sub3A_1028, %mul3A_1030 : vector<16xi32>
        %swap3A_1032 = arith.constant 0 : index
        %swap3A_1033 = tpu.vector_load %arg14[%swap3A_1032] {strides = array<i32>} : memref<48xi32, #tpu.memory_space<vmem>>, vector<16xi32>,
        tpu.vector_store %arg14[%swap3A_1032], %mul3A_1031 {strides = array<i32>} : memref<48xi32, #tpu.memory_space<vmem>>, vector<16xi32>,
        %convert_element_type3A_1034 = arith.sitofp %min3A_996 : vector<16xi32> to vector<16xf32>
        %convert_element_type3A_1035 = arith.sitofp %min3A_990 : vector<16xi32> to vector<16xf32>
        %convert_element_type3A_1036 = arith.sitofp %min3A_1011 : vector<16xi32> to vector<16xf32>
        %convert_element_type3A_1037 = arith.sitofp %min3A_1005 : vector<16xi32> to vector<16xf32>
        %sub3A_1038 = arith.subf %convert_element_type3A_1035, %mul3A_958 : vector<16xf32>
        %sub3A_1039 = arith.subf %convert_element_type3A_1037, %mul3A_971 : vector<16xf32>
        %mul3A_1040 = arith.mulf %sub3A_1038, %sub3A_1039 : vector<16xf32>
        %swap3A_1041 = arith.constant 0 : index
        %swap3A_1042 = tpu.vector_load %arg10[%swap3A_1041] {strides = array<i32>} : memref<48xf32, #tpu.memory_space<vmem>>, vector<16xf32>,
        tpu.vector_store %arg10[%swap3A_1041], %mul3A_1040 {strides = array<i32>} : memref<48xf32, #tpu.memory_space<vmem>>, vector<16xf32>,
        %sub3A_1043 = arith.subf %convert_element_type3A_1035, %mul3A_958 : vector<16xf32>
        %sub3A_1044 = arith.subf %mul3A_971, %convert_element_type3A_1036 : vector<16xf32>
        %mul3A_1045 = arith.mulf %sub3A_1043, %sub3A_1044 : vector<16xf32>
        %swap3A_1046 = arith.constant 0 : index
        %swap3A_1047 = tpu.vector_load %arg11[%swap3A_1046] {strides = array<i32>} : memref<48xf32, #tpu.memory_space<vmem>>, vector<16xf32>,
        tpu.vector_store %arg11[%swap3A_1046], %mul3A_1045 {strides = array<i32>} : memref<48xf32, #tpu.memory_space<vmem>>, vector<16xf32>,
        %sub3A_1048 = arith.subf %mul3A_958, %convert_element_type3A_1034 : vector<16xf32>
        %sub3A_1049 = arith.subf %convert_element_type3A_1037, %mul3A_971 : vector<16xf32>
        %mul3A_1050 = arith.mulf %sub3A_1048, %sub3A_1049 : vector<16xf32>
        %swap3A_1051 = arith.constant 0 : index
        %swap3A_1052 = tpu.vector_load %arg12[%swap3A_1051] {strides = array<i32>} : memref<48xf32, #tpu.memory_space<vmem>>, vector<16xf32>,
        tpu.vector_store %arg12[%swap3A_1051], %mul3A_1050 {strides = array<i32>} : memref<48xf32, #tpu.memory_space<vmem>>, vector<16xf32>,
        %sub3A_1053 = arith.subf %mul3A_958, %convert_element_type3A_1034 : vector<16xf32>
        %sub3A_1054 = arith.subf %mul3A_971, %convert_element_type3A_1036 : vector<16xf32>
        %mul3A_1055 = arith.mulf %sub3A_1053, %sub3A_1054 : vector<16xf32>
        %swap3A_1056 = arith.constant 0 : index
        %swap3A_1057 = tpu.vector_load %arg13[%swap3A_1056] {strides = array<i32>} : memref<48xf32, #tpu.memory_space<vmem>>, vector<16xf32>,
        tpu.vector_store %arg13[%swap3A_1056], %mul3A_1055 {strides = array<i32>} : memref<48xf32, #tpu.memory_space<vmem>>, vector<16xf32>,
        %add3A_1058 = arith.constant 16 : i32
        %add3A_1059 = arith.addi %mul3A_897, %add3A_1058 : i32
        %add3A_1060 = vector.broadcast %add3A_1059 : i32 to vector<16xi32>
        %add3A_1061 = arith.addi %add3A_1060, %iota3A : vector<16xi32>
        %convert_element_type3A_1062 = arith.sitofp %add3A_1061 : vector<16xi32> to vector<16xf32>
        %mul3A_1063 = arith.constant 8.968610e-03 : f32
        %mul3A_1064 = vector.broadcast %mul3A_1063 : f32 to vector<16xf32>
        %mul3A_1065 = arith.mulf %convert_element_type3A_1062, %mul3A_1064 : vector<16xf32>
        %sub3A_1066 = arith.constant 1.000000e+00 : f32
        %sub3A_1067 = vector.broadcast %sub3A_1066 : f32 to vector<16xf32>
        %sub3A_1068 = arith.subf %mul3A_1065, %sub3A_1067 : vector<16xf32>
        %bitcast_convert_type3A_1069 = tpu.bitcast %sub3A_1068 : vector<16xf32> -> vector<16xi32>
        %add3A_1070 = arith.constant 32767 : i32
        %add3A_1071 = vector.broadcast %add3A_1070 : i32 to vector<16xi32>
        %add3A_1072 = arith.addi %bitcast_convert_type3A_1069, %add3A_1071 : vector<16xi32>
        %shift_right_logical3A_1073 = arith.constant 16 : i32
        %shift_right_logical3A_1074 = vector.broadcast %shift_right_logical3A_1073 : i32 to vector<16xi32>
        %shift_right_logical3A_1075 = arith.shrui %bitcast_convert_type3A_1069, %shift_right_logical3A_1074 : vector<16xi32>
        %and3A_1076 = arith.constant 1 : i32
        %and3A_1077 = vector.broadcast %and3A_1076 : i32 to vector<16xi32>
        %and3A_1078 = arith.andi %shift_right_logical3A_1075, %and3A_1077 : vector<16xi32>
        %add3A_1079 = arith.addi %add3A_1072, %and3A_1078 : vector<16xi32>
        %and3A_1080 = arith.constant -65536 : i32
        %and3A_1081 = vector.broadcast %and3A_1080 : i32 to vector<16xi32>
        %and3A_1082 = arith.andi %add3A_1079, %and3A_1081 : vector<16xi32>
        %bitcast_convert_type3A_1083 = tpu.bitcast %and3A_1082 : vector<16xi32> -> vector<16xf32>
        %mul3A_1084 = vector.broadcast %squeeze3A : f32 to vector<16xf32>
        %mul3A_1085 = arith.mulf %mul3A_1084, %bitcast_convert_type3A_919 : vector<16xf32>
        %mul3A_1086 = vector.broadcast %squeeze3A_50 : f32 to vector<16xf32>
        %mul3A_1087 = arith.mulf %mul3A_1086, %bitcast_convert_type3A_1083 : vector<16xf32>
        %add3A_1088 = arith.addf %mul3A_1085, %mul3A_1087 : vector<16xf32>
        %add3A_1089 = vector.broadcast %squeeze3A_52 : f32 to vector<16xf32>
        %add3A_1090 = arith.addf %add3A_1088, %add3A_1089 : vector<16xf32>
        %add3A_1091 = arith.constant 1.000000e+00 : f32
        %add3A_1092 = vector.broadcast %add3A_1091 : f32 to vector<16xf32>
        %add3A_1093 = arith.addf %add3A_1090, %add3A_1092 : vector<16xf32>
        %mul3A_1094 = arith.constant 1.120000e+02 : f32
        %mul3A_1095 = vector.broadcast %mul3A_1094 : f32 to vector<16xf32>
        %mul3A_1096 = arith.mulf %add3A_1093, %mul3A_1095 : vector<16xf32>
        %mul3A_1097 = vector.broadcast %squeeze3A_54 : f32 to vector<16xf32>
        %mul3A_1098 = arith.mulf %mul3A_1097, %bitcast_convert_type3A_919 : vector<16xf32>
        %mul3A_1099 = vector.broadcast %squeeze3A_56 : f32 to vector<16xf32>
        %mul3A_1100 = arith.mulf %mul3A_1099, %bitcast_convert_type3A_1083 : vector<16xf32>
        %add3A_1101 = arith.addf %mul3A_1098, %mul3A_1100 : vector<16xf32>
        %add3A_1102 = vector.broadcast %squeeze3A_58 : f32 to vector<16xf32>
        %add3A_1103 = arith.addf %add3A_1101, %add3A_1102 : vector<16xf32>
        %add3A_1104 = arith.constant 1.000000e+00 : f32
        %add3A_1105 = vector.broadcast %add3A_1104 : f32 to vector<16xf32>
        %add3A_1106 = arith.addf %add3A_1103, %add3A_1105 : vector<16xf32>
        %mul3A_1107 = arith.constant 1.120000e+02 : f32
        %mul3A_1108 = vector.broadcast %mul3A_1107 : f32 to vector<16xf32>
        %mul3A_1109 = arith.mulf %add3A_1106, %mul3A_1108 : vector<16xf32>
        %convert_element_type3A_1110 = arith.fptosi %mul3A_1096 : vector<16xf32> to vector<16xi32>
        %convert_element_type3A_1111 = arith.sitofp %convert_element_type3A_1110 : vector<16xi32> to vector<16xf32>
        %gt3A_1112 = arith.cmpf ogt, %convert_element_type3A_1111, %mul3A_1096 : vector<16xf32>
        %convert_element_type3A_1113 = arith.extui %gt3A_1112 : vector<16xi1> to vector<16xi32>
        %sub3A_1114 = arith.subi %convert_element_type3A_1110, %convert_element_type3A_1113 : vector<16xi32>
        %convert_element_type3A_1115 = arith.fptosi %mul3A_1109 : vector<16xf32> to vector<16xi32>
        %convert_element_type3A_1116 = arith.sitofp %convert_element_type3A_1115 : vector<16xi32> to vector<16xf32>
        %gt3A_1117 = arith.cmpf ogt, %convert_element_type3A_1116, %mul3A_1109 : vector<16xf32>
        %convert_element_type3A_1118 = arith.extui %gt3A_1117 : vector<16xi1> to vector<16xi32>
        %sub3A_1119 = arith.subi %convert_element_type3A_1115, %convert_element_type3A_1118 : vector<16xi32>
        %add3A_1120 = arith.constant 1 : i32
        %add3A_1121 = vector.broadcast %add3A_1120 : i32 to vector<16xi32>
        %add3A_1122 = arith.addi %sub3A_1114, %add3A_1121 : vector<16xi32>
        %jit3A_1123 = arith.constant 0 : i32
        %jit3A_1124 = arith.constant 223 : i32
        %max3A_1125 = vector.broadcast %jit3A_1123 : i32 to vector<16xi32>
        %max3A_1126 = arith.maxsi %max3A_1125, %add3A_1122 : vector<16xi32>
        %min3A_1127 = vector.broadcast %jit3A_1124 : i32 to vector<16xi32>
        %min3A_1128 = arith.minsi %min3A_1127, %max3A_1126 : vector<16xi32>
        %jit3A_1129 = arith.constant 0 : i32
        %jit3A_1130 = arith.constant 223 : i32
        %max3A_1131 = vector.broadcast %jit3A_1129 : i32 to vector<16xi32>
        %max3A_1132 = arith.maxsi %max3A_1131, %sub3A_1114 : vector<16xi32>
        %min3A_1133 = vector.broadcast %jit3A_1130 : i32 to vector<16xi32>
        %min3A_1134 = arith.minsi %min3A_1133, %max3A_1132 : vector<16xi32>
        %add3A_1135 = arith.constant 1 : i32
        %add3A_1136 = vector.broadcast %add3A_1135 : i32 to vector<16xi32>
        %add3A_1137 = arith.addi %sub3A_1119, %add3A_1136 : vector<16xi32>
        %jit3A_1138 = arith.constant 0 : i32
        %jit3A_1139 = arith.constant 223 : i32
        %max3A_1140 = vector.broadcast %jit3A_1138 : i32 to vector<16xi32>
        %max3A_1141 = arith.maxsi %max3A_1140, %add3A_1137 : vector<16xi32>
        %min3A_1142 = vector.broadcast %jit3A_1139 : i32 to vector<16xi32>
        %min3A_1143 = arith.minsi %min3A_1142, %max3A_1141 : vector<16xi32>
        %jit3A_1144 = arith.constant 0 : i32
        %jit3A_1145 = arith.constant 223 : i32
        %max3A_1146 = vector.broadcast %jit3A_1144 : i32 to vector<16xi32>
        %max3A_1147 = arith.maxsi %max3A_1146, %sub3A_1119 : vector<16xi32>
        %min3A_1148 = vector.broadcast %jit3A_1145 : i32 to vector<16xi32>
        %min3A_1149 = arith.minsi %min3A_1148, %max3A_1147 : vector<16xi32>
        %mul3A_1150 = arith.constant 224 : i32
        %mul3A_1151 = vector.broadcast %mul3A_1150 : i32 to vector<16xi32>
        %mul3A_1152 = arith.muli %min3A_1149, %mul3A_1151 : vector<16xi32>
        %add3A_1153 = arith.addi %mul3A_1152, %min3A_1134 : vector<16xi32>
        %add3A_1154 = vector.broadcast %mul3A_34 : i32 to vector<16xi32>
        %add3A_1155 = arith.addi %add3A_1153, %add3A_1154 : vector<16xi32>
        %swap3A_1156 = arith.constant 16 : index
        %swap3A_1157 = tpu.vector_load %arg6[%swap3A_1156] {strides = array<i32>} : memref<32xi32, #tpu.memory_space<vmem>>, vector<16xi32>,
        tpu.vector_store %arg6[%swap3A_1156], %add3A_1155 {strides = array<i32>} : memref<32xi32, #tpu.memory_space<vmem>>, vector<16xi32>,
        %mul3A_1158 = arith.constant 224 : i32
        %mul3A_1159 = vector.broadcast %mul3A_1158 : i32 to vector<16xi32>
        %mul3A_1160 = arith.muli %min3A_1149, %mul3A_1159 : vector<16xi32>
        %add3A_1161 = arith.addi %mul3A_1160, %min3A_1128 : vector<16xi32>
        %add3A_1162 = vector.broadcast %mul3A_34 : i32 to vector<16xi32>
        %add3A_1163 = arith.addi %add3A_1161, %add3A_1162 : vector<16xi32>
        %swap3A_1164 = arith.constant 16 : index
        %swap3A_1165 = tpu.vector_load %arg7[%swap3A_1164] {strides = array<i32>} : memref<32xi32, #tpu.memory_space<vmem>>, vector<16xi32>,
        tpu.vector_store %arg7[%swap3A_1164], %add3A_1163 {strides = array<i32>} : memref<32xi32, #tpu.memory_space<vmem>>, vector<16xi32>,
        %sub3A_1166 = arith.subi %min3A_1143, %min3A_1149 : vector<16xi32>
        %mul3A_1167 = arith.constant 192 : i32
        %mul3A_1168 = vector.broadcast %mul3A_1167 : i32 to vector<16xi32>
        %mul3A_1169 = arith.muli %sub3A_1166, %mul3A_1168 : vector<16xi32>
        %swap3A_1170 = arith.constant 16 : index
        %swap3A_1171 = tpu.vector_load %arg14[%swap3A_1170] {strides = array<i32>} : memref<48xi32, #tpu.memory_space<vmem>>, vector<16xi32>,
        tpu.vector_store %arg14[%swap3A_1170], %mul3A_1169 {strides = array<i32>} : memref<48xi32, #tpu.memory_space<vmem>>, vector<16xi32>,
        %convert_element_type3A_1172 = arith.sitofp %min3A_1134 : vector<16xi32> to vector<16xf32>
        %convert_element_type3A_1173 = arith.sitofp %min3A_1128 : vector<16xi32> to vector<16xf32>
        %convert_element_type3A_1174 = arith.sitofp %min3A_1149 : vector<16xi32> to vector<16xf32>
        %convert_element_type3A_1175 = arith.sitofp %min3A_1143 : vector<16xi32> to vector<16xf32>
        %sub3A_1176 = arith.subf %convert_element_type3A_1173, %mul3A_1096 : vector<16xf32>
        %sub3A_1177 = arith.subf %convert_element_type3A_1175, %mul3A_1109 : vector<16xf32>
        %mul3A_1178 = arith.mulf %sub3A_1176, %sub3A_1177 : vector<16xf32>
        %swap3A_1179 = arith.constant 16 : index
        %swap3A_1180 = tpu.vector_load %arg10[%swap3A_1179] {strides = array<i32>} : memref<48xf32, #tpu.memory_space<vmem>>, vector<16xf32>,
        tpu.vector_store %arg10[%swap3A_1179], %mul3A_1178 {strides = array<i32>} : memref<48xf32, #tpu.memory_space<vmem>>, vector<16xf32>,
        %sub3A_1181 = arith.subf %convert_element_type3A_1173, %mul3A_1096 : vector<16xf32>
        %sub3A_1182 = arith.subf %mul3A_1109, %convert_element_type3A_1174 : vector<16xf32>
        %mul3A_1183 = arith.mulf %sub3A_1181, %sub3A_1182 : vector<16xf32>
        %swap3A_1184 = arith.constant 16 : index
        %swap3A_1185 = tpu.vector_load %arg11[%swap3A_1184] {strides = array<i32>} : memref<48xf32, #tpu.memory_space<vmem>>, vector<16xf32>,
        tpu.vector_store %arg11[%swap3A_1184], %mul3A_1183 {strides = array<i32>} : memref<48xf32, #tpu.memory_space<vmem>>, vector<16xf32>,
        %sub3A_1186 = arith.subf %mul3A_1096, %convert_element_type3A_1172 : vector<16xf32>
        %sub3A_1187 = arith.subf %convert_element_type3A_1175, %mul3A_1109 : vector<16xf32>
        %mul3A_1188 = arith.mulf %sub3A_1186, %sub3A_1187 : vector<16xf32>
        %swap3A_1189 = arith.constant 16 : index
        %swap3A_1190 = tpu.vector_load %arg12[%swap3A_1189] {strides = array<i32>} : memref<48xf32, #tpu.memory_space<vmem>>, vector<16xf32>,
        tpu.vector_store %arg12[%swap3A_1189], %mul3A_1188 {strides = array<i32>} : memref<48xf32, #tpu.memory_space<vmem>>, vector<16xf32>,
        %sub3A_1191 = arith.subf %mul3A_1096, %convert_element_type3A_1172 : vector<16xf32>
        %sub3A_1192 = arith.subf %mul3A_1109, %convert_element_type3A_1174 : vector<16xf32>
        %mul3A_1193 = arith.mulf %sub3A_1191, %sub3A_1192 : vector<16xf32>
        %swap3A_1194 = arith.constant 16 : index
        %swap3A_1195 = tpu.vector_load %arg13[%swap3A_1194] {strides = array<i32>} : memref<48xf32, #tpu.memory_space<vmem>>, vector<16xf32>,
        tpu.vector_store %arg13[%swap3A_1194], %mul3A_1193 {strides = array<i32>} : memref<48xf32, #tpu.memory_space<vmem>>, vector<16xf32>,
        %dma_start3A_1196 = arith.constant 0 : i32
        %dma_start3A_1197 = arith.constant 0 : i32
        %dma_start3A_1198 = tpu.memref_slice %arg2[%dma_start3A_1196, %dma_start3A_1197] : memref<401408x384xf32, #tpu.memory_space<hbm>> -> memref<401408x384xf32, #tpu.memory_space<hbm>>
        tpu.enqueue_indirect_dma source(%dma_start3A_1198 : memref<401408x384xf32, #tpu.memory_space<hbm>>) target(%arg20 : memref<32x384xf32, #tpu.memory_space<vmem>>) offsets(%arg6 : memref<32xi32, #tpu.memory_space<vmem>>) semaphore(%arg25 : memref<!tpu.dma_semaphore, #tpu.memory_space<semaphore_mem>>)
        %dma_start3A_1199 = arith.constant 0 : i32
        %dma_start3A_1200 = arith.constant 0 : i32
        %dma_start3A_1201 = tpu.memref_slice %arg2[%dma_start3A_1199, %dma_start3A_1200] : memref<401408x384xf32, #tpu.memory_space<hbm>> -> memref<401408x384xf32, #tpu.memory_space<hbm>>
        tpu.enqueue_indirect_dma source(%dma_start3A_1201 : memref<401408x384xf32, #tpu.memory_space<hbm>>) target(%arg21 : memref<32x384xf32, #tpu.memory_space<vmem>>) offsets(%arg7 : memref<32xi32, #tpu.memory_space<vmem>>) semaphore(%arg25 : memref<!tpu.dma_semaphore, #tpu.memory_space<semaphore_mem>>)
      } else {
      }
      %dma_wait3A_786 = arith.constant 0 : i32
      %dma_wait3A_787 = arith.constant 0 : i32
      %dma_wait3A_788 = tpu.memref_slice %arg2[%dma_wait3A_786, %dma_wait3A_787] : memref<401408x384xf32, #tpu.memory_space<hbm>> -> memref<32x384xf32, #tpu.memory_space<hbm>>
      %dma_wait3A_789 = arith.constant 0 : i32
      %dma_wait3A_790 = arith.constant 0 : i32
      %dma_wait3A_791 = tpu.memref_slice %arg2[%dma_wait3A_789, %dma_wait3A_790] : memref<401408x384xf32, #tpu.memory_space<hbm>> -> memref<32x384xf32, #tpu.memory_space<hbm>>
      tpu.wait_dma2 semaphore(%arg25 : memref<!tpu.dma_semaphore, #tpu.memory_space<semaphore_mem>>) src(%dma_wait3A_791 : memref<32x384xf32, #tpu.memory_space<hbm>>) dst(%arg22 : memref<32x384xf32, #tpu.memory_space<vmem>>)
      %dma_wait3A_792 = arith.constant 0 : i32
      %dma_wait3A_793 = arith.constant 0 : i32
      %dma_wait3A_794 = tpu.memref_slice %arg2[%dma_wait3A_792, %dma_wait3A_793] : memref<401408x384xf32, #tpu.memory_space<hbm>> -> memref<32x384xf32, #tpu.memory_space<hbm>>
      %dma_wait3A_795 = arith.constant 0 : i32
      %dma_wait3A_796 = arith.constant 0 : i32
      %dma_wait3A_797 = tpu.memref_slice %arg2[%dma_wait3A_795, %dma_wait3A_796] : memref<401408x384xf32, #tpu.memory_space<hbm>> -> memref<32x384xf32, #tpu.memory_space<hbm>>
      tpu.wait_dma2 semaphore(%arg25 : memref<!tpu.dma_semaphore, #tpu.memory_space<semaphore_mem>>) src(%dma_wait3A_797 : memref<32x384xf32, #tpu.memory_space<hbm>>) dst(%arg23 : memref<32x384xf32, #tpu.memory_space<vmem>>)
      %add3A_798 = arith.constant 1 : i32
      %add3A_799 = arith.addi %mul3A_368, %add3A_798 : i32
      %scan3A_800 = arith.constant 0 : i32
      %scan3A_801 = arith.constant 0 : i32
      %scan3A_802 = arith.constant 32 : i32
      %scan3A_803 = arith.addi %scan3A_801, %scan3A_802 : i32
      %scan3A_804 = arith.constant 1 : i32
      scf.for %scan3A_853 = %scan3A_801 to %scan3A_803 step %scan3A_804  : i32 {
        %get3A_854 = arith.index_cast %scan3A_853 : i32 to index
        %get3A_855 = tpu.vector_load %arg15[%get3A_854] {strides = array<i32>} : memref<48xf32, #tpu.memory_space<vmem>>, vector<16xf32>,
        %slice3A_856 = vector.extract_strided_slice %get3A_855 {offsets = [0], sizes = [1], strides = [1]} : vector<16xf32> to vector<1xf32>
        %squeeze3A_857 = vector.extract %slice3A_856[0] : f32 from vector<1xf32>
        %get3A_858 = arith.index_cast %scan3A_853 : i32 to index
        %get3A_859 = tpu.vector_load %arg16[%get3A_858] {strides = array<i32>} : memref<48xf32, #tpu.memory_space<vmem>>, vector<16xf32>,
        %slice3A_860 = vector.extract_strided_slice %get3A_859 {offsets = [0], sizes = [1], strides = [1]} : vector<16xf32> to vector<1xf32>
        %squeeze3A_861 = vector.extract %slice3A_860[0] : f32 from vector<1xf32>
        %get3A_862 = arith.index_cast %scan3A_853 : i32 to index
        %get3A_863 = tpu.vector_load %arg17[%get3A_862] {strides = array<i32>} : memref<48xf32, #tpu.memory_space<vmem>>, vector<16xf32>,
        %slice3A_864 = vector.extract_strided_slice %get3A_863 {offsets = [0], sizes = [1], strides = [1]} : vector<16xf32> to vector<1xf32>
        %squeeze3A_865 = vector.extract %slice3A_864[0] : f32 from vector<1xf32>
        %get3A_866 = arith.index_cast %scan3A_853 : i32 to index
        %get3A_867 = tpu.vector_load %arg18[%get3A_866] {strides = array<i32>} : memref<48xf32, #tpu.memory_space<vmem>>, vector<16xf32>,
        %slice3A_868 = vector.extract_strided_slice %get3A_867 {offsets = [0], sizes = [1], strides = [1]} : vector<16xf32> to vector<1xf32>
        %squeeze3A_869 = vector.extract %slice3A_868[0] : f32 from vector<1xf32>
        %get3A_870 = arith.index_cast %scan3A_853 : i32 to index
        %get3A_871 = tpu.vector_load %arg19[%get3A_870] {strides = array<i32>} : memref<48xi32, #tpu.memory_space<vmem>>, vector<16xi32>,
        %slice3A_872 = vector.extract_strided_slice %get3A_871 {offsets = [0], sizes = [1], strides = [1]} : vector<16xi32> to vector<1xi32>
        %squeeze3A_873 = vector.extract %slice3A_872[0] : i32 from vector<1xi32>
        %add3A_874 = arith.constant 0 : i32
        %add3A_875 = arith.addi %squeeze3A_873, %add3A_874 : i32
        %get3A_876 = arith.index_cast %scan3A_853 : i32 to index
        %get3A_877 = arith.constant 0 : index
        %get3A_878 = tpu.vector_load %arg22[%get3A_876, %get3A_877] {strides = array<i32>} : memref<32x384xf32, #tpu.memory_space<vmem>>, vector<16xf32>,
        %mul3A_879 = vector.broadcast %squeeze3A_857 : f32 to vector<16xf32>
        %mul3A_880 = arith.mulf %mul3A_879, %get3A_878 : vector<16xf32>
        %get3A_881 = arith.index_cast %scan3A_853 : i32 to index
        %get3A_882 = arith.index_cast %add3A_875 : i32 to index
        %get3A_883 = tpu.vector_load %arg22[%get3A_881, %get3A_882] {strides = array<i32>} : memref<32x384xf32, #tpu.memory_space<vmem>>, vector<16xf32>,
        %mul3A_884 = vector.broadcast %squeeze3A_861 : f32 to vector<16xf32>
        %mul3A_885 = arith.mulf %mul3A_884, %get3A_883 : vector<16xf32>
        %add3A_886 = arith.addf %mul3A_880, %mul3A_885 : vector<16xf32>
        %get3A_887 = arith.index_cast %scan3A_853 : i32 to index
        %get3A_888 = arith.constant 0 : index
        %get3A_889 = tpu.vector_load %arg23[%get3A_887, %get3A_888] {strides = array<i32>} : memref<32x384xf32, #tpu.memory_space<vmem>>, vector<16xf32>,
        %mul3A_890 = vector.broadcast %squeeze3A_865 : f32 to vector<16xf32>
        %mul3A_891 = arith.mulf %mul3A_890, %get3A_889 : vector<16xf32>
        %add3A_892 = arith.addf %add3A_886, %mul3A_891 : vector<16xf32>
        %get3A_893 = arith.index_cast %scan3A_853 : i32 to index
        %get3A_894 = arith.index_cast %add3A_875 : i32 to index
        %get3A_895 = tpu.vector_load %arg23[%get3A_893, %get3A_894] {strides = array<i32>} : memref<32x384xf32, #tpu.memory_space<vmem>>, vector<16xf32>,
        %mul3A_896 = vector.broadcast %squeeze3A_869 : f32 to vector<16xf32>
        %mul3A_897 = arith.mulf %mul3A_896, %get3A_895 : vector<16xf32>
        %add3A_898 = arith.addf %add3A_892, %mul3A_897 : vector<16xf32>
        %swap3A_899 = arith.index_cast %scan3A_853 : i32 to index
        %swap3A_900 = arith.constant 0 : index
        %swap3A_901 = tpu.vector_load %arg24[%swap3A_899, %swap3A_900] {strides = array<i32>} : memref<32x192xf32, #tpu.memory_space<vmem>>, vector<16xf32>,
        tpu.vector_store %arg24[%swap3A_899, %swap3A_900], %add3A_898 {strides = array<i32>} : memref<32x192xf32, #tpu.memory_space<vmem>>, vector<16xf32>,
        %add3A_902 = arith.constant 16 : i32
        %add3A_903 = arith.addi %squeeze3A_873, %add3A_902 : i32
        %get3A_904 = arith.index_cast %scan3A_853 : i32 to index
        %get3A_905 = arith.constant 16 : index
        %get3A_906 = tpu.vector_load %arg22[%get3A_904, %get3A_905] {strides = array<i32>} : memref<32x384xf32, #tpu.memory_space<vmem>>, vector<16xf32>,
        %mul3A_907 = vector.broadcast %squeeze3A_857 : f32 to vector<16xf32>
        %mul3A_908 = arith.mulf %mul3A_907, %get3A_906 : vector<16xf32>
        %get3A_909 = arith.index_cast %scan3A_853 : i32 to index
        %get3A_910 = arith.index_cast %add3A_903 : i32 to index
        %get3A_911 = tpu.vector_load %arg22[%get3A_909, %get3A_910] {strides = array<i32>} : memref<32x384xf32, #tpu.memory_space<vmem>>, vector<16xf32>,
        %mul3A_912 = vector.broadcast %squeeze3A_861 : f32 to vector<16xf32>
        %mul3A_913 = arith.mulf %mul3A_912, %get3A_911 : vector<16xf32>
        %add3A_914 = arith.addf %mul3A_908, %mul3A_913 : vector<16xf32>
        %get3A_915 = arith.index_cast %scan3A_853 : i32 to index
        %get3A_916 = arith.constant 16 : index
        %get3A_917 = tpu.vector_load %arg23[%get3A_915, %get3A_916] {strides = array<i32>} : memref<32x384xf32, #tpu.memory_space<vmem>>, vector<16xf32>,
        %mul3A_918 = vector.broadcast %squeeze3A_865 : f32 to vector<16xf32>
        %mul3A_919 = arith.mulf %mul3A_918, %get3A_917 : vector<16xf32>
        %add3A_920 = arith.addf %add3A_914, %mul3A_919 : vector<16xf32>
        %get3A_921 = arith.index_cast %scan3A_853 : i32 to index
        %get3A_922 = arith.index_cast %add3A_903 : i32 to index
        %get3A_923 = tpu.vector_load %arg23[%get3A_921, %get3A_922] {strides = array<i32>} : memref<32x384xf32, #tpu.memory_space<vmem>>, vector<16xf32>,
        %mul3A_924 = vector.broadcast %squeeze3A_869 : f32 to vector<16xf32>
        %mul3A_925 = arith.mulf %mul3A_924, %get3A_923 : vector<16xf32>
        %add3A_926 = arith.addf %add3A_920, %mul3A_925 : vector<16xf32>
        %swap3A_927 = arith.index_cast %scan3A_853 : i32 to index
        %swap3A_928 = arith.constant 16 : index
        %swap3A_929 = tpu.vector_load %arg24[%swap3A_927, %swap3A_928] {strides = array<i32>} : memref<32x192xf32, #tpu.memory_space<vmem>>, vector<16xf32>,
        tpu.vector_store %arg24[%swap3A_927, %swap3A_928], %add3A_926 {strides = array<i32>} : memref<32x192xf32, #tpu.memory_space<vmem>>, vector<16xf32>,
        %add3A_930 = arith.constant 32 : i32
        %add3A_931 = arith.addi %squeeze3A_873, %add3A_930 : i32
        %get3A_932 = arith.index_cast %scan3A_853 : i32 to index
        %get3A_933 = arith.constant 32 : index
        %get3A_934 = tpu.vector_load %arg22[%get3A_932, %get3A_933] {strides = array<i32>} : memref<32x384xf32, #tpu.memory_space<vmem>>, vector<16xf32>,
        %mul3A_935 = vector.broadcast %squeeze3A_857 : f32 to vector<16xf32>
        %mul3A_936 = arith.mulf %mul3A_935, %get3A_934 : vector<16xf32>
        %get3A_937 = arith.index_cast %scan3A_853 : i32 to index
        %get3A_938 = arith.index_cast %add3A_931 : i32 to index
        %get3A_939 = tpu.vector_load %arg22[%get3A_937, %get3A_938] {strides = array<i32>} : memref<32x384xf32, #tpu.memory_space<vmem>>, vector<16xf32>,
        %mul3A_940 = vector.broadcast %squeeze3A_861 : f32 to vector<16xf32>
        %mul3A_941 = arith.mulf %mul3A_940, %get3A_939 : vector<16xf32>
        %add3A_942 = arith.addf %mul3A_936, %mul3A_941 : vector<16xf32>
        %get3A_943 = arith.index_cast %scan3A_853 : i32 to index
        %get3A_944 = arith.constant 32 : index
        %get3A_945 = tpu.vector_load %arg23[%get3A_943, %get3A_944] {strides = array<i32>} : memref<32x384xf32, #tpu.memory_space<vmem>>, vector<16xf32>,
        %mul3A_946 = vector.broadcast %squeeze3A_865 : f32 to vector<16xf32>
        %mul3A_947 = arith.mulf %mul3A_946, %get3A_945 : vector<16xf32>
        %add3A_948 = arith.addf %add3A_942, %mul3A_947 : vector<16xf32>
        %get3A_949 = arith.index_cast %scan3A_853 : i32 to index
        %get3A_950 = arith.index_cast %add3A_931 : i32 to index
        %get3A_951 = tpu.vector_load %arg23[%get3A_949, %get3A_950] {strides = array<i32>} : memref<32x384xf32, #tpu.memory_space<vmem>>, vector<16xf32>,
        %mul3A_952 = vector.broadcast %squeeze3A_869 : f32 to vector<16xf32>
        %mul3A_953 = arith.mulf %mul3A_952, %get3A_951 : vector<16xf32>
        %add3A_954 = arith.addf %add3A_948, %mul3A_953 : vector<16xf32>
        %swap3A_955 = arith.index_cast %scan3A_853 : i32 to index
        %swap3A_956 = arith.constant 32 : index
        %swap3A_957 = tpu.vector_load %arg24[%swap3A_955, %swap3A_956] {strides = array<i32>} : memref<32x192xf32, #tpu.memory_space<vmem>>, vector<16xf32>,
        tpu.vector_store %arg24[%swap3A_955, %swap3A_956], %add3A_954 {strides = array<i32>} : memref<32x192xf32, #tpu.memory_space<vmem>>, vector<16xf32>,
        %add3A_958 = arith.constant 48 : i32
        %add3A_959 = arith.addi %squeeze3A_873, %add3A_958 : i32
        %get3A_960 = arith.index_cast %scan3A_853 : i32 to index
        %get3A_961 = arith.constant 48 : index
        %get3A_962 = tpu.vector_load %arg22[%get3A_960, %get3A_961] {strides = array<i32>} : memref<32x384xf32, #tpu.memory_space<vmem>>, vector<16xf32>,
        %mul3A_963 = vector.broadcast %squeeze3A_857 : f32 to vector<16xf32>
        %mul3A_964 = arith.mulf %mul3A_963, %get3A_962 : vector<16xf32>
        %get3A_965 = arith.index_cast %scan3A_853 : i32 to index
        %get3A_966 = arith.index_cast %add3A_959 : i32 to index
        %get3A_967 = tpu.vector_load %arg22[%get3A_965, %get3A_966] {strides = array<i32>} : memref<32x384xf32, #tpu.memory_space<vmem>>, vector<16xf32>,
        %mul3A_968 = vector.broadcast %squeeze3A_861 : f32 to vector<16xf32>
        %mul3A_969 = arith.mulf %mul3A_968, %get3A_967 : vector<16xf32>
        %add3A_970 = arith.addf %mul3A_964, %mul3A_969 : vector<16xf32>
        %get3A_971 = arith.index_cast %scan3A_853 : i32 to index
        %get3A_972 = arith.constant 48 : index
        %get3A_973 = tpu.vector_load %arg23[%get3A_971, %get3A_972] {strides = array<i32>} : memref<32x384xf32, #tpu.memory_space<vmem>>, vector<16xf32>,
        %mul3A_974 = vector.broadcast %squeeze3A_865 : f32 to vector<16xf32>
        %mul3A_975 = arith.mulf %mul3A_974, %get3A_973 : vector<16xf32>
        %add3A_976 = arith.addf %add3A_970, %mul3A_975 : vector<16xf32>
        %get3A_977 = arith.index_cast %scan3A_853 : i32 to index
        %get3A_978 = arith.index_cast %add3A_959 : i32 to index
        %get3A_979 = tpu.vector_load %arg23[%get3A_977, %get3A_978] {strides = array<i32>} : memref<32x384xf32, #tpu.memory_space<vmem>>, vector<16xf32>,
        %mul3A_980 = vector.broadcast %squeeze3A_869 : f32 to vector<16xf32>
        %mul3A_981 = arith.mulf %mul3A_980, %get3A_979 : vector<16xf32>
        %add3A_982 = arith.addf %add3A_976, %mul3A_981 : vector<16xf32>
        %swap3A_983 = arith.index_cast %scan3A_853 : i32 to index
        %swap3A_984 = arith.constant 48 : index
        %swap3A_985 = tpu.vector_load %arg24[%swap3A_983, %swap3A_984] {strides = array<i32>} : memref<32x192xf32, #tpu.memory_space<vmem>>, vector<16xf32>,
        tpu.vector_store %arg24[%swap3A_983, %swap3A_984], %add3A_982 {strides = array<i32>} : memref<32x192xf32, #tpu.memory_space<vmem>>, vector<16xf32>,
        %add3A_986 = arith.constant 64 : i32
        %add3A_987 = arith.addi %squeeze3A_873, %add3A_986 : i32
        %get3A_988 = arith.index_cast %scan3A_853 : i32 to index
        %get3A_989 = arith.constant 64 : index
        %get3A_990 = tpu.vector_load %arg22[%get3A_988, %get3A_989] {strides = array<i32>} : memref<32x384xf32, #tpu.memory_space<vmem>>, vector<16xf32>,
        %mul3A_991 = vector.broadcast %squeeze3A_857 : f32 to vector<16xf32>
        %mul3A_992 = arith.mulf %mul3A_991, %get3A_990 : vector<16xf32>
        %get3A_993 = arith.index_cast %scan3A_853 : i32 to index
        %get3A_994 = arith.index_cast %add3A_987 : i32 to index
        %get3A_995 = tpu.vector_load %arg22[%get3A_993, %get3A_994] {strides = array<i32>} : memref<32x384xf32, #tpu.memory_space<vmem>>, vector<16xf32>,
        %mul3A_996 = vector.broadcast %squeeze3A_861 : f32 to vector<16xf32>
        %mul3A_997 = arith.mulf %mul3A_996, %get3A_995 : vector<16xf32>
        %add3A_998 = arith.addf %mul3A_992, %mul3A_997 : vector<16xf32>
        %get3A_999 = arith.index_cast %scan3A_853 : i32 to index
        %get3A_1000 = arith.constant 64 : index
        %get3A_1001 = tpu.vector_load %arg23[%get3A_999, %get3A_1000] {strides = array<i32>} : memref<32x384xf32, #tpu.memory_space<vmem>>, vector<16xf32>,
        %mul3A_1002 = vector.broadcast %squeeze3A_865 : f32 to vector<16xf32>
        %mul3A_1003 = arith.mulf %mul3A_1002, %get3A_1001 : vector<16xf32>
        %add3A_1004 = arith.addf %add3A_998, %mul3A_1003 : vector<16xf32>
        %get3A_1005 = arith.index_cast %scan3A_853 : i32 to index
        %get3A_1006 = arith.index_cast %add3A_987 : i32 to index
        %get3A_1007 = tpu.vector_load %arg23[%get3A_1005, %get3A_1006] {strides = array<i32>} : memref<32x384xf32, #tpu.memory_space<vmem>>, vector<16xf32>,
        %mul3A_1008 = vector.broadcast %squeeze3A_869 : f32 to vector<16xf32>
        %mul3A_1009 = arith.mulf %mul3A_1008, %get3A_1007 : vector<16xf32>
        %add3A_1010 = arith.addf %add3A_1004, %mul3A_1009 : vector<16xf32>
        %swap3A_1011 = arith.index_cast %scan3A_853 : i32 to index
        %swap3A_1012 = arith.constant 64 : index
        %swap3A_1013 = tpu.vector_load %arg24[%swap3A_1011, %swap3A_1012] {strides = array<i32>} : memref<32x192xf32, #tpu.memory_space<vmem>>, vector<16xf32>,
        tpu.vector_store %arg24[%swap3A_1011, %swap3A_1012], %add3A_1010 {strides = array<i32>} : memref<32x192xf32, #tpu.memory_space<vmem>>, vector<16xf32>,
        %add3A_1014 = arith.constant 80 : i32
        %add3A_1015 = arith.addi %squeeze3A_873, %add3A_1014 : i32
        %get3A_1016 = arith.index_cast %scan3A_853 : i32 to index
        %get3A_1017 = arith.constant 80 : index
        %get3A_1018 = tpu.vector_load %arg22[%get3A_1016, %get3A_1017] {strides = array<i32>} : memref<32x384xf32, #tpu.memory_space<vmem>>, vector<16xf32>,
        %mul3A_1019 = vector.broadcast %squeeze3A_857 : f32 to vector<16xf32>
        %mul3A_1020 = arith.mulf %mul3A_1019, %get3A_1018 : vector<16xf32>
        %get3A_1021 = arith.index_cast %scan3A_853 : i32 to index
        %get3A_1022 = arith.index_cast %add3A_1015 : i32 to index
        %get3A_1023 = tpu.vector_load %arg22[%get3A_1021, %get3A_1022] {strides = array<i32>} : memref<32x384xf32, #tpu.memory_space<vmem>>, vector<16xf32>,
        %mul3A_1024 = vector.broadcast %squeeze3A_861 : f32 to vector<16xf32>
        %mul3A_1025 = arith.mulf %mul3A_1024, %get3A_1023 : vector<16xf32>
        %add3A_1026 = arith.addf %mul3A_1020, %mul3A_1025 : vector<16xf32>
        %get3A_1027 = arith.index_cast %scan3A_853 : i32 to index
        %get3A_1028 = arith.constant 80 : index
        %get3A_1029 = tpu.vector_load %arg23[%get3A_1027, %get3A_1028] {strides = array<i32>} : memref<32x384xf32, #tpu.memory_space<vmem>>, vector<16xf32>,
        %mul3A_1030 = vector.broadcast %squeeze3A_865 : f32 to vector<16xf32>
        %mul3A_1031 = arith.mulf %mul3A_1030, %get3A_1029 : vector<16xf32>
        %add3A_1032 = arith.addf %add3A_1026, %mul3A_1031 : vector<16xf32>
        %get3A_1033 = arith.index_cast %scan3A_853 : i32 to index
        %get3A_1034 = arith.index_cast %add3A_1015 : i32 to index
        %get3A_1035 = tpu.vector_load %arg23[%get3A_1033, %get3A_1034] {strides = array<i32>} : memref<32x384xf32, #tpu.memory_space<vmem>>, vector<16xf32>,
        %mul3A_1036 = vector.broadcast %squeeze3A_869 : f32 to vector<16xf32>
        %mul3A_1037 = arith.mulf %mul3A_1036, %get3A_1035 : vector<16xf32>
        %add3A_1038 = arith.addf %add3A_1032, %mul3A_1037 : vector<16xf32>
        %swap3A_1039 = arith.index_cast %scan3A_853 : i32 to index
        %swap3A_1040 = arith.constant 80 : index
        %swap3A_1041 = tpu.vector_load %arg24[%swap3A_1039, %swap3A_1040] {strides = array<i32>} : memref<32x192xf32, #tpu.memory_space<vmem>>, vector<16xf32>,
        tpu.vector_store %arg24[%swap3A_1039, %swap3A_1040], %add3A_1038 {strides = array<i32>} : memref<32x192xf32, #tpu.memory_space<vmem>>, vector<16xf32>,
        %add3A_1042 = arith.constant 96 : i32
        %add3A_1043 = arith.addi %squeeze3A_873, %add3A_1042 : i32
        %get3A_1044 = arith.index_cast %scan3A_853 : i32 to index
        %get3A_1045 = arith.constant 96 : index
        %get3A_1046 = tpu.vector_load %arg22[%get3A_1044, %get3A_1045] {strides = array<i32>} : memref<32x384xf32, #tpu.memory_space<vmem>>, vector<16xf32>,
        %mul3A_1047 = vector.broadcast %squeeze3A_857 : f32 to vector<16xf32>
        %mul3A_1048 = arith.mulf %mul3A_1047, %get3A_1046 : vector<16xf32>
        %get3A_1049 = arith.index_cast %scan3A_853 : i32 to index
        %get3A_1050 = arith.index_cast %add3A_1043 : i32 to index
        %get3A_1051 = tpu.vector_load %arg22[%get3A_1049, %get3A_1050] {strides = array<i32>} : memref<32x384xf32, #tpu.memory_space<vmem>>, vector<16xf32>,
        %mul3A_1052 = vector.broadcast %squeeze3A_861 : f32 to vector<16xf32>
        %mul3A_1053 = arith.mulf %mul3A_1052, %get3A_1051 : vector<16xf32>
        %add3A_1054 = arith.addf %mul3A_1048, %mul3A_1053 : vector<16xf32>
        %get3A_1055 = arith.index_cast %scan3A_853 : i32 to index
        %get3A_1056 = arith.constant 96 : index
        %get3A_1057 = tpu.vector_load %arg23[%get3A_1055, %get3A_1056] {strides = array<i32>} : memref<32x384xf32, #tpu.memory_space<vmem>>, vector<16xf32>,
        %mul3A_1058 = vector.broadcast %squeeze3A_865 : f32 to vector<16xf32>
        %mul3A_1059 = arith.mulf %mul3A_1058, %get3A_1057 : vector<16xf32>
        %add3A_1060 = arith.addf %add3A_1054, %mul3A_1059 : vector<16xf32>
        %get3A_1061 = arith.index_cast %scan3A_853 : i32 to index
        %get3A_1062 = arith.index_cast %add3A_1043 : i32 to index
        %get3A_1063 = tpu.vector_load %arg23[%get3A_1061, %get3A_1062] {strides = array<i32>} : memref<32x384xf32, #tpu.memory_space<vmem>>, vector<16xf32>,
        %mul3A_1064 = vector.broadcast %squeeze3A_869 : f32 to vector<16xf32>
        %mul3A_1065 = arith.mulf %mul3A_1064, %get3A_1063 : vector<16xf32>
        %add3A_1066 = arith.addf %add3A_1060, %mul3A_1065 : vector<16xf32>
        %swap3A_1067 = arith.index_cast %scan3A_853 : i32 to index
        %swap3A_1068 = arith.constant 96 : index
        %swap3A_1069 = tpu.vector_load %arg24[%swap3A_1067, %swap3A_1068] {strides = array<i32>} : memref<32x192xf32, #tpu.memory_space<vmem>>, vector<16xf32>,
        tpu.vector_store %arg24[%swap3A_1067, %swap3A_1068], %add3A_1066 {strides = array<i32>} : memref<32x192xf32, #tpu.memory_space<vmem>>, vector<16xf32>,
        %add3A_1070 = arith.constant 112 : i32
        %add3A_1071 = arith.addi %squeeze3A_873, %add3A_1070 : i32
        %get3A_1072 = arith.index_cast %scan3A_853 : i32 to index
        %get3A_1073 = arith.constant 112 : index
        %get3A_1074 = tpu.vector_load %arg22[%get3A_1072, %get3A_1073] {strides = array<i32>} : memref<32x384xf32, #tpu.memory_space<vmem>>, vector<16xf32>,
        %mul3A_1075 = vector.broadcast %squeeze3A_857 : f32 to vector<16xf32>
        %mul3A_1076 = arith.mulf %mul3A_1075, %get3A_1074 : vector<16xf32>
        %get3A_1077 = arith.index_cast %scan3A_853 : i32 to index
        %get3A_1078 = arith.index_cast %add3A_1071 : i32 to index
        %get3A_1079 = tpu.vector_load %arg22[%get3A_1077, %get3A_1078] {strides = array<i32>} : memref<32x384xf32, #tpu.memory_space<vmem>>, vector<16xf32>,
        %mul3A_1080 = vector.broadcast %squeeze3A_861 : f32 to vector<16xf32>
        %mul3A_1081 = arith.mulf %mul3A_1080, %get3A_1079 : vector<16xf32>
        %add3A_1082 = arith.addf %mul3A_1076, %mul3A_1081 : vector<16xf32>
        %get3A_1083 = arith.index_cast %scan3A_853 : i32 to index
        %get3A_1084 = arith.constant 112 : index
        %get3A_1085 = tpu.vector_load %arg23[%get3A_1083, %get3A_1084] {strides = array<i32>} : memref<32x384xf32, #tpu.memory_space<vmem>>, vector<16xf32>,
        %mul3A_1086 = vector.broadcast %squeeze3A_865 : f32 to vector<16xf32>
        %mul3A_1087 = arith.mulf %mul3A_1086, %get3A_1085 : vector<16xf32>
        %add3A_1088 = arith.addf %add3A_1082, %mul3A_1087 : vector<16xf32>
        %get3A_1089 = arith.index_cast %scan3A_853 : i32 to index
        %get3A_1090 = arith.index_cast %add3A_1071 : i32 to index
        %get3A_1091 = tpu.vector_load %arg23[%get3A_1089, %get3A_1090] {strides = array<i32>} : memref<32x384xf32, #tpu.memory_space<vmem>>, vector<16xf32>,
        %mul3A_1092 = vector.broadcast %squeeze3A_869 : f32 to vector<16xf32>
        %mul3A_1093 = arith.mulf %mul3A_1092, %get3A_1091 : vector<16xf32>
        %add3A_1094 = arith.addf %add3A_1088, %mul3A_1093 : vector<16xf32>
        %swap3A_1095 = arith.index_cast %scan3A_853 : i32 to index
        %swap3A_1096 = arith.constant 112 : index
        %swap3A_1097 = tpu.vector_load %arg24[%swap3A_1095, %swap3A_1096] {strides = array<i32>} : memref<32x192xf32, #tpu.memory_space<vmem>>, vector<16xf32>,
        tpu.vector_store %arg24[%swap3A_1095, %swap3A_1096], %add3A_1094 {strides = array<i32>} : memref<32x192xf32, #tpu.memory_space<vmem>>, vector<16xf32>,
        %add3A_1098 = arith.constant 128 : i32
        %add3A_1099 = arith.addi %squeeze3A_873, %add3A_1098 : i32
        %get3A_1100 = arith.index_cast %scan3A_853 : i32 to index
        %get3A_1101 = arith.constant 128 : index
        %get3A_1102 = tpu.vector_load %arg22[%get3A_1100, %get3A_1101] {strides = array<i32>} : memref<32x384xf32, #tpu.memory_space<vmem>>, vector<16xf32>,
        %mul3A_1103 = vector.broadcast %squeeze3A_857 : f32 to vector<16xf32>
        %mul3A_1104 = arith.mulf %mul3A_1103, %get3A_1102 : vector<16xf32>
        %get3A_1105 = arith.index_cast %scan3A_853 : i32 to index
        %get3A_1106 = arith.index_cast %add3A_1099 : i32 to index
        %get3A_1107 = tpu.vector_load %arg22[%get3A_1105, %get3A_1106] {strides = array<i32>} : memref<32x384xf32, #tpu.memory_space<vmem>>, vector<16xf32>,
        %mul3A_1108 = vector.broadcast %squeeze3A_861 : f32 to vector<16xf32>
        %mul3A_1109 = arith.mulf %mul3A_1108, %get3A_1107 : vector<16xf32>
        %add3A_1110 = arith.addf %mul3A_1104, %mul3A_1109 : vector<16xf32>
        %get3A_1111 = arith.index_cast %scan3A_853 : i32 to index
        %get3A_1112 = arith.constant 128 : index
        %get3A_1113 = tpu.vector_load %arg23[%get3A_1111, %get3A_1112] {strides = array<i32>} : memref<32x384xf32, #tpu.memory_space<vmem>>, vector<16xf32>,
        %mul3A_1114 = vector.broadcast %squeeze3A_865 : f32 to vector<16xf32>
        %mul3A_1115 = arith.mulf %mul3A_1114, %get3A_1113 : vector<16xf32>
        %add3A_1116 = arith.addf %add3A_1110, %mul3A_1115 : vector<16xf32>
        %get3A_1117 = arith.index_cast %scan3A_853 : i32 to index
        %get3A_1118 = arith.index_cast %add3A_1099 : i32 to index
        %get3A_1119 = tpu.vector_load %arg23[%get3A_1117, %get3A_1118] {strides = array<i32>} : memref<32x384xf32, #tpu.memory_space<vmem>>, vector<16xf32>,
        %mul3A_1120 = vector.broadcast %squeeze3A_869 : f32 to vector<16xf32>
        %mul3A_1121 = arith.mulf %mul3A_1120, %get3A_1119 : vector<16xf32>
        %add3A_1122 = arith.addf %add3A_1116, %mul3A_1121 : vector<16xf32>
        %swap3A_1123 = arith.index_cast %scan3A_853 : i32 to index
        %swap3A_1124 = arith.constant 128 : index
        %swap3A_1125 = tpu.vector_load %arg24[%swap3A_1123, %swap3A_1124] {strides = array<i32>} : memref<32x192xf32, #tpu.memory_space<vmem>>, vector<16xf32>,
        tpu.vector_store %arg24[%swap3A_1123, %swap3A_1124], %add3A_1122 {strides = array<i32>} : memref<32x192xf32, #tpu.memory_space<vmem>>, vector<16xf32>,
        %add3A_1126 = arith.constant 144 : i32
        %add3A_1127 = arith.addi %squeeze3A_873, %add3A_1126 : i32
        %get3A_1128 = arith.index_cast %scan3A_853 : i32 to index
        %get3A_1129 = arith.constant 144 : index
        %get3A_1130 = tpu.vector_load %arg22[%get3A_1128, %get3A_1129] {strides = array<i32>} : memref<32x384xf32, #tpu.memory_space<vmem>>, vector<16xf32>,
        %mul3A_1131 = vector.broadcast %squeeze3A_857 : f32 to vector<16xf32>
        %mul3A_1132 = arith.mulf %mul3A_1131, %get3A_1130 : vector<16xf32>
        %get3A_1133 = arith.index_cast %scan3A_853 : i32 to index
        %get3A_1134 = arith.index_cast %add3A_1127 : i32 to index
        %get3A_1135 = tpu.vector_load %arg22[%get3A_1133, %get3A_1134] {strides = array<i32>} : memref<32x384xf32, #tpu.memory_space<vmem>>, vector<16xf32>,
        %mul3A_1136 = vector.broadcast %squeeze3A_861 : f32 to vector<16xf32>
        %mul3A_1137 = arith.mulf %mul3A_1136, %get3A_1135 : vector<16xf32>
        %add3A_1138 = arith.addf %mul3A_1132, %mul3A_1137 : vector<16xf32>
        %get3A_1139 = arith.index_cast %scan3A_853 : i32 to index
        %get3A_1140 = arith.constant 144 : index
        %get3A_1141 = tpu.vector_load %arg23[%get3A_1139, %get3A_1140] {strides = array<i32>} : memref<32x384xf32, #tpu.memory_space<vmem>>, vector<16xf32>,
        %mul3A_1142 = vector.broadcast %squeeze3A_865 : f32 to vector<16xf32>
        %mul3A_1143 = arith.mulf %mul3A_1142, %get3A_1141 : vector<16xf32>
        %add3A_1144 = arith.addf %add3A_1138, %mul3A_1143 : vector<16xf32>
        %get3A_1145 = arith.index_cast %scan3A_853 : i32 to index
        %get3A_1146 = arith.index_cast %add3A_1127 : i32 to index
        %get3A_1147 = tpu.vector_load %arg23[%get3A_1145, %get3A_1146] {strides = array<i32>} : memref<32x384xf32, #tpu.memory_space<vmem>>, vector<16xf32>,
        %mul3A_1148 = vector.broadcast %squeeze3A_869 : f32 to vector<16xf32>
        %mul3A_1149 = arith.mulf %mul3A_1148, %get3A_1147 : vector<16xf32>
        %add3A_1150 = arith.addf %add3A_1144, %mul3A_1149 : vector<16xf32>
        %swap3A_1151 = arith.index_cast %scan3A_853 : i32 to index
        %swap3A_1152 = arith.constant 144 : index
        %swap3A_1153 = tpu.vector_load %arg24[%swap3A_1151, %swap3A_1152] {strides = array<i32>} : memref<32x192xf32, #tpu.memory_space<vmem>>, vector<16xf32>,
        tpu.vector_store %arg24[%swap3A_1151, %swap3A_1152], %add3A_1150 {strides = array<i32>} : memref<32x192xf32, #tpu.memory_space<vmem>>, vector<16xf32>,
        %add3A_1154 = arith.constant 160 : i32
        %add3A_1155 = arith.addi %squeeze3A_873, %add3A_1154 : i32
        %get3A_1156 = arith.index_cast %scan3A_853 : i32 to index
        %get3A_1157 = arith.constant 160 : index
        %get3A_1158 = tpu.vector_load %arg22[%get3A_1156, %get3A_1157] {strides = array<i32>} : memref<32x384xf32, #tpu.memory_space<vmem>>, vector<16xf32>,
        %mul3A_1159 = vector.broadcast %squeeze3A_857 : f32 to vector<16xf32>
        %mul3A_1160 = arith.mulf %mul3A_1159, %get3A_1158 : vector<16xf32>
        %get3A_1161 = arith.index_cast %scan3A_853 : i32 to index
        %get3A_1162 = arith.index_cast %add3A_1155 : i32 to index
        %get3A_1163 = tpu.vector_load %arg22[%get3A_1161, %get3A_1162] {strides = array<i32>} : memref<32x384xf32, #tpu.memory_space<vmem>>, vector<16xf32>,
        %mul3A_1164 = vector.broadcast %squeeze3A_861 : f32 to vector<16xf32>
        %mul3A_1165 = arith.mulf %mul3A_1164, %get3A_1163 : vector<16xf32>
        %add3A_1166 = arith.addf %mul3A_1160, %mul3A_1165 : vector<16xf32>
        %get3A_1167 = arith.index_cast %scan3A_853 : i32 to index
        %get3A_1168 = arith.constant 160 : index
        %get3A_1169 = tpu.vector_load %arg23[%get3A_1167, %get3A_1168] {strides = array<i32>} : memref<32x384xf32, #tpu.memory_space<vmem>>, vector<16xf32>,
        %mul3A_1170 = vector.broadcast %squeeze3A_865 : f32 to vector<16xf32>
        %mul3A_1171 = arith.mulf %mul3A_1170, %get3A_1169 : vector<16xf32>
        %add3A_1172 = arith.addf %add3A_1166, %mul3A_1171 : vector<16xf32>
        %get3A_1173 = arith.index_cast %scan3A_853 : i32 to index
        %get3A_1174 = arith.index_cast %add3A_1155 : i32 to index
        %get3A_1175 = tpu.vector_load %arg23[%get3A_1173, %get3A_1174] {strides = array<i32>} : memref<32x384xf32, #tpu.memory_space<vmem>>, vector<16xf32>,
        %mul3A_1176 = vector.broadcast %squeeze3A_869 : f32 to vector<16xf32>
        %mul3A_1177 = arith.mulf %mul3A_1176, %get3A_1175 : vector<16xf32>
        %add3A_1178 = arith.addf %add3A_1172, %mul3A_1177 : vector<16xf32>
        %swap3A_1179 = arith.index_cast %scan3A_853 : i32 to index
        %swap3A_1180 = arith.constant 160 : index
        %swap3A_1181 = tpu.vector_load %arg24[%swap3A_1179, %swap3A_1180] {strides = array<i32>} : memref<32x192xf32, #tpu.memory_space<vmem>>, vector<16xf32>,
        tpu.vector_store %arg24[%swap3A_1179, %swap3A_1180], %add3A_1178 {strides = array<i32>} : memref<32x192xf32, #tpu.memory_space<vmem>>, vector<16xf32>,
        %add3A_1182 = arith.constant 176 : i32
        %add3A_1183 = arith.addi %squeeze3A_873, %add3A_1182 : i32
        %get3A_1184 = arith.index_cast %scan3A_853 : i32 to index
        %get3A_1185 = arith.constant 176 : index
        %get3A_1186 = tpu.vector_load %arg22[%get3A_1184, %get3A_1185] {strides = array<i32>} : memref<32x384xf32, #tpu.memory_space<vmem>>, vector<16xf32>,
        %mul3A_1187 = vector.broadcast %squeeze3A_857 : f32 to vector<16xf32>
        %mul3A_1188 = arith.mulf %mul3A_1187, %get3A_1186 : vector<16xf32>
        %get3A_1189 = arith.index_cast %scan3A_853 : i32 to index
        %get3A_1190 = arith.index_cast %add3A_1183 : i32 to index
        %get3A_1191 = tpu.vector_load %arg22[%get3A_1189, %get3A_1190] {strides = array<i32>} : memref<32x384xf32, #tpu.memory_space<vmem>>, vector<16xf32>,
        %mul3A_1192 = vector.broadcast %squeeze3A_861 : f32 to vector<16xf32>
        %mul3A_1193 = arith.mulf %mul3A_1192, %get3A_1191 : vector<16xf32>
        %add3A_1194 = arith.addf %mul3A_1188, %mul3A_1193 : vector<16xf32>
        %get3A_1195 = arith.index_cast %scan3A_853 : i32 to index
        %get3A_1196 = arith.constant 176 : index
        %get3A_1197 = tpu.vector_load %arg23[%get3A_1195, %get3A_1196] {strides = array<i32>} : memref<32x384xf32, #tpu.memory_space<vmem>>, vector<16xf32>,
        %mul3A_1198 = vector.broadcast %squeeze3A_865 : f32 to vector<16xf32>
        %mul3A_1199 = arith.mulf %mul3A_1198, %get3A_1197 : vector<16xf32>
        %add3A_1200 = arith.addf %add3A_1194, %mul3A_1199 : vector<16xf32>
        %get3A_1201 = arith.index_cast %scan3A_853 : i32 to index
        %get3A_1202 = arith.index_cast %add3A_1183 : i32 to index
        %get3A_1203 = tpu.vector_load %arg23[%get3A_1201, %get3A_1202] {strides = array<i32>} : memref<32x384xf32, #tpu.memory_space<vmem>>, vector<16xf32>,
        %mul3A_1204 = vector.broadcast %squeeze3A_869 : f32 to vector<16xf32>
        %mul3A_1205 = arith.mulf %mul3A_1204, %get3A_1203 : vector<16xf32>
        %add3A_1206 = arith.addf %add3A_1200, %mul3A_1205 : vector<16xf32>
        %swap3A_1207 = arith.index_cast %scan3A_853 : i32 to index
        %swap3A_1208 = arith.constant 176 : index
        %swap3A_1209 = tpu.vector_load %arg24[%swap3A_1207, %swap3A_1208] {strides = array<i32>} : memref<32x192xf32, #tpu.memory_space<vmem>>, vector<16xf32>,
        tpu.vector_store %arg24[%swap3A_1207, %swap3A_1208], %add3A_1206 {strides = array<i32>} : memref<32x192xf32, #tpu.memory_space<vmem>>, vector<16xf32>,
      }
      %scan3A_805 = arith.constant 32 : i32
      %jit3A_806 = arith.constant 7 : i32
      %div3A_807 = arith.divsi %add3A_799, %jit3A_806 : i32
      %sign3A_808 = arith.constant 0 : i32
      %sign3A_809 = arith.cmpi sgt, %add3A_799, %sign3A_808 : i32
      %sign3A_810 = arith.extui %sign3A_809 : i1 to i32
      %sign3A_811 = arith.constant 0 : i32
      %sign3A_812 = arith.cmpi slt, %add3A_799, %sign3A_811 : i32
      %sign3A_813 = arith.extui %sign3A_812 : i1 to i32
      %sign3A_814 = arith.subi %sign3A_810, %sign3A_813 : i32
      %sign3A_815 = arith.constant 0 : i32
      %sign3A_816 = arith.cmpi sgt, %jit3A_806, %sign3A_815 : i32
      %sign3A_817 = arith.extui %sign3A_816 : i1 to i32
      %sign3A_818 = arith.constant 0 : i32
      %sign3A_819 = arith.cmpi slt, %jit3A_806, %sign3A_818 : i32
      %sign3A_820 = arith.extui %sign3A_819 : i1 to i32
      %sign3A_821 = arith.subi %sign3A_817, %sign3A_820 : i32
      %ne3A_822 = arith.cmpi ne, %sign3A_814, %sign3A_821 : i32
      %rem3A_823 = arith.remsi %add3A_799, %jit3A_806 : i32
      %ne3A_824 = arith.constant 0 : i32
      %ne3A_825 = arith.cmpi ne, %rem3A_823, %ne3A_824 : i32
      %and3A_826 = arith.andi %ne3A_822, %ne3A_825 : i1
      %sub3A_827 = arith.constant 1 : i32
      %sub3A_828 = arith.subi %div3A_807, %sub3A_827 : i32
      %select_n3A_829 = arith.select %and3A_826, %sub3A_828, %div3A_807 : i32
      %add3A_830 = arith.addi %mul3A_32, %select_n3A_829 : i32
      %jit3A_831 = arith.constant 7 : i32
      %eq3A_832 = arith.constant 0 : i32
      %eq3A_833 = arith.cmpi eq, %jit3A_831, %eq3A_832 : i32
      %jit3A_834 = arith.constant 1 : i32
      %select_n3A_835 = arith.select %eq3A_833, %jit3A_834, %jit3A_831 : i32
      %rem3A_836 = arith.remsi %add3A_799, %select_n3A_835 : i32
      %ne3A_837 = arith.constant 0 : i32
      %ne3A_838 = arith.cmpi ne, %rem3A_836, %ne3A_837 : i32
      %lt3A_839 = arith.constant 0 : i32
      %lt3A_840 = arith.cmpi slt, %rem3A_836, %lt3A_839 : i32
      %lt3A_841 = arith.constant 0 : i32
      %lt3A_842 = arith.cmpi slt, %select_n3A_835, %lt3A_841 : i32
      %ne3A_843 = arith.xori %lt3A_840, %lt3A_842 : i1
      %and3A_844 = arith.andi %ne3A_843, %ne3A_838 : i1
      %add3A_845 = arith.addi %rem3A_836, %select_n3A_835 : i32
      %select_n3A_846 = arith.select %and3A_844, %add3A_845, %rem3A_836 : i32
      %mul3A_847 = arith.constant 32 : i32
      %mul3A_848 = arith.muli %select_n3A_846, %mul3A_847 : i32
      %mul3A_849 = arith.constant 224 : i32
      %mul3A_850 = arith.muli %add3A_830, %mul3A_849 : i32
      %add3A_851 = arith.addi %mul3A_34, %mul3A_850 : i32
      %add3A_852 = arith.addi %add3A_851, %mul3A_848 : i32
      "tpu.region"() ({
        %run_scoped3A = tpu.sem_alloc : memref<!tpu.dma_semaphore, #tpu.memory_space<semaphore_mem>>
        %dma_start3A_853 = arith.constant 0 : i32
        %dma_start3A_854 = tpu.memref_slice %arg4[%add3A_852, %dma_start3A_853] : memref<401408x192xf32, #tpu.memory_space<hbm>> -> memref<32x192xf32, #tpu.memory_space<hbm>>
        %dma_start3A_855 = arith.constant 0 : i32
        %dma_start3A_856 = tpu.memref_slice %arg4[%add3A_852, %dma_start3A_855] : memref<401408x192xf32, #tpu.memory_space<hbm>> -> memref<32x192xf32, #tpu.memory_space<hbm>>
        tpu.enqueue_dma source(%arg24 : memref<32x192xf32, #tpu.memory_space<vmem>>) target(%dma_start3A_856 : memref<32x192xf32, #tpu.memory_space<hbm>>) target_semaphore(%run_scoped3A : memref<!tpu.dma_semaphore, #tpu.memory_space<semaphore_mem>>)
        %dma_wait3A_857 = arith.constant 0 : i32
        %dma_wait3A_858 = tpu.memref_slice %arg4[%add3A_852, %dma_wait3A_857] : memref<401408x192xf32, #tpu.memory_space<hbm>> -> memref<32x192xf32, #tpu.memory_space<hbm>>
        %dma_wait3A_859 = arith.constant 0 : i32
        %dma_wait3A_860 = tpu.memref_slice %arg4[%add3A_852, %dma_wait3A_859] : memref<401408x192xf32, #tpu.memory_space<hbm>> -> memref<32x192xf32, #tpu.memory_space<hbm>>
        tpu.wait_dma2 semaphore(%run_scoped3A : memref<!tpu.dma_semaphore, #tpu.memory_space<semaphore_mem>>) src(%arg24 : memref<32x192xf32, #tpu.memory_space<vmem>>) dst(%dma_wait3A_860 : memref<32x192xf32, #tpu.memory_space<hbm>>)
        tpu.yield
      }) : () -> ()
    }
    %scan3A_365 = arith.constant 196 : i32
    return
  }
}

</mosaic_0001>

<sc_bundles>
// kernel: kernel.3.cloned.1.call-start
scs
__scs_entry_jumppad:
0x0: {  	(pc) =	sbr.rel $0x88, $3  }
0x1: {  	(tag) =	ssettag $0x0;
	lr =	simm.s32 $0x1  }
0x2: {  	[smem:$0x3F9F] =	sst lr;
	_ =	strace $0xD0000000  }
0x3: {  	_ = 	snop  }
0x4: {  	_ = 	snop  }
0x5: {  	_ = 	snop  }
0x6: {  	_ = 	snop  }
0x7: {  	_ = 	snop  }
__scs_overlays_trampoline_lowered:
0x8: {  	[smem:$0x3FAE] =	sst s0  }
0x9: {  	[smem:$0x3FAF] =	sst s1  }
0xa: {  	[smem:$0x3FB0] =	sst s2  }
0xb: {  	[smem:$0x3FB1] =	sst s3  }
0xc: {  	[smem:$0x3FB2] =	sst s4  }
0xd: {  	[smem:$0x3FB3] =	sst s5  }
0xe: {  	[smem:$0x3FB4] =	sst s6  }
0xf: {  	[smem:$0x3FB5] =	sst s7  }
0x10: {  	[smem:$0x3FB6] =	sst s8  }
0x11: {  	[smem:$0x3FB7] =	sst s9;
	s0 =	simm.s32 @!p0 $0x0  }
0x12: {  	s1 =	sld [smem:$0x3F9D];
	s0 =	simm.s32 @p0 $0x1  }
0x13: {  	[smem:$0x3FB8] =	sst s0;
	s0 =	simm.s32 @!p1 $0x0  }
0x14: {  	s2 =	sld [smem:$0x3F9C];
	s0 =	simm.s32 @p1 $0x1  }
0x15: {  	[smem:$0x3FB9] =	sst s0;
	s0 =	simm.s32 @!p2 $0x0  }
0x16: {  	s3 =	sld [smem:$0x3FDB];
	s0 =	simm.s32 @p2 $0x1  }
0x17: {  	s4 =	simm.s32 $0x1BF5;
	[smem:$0x3FBB] =	sst s0  }
0x18: {  	s0 =	sld [smem:$0x3F9E];
	_ =	swait.ge [sflag:s4], $0x0  }
0x19: {  	s7 =	sld [smem:$0x3F9F]  }
0x1a: {  	s8 =	sadd.s32 $0xFFFFE003, lr  }
0x1b: {  	s9 =	sadd.s32 $0xFFFFFEF7, lr;
	s5 =	simm.s32 $0xFFFFFFFF;
	p2 =	slt.u32 s8, $0xFFFFF086  }
0x1c: {  	p1 =	slt.u32 s9, $0xF7A;
	s5 =	simm.s32 @!p2 $0x0  }
0x1d: {  	s5 =	simm.s32 @p1 $0x1;
	p0 =	seq.s32 s7, s2  }
0x1e: {  	s7 =	smul.u32 @!p0 $0xF7A, s2;
	p2 =	seq.s32 @!p0 s5, $0x0  }
0x1f: {  	s9 =	smul.u32 $0xF7A, s1;
	s8 =	simm.s32 @!p0 $0x1BF5;
	p2 =	por !p2, p0  }
0x20: {  	[sflag:s8] =	ssyncset.s32 @!p0 $0xFFFFF086;
	s6 =	sadd.s32 @!p0 s3, s7;
	s7 =	simm.s32 @!p0 $0x108  }
0x21: {  	s3 =	sadd.s32 s3, s9;
	s6 =	sadd.s32 @!p0 $0x88, s6;
	s7 =	simm.s32 @p2 $0x1082  }
0x22: {  	[simem:s7], [sflag:s8] =	dma.local @!p0 [hbm:s6], $0xF7A  }
0x23: {  	s9 =	sor.u32 $0xD0000000, s2;
	s6 =	simm.s32 $0x108;
	_ =	swait.ge @!p0 [sflag:s8], $0x0  }
0x24: {  	s3 =	sadd.s32 $0x88, s3;
	s6 =	simm.s32 @!p1 $0x1082;
	[sflag:s4] =	ssyncset.s32 $0xFFFFF086  }
0x25: {  	[simem:s6], [sflag:s4] =	dma.local [hbm:s3], $0xF7A  }
0x26: {  	[smem:$0x3F9F] =	sst s1;
	(tag) =	ssettag s2;
	_ =	strace s9  }
0x27: {  	s1 =	sld [smem:$0x3FAF]  }
0x28: {  	s2 =	sld [smem:$0x3FB0]  }
0x29: {  	s4 =	sld [smem:$0x3FB2]  }
0x2a: {  	p0 =	seq.s32 s5, $0x0;
	s5 =	sld [smem:$0x3FB3]  }
0x2b: {  	s6 =	sld [smem:$0x3FB4]  }
0x2c: {  	s7 =	sld [smem:$0x3FB5]  }
0x2d: {  	s3 =	simm.s32 $0x108;
	s8 =	sld [smem:$0x3FB6]  }
0x2e: {  	s3 =	simm.s32 @!p0 $0x1082;
	s9 =	sld [smem:$0x3FB7]  }
0x2f: {  	lr =	sadd.s32 s0, s3;
	s0 =	sld [smem:$0x3FAE]  }
0x30: {  	s3 =	sld [smem:$0x3FB1]  }
0x31: {  	[smem:$0x3FBA] =	sst s10  }
0x32: {  	s10 =	sld [smem:$0x3FB8];
	_ =	sdelay $0x3  }
0x33: {  	p0 =	seq.s32 s10, $0x1;
	s10 =	sld [smem:$0x3FBA];
	_ =	sdelay $0x3  }
0x34: {  	[smem:$0x3FBA] =	sst s10  }
0x35: {  	s10 =	sld [smem:$0x3FB9];
	_ =	sdelay $0x3  }
0x36: {  	p1 =	seq.s32 s10, $0x1;
	s10 =	sld [smem:$0x3FBA];
	_ =	sdelay $0x3  }
0x37: {  	[smem:$0x3FBA] =	sst s10  }
0x38: {  	s10 =	sld [smem:$0x3FBB]  }
0x39: {  	_ = 	snop;
	(pc) =	sbr.ind lr, $3  }
0x3a: {  	_ = 	snop  }
0x3b: {  	_ = 	snop  }
0x3c: {  	p2 =	seq.s32 s10, $0x1;
	s10 =	sld [smem:$0x3FBA]  }
0x3d: {  	_ =	shalt  }
0x3e: {  	_ =	shalt  }
0x3f: {  	_ =	shalt  }
0x40: {  	_ =	shalt  }
0x41: {  	_ =	shalt  }
0x42: {  	_ =	shalt  }
0x43: {  	_ =	shalt  }
0x44: {  	_ =	shalt  }
0x45: {  	_ =	shalt  }
0x46: {  	_ =	shalt  }
0x47: {  	_ =	shalt  }
0x48: {  	_ =	shalt  }
0x49: {  	_ =	shalt  }
0x4a: {  	_ =	shalt  }
0x4b: {  	_ =	shalt  }
0x4c: {  	_ =	shalt  }
0x4d: {  	_ =	shalt  }
0x4e: {  	_ =	shalt  }
0x4f: {  	_ =	shalt  }
0x50: {  	_ =	shalt  }
0x51: {  	_ =	shalt  }
0x52: {  	_ =	shalt  }
0x53: {  	_ =	shalt  }
0x54: {  	_ =	shalt  }
0x55: {  	_ =	shalt  }
0x56: {  	_ =	shalt  }
0x57: {  	_ =	shalt  }
0x58: {  	_ =	shalt  }
0x59: {  	_ =	shalt  }
0x5a: {  	_ =	shalt  }
0x5b: {  	_ =	shalt  }
0x5c: {  	_ =	shalt  }
0x5d: {  	_ =	shalt  }
0x5e: {  	_ =	shalt  }
0x5f: {  	_ =	shalt  }
0x60: {  	_ =	shalt  }
0x61: {  	_ =	shalt  }
0x62: {  	_ =	shalt  }
0x63: {  	_ =	shalt  }
0x64: {  	_ =	shalt  }
0x65: {  	_ =	shalt  }
0x66: {  	_ =	shalt  }
0x67: {  	_ =	shalt  }
0x68: {  	_ =	shalt  }
0x69: {  	_ =	shalt  }
0x6a: {  	_ =	shalt  }
0x6b: {  	_ =	shalt  }
0x6c: {  	_ =	shalt  }
0x6d: {  	_ =	shalt  }
0x6e: {  	_ =	shalt  }
0x6f: {  	_ =	shalt  }
0x70: {  	_ =	shalt  }
0x71: {  	_ =	shalt  }
0x72: {  	_ =	shalt  }
0x73: {  	_ =	shalt  }
0x74: {  	_ =	shalt  }
0x75: {  	_ =	shalt  }
0x76: {  	_ =	shalt  }
0x77: {  	_ =	shalt  }
0x78: {  	_ =	shalt  }
0x79: {  	_ =	shalt  }
0x7a: {  	_ =	shalt  }
0x7b: {  	_ =	shalt  }
0x7c: {  	_ =	shalt  }
0x7d: {  	_ =	shalt  }
0x7e: {  	_ =	shalt  }
0x7f: {  	_ =	shalt  }
0x80: {  	_ =	shalt  }
0x81: {  	_ =	shalt  }
0x82: {  	_ =	shalt  }
0x83: {  	_ =	shalt  }
0x84: {  	_ =	shalt  }
0x85: {  	_ =	shalt  }
0x86: {  	_ =	shalt  }
0x87: {  	_ =	shalt  }
.Lfunc_end0:
.L_simem_size_0:
called_computation.2_lowered:
.L_overlay_start_0:
0x88: {  	s2 =	sld [smem:$0x3FD9]  }
0x89: {  	s3 =	sld [smem:$0x3FFE];
	_ =	sdelay $0x1  }
0x8a: {  	s1 =	srdreg.scid  }
0x8b: {  	s0 =	sand.u32 $0x1, s1  }
0x8c: {  	s17 =	sshll.u32 s0, $0xA;
	s2 =	sadd.s32 s3, s2  }
0x8d: {  	s2 =	sadd.s32 s2, s17  }
0x8e: {  	[smem:$0x3FC6] =	sst s2  }
0x8f: {  	_ = 	snop  }
0x90: {  	s2 =	sld [smem:$0x3FD0];
	(tm) =	ssettm $0x1  }
0x91: {  	s18 =	sld [smem:$0x3FFB];
	_ =	sdelay $0x3  }
0x92: {  	_ =	strace s18  }
0x93: {  	s3 =	sld [smem:$0x3FFC];
	_ =	sdelay $0x3  }
0x94: {  	_ =	strace s3  }
0x95: {  	s3 =	sld [smem:$0x3FFD];
	_ =	sdelay $0x3  }
0x96: {  	_ =	strace s3  }
0x97: {  	_ =	strace $0x8FFFFFFF  }
0x98: {  	s19 =	sld [smem:$0x3FDB];
	_ =	sdelay $0x1  }
0x99: {  	s4 =	simm.s32 $_scs_section_size  }
0x9a: {  	s5 =	simm.s32 $_size__tile_overlayer_lowered;
	s6 =	simm.s32 $_tile_overlayer_lowered  }
0x9b: {  	s22 =	simm.s32 $0x1BFF;
	s21 =	sshll.u32 s6, $0x1;
	s3 =	sadd.s32 s4, s19  }
0x9c: {  	s7 =	simm.s32 $0x0;
	s20 =	sshll.u32 s5, $0x1;
	s5 =	sadd.s32 s21, s3  }
0x9d: {  	[timem:s7], [sflag:s22] =	dma.local [hbm:s5], s20  }
0x9e: {  	_ =	swait.ge [sflag:s22], s20  }
0x9f: {  	s4 =	ssub.s32 $0x0, s20;
	[sflag:s22] =	ssyncset.done $0x0  }
0xa0: {  	[sflag:s22] =	ssyncadd.s32 s4;
	_ =	sdelay $0x1  }
0xa1: {  	s23 =	simm.s32 $0x1B8B  }
0xa2: {  	_ =	swait.ge [sflag:s23], $0x1  }
0xa3: {  	[sflag:s23] =	ssyncset.done $0x0  }
0xa4: {  	s25 =	simm.s32 $0x1B8E;
	s24 =	sld [smem:$0x3FFE];
	[sflag:s23] =	ssyncadd.s32 $0xFFFFFFFF  }
0xa5: {  	s26 =	simm.s32 $execute0_lowered;
	[smem:$0x3FD2] =	sst s25  }
0xa6: {  	s5 =	sshll.u32 s26, $0x1;
	_ =	strace $0x80000049;
	[dreg:$0x1] =	wrdreg $0xFFFFFFFF  }
0xa7: {  	s28 =	simm.s32 $_size_execute0_lowered;
	s3 =	sadd.s32 s3, s5;
	[dreg:$0x0] =	wrdreg $0x0  }
0xa8: {  	s5 =	sshll.u32 s28, $0x1;
	[dreg:$0x2] =	wrdreg s3  }
0xa9: {  	[dreg:$0x3] =	wrdreg s5  }
0xaa: {  	[dreg:$0x4] =	wrdreg $0xC0  }
0xab: {  	_ =	task [dreg:s7], $0x5FFFF  }
0xac: {  	[dreg:$0x1] =	wrdreg $0xFFFFFFFF  }
0xad: {  	[dreg:$0x0] =	wrdreg $0x60  }
0xae: {  	[dreg:$0x2] =	wrdreg s24  }
0xaf: {  	[dreg:$0x3] =	wrdreg s2  }
0xb0: {  	[dreg:$0x4] =	wrdreg $0x9  }
0xb1: {  	_ =	task.clear_ibuf [dreg:s7], $0x5FFFF;
	_ =	strace $0x90000049  }
0xb2: {  	s29 =	simm.s32 $0x9;
	_ =	strace $0x8000004B  }
0xb3: {  	_ =	swait.ge [sflag:s29], $0x1  }
0xb4: {  	[sflag:s29] =	ssyncadd.s32 $0xFFFFFFFF  }
0xb5: {  	_ =	strace $0x9000004B  }
0xb6: {  	_ =	sfence  }
0xb7: {  	s30 =	sld [smem:$0x0];
	_ =	sdelay $0x2  }
0xb8: {  	s31 =	sshll.u32 s1, $0xD;
	s1 =	sshrl.u32 s1, $0x2  }
0xb9: {  	s3 =	sand.u32 $0x4000, s31;
	s1 =	sadd.s32 s1, s30  }
0xba: {  	s0 =	sor.u32 s3, s0;
	s1 =	sshll.u32 s1, $0x11  }
0xbb: {  	s0 =	sor.u32 s1, s0  }
0xbc: {  	s0 =	sadd.s32 $0x8F2B, s0  }
0xbd: {  	[sflag:s0] =	ssyncadd.remote.s32 $0x1  }
0xbe: {  	_ =	sfence.sel $0xFFFF  }
0xbf: {  	[dreg:$0x0] =	wrdreg $0xFFFFFFFF;
	(pc) =	sbr.abs _section_cstart, $3  }
0xc0: {  	[dreg:$0x1] =	wrdreg $0xFFFFFFFF  }
0xc1: {  	_ =	task.clear_ibuf [dreg:s7], $0x2FFFF;
	_ =	strace $0x9FFFFFFF  }
0xc2: {  	(tm) =	ssettm $0x7FFFFFFF  }
0xc3: {  	_ =	shalt  }
tec
execute0_lowered:
.L_overlay_start_1:
0x0: {  	(tag) =	ssettag $0x1  }
0x1: {  	v2 =	vimm.f32 $-8.671875000e-01;
	vm0 =	vcmask $0x300;
	vm1 =	vcmask $0x704  }
0x2: {  	s3 =	stileid.u32;
	vm2 =	vcmask $0xB08;
	v3 =	vimm.f32 $-7.226562500e-01;
	vm3 =	vcmask $0xF0C  }
0x3: {  	s0 =	srdreg.scid;
	v4 =	vimm.s32 $0x0;
	s1 =	sshll.u32 s3, $0x1;
	v2 =	vsel vm0, $0xBF800000, v2;
	v3 =	vsel vm0, $0xBF5B0000, v3  }
0x4: {  	s0 =	sand.u32 $0x1, s0;
	vm0 =	vcmask $0x1310;
	s1 =	sand.u32 $0x2, s1;
	v2 =	vsel vm1, $0xBF7E0000, v2;
	v3 =	vsel vm1, $0xBF590000, v3  }
0x5: {  	vm1 =	vcmask $0x1714;
	s1 =	sor.u32 s0, s1;
	v2 =	vsel vm2, $0xBF7B0000, v2;
	v3 =	vsel vm2, $0xBF570000, v3  }
0x6: {  	vm2 =	vcmask $0x1B18;
	s1 =	smul.u32 $0x38, s1;
	v2 =	vsel vm3, $0xBF790000, v2;
	v3 =	vsel vm3, $0xBF540000, v3  }
0x7: {  	vm3 =	vcmask $0x1F1C;
	v2 =	vsel vm0, $0xBF770000, v2;
	v3 =	vsel vm0, $0xBF520000, v3  }
0x8: {  	vm0 =	vcmask $0x2320;
	s2 =	scvt.s32.f32 s1;
	v2 =	vsel vm1, $0xBF750000, v2;
	v3 =	vsel vm1, $0xBF500000, v3  }
0x9: {  	vm1 =	vcmask $0x2724;
	v2 =	vsel vm2, $0xBF720000, v2;
	v3 =	vsel vm2, $0xBF4D0000, v3  }
0xa: {  	vm2 =	vcmask $0x2B28;
	s2 =	smul.f32 $8.968610310e-03, s2;
	v2 =	vsel vm3, $0xBF700000, v2;
	v3 =	vsel vm3, $0xBF4B0000, v3  }
0xb: {  	vm3 =	vcmask $0x2F2C;
	v2 =	vsel vm0, $0xBF6E0000, v2;
	v3 =	vsel vm0, $0xBF490000, v3  }
0xc: {  	vm0 =	vcmask $0x3330;
	s2 =	sadd.f32 $-1.000000000e+00, s2;
	v2 =	vsel vm1, $0xBF6B0000, v2;
	v3 =	vsel vm1, $0xBF470000, v3  }
0xd: {  	s26 =	rddreg [dreg:$0x0];
	vm1 =	vcmask $0x3734;
	v2 =	vsel vm2, $0xBF690000, v2;
	v3 =	vsel vm2, $0xBF440000, v3  }
0xe: {  	s6 =	rddreg [dreg:$0x1];
	s24 =	sshrl.u32 s3, $0x1;
	vm2 =	vcmask $0x3B38;
	v0 =	vmov s2;
	v2 =	vsel vm3, $0xBF670000, v2  }
0xf: {  	s28 =	simm.s32 $0x0;
	s25 =	smul.u32 $0xC400, s24;
	s0 =	ssub.s32 $0x2, s0;
	v3 =	vsel vm3, $0xBF420000, v3;
	v0 =	vbroadcast v0, $0x0;
	v2 =	vsel vm0, $0xBF640000, v2  }
0x10: {  	[smem:$0x7FF] =	sst s28;
	s7 =	sshrl.u32 s0, $0x1;
	v5 =	vsel vm0, $0xBF400000, v3;
	v3 =	vlaneseq.u32;
	vm0 =	vmmov $0xffff  }
0x11: {  	s31 =	simm.s32 $0x1;
	[dreg:$0x4] =	wrdreg s25;
	s0 =	ssub.s32 s0, s7;
	v2 =	vsel vm1, $0xBF620000, v2;
	v5 =	vsel vm1, $0xBF3D0000, v5;
	v1 =	vshrl.u32 v0, $0x10  }
0x12: {  	s29 =	sadd.s32 $0x1000, s26;
	[dreg:$0x3] =	wrdreg s1;
	s0 =	smax.u32 s0, $0x1;
	v7 =	vshrl.u32 v3, $0x3;
	v6 =	vand.u32 $0x7, v3;
	v1 =	vand.u32 $0x1, v1  }
0x13: {  	_ =	strace $0x8000004A;
	[dreg:$0x5] =	wrdreg s29;
	s2 =	sshll.u32 s24, $0x4;
	vm1 =	vmmov $0xff;
	v8 =	vor.u32 $0x8, v3;
	v0 =	vadd.s32 v1, v0  }
0x14: {  	s5 =	sadd.s32 $0x1F75000, s26;
	[dreg:$0x7] =	wrdreg s0;
	s30 =	sadd.s32 s6, s2;
	v2 =	vsel vm2, $0xBF600000, v2;
	v5 =	vsel vm2, $0xBF3B0000, v5;
	v0 =	vadd.s32 $0x7FFF, v0  }
0x15: {  	s8 =	sadd.s32 $0x1F75100, s26;
	s1 =	simm.s32 $0x0;
	[dreg:$0x6] =	wrdreg s30;
	v7 =	vmul.u32 $0x8, v7;
	v1 =	vmov s25;
	v0 =	vand.u32 $0xFFFF0000, v0  }
.LBB2_1:
0x16: {  	[dreg:$0x8] =	wrdreg s1  }
0x17: {  	s0 =	simm.s32 $0x0;
	s12 =	rddreg [dreg:$0x6];
	s13 =	simm.s32 $0x2  }
0x18: {  	[tilespmem:s0], [sflag:$0x2] =	stream.linear.gather [hbm4b:s12+s0], $0x80, $0x38;
	[tilespmem:$0xE780] =	vst v63  }
0x19: {  	_ =	swait.ge [sflag:s13], $0x80  }
0x1a: {  	[sflag:s13] =	ssyncset.done $0x0  }
0x1b: {  	[sflag:s13] =	ssyncadd.s32 $0xFFFFFF80  }
0x1c: {  	v9 =	vld [tilespmem:$0x0];
	_ =	sdelay $0x4  }
0x1d: {  	v10 =	vshrl.u32 v9, $0x10  }
0x1e: {  	v10 =	vand.u32 $0x1, v10  }
0x1f: {  	v9 =	vadd.s32 v10, v9  }
0x20: {  	v9 =	vadd.s32 $0x7FFF, v9  }
0x21: {  	v14 =	vand.u32 $0xFFFF0000, v9  }
0x22: {  	v9 =	vbroadcast v14, $0x0;
	v10 =	vbroadcast v14, $0x1  }
0x23: {  	v11 =	vbroadcast v14, $0x3;
	v12 =	vbroadcast v14, $0x4  }
0x24: {  	v15 =	vmul.f32 v0, v9;
	v13 =	vmul.f32 v2, v10  }
0x25: {  	v17 =	vmul.f32 v0, v11  }
0x26: {  	v18 =	vmul.f32 v2, v12;
	v16 =	vadd.f32 v13, v15;
	v13 =	vbroadcast v14, $0x2  }
0x27: {  	v37 =	vmul.f32 v5, v10  }
0x28: {  	v18 =	vadd.f32 v18, v17;
	v14 =	vbroadcast v14, $0x5;
	v16 =	vadd.f32 v16, v13  }
0x29: {  	v39 =	vmul.f32 v5, v12;
	v15 =	vadd.f32 v37, v15  }
0x2a: {  	v18 =	vadd.f32 v18, v14;
	v16 =	vadd.f32 $1.000000000e+00, v16  }
0x2b: {  	v17 =	vadd.f32 v39, v17  }
0x2c: {  	v15 =	vadd.f32 v15, v13;
	v18 =	vadd.f32 $1.000000000e+00, v18;
	v16 =	vmul.f32 $1.120000000e+02, v16  }
0x2d: {  	v17 =	vadd.f32 v17, v14  }
0x2e: {  	v15 =	vadd.f32 $1.000000000e+00, v15;
	v18 =	vmul.f32 $1.120000000e+02, v18;
	v19 =	vtrunc.f32 v16  }
0x2f: {  	v17 =	vadd.f32 $1.000000000e+00, v17;
	v20 =	vcvt.f32.s32 v19;
	vm2 =	vlt.f32 v16, v19  }
0x30: {  	v15 =	vmul.f32 $1.120000000e+02, v15;
	v35 =	vtrunc.f32 v18;
	v19 =	vsel vm2, $0xFFFFFFFF, v4  }
0x31: {  	v21 =	vcvt.f32.s32 v35;
	vm2 =	vlt.f32 v18, v35;
	v19 =	vadd.s32 v20, v19  }
0x32: {  	v17 =	vmul.f32 $1.120000000e+02, v17;
	v22 =	vsel vm2, $0xFFFFFFFF, v4;
	v36 =	vadd.s32 $0x1, v19  }
0x33: {  	v26 =	vtrunc.f32 v15;
	v21 =	vadd.s32 v21, v22;
	vm2 =	vgt.s32 v36, $0x0  }
0x34: {  	v41 =	vtrunc.f32 v17;
	v20 =	vnsel vm2, $0x0, v36;
	vm2 =	vgt.s32 v21, $0x0  }
0x35: {  	v27 =	vcvt.f32.s32 v26;
	v20 =	vmin.u32 v20, $0xDF;
	v23 =	vnsel vm2, $0x0, v21  }
0x36: {  	vm2 =	vgt.s32 v19, $0x0;
	v21 =	vadd.s32 $0x1, v21;
	v38 =	vmin.u32 v23, $0xDF  }
0x37: {  	v19 =	vnsel vm2, $0x0, v19;
	vm2 =	vgt.s32 v21, $0x0;
	v24 =	vmul.u32 $0xE0, v38  }
0x38: {  	v19 =	vmin.u32 v19, $0xDF;
	v21 =	vnsel vm2, $0x0, v21;
	vm2 =	vlt.f32 v15, v26  }
0x39: {  	v22 =	vcvt.s32.f32 v38;
	v21 =	vmin.u32 v21, $0xDF;
	v26 =	vsel vm2, $0xFFFFFFFF, v4  }
0x3a: {  	vm2 =	vlt.f32 v17, v41;
	v40 =	vadd.s32 v1, v24;
	v25 =	vsub.s32 v21, v38  }
0x3b: {  	v21 =	vcvt.s32.f32 v21;
	v26 =	vadd.s32 v27, v26;
	v27 =	vcvt.f32.s32 v41  }
0x3c: {  	v42 =	vsel vm2, $0xFFFFFFFF, v4;
	v24 =	vadd.s32 v19, v40;
	v23 =	vadd.s32 v20, v40  }
0x3d: {  	v19 =	vcvt.s32.f32 v19;
	v20 =	vcvt.s32.f32 v20;
	v25 =	vmul.u32 $0xC0, v25  }
0x3e: {  	v43 =	vadd.s32 $0x1, v26;
	v21 =	vsub.f32 v21, v18;
	v18 =	vsub.f32 v18, v22  }
0x3f: {  	v44 =	vadd.s32 v27, v42;
	vm2 =	vgt.s32 v43, $0x0;
	v20 =	vsub.f32 v20, v16  }
0x40: {  	[tilespmem:$0x80] =	vst v24;
	v16 =	vsub.f32 v16, v19;
	v24 =	vnsel vm2, $0x0, v43;
	vm2 =	vgt.s32 v44, $0x0  }
0x41: {  	v19 =	vadd.s32 $0x1, v44;
	v46 =	vnsel vm2, $0x0, v44;
	vm2 =	vgt.s32 v26, $0x0  }
0x42: {  	v45 =	vld [tilespmem:$0x80];
	v48 =	vmin.u32 v24, $0xDF;
	v28 =	vmul.f32 v21, v20;
	v20 =	vmul.f32 v20, v18  }
0x43: {  	v21 =	vmul.f32 v21, v16;
	v16 =	vmul.f32 v18, v16;
	v18 =	vmin.u32 v46, $0xDF  }
0x44: {  	v26 =	vnsel vm2, $0x0, v26;
	vm2 =	vgt.s32 v19, $0x0;
	v52 =	vcvt.s32.f32 v48  }
0x45: {  	[tilespmem:$0x100] =	vst v23;
	v47 =	vmul.u32 $0xE0, v18;
	v19 =	vnsel vm2, $0x0, v19;
	v50 =	vmin.u32 v26, $0xDF  }
0x46: {  	[tilespmem:$0x480] =	vst v25;
	v19 =	vmin.u32 v19, $0xDF;
	v55 =	vcvt.s32.f32 v50  }
0x47: {  	[tilespmem:$0x300] =	vst v20;
	v20 =	vsub.f32 v52, v15;
	v49 =	vshrl.u32 v45, $0x3;
	v51 =	vadd.s32 v1, v47  }
0x48: {  	[tilespmem:$0x280] =	vst v28;
	v22 =	vand.u32 $0x7, v45;
	v53 =	vcvt.s32.f32 v19;
	v24 =	vmul.u32 $0x18, v49  }
0x49: {  	[tilespmem:$0x380] =	vst v21;
	v19 =	vsub.s32 v19, v18;
	v18 =	vcvt.s32.f32 v18;
	v27 =	vadd.s32 v48, v51  }
0x4a: {  	[tilespmem:$0x400] =	vst v16;
	v54 =	vadd.s32 v50, v51;
	v23 =	vsub.f32 v53, v17;
	v22 =	vor.u32 v22, v24  }
0x4b: {  	v19 =	vmul.u32 $0xC0, v19;
	[tilespmem:$0x90] =	vst v54;
	v17 =	vsub.f32 v17, v18;
	v56 =	vperm.xlane v22, v6  }
0x4c: {  	v15 =	vsub.f32 v15, v55;
	[tilespmem:$0x110] =	vst v27;
	v57 =	vmul.f32 v23, v20  }
0x4d: {  	[tilespmem:$0x490] =	vst v19;
	v58 =	vmul.f32 v20, v17;
	v18 =	vadd.s32 v7, v56  }
0x4e: {  	v59 =	vmul.f32 v23, v15;
	[tilespmem:$0x290] =	vst v57  }
0x4f: {  	v15 =	vmul.f32 v17, v15;
	v60 =	vperm.xlane v22, v8;
	[tilespmem:$0x310] =	vst v58  }
0x50: {  	[tilespmem:$0x390] =	vst v59  }
0x51: {  	s14 =	simm.s32 $0x780;
	[tilespmem:$0x410] =	vst v15;
	v15 =	vadd.s32 v7, v60  }
0x52: {  	[tilespmem:s14], [sflag:$0x1] =	stream.indirect_vreg.gather [hbm4b:s5+s0], $0x80, v18, vm0, $0xb8;
	[tilespmem:$0xE780] =	vst v63  }
0x53: {  	s15 =	simm.s32 $0xF80  }
0x54: {  	[tilespmem:s15], [sflag:$0x1] =	stream.indirect_vreg.gather [hbm4b:s8+s0], $0x80, v18, vm1, $0xb8;
	[tilespmem:$0xE780] =	vst v63  }
0x55: {  	s16 =	simm.s32 $0x1380  }
0x56: {  	[tilespmem:s16], [sflag:$0x1] =	stream.indirect_vreg.gather [hbm4b:s5+s0], $0x80, v15, vm0, $0xb8;
	[tilespmem:$0xE780] =	vst v63  }
0x57: {  	s17 =	simm.s32 $0x1B80  }
0x58: {  	[tilespmem:s17], [sflag:$0x1] =	stream.indirect_vreg.gather [hbm4b:s8+s0], $0x80, v15, vm1, $0xb8;
	[tilespmem:$0xE780] =	vst v63  }
0x59: {  	v15 =	vld [tilespmem:$0x90];
	_ =	sdelay $0x4  }
0x5a: {  	v61 =	vshrl.u32 v15, $0x3  }
0x5b: {  	v16 =	vmul.u32 $0x18, v61  }
0x5c: {  	v15 =	vand.u32 $0x7, v15  }
0x5d: {  	v15 =	vor.u32 v15, v16  }
0x5e: {  	v16 =	vperm.xlane v15, v6;
	_ =	sdelay $0x1  }
0x5f: {  	v16 =	vadd.s32 v7, v16;
	_ =	sdelay $0x1  }
0x60: {  	v15 =	vperm.xlane v15, v8;
	_ =	sdelay $0x1  }
0x61: {  	s18 =	simm.s32 $0x1F80;
	v15 =	vadd.s32 v7, v15  }
0x62: {  	[tilespmem:s18], [sflag:$0x1] =	stream.indirect_vreg.gather [hbm4b:s5+s0], $0x80, v16, vm0, $0xb8;
	[tilespmem:$0xE780] =	vst v63  }
0x63: {  	s19 =	simm.s32 $0x2780  }
0x64: {  	[tilespmem:s19], [sflag:$0x1] =	stream.indirect_vreg.gather [hbm4b:s8+s0], $0x80, v16, vm1, $0xb8;
	[tilespmem:$0xE780] =	vst v63  }
0x65: {  	s20 =	simm.s32 $0x2B80  }
0x66: {  	[tilespmem:s20], [sflag:$0x1] =	stream.indirect_vreg.gather [hbm4b:s5+s0], $0x80, v15, vm0, $0xb8;
	[tilespmem:$0xE780] =	vst v63  }
0x67: {  	s21 =	simm.s32 $0x3380  }
0x68: {  	[tilespmem:s21], [sflag:$0x1] =	stream.indirect_vreg.gather [hbm4b:s8+s0], $0x80, v15, vm1, $0xb8;
	[tilespmem:$0xE780] =	vst v63  }
0x69: {  	v15 =	vld [tilespmem:$0x100];
	_ =	sdelay $0x4  }
0x6a: {  	v62 =	vshrl.u32 v15, $0x3  }
0x6b: {  	v16 =	vmul.u32 $0x18, v62  }
0x6c: {  	v15 =	vand.u32 $0x7, v15  }
0x6d: {  	v15 =	vor.u32 v15, v16  }
0x6e: {  	v16 =	vperm.xlane v15, v6;
	_ =	sdelay $0x1  }
0x6f: {  	v16 =	vadd.s32 v7, v16;
	_ =	sdelay $0x1  }
0x70: {  	v15 =	vperm.xlane v15, v8;
	_ =	sdelay $0x1  }
0x71: {  	s22 =	simm.s32 $0x3780;
	v15 =	vadd.s32 v7, v15  }
0x72: {  	[tilespmem:s22], [sflag:$0x1] =	stream.indirect_vreg.gather [hbm4b:s5+s0], $0x80, v16, vm0, $0xb8;
	[tilespmem:$0xE780] =	vst v63  }
0x73: {  	s23 =	simm.s32 $0x3F80  }
0x74: {  	[tilespmem:s23], [sflag:$0x1] =	stream.indirect_vreg.gather [hbm4b:s8+s0], $0x80, v16, vm1, $0xb8;
	[tilespmem:$0xE780] =	vst v63  }
0x75: {  	s24 =	simm.s32 $0x4380  }
0x76: {  	[tilespmem:s24], [sflag:$0x1] =	stream.indirect_vreg.gather [hbm4b:s5+s0], $0x80, v15, vm0, $0xb8;
	[tilespmem:$0xE780] =	vst v63  }
0x77: {  	s25 =	simm.s32 $0x4B80  }
0x78: {  	[tilespmem:s25], [sflag:$0x1] =	stream.indirect_vreg.gather [hbm4b:s8+s0], $0x80, v15, vm1, $0xb8;
	[tilespmem:$0xE780] =	vst v63  }
0x79: {  	v15 =	vld [tilespmem:$0x110];
	_ =	sdelay $0x4  }
0x7a: {  	v63 =	vshrl.u32 v15, $0x3  }
0x7b: {  	v16 =	vmul.u32 $0x18, v63  }
0x7c: {  	v15 =	vand.u32 $0x7, v15  }
0x7d: {  	v15 =	vor.u32 v15, v16  }
0x7e: {  	v16 =	vperm.xlane v15, v6;
	_ =	sdelay $0x1  }
0x7f: {  	v16 =	vadd.s32 v7, v16;
	_ =	sdelay $0x1  }
0x80: {  	v15 =	vperm.xlane v15, v8;
	_ =	sdelay $0x1  }
0x81: {  	s26 =	simm.s32 $0x4F80;
	v15 =	vadd.s32 v7, v15  }
0x82: {  	[tilespmem:s26], [sflag:$0x1] =	stream.indirect_vreg.gather [hbm4b:s5+s0], $0x80, v16, vm0, $0xb8;
	[tilespmem:$0xE780] =	vst v63  }
0x83: {  	s28 =	simm.s32 $0x5780  }
0x84: {  	[tilespmem:s28], [sflag:$0x1] =	stream.indirect_vreg.gather [hbm4b:s8+s0], $0x80, v16, vm1, $0xb8;
	[tilespmem:$0xE780] =	vst v63  }
0x85: {  	s29 =	simm.s32 $0x5B80  }
0x86: {  	[tilespmem:s29], [sflag:$0x1] =	stream.indirect_vreg.gather [hbm4b:s5+s0], $0x80, v15, vm0, $0xb8;
	[tilespmem:$0xE780] =	vst v63  }
0x87: {  	s30 =	simm.s32 $0x6380;
	s21 =	simm.s32 $0x0  }
0x88: {  	[tilespmem:s30], [sflag:$0x1] =	stream.indirect_vreg.gather [hbm4b:s8+s0], $0x80, v15, vm1, $0xb8;
	[tilespmem:$0xE780] =	vst v63  }
.LBB2_2:
0x89: {  	s0 =	sshllo.u32 s21, $0x1  }
0x8a: {  	s2 =	sand.u32 $0xFFFF, s0  }
0x8b: {  	s2 =	smul.u32 $0x2493, s2;
	_ =	sdelay $0x1  }
0x8c: {  	s2 =	sshrl.u32 s2, $0x10  }
0x8d: {  	s3 =	ssub.s32 s0, s2  }
0x8e: {  	s3 =	sand.u32 $0xFFFE, s3  }
0x8f: {  	s3 =	sshrl.u32 s3, $0x1  }
0x90: {  	s2 =	sadd.s32 s2, s3  }
0x91: {  	s2 =	sshrl.u32 s2, $0x2  }
0x92: {  	s16 =	smul.u32 $0x7, s2  }
0x93: {  	s1 =	rddreg [dreg:$0x3]  }
0x94: {  	s1 =	sadd.s32 s2, s1;
	s0 =	ssub.s32 s0, s16  }
0x95: {  	s2 =	scvt.s32.f32 s1;
	s0 =	sshll.u32 s0, $0x5  }
0x96: {  	s17 =	sand.u32 $0xFFE0, s0  }
0x97: {  	s18 =	smul.f32 $8.968610310e-03, s2;
	v15 =	vor.u32 s17, v3  }
0x98: {  	v15 =	vcvt.s32.f32 v15  }
0x99: {  	s0 =	sadd.f32 $-1.000000000e+00, s18  }
0x9a: {  	v15 =	vmul.f32 $8.968610310e-03, v15  }
0x9b: {  	v16 =	vmov s0  }
0x9c: {  	v16 =	vbroadcast v16, $0x0;
	v15 =	vadd.f32 $-1.000000000e+00, v15;
	_ =	sdelay $0x1  }
0x9d: {  	v17 =	vshrl.u32 v16, $0x10;
	v18 =	vshrl.u32 v15, $0x10  }
0x9e: {  	v17 =	vand.u32 $0x1, v17;
	v18 =	vand.u32 $0x1, v18  }
0x9f: {  	v16 =	vadd.s32 v17, v16;
	v15 =	vadd.s32 v18, v15  }
0xa0: {  	v16 =	vadd.s32 $0x7FFF, v16;
	v15 =	vadd.s32 $0x7FFF, v15  }
0xa1: {  	v16 =	vand.u32 $0xFFFF0000, v16;
	v15 =	vand.u32 $0xFFFF0000, v15  }
0xa2: {  	v17 =	vmul.f32 v16, v9;
	v18 =	vmul.f32 v15, v10;
	_ =	sdelay $0x1  }
0xa3: {  	v16 =	vmul.f32 v16, v11;
	v15 =	vmul.f32 v15, v12;
	v18 =	vadd.f32 v18, v17;
	_ =	sdelay $0x1  }
0xa4: {  	s19 =	sor.u32 $0x10, s17;
	v15 =	vadd.f32 v15, v16;
	v18 =	vadd.f32 v18, v13  }
0xa5: {  	v19 =	vor.u32 s19, v3  }
0xa6: {  	v19 =	vcvt.s32.f32 v19;
	v15 =	vadd.f32 v15, v14;
	v18 =	vadd.f32 $1.000000000e+00, v18;
	_ =	sdelay $0x1  }
0xa7: {  	v19 =	vmul.f32 $8.968610310e-03, v19;
	v15 =	vadd.f32 $1.000000000e+00, v15;
	v18 =	vmul.f32 $1.120000000e+02, v18;
	_ =	sdelay $0x1  }
0xa8: {  	v19 =	vadd.f32 $-1.000000000e+00, v19;
	v15 =	vmul.f32 $1.120000000e+02, v15;
	v20 =	vtrunc.f32 v18  }
0xa9: {  	v21 =	vcvt.f32.s32 v20;
	vm2 =	vlt.f32 v18, v20  }
0xaa: {  	v23 =	vtrunc.f32 v15;
	v20 =	vshrl.u32 v19, $0x10;
	v22 =	vsel vm2, $0xFFFFFFFF, v4  }
0xab: {  	v20 =	vand.u32 $0x1, v20;
	vm2 =	vlt.f32 v15, v23;
	v21 =	vadd.s32 v21, v22  }
0xac: {  	v22 =	vcvt.f32.s32 v23;
	v19 =	vadd.s32 v20, v19;
	v20 =	vadd.s32 $0x1, v21  }
0xad: {  	v23 =	vsel vm2, $0xFFFFFFFF, v4;
	v19 =	vadd.s32 $0x7FFF, v19;
	vm2 =	vgt.s32 v20, $0x0  }
0xae: {  	v19 =	vand.u32 $0xFFFF0000, v19;
	v22 =	vadd.s32 v22, v23;
	v20 =	vnsel vm2, $0x0, v20  }
0xaf: {  	v23 =	vmul.f32 v19, v10;
	vm2 =	vgt.s32 v22, $0x0;
	v19 =	vmul.f32 v19, v12  }
0xb0: {  	v20 =	vmin.u32 v20, $0xDF;
	v24 =	vnsel vm2, $0x0, v22;
	vm2 =	vgt.s32 v21, $0x0  }
0xb1: {  	v22 =	vadd.s32 $0x1, v22;
	v17 =	vadd.f32 v23, v17;
	v21 =	vnsel vm2, $0x0, v21  }
0xb2: {  	v23 =	vmin.u32 v24, $0xDF;
	vm2 =	vgt.s32 v22, $0x0;
	v16 =	vadd.f32 v19, v16  }
0xb3: {  	v24 =	vmul.u32 $0xE0, v23;
	v19 =	vnsel vm2, $0x0, v22;
	v17 =	vadd.f32 v17, v13  }
0xb4: {  	v21 =	vmin.u32 v21, $0xDF;
	v19 =	vmin.u32 v19, $0xDF;
	v16 =	vadd.f32 v16, v14  }
0xb5: {  	v22 =	vadd.s32 v1, v24;
	v25 =	vsub.s32 v19, v23;
	v17 =	vadd.f32 $1.000000000e+00, v17  }
0xb6: {  	v19 =	vcvt.s32.f32 v19;
	v23 =	vcvt.s32.f32 v23;
	v24 =	vadd.s32 v21, v22  }
0xb7: {  	v22 =	vadd.s32 v20, v22;
	v16 =	vadd.f32 $1.000000000e+00, v16;
	v17 =	vmul.f32 $1.120000000e+02, v17  }
0xb8: {  	v21 =	vcvt.s32.f32 v21;
	v20 =	vcvt.s32.f32 v20;
	v25 =	vmul.u32 $0xC0, v25  }
0xb9: {  	v19 =	vsub.f32 v19, v15;
	v16 =	vmul.f32 $1.120000000e+02, v16;
	v26 =	vtrunc.f32 v17  }
0xba: {  	v15 =	vsub.f32 v15, v23;
	v27 =	vcvt.f32.s32 v26;
	vm2 =	vlt.f32 v17, v26  }
0xbb: {  	v20 =	vsub.f32 v20, v18;
	v58 =	vtrunc.f32 v16;
	v26 =	vsel vm2, $0xFFFFFFFF, v4  }
0xbc: {  	vm2 =	vlt.f32 v16, v58;
	v26 =	vadd.s32 v27, v26;
	v27 =	vcvt.f32.s32 v58  }
0xbd: {  	[tilespmem:$0x180] =	vst v24;
	v18 =	vsub.f32 v18, v21;
	v23 =	vsel vm2, $0xFFFFFFFF, v4;
	v59 =	vadd.s32 $0x1, v26  }
0xbe: {  	v28 =	vmul.f32 v19, v20;
	v21 =	vadd.s32 v27, v23;
	vm2 =	vgt.s32 v59, $0x0;
	v23 =	vld [tilespmem:$0x180]  }
0xbf: {  	v20 =	vmul.f32 v20, v15;
	v24 =	vnsel vm2, $0x0, v59;
	vm2 =	vgt.s32 v21, $0x0  }
0xc0: {  	v19 =	vmul.f32 v19, v18;
	v15 =	vmul.f32 v15, v18;
	v18 =	vnsel vm2, $0x0, v21  }
0xc1: {  	[tilespmem:$0x200] =	vst v22;
	vm2 =	vgt.s32 v26, $0x0;
	v21 =	vadd.s32 $0x1, v21;
	v22 =	vmin.u32 v24, $0xDF  }
0xc2: {  	v18 =	vmin.u32 v18, $0xDF;
	v26 =	vnsel vm2, $0x0, v26;
	vm2 =	vgt.s32 v21, $0x0  }
0xc3: {  	[tilespmem:$0x580] =	vst v20;
	v20 =	vcvt.s32.f32 v22;
	v60 =	vmul.u32 $0xE0, v18;
	v61 =	vshrl.u32 v23, $0x3  }
0xc4: {  	v21 =	vnsel vm2, $0x0, v21;
	v62 =	vmin.u32 v26, $0xDF;
	v24 =	vmul.u32 $0x18, v61  }
0xc5: {  	[tilespmem:$0x700] =	vst v25;
	v21 =	vmin.u32 v21, $0xDF;
	v23 =	vand.u32 $0x7, v23;
	v63 =	vadd.s32 v1, v60  }
0xc6: {  	[tilespmem:$0x500] =	vst v28;
	v27 =	vadd.s32 v22, v63;
	v22 =	vor.u32 v23, v24;
	v23 =	vcvt.s32.f32 v21  }
0xc7: {  	[tilespmem:$0x680] =	vst v15;
	v15 =	vcvt.s32.f32 v62;
	v21 =	vsub.s32 v21, v18;
	v18 =	vcvt.s32.f32 v18  }
0xc8: {  	[tilespmem:$0x600] =	vst v19;
	v20 =	vsub.f32 v20, v17;
	v19 =	vadd.s32 v62, v63;
	v23 =	vsub.f32 v23, v16  }
0xc9: {  	[tilespmem:$0x190] =	vst v19;
	v19 =	vmul.u32 $0xC0, v21;
	v16 =	vsub.f32 v16, v18;
	v18 =	vperm.xlane v22, v6  }
0xca: {  	v15 =	vsub.f32 v17, v15;
	[tilespmem:$0x210] =	vst v27;
	v21 =	vmul.f32 v23, v20  }
0xcb: {  	[tilespmem:$0x710] =	vst v19;
	v17 =	vmul.f32 v20, v16;
	v18 =	vadd.s32 v7, v18  }
0xcc: {  	v19 =	vmul.f32 v23, v15;
	[tilespmem:$0x510] =	vst v21  }
0xcd: {  	v15 =	vmul.f32 v16, v15;
	v16 =	vperm.xlane v22, v8;
	[tilespmem:$0x590] =	vst v17  }
0xce: {  	[tilespmem:$0x610] =	vst v19  }
0xcf: {  	s24 =	simm.s32 $0x0;
	s20 =	simm.s32 $0x6780;
	[tilespmem:$0x690] =	vst v15;
	v15 =	vadd.s32 v7, v16  }
0xd0: {  	[tilespmem:s20], [sflag:$0x1] =	stream.indirect_vreg.gather [hbm4b:s5+s24], $0x80, v18, vm0, $0xb8;
	[tilespmem:$0xE780] =	vst v63  }
0xd1: {  	s22 =	simm.s32 $0x6F80  }
0xd2: {  	[tilespmem:s22], [sflag:$0x1] =	stream.indirect_vreg.gather [hbm4b:s8+s24], $0x80, v18, vm1, $0xb8;
	[tilespmem:$0xE780] =	vst v63  }
0xd3: {  	s23 =	simm.s32 $0x7380  }
0xd4: {  	[tilespmem:s23], [sflag:$0x1] =	stream.indirect_vreg.gather [hbm4b:s5+s24], $0x80, v15, vm0, $0xb8;
	[tilespmem:$0xE780] =	vst v63  }
0xd5: {  	s25 =	simm.s32 $0x7B80  }
0xd6: {  	[tilespmem:s25], [sflag:$0x1] =	stream.indirect_vreg.gather [hbm4b:s8+s24], $0x80, v15, vm1, $0xb8;
	[tilespmem:$0xE780] =	vst v63  }
0xd7: {  	v15 =	vld [tilespmem:$0x190];
	_ =	sdelay $0x4  }
0xd8: {  	v16 =	vshrl.u32 v15, $0x3  }
0xd9: {  	v16 =	vmul.u32 $0x18, v16  }
0xda: {  	v15 =	vand.u32 $0x7, v15  }
0xdb: {  	v15 =	vor.u32 v15, v16  }
0xdc: {  	v16 =	vperm.xlane v15, v6;
	_ =	sdelay $0x1  }
0xdd: {  	v16 =	vadd.s32 v7, v16;
	_ =	sdelay $0x1  }
0xde: {  	v15 =	vperm.xlane v15, v8;
	_ =	sdelay $0x1  }
0xdf: {  	s26 =	simm.s32 $0x7F80;
	v15 =	vadd.s32 v7, v15  }
0xe0: {  	[tilespmem:s26], [sflag:$0x1] =	stream.indirect_vreg.gather [hbm4b:s5+s24], $0x80, v16, vm0, $0xb8;
	[tilespmem:$0xE780] =	vst v63  }
0xe1: {  	[dreg:$0x9] =	wrdreg s1;
	s1 =	simm.s32 $0x8780  }
0xe2: {  	[tilespmem:s1], [sflag:$0x1] =	stream.indirect_vreg.gather [hbm4b:s8+s24], $0x80, v16, vm1, $0xb8;
	[tilespmem:$0xE780] =	vst v63  }
0xe3: {  	s2 =	simm.s32 $0x8B80  }
0xe4: {  	[tilespmem:s2], [sflag:$0x1] =	stream.indirect_vreg.gather [hbm4b:s5+s24], $0x80, v15, vm0, $0xb8;
	[tilespmem:$0xE780] =	vst v63  }
0xe5: {  	s3 =	simm.s32 $0x9380  }
0xe6: {  	[tilespmem:s3], [sflag:$0x1] =	stream.indirect_vreg.gather [hbm4b:s8+s24], $0x80, v15, vm1, $0xb8;
	[tilespmem:$0xE780] =	vst v63  }
0xe7: {  	v15 =	vld [tilespmem:$0x200];
	_ =	sdelay $0x4  }
0xe8: {  	v16 =	vshrl.u32 v15, $0x3  }
0xe9: {  	v16 =	vmul.u32 $0x18, v16  }
0xea: {  	v15 =	vand.u32 $0x7, v15  }
0xeb: {  	v15 =	vor.u32 v15, v16  }
0xec: {  	v16 =	vperm.xlane v15, v6;
	_ =	sdelay $0x1  }
0xed: {  	v16 =	vadd.s32 v7, v16;
	_ =	sdelay $0x1  }
0xee: {  	v15 =	vperm.xlane v15, v8;
	_ =	sdelay $0x1  }
0xef: {  	s4 =	simm.s32 $0x9780;
	v15 =	vadd.s32 v7, v15  }
0xf0: {  	[tilespmem:s4], [sflag:$0x1] =	stream.indirect_vreg.gather [hbm4b:s5+s24], $0x80, v16, vm0, $0xb8;
	[tilespmem:$0xE780] =	vst v63  }
0xf1: {  	s6 =	simm.s32 $0x9F80  }
0xf2: {  	[tilespmem:s6], [sflag:$0x1] =	stream.indirect_vreg.gather [hbm4b:s8+s24], $0x80, v16, vm1, $0xb8;
	[tilespmem:$0xE780] =	vst v63  }
0xf3: {  	s7 =	simm.s32 $0xA380  }
0xf4: {  	[tilespmem:s7], [sflag:$0x1] =	stream.indirect_vreg.gather [hbm4b:s5+s24], $0x80, v15, vm0, $0xb8;
	[tilespmem:$0xE780] =	vst v63  }
0xf5: {  	s9 =	simm.s32 $0xAB80  }
0xf6: {  	[tilespmem:s9], [sflag:$0x1] =	stream.indirect_vreg.gather [hbm4b:s8+s24], $0x80, v15, vm1, $0xb8;
	[tilespmem:$0xE780] =	vst v63  }
0xf7: {  	v15 =	vld [tilespmem:$0x210];
	_ =	sdelay $0x4  }
0xf8: {  	v16 =	vshrl.u32 v15, $0x3  }
0xf9: {  	v16 =	vmul.u32 $0x18, v16  }
0xfa: {  	v15 =	vand.u32 $0x7, v15  }
0xfb: {  	v15 =	vor.u32 v15, v16  }
0xfc: {  	v16 =	vperm.xlane v15, v6;
	_ =	sdelay $0x1  }
0xfd: {  	v16 =	vadd.s32 v7, v16;
	_ =	sdelay $0x1  }
0xfe: {  	v15 =	vperm.xlane v15, v8;
	_ =	sdelay $0x1  }
0xff: {  	s10 =	simm.s32 $0xAF80;
	v15 =	vadd.s32 v7, v15  }
0x100: {  	[tilespmem:s10], [sflag:$0x1] =	stream.indirect_vreg.gather [hbm4b:s5+s24], $0x80, v16, vm0, $0xb8;
	[tilespmem:$0xE780] =	vst v63  }
0x101: {  	s11 =	simm.s32 $0xB780  }
0x102: {  	[tilespmem:s11], [sflag:$0x1] =	stream.indirect_vreg.gather [hbm4b:s8+s24], $0x80, v16, vm1, $0xb8;
	[tilespmem:$0xE780] =	vst v63  }
0x103: {  	s12 =	simm.s32 $0xBB80  }
0x104: {  	[tilespmem:s12], [sflag:$0x1] =	stream.indirect_vreg.gather [hbm4b:s5+s24], $0x80, v15, vm0, $0xb8;
	[tilespmem:$0xE780] =	vst v63  }
0x105: {  	s13 =	simm.s32 $0xC380;
	[dreg:$0xa] =	wrdreg s17  }
0x106: {  	[tilespmem:s13], [sflag:$0x1] =	stream.indirect_vreg.gather [hbm4b:s8+s24], $0x80, v15, vm1, $0xb8;
	[tilespmem:$0xE780] =	vst v63  }
0x107: {  	_ =	swait.ge [sflag:s31], $0x3000  }
0x108: {  	[sflag:s31] =	ssyncset.done $0x0  }
0x109: {  	[sflag:s31] =	ssyncadd.s32 $0xFFFFD000  }
0x10a: {  	_ =	swait.ge [sflag:s31], $0x3000  }
0x10b: {  	[sflag:s31] =	ssyncset.done $0x0  }
0x10c: {  	s25 =	simm.s32 $0x480;
	[sflag:s31] =	ssyncadd.s32 $0xFFFFD000  }
0x10d: {  	v15 =	vld [tilespmem:s25+$0x0];
	_ =	sdelay $0x4  }
0x10e: {  	(v2sf) =	vpush v15, $0x0;
	_ =	sdelay $0xe  }
0x10f: {  	s14 =	simm.s32 $0x0;
	s3 =	spop (v2sf)  }
0x110: {  	s0 =	smul.u32 $0xC00, s14;
	s15 =	sshll.u32 s3, $0x3  }
0x111: {  	s29 =	sand.u32 $0x380, s24;
	s9 =	simm.s32 $0x280;
	s7 =	sand.u32 $0xFFFFFC00, s15  }
0x112: {  	s6 =	simm.s32 $0x300;
	v15 =	vld.msk [tilespmem:s9+$0x0 ss:$0x0], $0xffff;
	s9 =	sand.u32 $0x7F, s3;
	s2 =	sadd.s32 s0, s7  }
0x113: {  	s28 =	sor.u32 s29, s0;
	v16 =	vld.msk [tilespmem:s6+$0x0 ss:$0x0], $0xffff;
	s2 =	sor.u32 s9, s2  }
0x114: {  	v19 =	vld [tilespmem:s28+$0x780];
	s2 =	sor.u32 s29, s2  }
0x115: {  	s16 =	simm.s32 $0x380;
	v20 =	vld [tilespmem:s2+$0x780]  }
0x116: {  	v17 =	vld.msk [tilespmem:s16+$0x0 ss:$0x0], $0xffff  }
0x117: {  	s26 =	simm.s32 $0x400;
	v21 =	vld [tilespmem:s28+$0x3780]  }
0x118: {  	v18 =	vld.msk [tilespmem:s26+$0x0 ss:$0x0], $0xffff  }
0x119: {  	v22 =	vld [tilespmem:s2+$0x3780]  }
0x11a: {  	v19 =	vmul.f32 v19, v15;
	v20 =	vmul.f32 v20, v16;
	_ =	sdelay $0x1  }
0x11b: {  	v21 =	vmul.f32 v21, v17;
	v19 =	vadd.f32 v20, v19;
	_ =	sdelay $0x1  }
0x11c: {  	s17 =	sadd.s32 $0x10, s3;
	v20 =	vmul.f32 v22, v18;
	v19 =	vadd.f32 v21, v19  }
0x11d: {  	s11 =	simm.s32 $0x0;
	s18 =	sshll.u32 s17, $0x3  }
0x11e: {  	s11 =	sand.u32 $0x3FFFF800, s11;
	s6 =	sand.u32 $0xFFFFFC00, s18;
	v19 =	vadd.f32 v20, v19  }
0x11f: {  	s30 =	sor.u32 s29, s11;
	s6 =	sadd.s32 s0, s6;
	s2 =	sand.u32 $0x7F, s17  }
0x120: {  	s2 =	sor.u32 s2, s6;
	[tilespmem:s30+$0xC780] =	vst v19  }
0x121: {  	s2 =	sor.u32 s29, s2;
	v19 =	vld [tilespmem:s28+$0x790]  }
0x122: {  	v20 =	vld [tilespmem:s2+$0x780];
	_ =	sdelay $0x1  }
0x123: {  	v21 =	vld [tilespmem:s28+$0x3790];
	_ =	sdelay $0x1  }
0x124: {  	v22 =	vld [tilespmem:s2+$0x3780]  }
0x125: {  	v19 =	vmul.f32 v19, v15;
	v20 =	vmul.f32 v20, v16;
	_ =	sdelay $0x1  }
0x126: {  	v19 =	vadd.f32 v20, v19;
	v20 =	vmul.f32 v21, v17;
	_ =	sdelay $0x1  }
0x127: {  	s19 =	sadd.s32 $0x20, s3;
	v19 =	vadd.f32 v20, v19;
	v20 =	vmul.f32 v22, v18  }
0x128: {  	s20 =	sshll.u32 s19, $0x3  }
0x129: {  	s6 =	sand.u32 $0xFFFFFC00, s20;
	v19 =	vadd.f32 v20, v19  }
0x12a: {  	s6 =	sadd.s32 s0, s6;
	s2 =	sand.u32 $0x7F, s19  }
0x12b: {  	s2 =	sor.u32 s2, s6;
	[tilespmem:s30+$0xC790] =	vst v19  }
0x12c: {  	s2 =	sor.u32 s29, s2;
	v19 =	vld [tilespmem:s28+$0x7A0]  }
0x12d: {  	v20 =	vld [tilespmem:s2+$0x780];
	_ =	sdelay $0x1  }
0x12e: {  	v21 =	vld [tilespmem:s28+$0x37A0];
	_ =	sdelay $0x1  }
0x12f: {  	v22 =	vld [tilespmem:s2+$0x3780]  }
0x130: {  	v19 =	vmul.f32 v19, v15;
	v20 =	vmul.f32 v20, v16;
	_ =	sdelay $0x1  }
0x131: {  	v19 =	vadd.f32 v20, v19;
	v20 =	vmul.f32 v21, v17;
	_ =	sdelay $0x1  }
0x132: {  	s22 =	sadd.s32 $0x30, s3;
	v19 =	vadd.f32 v20, v19;
	v20 =	vmul.f32 v22, v18  }
0x133: {  	s23 =	sshll.u32 s22, $0x3  }
0x134: {  	s6 =	sand.u32 $0xFFFFFC00, s23;
	v19 =	vadd.f32 v20, v19  }
0x135: {  	s6 =	sadd.s32 s0, s6;
	s2 =	sand.u32 $0x7F, s22  }
0x136: {  	s2 =	sor.u32 s2, s6;
	[tilespmem:s30+$0xC7A0] =	vst v19  }
0x137: {  	s2 =	sor.u32 s29, s2;
	v19 =	vld [tilespmem:s28+$0x7B0]  }
0x138: {  	v20 =	vld [tilespmem:s2+$0x780];
	_ =	sdelay $0x1  }
0x139: {  	v21 =	vld [tilespmem:s28+$0x37B0];
	_ =	sdelay $0x1  }
0x13a: {  	v22 =	vld [tilespmem:s2+$0x3780]  }
0x13b: {  	v19 =	vmul.f32 v19, v15;
	v20 =	vmul.f32 v20, v16;
	_ =	sdelay $0x1  }
0x13c: {  	v19 =	vadd.f32 v20, v19;
	v20 =	vmul.f32 v21, v17;
	_ =	sdelay $0x1  }
0x13d: {  	s1 =	sadd.s32 $0x40, s3;
	v19 =	vadd.f32 v20, v19;
	v20 =	vmul.f32 v22, v18  }
0x13e: {  	s4 =	sshll.u32 s1, $0x3  }
0x13f: {  	s6 =	sand.u32 $0xFFFFFC00, s4;
	v19 =	vadd.f32 v20, v19  }
0x140: {  	s6 =	sadd.s32 s0, s6;
	s2 =	sand.u32 $0x7F, s1  }
0x141: {  	s2 =	sor.u32 s2, s6;
	[tilespmem:s30+$0xC7B0] =	vst v19  }
0x142: {  	s2 =	sor.u32 s29, s2;
	v19 =	vld [tilespmem:s28+$0x7C0]  }
0x143: {  	v20 =	vld [tilespmem:s2+$0x780];
	_ =	sdelay $0x1  }
0x144: {  	v21 =	vld [tilespmem:s28+$0x37C0];
	_ =	sdelay $0x1  }
0x145: {  	v22 =	vld [tilespmem:s2+$0x3780]  }
0x146: {  	v19 =	vmul.f32 v19, v15;
	v20 =	vmul.f32 v20, v16;
	_ =	sdelay $0x1  }
0x147: {  	v19 =	vadd.f32 v20, v19;
	v20 =	vmul.f32 v21, v17;
	_ =	sdelay $0x1  }
0x148: {  	s10 =	sadd.s32 $0x50, s3;
	v19 =	vadd.f32 v20, v19;
	v20 =	vmul.f32 v22, v18  }
0x149: {  	s11 =	sshll.u32 s10, $0x3  }
0x14a: {  	s6 =	sand.u32 $0xFFFFFC00, s11;
	v19 =	vadd.f32 v20, v19  }
0x14b: {  	s6 =	sadd.s32 s0, s6;
	s2 =	sand.u32 $0x7F, s10  }
0x14c: {  	s2 =	sor.u32 s2, s6;
	[tilespmem:s30+$0xC7C0] =	vst v19  }
0x14d: {  	s2 =	sor.u32 s29, s2;
	v19 =	vld [tilespmem:s28+$0x7D0]  }
0x14e: {  	v20 =	vld [tilespmem:s2+$0x780];
	_ =	sdelay $0x1  }
0x14f: {  	v21 =	vld [tilespmem:s28+$0x37D0];
	_ =	sdelay $0x1  }
0x150: {  	v22 =	vld [tilespmem:s2+$0x3780]  }
0x151: {  	v19 =	vmul.f32 v19, v15;
	v20 =	vmul.f32 v20, v16;
	_ =	sdelay $0x1  }
0x152: {  	v19 =	vadd.f32 v20, v19;
	v20 =	vmul.f32 v21, v17;
	_ =	sdelay $0x1  }
0x153: {  	s12 =	sadd.s32 $0x60, s3;
	v19 =	vadd.f32 v20, v19;
	v20 =	vmul.f32 v22, v18  }
0x154: {  	s13 =	sshll.u32 s12, $0x3  }
0x155: {  	s6 =	sand.u32 $0xFFFFFC00, s13;
	v19 =	vadd.f32 v20, v19  }
0x156: {  	s6 =	sadd.s32 s0, s6;
	s2 =	sand.u32 $0x7F, s12  }
0x157: {  	s2 =	sor.u32 s2, s6;
	[tilespmem:s30+$0xC7D0] =	vst v19  }
0x158: {  	s2 =	sor.u32 s29, s2;
	v19 =	vld [tilespmem:s28+$0x7E0]  }
0x159: {  	v20 =	vld [tilespmem:s2+$0x780];
	_ =	sdelay $0x1  }
0x15a: {  	v21 =	vld [tilespmem:s28+$0x37E0];
	_ =	sdelay $0x1  }
0x15b: {  	v22 =	vld [tilespmem:s2+$0x3780]  }
0x15c: {  	v19 =	vmul.f32 v19, v15;
	v20 =	vmul.f32 v20, v16;
	_ =	sdelay $0x1  }
0x15d: {  	v19 =	vadd.f32 v20, v19;
	v20 =	vmul.f32 v21, v17  }
0x15e: {  	s14 =	sadd.s32 $0x70, s3  }
0x15f: {  	s15 =	sshll.u32 s14, $0x3;
	v19 =	vadd.f32 v20, v19;
	v20 =	vmul.f32 v22, v18  }
0x160: {  	s6 =	sand.u32 $0xFFFFFC00, s15  }
0x161: {  	s6 =	sadd.s32 s0, s6;
	s2 =	sand.u32 $0x7F, s14;
	v19 =	vadd.f32 v20, v19  }
0x162: {  	s2 =	sor.u32 s2, s6  }
0x163: {  	s2 =	sor.u32 s29, s2;
	[tilespmem:s30+$0xC7E0] =	vst v19  }
0x164: {  	v19 =	vld [tilespmem:s2+$0x780]  }
0x165: {  	v20 =	vld [tilespmem:s28+$0x7F0];
	_ =	sdelay $0x1  }
0x166: {  	v21 =	vld [tilespmem:s28+$0x37F0];
	_ =	sdelay $0x1  }
0x167: {  	v22 =	vld [tilespmem:s2+$0x3780]  }
0x168: {  	v19 =	vmul.f32 v19, v16;
	v20 =	vmul.f32 v20, v15;
	_ =	sdelay $0x1  }
0x169: {  	v19 =	vadd.f32 v19, v20;
	v20 =	vmul.f32 v21, v17;
	_ =	sdelay $0x1  }
0x16a: {  	v19 =	vadd.f32 v20, v19;
	v20 =	vmul.f32 v22, v18;
	_ =	sdelay $0x1  }
0x16b: {  	v19 =	vadd.f32 v20, v19;
	_ =	sdelay $0x1  }
0x16c: {  	s16 =	sor.u32 s9, s28;
	[tilespmem:s30+$0xC7F0] =	vst v19  }
0x16d: {  	s2 =	sadd.s32 s7, s16;
	v19 =	vld [tilespmem:s28+$0xB80]  }
0x16e: {  	v20 =	vld [tilespmem:s2+$0xB80];
	_ =	sdelay $0x1  }
0x16f: {  	v21 =	vld [tilespmem:s28+$0x3B80];
	_ =	sdelay $0x1  }
0x170: {  	v22 =	vld [tilespmem:s2+$0x3B80]  }
0x171: {  	v19 =	vmul.f32 v19, v15;
	v20 =	vmul.f32 v20, v16;
	_ =	sdelay $0x1  }
0x172: {  	v19 =	vadd.f32 v20, v19;
	v20 =	vmul.f32 v21, v17  }
0x173: {  	s17 =	sadd.s32 $0x90, s3  }
0x174: {  	s18 =	sshll.u32 s17, $0x3;
	v19 =	vadd.f32 v20, v19;
	v20 =	vmul.f32 v22, v18  }
0x175: {  	s6 =	sand.u32 $0xFFFFFC00, s18  }
0x176: {  	s6 =	sadd.s32 s0, s6;
	s2 =	sand.u32 $0x7F, s17;
	v19 =	vadd.f32 v20, v19  }
0x177: {  	s2 =	sor.u32 s2, s6  }
0x178: {  	s2 =	sor.u32 s29, s2;
	[tilespmem:s30+$0xCB80] =	vst v19  }
0x179: {  	v19 =	vld [tilespmem:s2+$0x780]  }
0x17a: {  	v20 =	vld [tilespmem:s28+$0xB90];
	_ =	sdelay $0x1  }
0x17b: {  	v21 =	vld [tilespmem:s28+$0x3B90];
	_ =	sdelay $0x1  }
0x17c: {  	v22 =	vld [tilespmem:s2+$0x3780]  }
0x17d: {  	v19 =	vmul.f32 v19, v16;
	v20 =	vmul.f32 v20, v15;
	_ =	sdelay $0x1  }
0x17e: {  	v19 =	vadd.f32 v19, v20;
	v20 =	vmul.f32 v21, v17;
	_ =	sdelay $0x1  }
0x17f: {  	s19 =	sadd.s32 $0xA0, s3;
	v19 =	vadd.f32 v20, v19;
	v20 =	vmul.f32 v22, v18  }
0x180: {  	s20 =	sshll.u32 s19, $0x3  }
0x181: {  	s6 =	sand.u32 $0xFFFFFC00, s20;
	v19 =	vadd.f32 v20, v19  }
0x182: {  	s6 =	sadd.s32 s0, s6;
	s2 =	sand.u32 $0x7F, s19  }
0x183: {  	s2 =	sor.u32 s2, s6;
	[tilespmem:s30+$0xCB90] =	vst v19  }
0x184: {  	s2 =	sor.u32 s29, s2;
	v21 =	vld [tilespmem:s28+$0xBA0]  }
0x185: {  	v22 =	vld [tilespmem:s2+$0x780]  }
0x186: {  	s3 =	sadd.s32 $0xB0, s3  }
0x187: {  	s22 =	sshll.u32 s3, $0x3;
	v20 =	vld [tilespmem:s28+$0x3BA0]  }
0x188: {  	s31 =	sshll.u32 s21, $0x1;
	s9 =	simm.s32 $0x281;
	s6 =	sand.u32 $0xFFFFFC00, s22  }
0x189: {  	s23 =	sand.u32 $0x7F, s3;
	s3 =	simm.s32 $0x1;
	s0 =	sadd.s32 s0, s6;
	v19 =	vld [tilespmem:s2+$0x3780]  }
0x18a: {  	s7 =	simm.s32 $0x301;
	s11 =	sor.u32 s23, s0;
	s0 =	simm.s32 $0x381;
	v21 =	vmul.f32 v21, v15;
	v22 =	vmul.f32 v22, v16  }
.LBB2_3:
0x18b: {  	s24 =	sadd.s32 $0x80, s24;
	s25 =	sadd.s32 $0x1, s25;
	s26 =	sadd.s32 $0x1, s26  }
0x18c: {  	p0 =	sne.s32 s3, $0x1F;
	v20 =	vmul.f32 v20, v17;
	s13 =	smov.u32 s3;
	s3 =	sadd.s32 $0x1, s3;
	v21 =	vadd.f32 v22, v21  }
0x18d: {  	_ = 	snop  }
0x18e: {  	v19 =	vmul.f32 v19, v18;
	v20 =	vadd.f32 v20, v21;
	_ =	sdelay $0x1  }
0x18f: {  	v19 =	vadd.f32 v19, v20;
	_ =	sdelay $0x1  }
0x190: {  	s2 =	sor.u32 s29, s11;
	[tilespmem:s30+$0xCBA0] =	vst v19  }
0x191: {  	v19 =	vld [tilespmem:s28+$0xBB0]  }
0x192: {  	v20 =	vld [tilespmem:s2+$0x780]  }
0x193: {  	v21 =	vld [tilespmem:s28+$0x3BB0]  }
0x194: {  	v22 =	vld [tilespmem:s2+$0x3780];
	_ =	sdelay $0x1  }
0x195: {  	v15 =	vmul.f32 v19, v15  }
0x196: {  	v16 =	vmul.f32 v20, v16  }
0x197: {  	v17 =	vmul.f32 v21, v17  }
0x198: {  	v15 =	vadd.f32 v16, v15  }
0x199: {  	v16 =	vmul.f32 v22, v18  }
0x19a: {  	v15 =	vadd.f32 v17, v15;
	_ =	sdelay $0x1  }
0x19b: {  	v15 =	vadd.f32 v16, v15;
	_ =	sdelay $0x1  }
0x19c: {  	[tilespmem:s30+$0xCBB0] =	vst v15  }
0x19d: {  	v15 =	vld [tilespmem:s25+$0x0];
	_ =	sdelay $0x4  }
0x19e: {  	(v2sf) =	vpush v15, $0x0;
	_ =	sdelay $0x8  }
0x19f: {  	s2 =	sshrl.u32 s13, $0x3  }
0x1a0: {  	s11 =	smul.u32 $0xC00, s2;
	_ =	sdelay $0x2  }
0x1a1: {  	s29 =	sand.u32 $0x380, s24;
	v15 =	vld.msk [tilespmem:s9+$0x0 ss:$0x0], $0xffff  }
0x1a2: {  	s28 =	sor.u32 s29, s11;
	v16 =	vld.msk [tilespmem:s7+$0x0 ss:$0x0], $0xffff  }
0x1a3: {  	v18 =	vld [tilespmem:s28+$0x780];
	s15 =	spop (v2sf)  }
0x1a4: {  	s2 =	sshll.u32 s15, $0x3;
	v17 =	vld.msk [tilespmem:s0+$0x0 ss:$0x0], $0xffff;
	s16 =	sadd.s32 $0x10, s15;
	s6 =	sadd.s32 $0x20, s15  }
0x1a5: {  	s14 =	sand.u32 $0x7F, s15;
	s12 =	sand.u32 $0xFFFFFC00, s2;
	v19 =	vld [tilespmem:s28+$0x3780];
	s2 =	sshll.u32 s16, $0x3  }
0x1a6: {  	s18 =	sshll.u32 s6, $0x3;
	s17 =	sadd.s32 s11, s12;
	s2 =	sand.u32 $0xFFFFFC00, s2  }
0x1a7: {  	s17 =	sor.u32 s14, s17;
	s30 =	sadd.s32 s11, s2;
	s2 =	sand.u32 $0xFFFFFC00, s18  }
0x1a8: {  	s6 =	sand.u32 $0x7F, s6;
	s17 =	sor.u32 s29, s17;
	s2 =	sadd.s32 s11, s2  }
0x1a9: {  	s18 =	sadd.s32 $0x40, s15;
	v20 =	vmul.f32 v18, v15;
	v21 =	vld [tilespmem:s17+$0x780];
	s6 =	sor.u32 s6, s2;
	s2 =	sadd.s32 $0x30, s15  }
0x1aa: {  	s10 =	sadd.s32 $0x50, s15;
	s1 =	sshll.u32 s18, $0x3;
	s20 =	sshll.u32 s2, $0x3  }
0x1ab: {  	s18 =	sand.u32 $0x7F, s18;
	s1 =	sand.u32 $0xFFFFFC00, s1;
	v19 =	vmul.f32 v19, v17;
	s20 =	sand.u32 $0xFFFFFC00, s20  }
0x1ac: {  	s2 =	sand.u32 $0x7F, s2;
	s1 =	sadd.s32 s11, s1;
	v18 =	vld.msk [tilespmem:s26+$0x0 ss:$0x0], $0xffff;
	s20 =	sadd.s32 s11, s20  }
0x1ad: {  	v22 =	vld [tilespmem:s17+$0x3780];
	s2 =	sor.u32 s2, s20;
	s20 =	sor.u32 s18, s1;
	s1 =	sshll.u32 s10, $0x3  }
0x1ae: {  	s22 =	sadd.s32 $0x70, s15;
	s17 =	sadd.s32 $0x60, s15;
	v21 =	vmul.f32 v21, v16;
	s1 =	sand.u32 $0xFFFFFC00, s1  }
0x1af: {  	s10 =	sand.u32 $0x7F, s10;
	s23 =	sshll.u32 s17, $0x3;
	s1 =	sadd.s32 s11, s1  }
0x1b0: {  	s16 =	sand.u32 $0x7F, s16;
	v20 =	vadd.f32 v21, v20;
	s18 =	sor.u32 s10, s1;
	s1 =	sand.u32 $0xFFFFFC00, s23  }
0x1b1: {  	s10 =	sor.u32 s16, s30;
	s16 =	sand.u32 $0x7F, s17;
	s1 =	sadd.s32 s11, s1  }
0x1b2: {  	s10 =	sor.u32 s29, s10;
	v19 =	vadd.f32 v19, v20;
	v20 =	vmul.f32 v22, v18;
	s17 =	sor.u32 s16, s1;
	s1 =	sshll.u32 s22, $0x3  }
0x1b3: {  	s13 =	sshll.u32 s13, $0x8;
	s14 =	sor.u32 s14, s28;
	s1 =	sand.u32 $0xFFFFFC00, s1  }
0x1b4: {  	s13 =	sand.u32 $0x3FFFF800, s13;
	s16 =	sand.u32 $0x7F, s22;
	v19 =	vadd.f32 v20, v19;
	s1 =	sadd.s32 s11, s1  }
0x1b5: {  	s30 =	sor.u32 s29, s13;
	s16 =	sor.u32 s16, s1;
	s1 =	sadd.s32 $0x90, s15  }
0x1b6: {  	s23 =	sadd.s32 $0xB0, s15;
	s22 =	sadd.s32 $0xA0, s15;
	[tilespmem:s30+$0xC780] =	vst v19;
	s13 =	sshll.u32 s1, $0x3  }
0x1b7: {  	s4 =	sshll.u32 s23, $0x3;
	s15 =	sshll.u32 s22, $0x3;
	v19 =	vld [tilespmem:s28+$0x790];
	s13 =	sand.u32 $0xFFFFFC00, s13  }
0x1b8: {  	s1 =	sand.u32 $0x7F, s1;
	s19 =	sand.u32 $0xFFFFFC00, s15;
	v20 =	vld [tilespmem:s10+$0x780];
	s13 =	sadd.s32 s11, s13  }
0x1b9: {  	s15 =	sor.u32 s1, s13;
	s1 =	sand.u32 $0x7F, s22;
	s13 =	sadd.s32 s11, s19  }
0x1ba: {  	v21 =	vld [tilespmem:s28+$0x3790];
	s13 =	sor.u32 s1, s13;
	s1 =	sand.u32 $0xFFFFFC00, s4  }
0x1bb: {  	s4 =	sand.u32 $0x7F, s23;
	s1 =	sadd.s32 s11, s1  }
0x1bc: {  	v22 =	vld [tilespmem:s10+$0x3780];
	s11 =	sor.u32 s4, s1  }
0x1bd: {  	v19 =	vmul.f32 v19, v15;
	v20 =	vmul.f32 v20, v16;
	_ =	sdelay $0x1  }
0x1be: {  	v19 =	vadd.f32 v20, v19;
	v20 =	vmul.f32 v21, v17;
	_ =	sdelay $0x1  }
0x1bf: {  	v19 =	vadd.f32 v20, v19;
	v20 =	vmul.f32 v22, v18;
	_ =	sdelay $0x1  }
0x1c0: {  	v19 =	vadd.f32 v20, v19;
	_ =	sdelay $0x1  }
0x1c1: {  	[tilespmem:s30+$0xC790] =	vst v19  }
0x1c2: {  	s1 =	sor.u32 s29, s6;
	v19 =	vld [tilespmem:s28+$0x7A0]  }
0x1c3: {  	v20 =	vld [tilespmem:s1+$0x780];
	_ =	sdelay $0x1  }
0x1c4: {  	v21 =	vld [tilespmem:s28+$0x37A0];
	_ =	sdelay $0x1  }
0x1c5: {  	v22 =	vld [tilespmem:s1+$0x3780]  }
0x1c6: {  	v19 =	vmul.f32 v19, v15;
	v20 =	vmul.f32 v20, v16;
	_ =	sdelay $0x1  }
0x1c7: {  	v19 =	vadd.f32 v20, v19;
	v20 =	vmul.f32 v21, v17;
	_ =	sdelay $0x1  }
0x1c8: {  	v19 =	vadd.f32 v20, v19;
	v20 =	vmul.f32 v22, v18;
	_ =	sdelay $0x1  }
0x1c9: {  	v19 =	vadd.f32 v20, v19;
	_ =	sdelay $0x1  }
0x1ca: {  	[tilespmem:s30+$0xC7A0] =	vst v19  }
0x1cb: {  	s1 =	sor.u32 s29, s2;
	v19 =	vld [tilespmem:s28+$0x7B0]  }
0x1cc: {  	v20 =	vld [tilespmem:s1+$0x780];
	_ =	sdelay $0x1  }
0x1cd: {  	v21 =	vld [tilespmem:s28+$0x37B0];
	_ =	sdelay $0x1  }
0x1ce: {  	v22 =	vld [tilespmem:s1+$0x3780]  }
0x1cf: {  	v19 =	vmul.f32 v19, v15;
	v20 =	vmul.f32 v20, v16;
	_ =	sdelay $0x1  }
0x1d0: {  	v19 =	vadd.f32 v20, v19;
	v20 =	vmul.f32 v21, v17;
	_ =	sdelay $0x1  }
0x1d1: {  	v19 =	vadd.f32 v20, v19;
	v20 =	vmul.f32 v22, v18;
	_ =	sdelay $0x1  }
0x1d2: {  	v19 =	vadd.f32 v20, v19;
	_ =	sdelay $0x1  }
0x1d3: {  	[tilespmem:s30+$0xC7B0] =	vst v19  }
0x1d4: {  	s1 =	sor.u32 s29, s20;
	v19 =	vld [tilespmem:s28+$0x7C0]  }
0x1d5: {  	v20 =	vld [tilespmem:s1+$0x780];
	_ =	sdelay $0x1  }
0x1d6: {  	v21 =	vld [tilespmem:s28+$0x37C0];
	_ =	sdelay $0x1  }
0x1d7: {  	v22 =	vld [tilespmem:s1+$0x3780]  }
0x1d8: {  	v19 =	vmul.f32 v19, v15;
	v20 =	vmul.f32 v20, v16;
	_ =	sdelay $0x1  }
0x1d9: {  	v19 =	vadd.f32 v20, v19;
	v20 =	vmul.f32 v21, v17;
	_ =	sdelay $0x1  }
0x1da: {  	v19 =	vadd.f32 v20, v19;
	v20 =	vmul.f32 v22, v18;
	_ =	sdelay $0x1  }
0x1db: {  	v19 =	vadd.f32 v20, v19;
	_ =	sdelay $0x1  }
0x1dc: {  	[tilespmem:s30+$0xC7C0] =	vst v19  }
0x1dd: {  	s1 =	sor.u32 s29, s18;
	v19 =	vld [tilespmem:s28+$0x7D0]  }
0x1de: {  	v20 =	vld [tilespmem:s1+$0x780];
	_ =	sdelay $0x1  }
0x1df: {  	v21 =	vld [tilespmem:s28+$0x37D0];
	_ =	sdelay $0x1  }
0x1e0: {  	v19 =	vmul.f32 v19, v15;
	v22 =	vld [tilespmem:s1+$0x3780]  }
0x1e1: {  	v20 =	vmul.f32 v20, v16;
	_ =	sdelay $0x1  }
0x1e2: {  	v19 =	vadd.f32 v20, v19;
	v20 =	vmul.f32 v21, v17;
	_ =	sdelay $0x1  }
0x1e3: {  	v19 =	vadd.f32 v20, v19;
	v20 =	vmul.f32 v22, v18;
	_ =	sdelay $0x1  }
0x1e4: {  	v19 =	vadd.f32 v20, v19;
	_ =	sdelay $0x1  }
0x1e5: {  	[tilespmem:s30+$0xC7D0] =	vst v19  }
0x1e6: {  	s1 =	sor.u32 s29, s17;
	v19 =	vld [tilespmem:s28+$0x7E0]  }
0x1e7: {  	v20 =	vld [tilespmem:s1+$0x780]  }
0x1e8: {  	v21 =	vld [tilespmem:s28+$0x37E0];
	_ =	sdelay $0x2  }
0x1e9: {  	v19 =	vmul.f32 v19, v15;
	v22 =	vld [tilespmem:s1+$0x3780]  }
0x1ea: {  	v20 =	vmul.f32 v20, v16;
	_ =	sdelay $0x1  }
0x1eb: {  	v19 =	vadd.f32 v20, v19;
	v20 =	vmul.f32 v21, v17;
	_ =	sdelay $0x1  }
0x1ec: {  	v19 =	vadd.f32 v20, v19;
	v20 =	vmul.f32 v22, v18;
	_ =	sdelay $0x1  }
0x1ed: {  	v19 =	vadd.f32 v20, v19;
	_ =	sdelay $0x1  }
0x1ee: {  	s1 =	sor.u32 s29, s16;
	[tilespmem:s30+$0xC7E0] =	vst v19  }
0x1ef: {  	v19 =	vld [tilespmem:s1+$0x780]  }
0x1f0: {  	v20 =	vld [tilespmem:s28+$0x7F0]  }
0x1f1: {  	v21 =	vld [tilespmem:s28+$0x37F0]  }
0x1f2: {  	v22 =	vld [tilespmem:s1+$0x3780];
	_ =	sdelay $0x1  }
0x1f3: {  	v19 =	vmul.f32 v19, v16  }
0x1f4: {  	v20 =	vmul.f32 v20, v15;
	_ =	sdelay $0x1  }
0x1f5: {  	v19 =	vadd.f32 v19, v20;
	v20 =	vmul.f32 v21, v17;
	_ =	sdelay $0x1  }
0x1f6: {  	v19 =	vadd.f32 v20, v19;
	v20 =	vmul.f32 v22, v18;
	_ =	sdelay $0x1  }
0x1f7: {  	v19 =	vadd.f32 v20, v19;
	_ =	sdelay $0x1  }
0x1f8: {  	[tilespmem:s30+$0xC7F0] =	vst v19  }
0x1f9: {  	s1 =	sadd.s32 s12, s14;
	v19 =	vld [tilespmem:s28+$0xB80]  }
0x1fa: {  	v20 =	vld [tilespmem:s1+$0xB80]  }
0x1fb: {  	v21 =	vld [tilespmem:s28+$0x3B80]  }
0x1fc: {  	v22 =	vld [tilespmem:s1+$0x3B80];
	_ =	sdelay $0x2  }
0x1fd: {  	v19 =	vmul.f32 v19, v15;
	v20 =	vmul.f32 v20, v16;
	_ =	sdelay $0x1  }
0x1fe: {  	v19 =	vadd.f32 v20, v19;
	v20 =	vmul.f32 v21, v17;
	_ =	sdelay $0x1  }
0x1ff: {  	v19 =	vadd.f32 v20, v19;
	v20 =	vmul.f32 v22, v18;
	_ =	sdelay $0x1  }
0x200: {  	v19 =	vadd.f32 v20, v19;
	_ =	sdelay $0x1  }
0x201: {  	s1 =	sor.u32 s29, s15;
	[tilespmem:s30+$0xCB80] =	vst v19  }
0x202: {  	v19 =	vld [tilespmem:s1+$0x780]  }
0x203: {  	v20 =	vld [tilespmem:s28+$0xB90]  }
0x204: {  	v21 =	vld [tilespmem:s28+$0x3B90]  }
0x205: {  	v22 =	vld [tilespmem:s1+$0x3780];
	_ =	sdelay $0x1  }
0x206: {  	v19 =	vmul.f32 v19, v16  }
0x207: {  	v20 =	vmul.f32 v20, v15;
	_ =	sdelay $0x1  }
0x208: {  	v19 =	vadd.f32 v19, v20;
	v20 =	vmul.f32 v21, v17;
	_ =	sdelay $0x1  }
0x209: {  	v19 =	vadd.f32 v20, v19;
	v20 =	vmul.f32 v22, v18;
	_ =	sdelay $0x1  }
0x20a: {  	v19 =	vadd.f32 v20, v19;
	_ =	sdelay $0x1  }
0x20b: {  	[tilespmem:s30+$0xCB90] =	vst v19  }
0x20c: {  	s1 =	sor.u32 s29, s13;
	v21 =	vld [tilespmem:s28+$0xBA0]  }
0x20d: {  	v22 =	vld [tilespmem:s1+$0x780]  }
.Ltmp0:
0x20e: {  	v20 =	vld [tilespmem:s28+$0x3BA0];
	(pc) =	sbr.rel @p0 .LBB2_3-.Ltmp0, $3  }
0x20f: {  	v19 =	vld [tilespmem:s1+$0x3780];
	_ =	sdelay $0x1  }
0x210: {  	v21 =	vmul.f32 v21, v15  }
0x211: {  	s9 =	sadd.s32 $0x1, s9;
	s7 =	sadd.s32 $0x1, s7;
	s0 =	sadd.s32 $0x1, s0;
	v22 =	vmul.f32 v22, v16  }
0x212: {  	_ = 	snop  }
0x213: {  	v20 =	vmul.f32 v20, v17;
	v21 =	vadd.f32 v22, v21;
	_ =	sdelay $0x1  }
0x214: {  	v19 =	vmul.f32 v19, v18;
	v20 =	vadd.f32 v20, v21;
	_ =	sdelay $0x1  }
0x215: {  	v19 =	vadd.f32 v19, v20;
	_ =	sdelay $0x1  }
0x216: {  	[tilespmem:s30+$0xCBA0] =	vst v19  }
0x217: {  	s0 =	sor.u32 s29, s11;
	v19 =	vld [tilespmem:s28+$0xBB0]  }
0x218: {  	v59 =	vld [tilespmem:s0+$0x780];
	_ =	sdelay $0x1  }
0x219: {  	v60 =	vld [tilespmem:s28+$0x3BB0];
	_ =	sdelay $0x1  }
0x21a: {  	v61 =	vld [tilespmem:s0+$0x3780]  }
0x21b: {  	s25 =	smulhi.u32 $0x92492493, s31;
	v15 =	vmul.f32 v19, v15;
	v16 =	vmul.f32 v59, v16;
	_ =	sdelay $0x1  }
0x21c: {  	s1 =	rddreg [dreg:$0x3];
	s0 =	sshrl.u32 s25, $0x2;
	v62 =	vmul.f32 v60, v17;
	v15 =	vadd.f32 v16, v15  }
0x21d: {  	s1 =	sadd.s32 s1, s0;
	s0 =	smul.u32 $0x7, s0  }
0x21e: {  	s2 =	rddreg [dreg:$0x4];
	s1 =	smul.u32 $0xE0, s1;
	v63 =	vmul.f32 v61, v18;
	v15 =	vadd.f32 v62, v15  }
0x21f: {  	s26 =	rddreg [dreg:$0x5];
	s29 =	simm.s32 $0xC780;
	s0 =	ssub.s32 s31, s0  }
0x220: {  	p0 =	seq.s32 s21, $0xC3;
	s1 =	sadd.s32 s2, s1;
	s0 =	sshll.u32 s0, $0xA;
	v15 =	vadd.f32 v63, v15  }
0x221: {  	s28 =	simm.s32 $0x0;
	s1 =	sshll.u32 s1, $0x5;
	s0 =	sadd.s32 s26, s0  }
.Ltmp1:
0x222: {  	s0 =	sadd.s32 s1, s0;
	[tilespmem:s30+$0xCBB0] =	vst v15;
	s30 =	simm.s32 $0x2;
	(pc) =	sbr.rel @p0 .LBB2_6-.Ltmp1, $4  }
0x223: {  	[hbm4b:s0+s28] =	stream.linear.scatter [tilespmem:s29], [sflag:$0x2], $0x2000, $0x38;
	[tilespmem:$0xE780] =	vst v63  }
0x224: {  	_ =	swait.ge [sflag:s30], $0x2000  }
0x225: {  	[sflag:s30] =	ssyncset.done $0x0  }
0x226: {  	[sflag:s30] =	ssyncadd.s32 $0xFFFFE000  }
0x227: {  	s0 =	sadd.s32 $0x2, s31  }
0x228: {  	s1 =	smulhi.u32 $0x92492493, s0;
	_ =	sdelay $0x1  }
0x229: {  	s3 =	rddreg [dreg:$0x3];
	s1 =	sshrl.u32 s1, $0x2  }
0x22a: {  	s2 =	smul.u32 $0x7, s1;
	s1 =	sadd.s32 s3, s1  }
0x22b: {  	s1 =	scvt.s32.f32 s1  }
0x22c: {  	s0 =	ssub.s32 s0, s2  }
0x22d: {  	s0 =	sshll.u32 s0, $0x5;
	s1 =	smul.f32 $8.968610310e-03, s1  }
0x22e: {  	v15 =	vor.u32 s0, v3  }
0x22f: {  	v15 =	vcvt.s32.f32 v15;
	s1 =	sadd.f32 $-1.000000000e+00, s1;
	_ =	sdelay $0x1  }
0x230: {  	v15 =	vmul.f32 $8.968610310e-03, v15;
	v16 =	vmov s1  }
0x231: {  	v16 =	vbroadcast v16, $0x0  }
0x232: {  	v15 =	vadd.f32 $-1.000000000e+00, v15  }
0x233: {  	v17 =	vshrl.u32 v16, $0x10  }
0x234: {  	v18 =	vshrl.u32 v15, $0x10;
	v17 =	vand.u32 $0x1, v17  }
0x235: {  	v18 =	vand.u32 $0x1, v18;
	v16 =	vadd.s32 v17, v16  }
0x236: {  	v15 =	vadd.s32 v18, v15;
	v16 =	vadd.s32 $0x7FFF, v16  }
0x237: {  	v15 =	vadd.s32 $0x7FFF, v15;
	v16 =	vand.u32 $0xFFFF0000, v16  }
0x238: {  	v15 =	vand.u32 $0xFFFF0000, v15;
	v31 =	vmul.f32 v16, v9;
	v16 =	vmul.f32 v16, v11  }
0x239: {  	v32 =	vmul.f32 v15, v10;
	v15 =	vmul.f32 v15, v12;
	_ =	sdelay $0x1  }
0x23a: {  	s0 =	sor.u32 $0x10, s0;
	v18 =	vadd.f32 v32, v31;
	v15 =	vadd.f32 v15, v16  }
0x23b: {  	v19 =	vor.u32 s0, v3  }
0x23c: {  	v19 =	vcvt.s32.f32 v19;
	v18 =	vadd.f32 v18, v13;
	v15 =	vadd.f32 v15, v14;
	_ =	sdelay $0x1  }
0x23d: {  	v19 =	vmul.f32 $8.968610310e-03, v19;
	v18 =	vadd.f32 $1.000000000e+00, v18;
	v15 =	vadd.f32 $1.000000000e+00, v15;
	_ =	sdelay $0x1  }
0x23e: {  	v19 =	vadd.f32 $-1.000000000e+00, v19;
	v18 =	vmul.f32 $1.120000000e+02, v18;
	v15 =	vmul.f32 $1.120000000e+02, v15;
	_ =	sdelay $0x1  }
0x23f: {  	v33 =	vshrl.u32 v19, $0x10;
	v20 =	vtrunc.f32 v18;
	v23 =	vtrunc.f32 v15  }
0x240: {  	v21 =	vcvt.f32.s32 v20;
	vm2 =	vlt.f32 v18, v20;
	v20 =	vand.u32 $0x1, v33  }
0x241: {  	v34 =	vcvt.f32.s32 v23;
	v22 =	vsel vm2, $0xFFFFFFFF, v4;
	v19 =	vadd.s32 v20, v19  }
0x242: {  	vm2 =	vlt.f32 v15, v23;
	v21 =	vadd.s32 v21, v22;
	v19 =	vadd.s32 $0x7FFF, v19  }
0x243: {  	v23 =	vsel vm2, $0xFFFFFFFF, v4;
	v35 =	vadd.s32 $0x1, v21;
	v19 =	vand.u32 $0xFFFF0000, v19  }
0x244: {  	v22 =	vadd.s32 v34, v23;
	vm2 =	vgt.s32 v35, $0x0;
	v36 =	vmul.f32 v19, v10  }
0x245: {  	v19 =	vmul.f32 v19, v12;
	v20 =	vnsel vm2, $0x0, v35;
	vm2 =	vgt.s32 v22, $0x0  }
0x246: {  	v20 =	vmin.u32 v20, $0xDF;
	v24 =	vnsel vm2, $0x0, v22;
	vm2 =	vgt.s32 v21, $0x0  }
0x247: {  	v17 =	vadd.f32 v36, v31;
	v22 =	vadd.s32 $0x1, v22;
	v16 =	vadd.f32 v19, v16  }
0x248: {  	v21 =	vnsel vm2, $0x0, v21;
	v37 =	vmin.u32 v24, $0xDF;
	vm2 =	vgt.s32 v22, $0x0  }
0x249: {  	v24 =	vmul.u32 $0xE0, v37;
	v17 =	vadd.f32 v17, v13;
	v21 =	vmin.u32 v21, $0xDF  }
0x24a: {  	v38 =	vnsel vm2, $0x0, v22;
	v16 =	vadd.f32 v16, v14;
	v23 =	vcvt.s32.f32 v37  }
0x24b: {  	v19 =	vmin.u32 v38, $0xDF;
	v39 =	vadd.s32 v1, v24;
	v17 =	vadd.f32 $1.000000000e+00, v17  }
0x24c: {  	v25 =	vsub.s32 v19, v37;
	v16 =	vadd.f32 $1.000000000e+00, v16;
	v19 =	vcvt.s32.f32 v19  }
0x24d: {  	v24 =	vadd.s32 v21, v39;
	v22 =	vadd.s32 v20, v39;
	v21 =	vcvt.s32.f32 v21  }
0x24e: {  	v20 =	vcvt.s32.f32 v20;
	v25 =	vmul.u32 $0xC0, v25;
	v17 =	vmul.f32 $1.120000000e+02, v17  }
0x24f: {  	v16 =	vmul.f32 $1.120000000e+02, v16;
	v19 =	vsub.f32 v19, v15;
	v15 =	vsub.f32 v15, v23  }
0x250: {  	[tilespmem:$0x80] =	vst v24;
	v20 =	vsub.f32 v20, v18;
	v18 =	vsub.f32 v18, v21;
	v26 =	vtrunc.f32 v17  }
0x251: {  	v44 =	vld [tilespmem:$0x80];
	v40 =	vtrunc.f32 v16;
	v27 =	vcvt.f32.s32 v26;
	vm2 =	vlt.f32 v17, v26  }
0x252: {  	v28 =	vmul.f32 v19, v20;
	v20 =	vmul.f32 v20, v15;
	v26 =	vsel vm2, $0xFFFFFFFF, v4  }
0x253: {  	vm2 =	vlt.f32 v16, v40;
	v26 =	vadd.s32 v27, v26;
	v27 =	vcvt.f32.s32 v40  }
0x254: {  	v19 =	vmul.f32 v19, v18;
	v41 =	vsel vm2, $0xFFFFFFFF, v4;
	v42 =	vadd.s32 $0x1, v26  }
0x255: {  	v15 =	vmul.f32 v15, v18;
	v43 =	vadd.s32 v27, v41;
	vm2 =	vgt.s32 v42, $0x0  }
0x256: {  	v48 =	vshrl.u32 v44, $0x3;
	v24 =	vnsel vm2, $0x0, v42;
	vm2 =	vgt.s32 v43, $0x0  }
0x257: {  	v23 =	vand.u32 $0x7, v44;
	v21 =	vadd.s32 $0x1, v43;
	v45 =	vnsel vm2, $0x0, v43  }
0x258: {  	vm2 =	vgt.s32 v26, $0x0;
	v47 =	vmin.u32 v24, $0xDF;
	v24 =	vmul.u32 $0x18, v48  }
0x259: {  	[tilespmem:$0x100] =	vst v22;
	v18 =	vmin.u32 v45, $0xDF;
	v26 =	vnsel vm2, $0x0, v26;
	vm2 =	vgt.s32 v21, $0x0  }
0x25a: {  	[tilespmem:$0x480] =	vst v25;
	v51 =	vcvt.s32.f32 v47;
	v46 =	vmul.u32 $0xE0, v18;
	v21 =	vnsel vm2, $0x0, v21  }
0x25b: {  	[tilespmem:$0x300] =	vst v20;
	v49 =	vmin.u32 v26, $0xDF;
	v52 =	vor.u32 v23, v24;
	v21 =	vmin.u32 v21, $0xDF  }
0x25c: {  	[tilespmem:$0x400] =	vst v15;
	v15 =	vcvt.s32.f32 v49;
	v20 =	vsub.f32 v51, v17;
	v53 =	vcvt.s32.f32 v21  }
0x25d: {  	[tilespmem:$0x280] =	vst v28;
	v50 =	vadd.s32 v1, v46;
	v21 =	vsub.s32 v21, v18;
	v18 =	vcvt.s32.f32 v18  }
0x25e: {  	[tilespmem:$0x380] =	vst v19;
	v56 =	vperm.xlane v52, v6;
	v54 =	vadd.s32 v49, v50;
	v23 =	vsub.f32 v53, v16  }
0x25f: {  	v27 =	vadd.s32 v47, v50;
	v55 =	vmul.u32 $0xC0, v21;
	[tilespmem:$0x90] =	vst v54;
	v16 =	vsub.f32 v16, v18  }
0x260: {  	v15 =	vsub.f32 v17, v15;
	[tilespmem:$0x110] =	vst v27;
	v57 =	vmul.f32 v23, v20  }
0x261: {  	v18 =	vadd.s32 v7, v56;
	[tilespmem:$0x490] =	vst v55;
	v58 =	vmul.f32 v20, v16  }
0x262: {  	v59 =	vmul.f32 v23, v15;
	[tilespmem:$0x290] =	vst v57  }
0x263: {  	v60 =	vperm.xlane v52, v8;
	v15 =	vmul.f32 v16, v15;
	[tilespmem:$0x310] =	vst v58  }
0x264: {  	[tilespmem:$0x390] =	vst v59  }
0x265: {  	s13 =	simm.s32 $0x0;
	s14 =	simm.s32 $0x780;
	[tilespmem:$0x410] =	vst v15;
	v15 =	vadd.s32 v7, v60  }
0x266: {  	[tilespmem:s14], [sflag:$0x1] =	stream.indirect_vreg.gather [hbm4b:s5+s13], $0x80, v18, vm0, $0xb8;
	[tilespmem:$0xE780] =	vst v63  }
0x267: {  	s15 =	simm.s32 $0xF80  }
0x268: {  	[tilespmem:s15], [sflag:$0x1] =	stream.indirect_vreg.gather [hbm4b:s8+s13], $0x80, v18, vm1, $0xb8;
	[tilespmem:$0xE780] =	vst v63  }
0x269: {  	s16 =	simm.s32 $0x1380  }
0x26a: {  	[tilespmem:s16], [sflag:$0x1] =	stream.indirect_vreg.gather [hbm4b:s5+s13], $0x80, v15, vm0, $0xb8;
	[tilespmem:$0xE780] =	vst v63  }
0x26b: {  	s17 =	simm.s32 $0x1B80  }
0x26c: {  	[tilespmem:s17], [sflag:$0x1] =	stream.indirect_vreg.gather [hbm4b:s8+s13], $0x80, v15, vm1, $0xb8;
	[tilespmem:$0xE780] =	vst v63  }
0x26d: {  	v15 =	vld [tilespmem:$0x90];
	_ =	sdelay $0x4  }
0x26e: {  	v61 =	vshrl.u32 v15, $0x3  }
0x26f: {  	v16 =	vmul.u32 $0x18, v61  }
0x270: {  	v15 =	vand.u32 $0x7, v15  }
0x271: {  	v15 =	vor.u32 v15, v16  }
0x272: {  	v16 =	vperm.xlane v15, v6;
	_ =	sdelay $0x1  }
0x273: {  	v16 =	vadd.s32 v7, v16;
	_ =	sdelay $0x1  }
0x274: {  	v15 =	vperm.xlane v15, v8;
	_ =	sdelay $0x1  }
0x275: {  	s18 =	simm.s32 $0x1F80;
	v15 =	vadd.s32 v7, v15  }
0x276: {  	[tilespmem:s18], [sflag:$0x1] =	stream.indirect_vreg.gather [hbm4b:s5+s13], $0x80, v16, vm0, $0xb8;
	[tilespmem:$0xE780] =	vst v63  }
0x277: {  	s19 =	simm.s32 $0x2780  }
0x278: {  	[tilespmem:s19], [sflag:$0x1] =	stream.indirect_vreg.gather [hbm4b:s8+s13], $0x80, v16, vm1, $0xb8;
	[tilespmem:$0xE780] =	vst v63  }
0x279: {  	s20 =	simm.s32 $0x2B80  }
0x27a: {  	[tilespmem:s20], [sflag:$0x1] =	stream.indirect_vreg.gather [hbm4b:s5+s13], $0x80, v15, vm0, $0xb8;
	[tilespmem:$0xE780] =	vst v63  }
0x27b: {  	s22 =	simm.s32 $0x3380  }
0x27c: {  	[tilespmem:s22], [sflag:$0x1] =	stream.indirect_vreg.gather [hbm4b:s8+s13], $0x80, v15, vm1, $0xb8;
	[tilespmem:$0xE780] =	vst v63  }
0x27d: {  	v15 =	vld [tilespmem:$0x100];
	_ =	sdelay $0x4  }
0x27e: {  	v62 =	vshrl.u32 v15, $0x3  }
0x27f: {  	v16 =	vmul.u32 $0x18, v62  }
0x280: {  	v15 =	vand.u32 $0x7, v15  }
0x281: {  	v15 =	vor.u32 v15, v16  }
0x282: {  	v16 =	vperm.xlane v15, v6;
	_ =	sdelay $0x1  }
0x283: {  	v16 =	vadd.s32 v7, v16;
	_ =	sdelay $0x1  }
0x284: {  	v15 =	vperm.xlane v15, v8;
	_ =	sdelay $0x1  }
0x285: {  	s23 =	simm.s32 $0x3780;
	v15 =	vadd.s32 v7, v15  }
0x286: {  	[tilespmem:s23], [sflag:$0x1] =	stream.indirect_vreg.gather [hbm4b:s5+s13], $0x80, v16, vm0, $0xb8;
	[tilespmem:$0xE780] =	vst v63  }
0x287: {  	s24 =	simm.s32 $0x3F80  }
0x288: {  	[tilespmem:s24], [sflag:$0x1] =	stream.indirect_vreg.gather [hbm4b:s8+s13], $0x80, v16, vm1, $0xb8;
	[tilespmem:$0xE780] =	vst v63  }
0x289: {  	s25 =	simm.s32 $0x4380  }
0x28a: {  	[tilespmem:s25], [sflag:$0x1] =	stream.indirect_vreg.gather [hbm4b:s5+s13], $0x80, v15, vm0, $0xb8;
	[tilespmem:$0xE780] =	vst v63  }
0x28b: {  	s26 =	simm.s32 $0x4B80  }
0x28c: {  	[tilespmem:s26], [sflag:$0x1] =	stream.indirect_vreg.gather [hbm4b:s8+s13], $0x80, v15, vm1, $0xb8;
	[tilespmem:$0xE780] =	vst v63  }
0x28d: {  	v15 =	vld [tilespmem:$0x110];
	_ =	sdelay $0x4  }
0x28e: {  	v63 =	vshrl.u32 v15, $0x3  }
0x28f: {  	v16 =	vmul.u32 $0x18, v63  }
0x290: {  	v15 =	vand.u32 $0x7, v15  }
0x291: {  	v15 =	vor.u32 v15, v16  }
0x292: {  	v16 =	vperm.xlane v15, v6;
	_ =	sdelay $0x1  }
0x293: {  	v16 =	vadd.s32 v7, v16;
	_ =	sdelay $0x1  }
0x294: {  	v15 =	vperm.xlane v15, v8;
	_ =	sdelay $0x1  }
0x295: {  	s28 =	simm.s32 $0x4F80;
	v15 =	vadd.s32 v7, v15  }
0x296: {  	[tilespmem:s28], [sflag:$0x1] =	stream.indirect_vreg.gather [hbm4b:s5+s13], $0x80, v16, vm0, $0xb8;
	[tilespmem:$0xE780] =	vst v63  }
0x297: {  	s29 =	simm.s32 $0x5780  }
0x298: {  	[tilespmem:s29], [sflag:$0x1] =	stream.indirect_vreg.gather [hbm4b:s8+s13], $0x80, v16, vm1, $0xb8;
	[tilespmem:$0xE780] =	vst v63  }
0x299: {  	s30 =	simm.s32 $0x5B80  }
0x29a: {  	[tilespmem:s30], [sflag:$0x1] =	stream.indirect_vreg.gather [hbm4b:s5+s13], $0x80, v15, vm0, $0xb8;
	[tilespmem:$0xE780] =	vst v63  }
0x29b: {  	s31 =	simm.s32 $0x6380  }
0x29c: {  	[tilespmem:s31], [sflag:$0x1] =	stream.indirect_vreg.gather [hbm4b:s8+s13], $0x80, v15, vm1, $0xb8;
	[tilespmem:$0xE780] =	vst v63  }
.LBB2_6:
0x29d: {  	s31 =	simm.s32 $0x1  }
0x29e: {  	_ =	swait.ge [sflag:s31], $0x3000  }
0x29f: {  	[sflag:s31] =	ssyncset.done $0x0  }
0x2a0: {  	[sflag:s31] =	ssyncadd.s32 $0xFFFFD000  }
0x2a1: {  	_ =	swait.ge [sflag:s31], $0x3000  }
0x2a2: {  	[sflag:s31] =	ssyncset.done $0x0  }
0x2a3: {  	s24 =	simm.s32 $0x700;
	[sflag:s31] =	ssyncadd.s32 $0xFFFFD000  }
0x2a4: {  	v15 =	vld [tilespmem:s24+$0x0];
	_ =	sdelay $0x4  }
0x2a5: {  	(v2sf) =	vpush v15, $0x0;
	_ =	sdelay $0xe  }
0x2a6: {  	s0 =	simm.s32 $0x0;
	s3 =	spop (v2sf)  }
0x2a7: {  	s25 =	simm.s32 $0x0;
	s0 =	smul.u32 $0xC00, s0;
	s1 =	sshll.u32 s3, $0x3  }
0x2a8: {  	s2 =	simm.s32 $0x580;
	s29 =	sand.u32 $0x380, s25;
	s7 =	sand.u32 $0xFFFFFC00, s1  }
0x2a9: {  	s28 =	sor.u32 s29, s0;
	v16 =	vld.msk [tilespmem:s2+$0x0 ss:$0x0], $0xffff;
	s9 =	sand.u32 $0x7F, s3;
	s1 =	sadd.s32 s0, s7  }
0x2aa: {  	s4 =	simm.s32 $0x500;
	v19 =	vld [tilespmem:s28+$0x6780];
	s1 =	sor.u32 s9, s1  }
0x2ab: {  	v15 =	vld.msk [tilespmem:s4+$0x0 ss:$0x0], $0xffff;
	s1 =	sor.u32 s29, s1  }
0x2ac: {  	s16 =	simm.s32 $0x600;
	v20 =	vld [tilespmem:s1+$0x6780]  }
0x2ad: {  	v17 =	vld.msk [tilespmem:s16+$0x0 ss:$0x0], $0xffff  }
0x2ae: {  	s26 =	simm.s32 $0x680;
	v21 =	vld [tilespmem:s28+$0x9780]  }
0x2af: {  	v18 =	vld.msk [tilespmem:s26+$0x0 ss:$0x0], $0xffff  }
0x2b0: {  	v22 =	vld [tilespmem:s1+$0x9780]  }
0x2b1: {  	v19 =	vmul.f32 v19, v15;
	v20 =	vmul.f32 v20, v16;
	_ =	sdelay $0x1  }
0x2b2: {  	v21 =	vmul.f32 v21, v17;
	v19 =	vadd.f32 v20, v19;
	_ =	sdelay $0x1  }
0x2b3: {  	s17 =	sadd.s32 $0x10, s3;
	v20 =	vmul.f32 v22, v18;
	v19 =	vadd.f32 v21, v19  }
0x2b4: {  	s19 =	simm.s32 $0x0;
	s18 =	sshll.u32 s17, $0x3  }
0x2b5: {  	s4 =	sand.u32 $0x3FFFF800, s19;
	s2 =	sand.u32 $0xFFFFFC00, s18;
	v19 =	vadd.f32 v20, v19  }
0x2b6: {  	s30 =	sor.u32 s29, s4;
	s2 =	sadd.s32 s0, s2;
	s1 =	sand.u32 $0x7F, s17  }
0x2b7: {  	s1 =	sor.u32 s1, s2;
	[tilespmem:s30+$0xC780] =	vst v19  }
0x2b8: {  	s1 =	sor.u32 s29, s1;
	v19 =	vld [tilespmem:s28+$0x6790]  }
0x2b9: {  	v20 =	vld [tilespmem:s1+$0x6780];
	_ =	sdelay $0x1  }
0x2ba: {  	v21 =	vld [tilespmem:s28+$0x9790];
	_ =	sdelay $0x1  }
0x2bb: {  	v22 =	vld [tilespmem:s1+$0x9780]  }
0x2bc: {  	v19 =	vmul.f32 v19, v15;
	v20 =	vmul.f32 v20, v16;
	_ =	sdelay $0x1  }
0x2bd: {  	v19 =	vadd.f32 v20, v19;
	v20 =	vmul.f32 v21, v17;
	_ =	sdelay $0x1  }
0x2be: {  	s20 =	sadd.s32 $0x20, s3;
	v19 =	vadd.f32 v20, v19;
	v20 =	vmul.f32 v22, v18  }
0x2bf: {  	s22 =	sshll.u32 s20, $0x3  }
0x2c0: {  	s2 =	sand.u32 $0xFFFFFC00, s22;
	v19 =	vadd.f32 v20, v19  }
0x2c1: {  	s2 =	sadd.s32 s0, s2;
	s1 =	sand.u32 $0x7F, s20  }
0x2c2: {  	s1 =	sor.u32 s1, s2;
	[tilespmem:s30+$0xC790] =	vst v19  }
0x2c3: {  	s1 =	sor.u32 s29, s1;
	v19 =	vld [tilespmem:s28+$0x67A0]  }
0x2c4: {  	v20 =	vld [tilespmem:s1+$0x6780];
	_ =	sdelay $0x1  }
0x2c5: {  	v21 =	vld [tilespmem:s28+$0x97A0];
	_ =	sdelay $0x1  }
0x2c6: {  	v22 =	vld [tilespmem:s1+$0x9780]  }
0x2c7: {  	v19 =	vmul.f32 v19, v15;
	v20 =	vmul.f32 v20, v16;
	_ =	sdelay $0x1  }
0x2c8: {  	v19 =	vadd.f32 v20, v19;
	v20 =	vmul.f32 v21, v17;
	_ =	sdelay $0x1  }
0x2c9: {  	s23 =	sadd.s32 $0x30, s3;
	v19 =	vadd.f32 v20, v19;
	v20 =	vmul.f32 v22, v18  }
0x2ca: {  	s4 =	sshll.u32 s23, $0x3  }
0x2cb: {  	s2 =	sand.u32 $0xFFFFFC00, s4;
	v19 =	vadd.f32 v20, v19  }
0x2cc: {  	s2 =	sadd.s32 s0, s2;
	s1 =	sand.u32 $0x7F, s23  }
0x2cd: {  	s1 =	sor.u32 s1, s2;
	[tilespmem:s30+$0xC7A0] =	vst v19  }
0x2ce: {  	s1 =	sor.u32 s29, s1;
	v19 =	vld [tilespmem:s28+$0x67B0]  }
0x2cf: {  	v20 =	vld [tilespmem:s1+$0x6780];
	_ =	sdelay $0x1  }
0x2d0: {  	v21 =	vld [tilespmem:s28+$0x97B0];
	_ =	sdelay $0x1  }
0x2d1: {  	v22 =	vld [tilespmem:s1+$0x9780]  }
0x2d2: {  	v19 =	vmul.f32 v19, v15;
	v20 =	vmul.f32 v20, v16;
	_ =	sdelay $0x1  }
0x2d3: {  	v19 =	vadd.f32 v20, v19;
	v20 =	vmul.f32 v21, v17;
	_ =	sdelay $0x1  }
0x2d4: {  	s6 =	sadd.s32 $0x40, s3;
	v19 =	vadd.f32 v20, v19;
	v20 =	vmul.f32 v22, v18  }
0x2d5: {  	s10 =	sshll.u32 s6, $0x3  }
0x2d6: {  	s2 =	sand.u32 $0xFFFFFC00, s10;
	v19 =	vadd.f32 v20, v19  }
0x2d7: {  	s2 =	sadd.s32 s0, s2;
	s1 =	sand.u32 $0x7F, s6  }
0x2d8: {  	s1 =	sor.u32 s1, s2;
	[tilespmem:s30+$0xC7B0] =	vst v19  }
0x2d9: {  	s1 =	sor.u32 s29, s1;
	v19 =	vld [tilespmem:s28+$0x67C0]  }
0x2da: {  	v20 =	vld [tilespmem:s1+$0x6780];
	_ =	sdelay $0x1  }
0x2db: {  	v21 =	vld [tilespmem:s28+$0x97C0];
	_ =	sdelay $0x1  }
0x2dc: {  	v22 =	vld [tilespmem:s1+$0x9780]  }
0x2dd: {  	v19 =	vmul.f32 v19, v15;
	v20 =	vmul.f32 v20, v16;
	_ =	sdelay $0x1  }
0x2de: {  	v19 =	vadd.f32 v20, v19;
	v20 =	vmul.f32 v21, v17;
	_ =	sdelay $0x1  }
0x2df: {  	s11 =	sadd.s32 $0x50, s3;
	v19 =	vadd.f32 v20, v19;
	v20 =	vmul.f32 v22, v18  }
0x2e0: {  	s12 =	sshll.u32 s11, $0x3  }
0x2e1: {  	s2 =	sand.u32 $0xFFFFFC00, s12;
	v19 =	vadd.f32 v20, v19  }
0x2e2: {  	s2 =	sadd.s32 s0, s2;
	s1 =	sand.u32 $0x7F, s11  }
0x2e3: {  	s1 =	sor.u32 s1, s2;
	[tilespmem:s30+$0xC7C0] =	vst v19  }
0x2e4: {  	s1 =	sor.u32 s29, s1;
	v19 =	vld [tilespmem:s28+$0x67D0]  }
0x2e5: {  	v20 =	vld [tilespmem:s1+$0x6780];
	_ =	sdelay $0x1  }
0x2e6: {  	v21 =	vld [tilespmem:s28+$0x97D0];
	_ =	sdelay $0x1  }
0x2e7: {  	v22 =	vld [tilespmem:s1+$0x9780]  }
0x2e8: {  	v19 =	vmul.f32 v19, v15;
	v20 =	vmul.f32 v20, v16;
	_ =	sdelay $0x1  }
0x2e9: {  	v19 =	vadd.f32 v20, v19;
	v20 =	vmul.f32 v21, v17;
	_ =	sdelay $0x1  }
0x2ea: {  	s13 =	sadd.s32 $0x60, s3;
	v19 =	vadd.f32 v20, v19;
	v20 =	vmul.f32 v22, v18  }
0x2eb: {  	s14 =	sshll.u32 s13, $0x3  }
0x2ec: {  	s2 =	sand.u32 $0xFFFFFC00, s14;
	v19 =	vadd.f32 v20, v19  }
0x2ed: {  	s2 =	sadd.s32 s0, s2;
	s1 =	sand.u32 $0x7F, s13  }
0x2ee: {  	s1 =	sor.u32 s1, s2;
	[tilespmem:s30+$0xC7D0] =	vst v19  }
0x2ef: {  	s1 =	sor.u32 s29, s1;
	v19 =	vld [tilespmem:s28+$0x67E0]  }
0x2f0: {  	v20 =	vld [tilespmem:s1+$0x6780];
	_ =	sdelay $0x1  }
0x2f1: {  	v21 =	vld [tilespmem:s28+$0x97E0];
	_ =	sdelay $0x1  }
0x2f2: {  	v22 =	vld [tilespmem:s1+$0x9780]  }
0x2f3: {  	v19 =	vmul.f32 v19, v15;
	v20 =	vmul.f32 v20, v16;
	_ =	sdelay $0x1  }
0x2f4: {  	v19 =	vadd.f32 v20, v19;
	v20 =	vmul.f32 v21, v17  }
0x2f5: {  	s15 =	sadd.s32 $0x70, s3  }
0x2f6: {  	s16 =	sshll.u32 s15, $0x3;
	v19 =	vadd.f32 v20, v19;
	v20 =	vmul.f32 v22, v18  }
0x2f7: {  	s2 =	sand.u32 $0xFFFFFC00, s16  }
0x2f8: {  	s2 =	sadd.s32 s0, s2;
	s1 =	sand.u32 $0x7F, s15;
	v19 =	vadd.f32 v20, v19  }
0x2f9: {  	s1 =	sor.u32 s1, s2  }
0x2fa: {  	s1 =	sor.u32 s29, s1;
	[tilespmem:s30+$0xC7E0] =	vst v19  }
0x2fb: {  	v19 =	vld [tilespmem:s1+$0x6780]  }
0x2fc: {  	v20 =	vld [tilespmem:s28+$0x67F0];
	_ =	sdelay $0x1  }
0x2fd: {  	v21 =	vld [tilespmem:s28+$0x97F0];
	_ =	sdelay $0x1  }
0x2fe: {  	v22 =	vld [tilespmem:s1+$0x9780]  }
0x2ff: {  	v19 =	vmul.f32 v19, v16;
	v20 =	vmul.f32 v20, v15;
	_ =	sdelay $0x1  }
0x300: {  	v19 =	vadd.f32 v19, v20;
	v20 =	vmul.f32 v21, v17;
	_ =	sdelay $0x1  }
0x301: {  	v19 =	vadd.f32 v20, v19;
	v20 =	vmul.f32 v22, v18;
	_ =	sdelay $0x1  }
0x302: {  	v19 =	vadd.f32 v20, v19;
	_ =	sdelay $0x1  }
0x303: {  	s17 =	sor.u32 s9, s28;
	[tilespmem:s30+$0xC7F0] =	vst v19  }
0x304: {  	s1 =	sadd.s32 s7, s17;
	v19 =	vld [tilespmem:s28+$0x6B80]  }
0x305: {  	v20 =	vld [tilespmem:s1+$0x6B80];
	_ =	sdelay $0x1  }
0x306: {  	v21 =	vld [tilespmem:s28+$0x9B80];
	_ =	sdelay $0x1  }
0x307: {  	v22 =	vld [tilespmem:s1+$0x9B80]  }
0x308: {  	v19 =	vmul.f32 v19, v15;
	v20 =	vmul.f32 v20, v16;
	_ =	sdelay $0x1  }
0x309: {  	v19 =	vadd.f32 v20, v19;
	v20 =	vmul.f32 v21, v17  }
0x30a: {  	s18 =	sadd.s32 $0x90, s3  }
0x30b: {  	s19 =	sshll.u32 s18, $0x3;
	v19 =	vadd.f32 v20, v19;
	v20 =	vmul.f32 v22, v18  }
0x30c: {  	s2 =	sand.u32 $0xFFFFFC00, s19  }
0x30d: {  	s2 =	sadd.s32 s0, s2;
	s1 =	sand.u32 $0x7F, s18;
	v19 =	vadd.f32 v20, v19  }
0x30e: {  	s1 =	sor.u32 s1, s2  }
0x30f: {  	s1 =	sor.u32 s29, s1;
	[tilespmem:s30+$0xCB80] =	vst v19  }
0x310: {  	v19 =	vld [tilespmem:s1+$0x6780]  }
0x311: {  	v20 =	vld [tilespmem:s28+$0x6B90];
	_ =	sdelay $0x1  }
0x312: {  	v21 =	vld [tilespmem:s28+$0x9B90];
	_ =	sdelay $0x1  }
0x313: {  	v22 =	vld [tilespmem:s1+$0x9780]  }
0x314: {  	v19 =	vmul.f32 v19, v16;
	v20 =	vmul.f32 v20, v15;
	_ =	sdelay $0x1  }
0x315: {  	v19 =	vadd.f32 v19, v20;
	v20 =	vmul.f32 v21, v17;
	_ =	sdelay $0x1  }
0x316: {  	s20 =	sadd.s32 $0xA0, s3;
	v19 =	vadd.f32 v20, v19;
	v20 =	vmul.f32 v22, v18  }
0x317: {  	s22 =	sshll.u32 s20, $0x3  }
0x318: {  	s2 =	sand.u32 $0xFFFFFC00, s22;
	v19 =	vadd.f32 v20, v19  }
0x319: {  	s2 =	sadd.s32 s0, s2;
	s1 =	sand.u32 $0x7F, s20  }
0x31a: {  	s1 =	sor.u32 s1, s2;
	[tilespmem:s30+$0xCB90] =	vst v19  }
0x31b: {  	s1 =	sor.u32 s29, s1;
	v21 =	vld [tilespmem:s28+$0x6BA0]  }
0x31c: {  	v22 =	vld [tilespmem:s1+$0x6780]  }
0x31d: {  	s23 =	sadd.s32 $0xB0, s3  }
0x31e: {  	s3 =	sshll.u32 s23, $0x3;
	v20 =	vld [tilespmem:s28+$0x9BA0]  }
0x31f: {  	s9 =	simm.s32 $0x501;
	s3 =	sand.u32 $0xFFFFFC00, s3  }
0x320: {  	s7 =	simm.s32 $0x581;
	s0 =	sadd.s32 s0, s3;
	s2 =	sand.u32 $0x7F, s23;
	v19 =	vld [tilespmem:s1+$0x9780]  }
0x321: {  	s3 =	simm.s32 $0x1;
	s11 =	sor.u32 s2, s0;
	s0 =	simm.s32 $0x601;
	v21 =	vmul.f32 v21, v15;
	v22 =	vmul.f32 v22, v16  }
.LBB2_7:
0x322: {  	s25 =	sadd.s32 $0x80, s25;
	s24 =	sadd.s32 $0x1, s24;
	s26 =	sadd.s32 $0x1, s26  }
0x323: {  	p0 =	sne.s32 s3, $0x1F;
	v20 =	vmul.f32 v20, v17;
	s13 =	smov.u32 s3;
	s3 =	sadd.s32 $0x1, s3;
	v21 =	vadd.f32 v22, v21  }
0x324: {  	_ = 	snop  }
0x325: {  	v19 =	vmul.f32 v19, v18;
	v20 =	vadd.f32 v20, v21;
	_ =	sdelay $0x1  }
0x326: {  	v19 =	vadd.f32 v19, v20;
	_ =	sdelay $0x1  }
0x327: {  	s1 =	sor.u32 s29, s11;
	[tilespmem:s30+$0xCBA0] =	vst v19  }
0x328: {  	v19 =	vld [tilespmem:s28+$0x6BB0]  }
0x329: {  	v20 =	vld [tilespmem:s1+$0x6780]  }
0x32a: {  	v21 =	vld [tilespmem:s28+$0x9BB0]  }
0x32b: {  	v22 =	vld [tilespmem:s1+$0x9780];
	_ =	sdelay $0x1  }
0x32c: {  	v15 =	vmul.f32 v19, v15  }
0x32d: {  	v16 =	vmul.f32 v20, v16  }
0x32e: {  	v17 =	vmul.f32 v21, v17  }
0x32f: {  	v15 =	vadd.f32 v16, v15  }
0x330: {  	v16 =	vmul.f32 v22, v18  }
0x331: {  	v15 =	vadd.f32 v17, v15;
	_ =	sdelay $0x1  }
0x332: {  	v15 =	vadd.f32 v16, v15;
	_ =	sdelay $0x1  }
0x333: {  	[tilespmem:s30+$0xCBB0] =	vst v15  }
0x334: {  	v15 =	vld [tilespmem:s24+$0x0];
	_ =	sdelay $0x4  }
0x335: {  	(v2sf) =	vpush v15, $0x0;
	_ =	sdelay $0x8  }
0x336: {  	s1 =	sshrl.u32 s13, $0x3  }
0x337: {  	s11 =	smul.u32 $0xC00, s1;
	_ =	sdelay $0x2  }
0x338: {  	s29 =	sand.u32 $0x380, s25;
	v15 =	vld.msk [tilespmem:s9+$0x0 ss:$0x0], $0xffff  }
0x339: {  	s28 =	sor.u32 s29, s11;
	v16 =	vld.msk [tilespmem:s7+$0x0 ss:$0x0], $0xffff  }
0x33a: {  	v18 =	vld [tilespmem:s28+$0x6780];
	s15 =	spop (v2sf)  }
0x33b: {  	s1 =	sshll.u32 s15, $0x3;
	v17 =	vld.msk [tilespmem:s0+$0x0 ss:$0x0], $0xffff;
	s4 =	sadd.s32 $0x10, s15;
	s2 =	sadd.s32 $0x20, s15  }
0x33c: {  	s14 =	sand.u32 $0x7F, s15;
	s12 =	sand.u32 $0xFFFFFC00, s1;
	v19 =	vld [tilespmem:s28+$0x9780];
	s1 =	sshll.u32 s4, $0x3  }
0x33d: {  	s10 =	sshll.u32 s2, $0x3;
	s6 =	sadd.s32 s11, s12;
	s1 =	sand.u32 $0xFFFFFC00, s1  }
0x33e: {  	s10 =	sand.u32 $0xFFFFFC00, s10;
	s6 =	sor.u32 s14, s6;
	s1 =	sadd.s32 s11, s1  }
0x33f: {  	s2 =	sand.u32 $0x7F, s2;
	s16 =	sor.u32 s29, s6;
	s6 =	sadd.s32 s11, s10  }
0x340: {  	v20 =	vmul.f32 v18, v15;
	s10 =	sadd.s32 $0x40, s15;
	v21 =	vld [tilespmem:s16+$0x6780];
	s6 =	sor.u32 s2, s6;
	s2 =	sadd.s32 $0x30, s15  }
0x341: {  	s19 =	sadd.s32 $0x50, s15;
	s18 =	sshll.u32 s10, $0x3;
	s17 =	sshll.u32 s2, $0x3  }
0x342: {  	s10 =	sand.u32 $0x7F, s10;
	v19 =	vmul.f32 v19, v17;
	s18 =	sand.u32 $0xFFFFFC00, s18;
	s17 =	sand.u32 $0xFFFFFC00, s17  }
0x343: {  	s2 =	sand.u32 $0x7F, s2;
	s18 =	sadd.s32 s11, s18;
	v18 =	vld.msk [tilespmem:s26+$0x0 ss:$0x0], $0xffff;
	s17 =	sadd.s32 s11, s17  }
0x344: {  	s20 =	sor.u32 s10, s18;
	s10 =	sshll.u32 s19, $0x3;
	v22 =	vld [tilespmem:s16+$0x9780];
	s2 =	sor.u32 s2, s17  }
0x345: {  	s22 =	sadd.s32 $0x70, s15;
	s10 =	sand.u32 $0xFFFFFC00, s10;
	s16 =	sadd.s32 $0x60, s15;
	v21 =	vmul.f32 v21, v16  }
0x346: {  	s17 =	sand.u32 $0x7F, s19;
	s10 =	sadd.s32 s11, s10;
	s19 =	sshll.u32 s16, $0x3  }
0x347: {  	s4 =	sand.u32 $0x7F, s4;
	s18 =	sor.u32 s17, s10;
	s10 =	sand.u32 $0xFFFFFC00, s19;
	v20 =	vadd.f32 v21, v20  }
0x348: {  	s1 =	sor.u32 s4, s1;
	s4 =	sand.u32 $0x7F, s16;
	s10 =	sadd.s32 s11, s10  }
0x349: {  	s1 =	sor.u32 s29, s1;
	s17 =	sor.u32 s4, s10;
	s4 =	sshll.u32 s22, $0x3;
	v19 =	vadd.f32 v19, v20;
	v20 =	vmul.f32 v22, v18  }
0x34a: {  	s14 =	sor.u32 s14, s28;
	s10 =	sshll.u32 s13, $0x8;
	s4 =	sand.u32 $0xFFFFFC00, s4  }
0x34b: {  	s13 =	sand.u32 $0x7F, s22;
	s10 =	sand.u32 $0x3FFFF800, s10;
	s4 =	sadd.s32 s11, s4;
	v19 =	vadd.f32 v20, v19  }
0x34c: {  	s30 =	sor.u32 s29, s10;
	s16 =	sor.u32 s13, s4;
	s4 =	sadd.s32 $0x90, s15  }
0x34d: {  	s19 =	sadd.s32 $0xB0, s15;
	s13 =	sadd.s32 $0xA0, s15;
	s10 =	sshll.u32 s4, $0x3;
	[tilespmem:s30+$0xC780] =	vst v19  }
0x34e: {  	s22 =	sshll.u32 s19, $0x3;
	s15 =	sshll.u32 s13, $0x3;
	s10 =	sand.u32 $0xFFFFFC00, s10;
	v19 =	vld [tilespmem:s28+$0x6790]  }
0x34f: {  	s4 =	sand.u32 $0x7F, s4;
	s23 =	sand.u32 $0xFFFFFC00, s15;
	s10 =	sadd.s32 s11, s10;
	v20 =	vld [tilespmem:s1+$0x6780]  }
0x350: {  	s15 =	sor.u32 s4, s10;
	s4 =	sand.u32 $0x7F, s13;
	s10 =	sadd.s32 s11, s23  }
0x351: {  	s13 =	sor.u32 s4, s10;
	s4 =	sand.u32 $0xFFFFFC00, s22;
	v21 =	vld [tilespmem:s28+$0x9790]  }
0x352: {  	s10 =	sand.u32 $0x7F, s19;
	s4 =	sadd.s32 s11, s4  }
0x353: {  	s11 =	sor.u32 s10, s4;
	v22 =	vld [tilespmem:s1+$0x9780]  }
0x354: {  	v19 =	vmul.f32 v19, v15;
	v20 =	vmul.f32 v20, v16;
	_ =	sdelay $0x1  }
0x355: {  	v19 =	vadd.f32 v20, v19;
	v20 =	vmul.f32 v21, v17;
	_ =	sdelay $0x1  }
0x356: {  	v19 =	vadd.f32 v20, v19;
	v20 =	vmul.f32 v22, v18;
	_ =	sdelay $0x1  }
0x357: {  	v19 =	vadd.f32 v20, v19;
	_ =	sdelay $0x1  }
0x358: {  	[tilespmem:s30+$0xC790] =	vst v19  }
0x359: {  	s1 =	sor.u32 s29, s6;
	v19 =	vld [tilespmem:s28+$0x67A0]  }
0x35a: {  	v20 =	vld [tilespmem:s1+$0x6780];
	_ =	sdelay $0x1  }
0x35b: {  	v21 =	vld [tilespmem:s28+$0x97A0];
	_ =	sdelay $0x1  }
0x35c: {  	v22 =	vld [tilespmem:s1+$0x9780]  }
0x35d: {  	v19 =	vmul.f32 v19, v15;
	v20 =	vmul.f32 v20, v16;
	_ =	sdelay $0x1  }
0x35e: {  	v19 =	vadd.f32 v20, v19;
	v20 =	vmul.f32 v21, v17;
	_ =	sdelay $0x1  }
0x35f: {  	v19 =	vadd.f32 v20, v19;
	v20 =	vmul.f32 v22, v18;
	_ =	sdelay $0x1  }
0x360: {  	v19 =	vadd.f32 v20, v19;
	_ =	sdelay $0x1  }
0x361: {  	[tilespmem:s30+$0xC7A0] =	vst v19  }
0x362: {  	s1 =	sor.u32 s29, s2;
	v19 =	vld [tilespmem:s28+$0x67B0]  }
0x363: {  	v20 =	vld [tilespmem:s1+$0x6780];
	_ =	sdelay $0x1  }
0x364: {  	v21 =	vld [tilespmem:s28+$0x97B0];
	_ =	sdelay $0x1  }
0x365: {  	v22 =	vld [tilespmem:s1+$0x9780]  }
0x366: {  	v19 =	vmul.f32 v19, v15;
	v20 =	vmul.f32 v20, v16;
	_ =	sdelay $0x1  }
0x367: {  	v19 =	vadd.f32 v20, v19;
	v20 =	vmul.f32 v21, v17;
	_ =	sdelay $0x1  }
0x368: {  	v19 =	vadd.f32 v20, v19;
	v20 =	vmul.f32 v22, v18;
	_ =	sdelay $0x1  }
0x369: {  	v19 =	vadd.f32 v20, v19;
	_ =	sdelay $0x1  }
0x36a: {  	[tilespmem:s30+$0xC7B0] =	vst v19  }
0x36b: {  	s1 =	sor.u32 s29, s20;
	v19 =	vld [tilespmem:s28+$0x67C0]  }
0x36c: {  	v20 =	vld [tilespmem:s1+$0x6780];
	_ =	sdelay $0x1  }
0x36d: {  	v21 =	vld [tilespmem:s28+$0x97C0];
	_ =	sdelay $0x1  }
0x36e: {  	v22 =	vld [tilespmem:s1+$0x9780]  }
0x36f: {  	v19 =	vmul.f32 v19, v15;
	v20 =	vmul.f32 v20, v16;
	_ =	sdelay $0x1  }
0x370: {  	v19 =	vadd.f32 v20, v19;
	v20 =	vmul.f32 v21, v17;
	_ =	sdelay $0x1  }
0x371: {  	v19 =	vadd.f32 v20, v19;
	v20 =	vmul.f32 v22, v18;
	_ =	sdelay $0x1  }
0x372: {  	v19 =	vadd.f32 v20, v19;
	_ =	sdelay $0x1  }
0x373: {  	[tilespmem:s30+$0xC7C0] =	vst v19  }
0x374: {  	s1 =	sor.u32 s29, s18;
	v19 =	vld [tilespmem:s28+$0x67D0]  }
0x375: {  	v20 =	vld [tilespmem:s1+$0x6780];
	_ =	sdelay $0x1  }
0x376: {  	v21 =	vld [tilespmem:s28+$0x97D0];
	_ =	sdelay $0x1  }
0x377: {  	v19 =	vmul.f32 v19, v15;
	v22 =	vld [tilespmem:s1+$0x9780]  }
0x378: {  	v20 =	vmul.f32 v20, v16;
	_ =	sdelay $0x1  }
0x379: {  	v19 =	vadd.f32 v20, v19;
	v20 =	vmul.f32 v21, v17;
	_ =	sdelay $0x1  }
0x37a: {  	v19 =	vadd.f32 v20, v19;
	v20 =	vmul.f32 v22, v18;
	_ =	sdelay $0x1  }
0x37b: {  	v19 =	vadd.f32 v20, v19;
	_ =	sdelay $0x1  }
0x37c: {  	[tilespmem:s30+$0xC7D0] =	vst v19  }
0x37d: {  	s1 =	sor.u32 s29, s17;
	v19 =	vld [tilespmem:s28+$0x67E0]  }
0x37e: {  	v20 =	vld [tilespmem:s1+$0x6780]  }
0x37f: {  	v21 =	vld [tilespmem:s28+$0x97E0];
	_ =	sdelay $0x2  }
0x380: {  	v19 =	vmul.f32 v19, v15;
	v22 =	vld [tilespmem:s1+$0x9780]  }
0x381: {  	v20 =	vmul.f32 v20, v16;
	_ =	sdelay $0x1  }
0x382: {  	v19 =	vadd.f32 v20, v19;
	v20 =	vmul.f32 v21, v17;
	_ =	sdelay $0x1  }
0x383: {  	v19 =	vadd.f32 v20, v19;
	v20 =	vmul.f32 v22, v18;
	_ =	sdelay $0x1  }
0x384: {  	v19 =	vadd.f32 v20, v19;
	_ =	sdelay $0x1  }
0x385: {  	s1 =	sor.u32 s29, s16;
	[tilespmem:s30+$0xC7E0] =	vst v19  }
0x386: {  	v19 =	vld [tilespmem:s1+$0x6780]  }
0x387: {  	v20 =	vld [tilespmem:s28+$0x67F0]  }
0x388: {  	v21 =	vld [tilespmem:s28+$0x97F0]  }
0x389: {  	v22 =	vld [tilespmem:s1+$0x9780];
	_ =	sdelay $0x1  }
0x38a: {  	v19 =	vmul.f32 v19, v16  }
0x38b: {  	v20 =	vmul.f32 v20, v15;
	_ =	sdelay $0x1  }
0x38c: {  	v19 =	vadd.f32 v19, v20;
	v20 =	vmul.f32 v21, v17;
	_ =	sdelay $0x1  }
0x38d: {  	v19 =	vadd.f32 v20, v19;
	v20 =	vmul.f32 v22, v18;
	_ =	sdelay $0x1  }
0x38e: {  	v19 =	vadd.f32 v20, v19;
	_ =	sdelay $0x1  }
0x38f: {  	[tilespmem:s30+$0xC7F0] =	vst v19  }
0x390: {  	s1 =	sadd.s32 s12, s14;
	v19 =	vld [tilespmem:s28+$0x6B80]  }
0x391: {  	v20 =	vld [tilespmem:s1+$0x6B80]  }
0x392: {  	v21 =	vld [tilespmem:s28+$0x9B80]  }
0x393: {  	v22 =	vld [tilespmem:s1+$0x9B80];
	_ =	sdelay $0x2  }
0x394: {  	v19 =	vmul.f32 v19, v15;
	v20 =	vmul.f32 v20, v16;
	_ =	sdelay $0x1  }
0x395: {  	v19 =	vadd.f32 v20, v19;
	v20 =	vmul.f32 v21, v17;
	_ =	sdelay $0x1  }
0x396: {  	v19 =	vadd.f32 v20, v19;
	v20 =	vmul.f32 v22, v18;
	_ =	sdelay $0x1  }
0x397: {  	v19 =	vadd.f32 v20, v19;
	_ =	sdelay $0x1  }
0x398: {  	s1 =	sor.u32 s29, s15;
	[tilespmem:s30+$0xCB80] =	vst v19  }
0x399: {  	v19 =	vld [tilespmem:s1+$0x6780]  }
0x39a: {  	v20 =	vld [tilespmem:s28+$0x6B90]  }
0x39b: {  	v21 =	vld [tilespmem:s28+$0x9B90]  }
0x39c: {  	v22 =	vld [tilespmem:s1+$0x9780];
	_ =	sdelay $0x1  }
0x39d: {  	v19 =	vmul.f32 v19, v16  }
0x39e: {  	v20 =	vmul.f32 v20, v15;
	_ =	sdelay $0x1  }
0x39f: {  	v19 =	vadd.f32 v19, v20;
	v20 =	vmul.f32 v21, v17;
	_ =	sdelay $0x1  }
0x3a0: {  	v19 =	vadd.f32 v20, v19;
	v20 =	vmul.f32 v22, v18;
	_ =	sdelay $0x1  }
0x3a1: {  	v19 =	vadd.f32 v20, v19;
	_ =	sdelay $0x1  }
0x3a2: {  	[tilespmem:s30+$0xCB90] =	vst v19  }
0x3a3: {  	s1 =	sor.u32 s29, s13;
	v21 =	vld [tilespmem:s28+$0x6BA0]  }
0x3a4: {  	v22 =	vld [tilespmem:s1+$0x6780]  }
.Ltmp2:
0x3a5: {  	v20 =	vld [tilespmem:s28+$0x9BA0];
	(pc) =	sbr.rel @p0 .LBB2_7-.Ltmp2, $3  }
0x3a6: {  	v19 =	vld [tilespmem:s1+$0x9780];
	_ =	sdelay $0x1  }
0x3a7: {  	v21 =	vmul.f32 v21, v15  }
0x3a8: {  	s9 =	sadd.s32 $0x1, s9;
	s7 =	sadd.s32 $0x1, s7;
	s0 =	sadd.s32 $0x1, s0;
	v22 =	vmul.f32 v22, v16  }
0x3a9: {  	_ = 	snop  }
0x3aa: {  	v20 =	vmul.f32 v20, v17;
	v21 =	vadd.f32 v22, v21;
	_ =	sdelay $0x1  }
0x3ab: {  	v19 =	vmul.f32 v19, v18;
	v20 =	vadd.f32 v20, v21;
	_ =	sdelay $0x1  }
0x3ac: {  	v19 =	vadd.f32 v19, v20;
	_ =	sdelay $0x1  }
0x3ad: {  	[tilespmem:s30+$0xCBA0] =	vst v19  }
0x3ae: {  	s0 =	sor.u32 s29, s11;
	v19 =	vld [tilespmem:s28+$0x6BB0]  }
0x3af: {  	v59 =	vld [tilespmem:s0+$0x6780];
	_ =	sdelay $0x1  }
0x3b0: {  	v60 =	vld [tilespmem:s28+$0x9BB0];
	_ =	sdelay $0x1  }
0x3b1: {  	v61 =	vld [tilespmem:s0+$0x9780]  }
0x3b2: {  	v15 =	vmul.f32 v19, v15;
	v16 =	vmul.f32 v59, v16;
	_ =	sdelay $0x1  }
0x3b3: {  	s25 =	rddreg [dreg:$0x9];
	v62 =	vmul.f32 v60, v17;
	v15 =	vadd.f32 v16, v15  }
0x3b4: {  	s1 =	rddreg [dreg:$0x4]  }
0x3b5: {  	s2 =	rddreg [dreg:$0xa];
	s0 =	smul.u32 $0xE0, s25;
	v63 =	vmul.f32 v61, v18;
	v15 =	vadd.f32 v62, v15  }
0x3b6: {  	s26 =	rddreg [dreg:$0x5];
	s1 =	sor.u32 s2, s1  }
0x3b7: {  	s29 =	simm.s32 $0xC780;
	s21 =	sadd.s32 $0x1, s21;
	s0 =	sadd.s32 s0, s1;
	v15 =	vadd.f32 v63, v15  }
0x3b8: {  	p0 =	sne.s32 s21, $0xC4;
	s28 =	simm.s32 $0x0;
	s0 =	sshll.u32 s0, $0x5  }
.Ltmp3:
0x3b9: {  	s0 =	sadd.s32 s26, s0;
	[tilespmem:s30+$0xCBB0] =	vst v15;
	s30 =	simm.s32 $0x2;
	(pc) =	sbr.rel @p0 .LBB2_2-.Ltmp3, $4  }
0x3ba: {  	[hbm4b:s0+s28] =	stream.linear.scatter [tilespmem:s29], [sflag:$0x2], $0x2000, $0x38;
	[tilespmem:$0xE780] =	vst v63  }
0x3bb: {  	_ =	swait.ge [sflag:s30], $0x2000  }
0x3bc: {  	[sflag:s30] =	ssyncset.done $0x0  }
0x3bd: {  	[sflag:s30] =	ssyncadd.s32 $0xFFFFE000  }
0x3be: {  	s1 =	rddreg [dreg:$0x8]  }
0x3bf: {  	s0 =	rddreg [dreg:$0x7];
	s1 =	sadd.s32 $0x1, s1  }
0x3c0: {  	p0 =	sne.s32 s1, s0  }
.Ltmp4:
0x3c1: {  	_ = 	snop;
	(pc) =	sbr.rel @p0 .LBB2_1-.Ltmp4, $1  }
0x3c2: {  	_ =	sdelay $0x3  }
0x3c3: {  	_ =	sfence.sel $0x180000  }
0x3c4: {  	[bflag:$0x0] =	sbarrier.arrive $0xFFFF  }
0x3c5: {  	_ =	strace $0x9000004A  }
0x3c6: {  	s0 =	stileid.u32;
	[bflag:$0x2] =	sbarrier.arrive $0xFFFF  }
0x3c7: {  	p0 =	sne.s32 s0, $0x0;
	s0 =	rddreg [dreg:$0x2]  }
0x3c8: {  	s0 =	sadd.s32 @!p0 $0x100000, s0  }
0x3c9: {  	[sflag:s0] =	ssyncadd.tile.s32 @!p0 $0x1;
	_ =	shalt  }
.Lfunc_end2:
_tile_overlayer_lowered:
.L_overlay_start_2:
0x3ca: {  	(tag) =	ssettag $0x2  }
0x3cb: {  	s0 =	rddreg [dreg:$0x0];
	s2 =	stileid.u32  }
0x3cc: {  	s1 =	rddreg [dreg:$0x1];
	p0 =	sne.s32 s2, $0x0  }
0x3cd: {  	s3 =	rddreg [dreg:$0x2];
	[bflag:$0x3] =	sbarrier.arrive $0xFFFF;
	s2 =	simm.s32 @!p0 $0x1C02  }
0x3ce: {  	[timem:s3], [sflag:s2] =	dma.local @!p0 [hbm:s0], s1  }
0x3cf: {  	s0 =	simm.s32 @!p0 $0x2  }
0x3d0: {  	_ =	swait.ge @!p0 [sflag:s0], s1  }
0x3d1: {  	s1 =	ssub.s32 @!p0 $0x0, s1;
	[sflag:s0] =	ssyncset.done @!p0 $0x0  }
0x3d2: {  	[sflag:s0] =	ssyncadd.s32 @!p0 s1  }
0x3d3: {  	[bflag:$0x3] =	sbarrier.arrive $0xFFFF  }
0x3d4: {  	_ =	shalt  }

// kernel: sparse-core-data-format-call.1.cloned.1.call-start
scs
called_computation.1_lowered:
.L_overlay_start_0:
0x0: {  	s1 =	sld [smem:$0x3FD9]  }
0x1: {  	s2 =	sld [smem:$0x3FFE];
	_ =	sdelay $0x1  }
0x2: {  	s3 =	srdreg.scid  }
0x3: {  	s0 =	sand.u32 $0x1, s3  }
0x4: {  	s17 =	sshll.u32 s0, $0xA;
	s1 =	sadd.s32 s2, s1  }
0x5: {  	s1 =	sadd.s32 s1, s17  }
0x6: {  	[smem:$0x3FC6] =	sst s1  }
0x7: {  	_ = 	snop  }
0x8: {  	(tm) =	ssettm $0x1  }
0x9: {  	s18 =	sld [smem:$0x3FFB];
	_ =	sdelay $0x3  }
0xa: {  	_ =	strace s18  }
0xb: {  	s1 =	sld [smem:$0x3FFC];
	_ =	sdelay $0x3  }
0xc: {  	_ =	strace s1  }
0xd: {  	s1 =	sld [smem:$0x3FFD];
	_ =	sdelay $0x3  }
0xe: {  	_ =	strace s1  }
0xf: {  	_ =	strace $0x8FFFFFFF  }
0x10: {  	s19 =	sld [smem:$0x3FDB];
	_ =	sdelay $0x1  }
0x11: {  	s20 =	simm.s32 $_scs_section_size  }
0x12: {  	s4 =	simm.s32 $_size__tile_overlayer_lowered;
	s5 =	simm.s32 $_tile_overlayer_lowered  }
0x13: {  	s23 =	simm.s32 $0x1BFF;
	s22 =	sshll.u32 s5, $0x1;
	s1 =	sadd.s32 s20, s19  }
0x14: {  	s6 =	simm.s32 $0x0;
	s21 =	sshll.u32 s4, $0x1;
	s4 =	sadd.s32 s22, s1  }
0x15: {  	[timem:s6], [sflag:s23] =	dma.local [hbm:s4], s21  }
0x16: {  	_ =	swait.ge [sflag:s23], s21  }
0x17: {  	s2 =	ssub.s32 $0x0, s21;
	[sflag:s23] =	ssyncset.done $0x0  }
0x18: {  	[sflag:s23] =	ssyncadd.s32 s2;
	_ =	sdelay $0x1  }
0x19: {  	s24 =	simm.s32 $0x1B8B  }
0x1a: {  	_ =	swait.ge [sflag:s24], $0x1  }
0x1b: {  	[sflag:s24] =	ssyncset.done $0x0  }
0x1c: {  	s26 =	simm.s32 $0x1B8E;
	s25 =	sld [smem:$0x3FFE];
	[sflag:s24] =	ssyncadd.s32 $0xFFFFFFFF  }
0x1d: {  	s27 =	simm.s32 $execute0_lowered;
	[smem:$0x3FD2] =	sst s26  }
0x1e: {  	s4 =	sshll.u32 s27, $0x1;
	_ =	strace $0x80000046;
	[dreg:$0x1] =	wrdreg $0xFFFFFFFF  }
0x1f: {  	s28 =	simm.s32 $_size_execute0_lowered;
	s1 =	sadd.s32 s1, s4;
	[dreg:$0x0] =	wrdreg $0x0  }
0x20: {  	s4 =	sshll.u32 s28, $0x1;
	[dreg:$0x2] =	wrdreg s1  }
0x21: {  	[dreg:$0x3] =	wrdreg s4  }
0x22: {  	[dreg:$0x4] =	wrdreg $0xC0  }
0x23: {  	_ =	task [dreg:s6], $0x5FFFF  }
0x24: {  	[dreg:$0x1] =	wrdreg $0xFFFFFFFF  }
0x25: {  	[dreg:$0x0] =	wrdreg $0x60  }
0x26: {  	[dreg:$0x2] =	wrdreg s25  }
0x27: {  	[dreg:$0x3] =	wrdreg $0x9  }
0x28: {  	_ =	task.clear_ibuf [dreg:s6], $0x4FFFF;
	_ =	strace $0x90000046  }
0x29: {  	s29 =	simm.s32 $0x9;
	_ =	strace $0x80000048  }
0x2a: {  	_ =	swait.ge [sflag:s29], $0x1  }
0x2b: {  	[sflag:s29] =	ssyncadd.s32 $0xFFFFFFFF  }
0x2c: {  	_ =	strace $0x90000048  }
0x2d: {  	_ =	sfence  }
0x2e: {  	s30 =	sld [smem:$0x0];
	_ =	sdelay $0x2  }
0x2f: {  	s31 =	sshll.u32 s3, $0xD;
	s3 =	sshrl.u32 s3, $0x2  }
0x30: {  	s2 =	sand.u32 $0x4000, s31;
	s1 =	sadd.s32 s3, s30  }
0x31: {  	s0 =	sor.u32 s2, s0;
	s1 =	sshll.u32 s1, $0x11  }
0x32: {  	s0 =	sor.u32 s1, s0  }
0x33: {  	s0 =	sadd.s32 $0x8F2B, s0  }
0x34: {  	[sflag:s0] =	ssyncadd.remote.s32 $0x1  }
0x35: {  	_ =	sfence.sel $0xFFFF  }
0x36: {  	[dreg:$0x0] =	wrdreg $0xFFFFFFFF;
	(pc) =	sbr.abs _section_cstart, $3  }
0x37: {  	[dreg:$0x1] =	wrdreg $0xFFFFFFFF  }
0x38: {  	_ =	task.clear_ibuf [dreg:s6], $0x2FFFF;
	_ =	strace $0x9FFFFFFF  }
0x39: {  	(tm) =	ssettm $0x7FFFFFFF  }
tec
execute0_lowered:
.L_overlay_start_1:
0x0: {  	(tag) =	ssettag $0x1  }
0x1: {  	s3 =	rddreg [dreg:$0x0]  }
0x2: {  	s1 =	srdreg.scid;
	_ =	strace $0x80000047;
	s7 =	simm.s32 $0x2  }
0x3: {  	s18 =	simm.s32 $0x0;
	p0 =	por $0x0, $0x0;
	s17 =	simm.s32 $0x0  }
0x4: {  	s19 =	simm.s32 $0x0;
	s20 =	simm.s32 $0x0;
	s8 =	simm.s32 $0x0  }
0x5: {  	s9 =	simm.s32 $0x0;
	s11 =	simm.s32 $0x0;
	s12 =	simm.s32 $0x0  }
0x6: {  	s13 =	simm.s32 $0x0;
	s14 =	simm.s32 $0x0;
	s10 =	simm.s32 $0x0  }
.Ltmp0:
0x7: {  	s4 =	sshll.u32 s1, $0x4;
	s2 =	sadd.s32 $0xA75000, s3;
	(pc) =	sbr.rel .LBB1_1-.Ltmp0, $4  }
0x8: {  	s1 =	stileid.u32;
	s3 =	sadd.s32 $0x1F75000, s3;
	s4 =	sand.u32 $0x10, s4  }
0x9: {  	s5 =	sand.u32 $0x7, s1;
	s6 =	sor.u32 s1, s4;
	s4 =	simm.s32 $0x1  }
0xa: {  	s16 =	smov.u32 s5;
	[sflag:s4] =	ssyncpa.u1 $0x0;
	s6 =	sshrl.u32 s6, $0x3  }
0xb: {  	[sflag:s7] =	ssyncpa.u1 $0x0;
	s7 =	simm.s32 $0xC00;
	s15 =	smov.u32 s6  }
.LBB1_5:
0xc: {  	p1 =	slt.u32 s10, $0x2  }
0xd: {  	s0 =	smov.u32 s20;
	s23 =	smov.u32 s15;
	s24 =	smov.u32 s16  }
0xe: {  	s10 =	sadd.s32 $0x1, s10;
	p2 =	sgt.s32 @!p1 s20, $0x7;
	s21 =	sshra.s32 @!p1 s20, $0x1F  }
0xf: {  	s22 =	sshra.s32 @!p1 s19, $0x1F;
	p4 =	sgt.s32 @!p1 s17, $0x100;
	p2 =	por !p2, p1  }
0x10: {  	s20 =	sand.u32 @!p1 s21, s20;
	s21 =	smov.u32 s19;
	s0 =	simm.s32 @p2 $0x7  }
0x11: {  	p2 =	sgt.s32 @!p1 s19, $0xDF;
	s19 =	sand.u32 @!p1 s22, s19;
	s0 =	ssub.s32 @!p1 s0, s20  }
0x12: {  	s22 =	smov.u32 s14;
	p2 =	por !p2, p1;
	s20 =	sadd.s32 @!p1 $0xFFFFFFF9, s0  }
0x13: {  	s21 =	simm.s32 @p2 $0xDF;
	s0 =	ssub.s32 @!p1 $0x8, s0;
	p3 =	sgt.s32 @!p1 s20, $0x0  }
0x14: {  	s19 =	ssub.s32 @!p1 s21, s19;
	s21 =	smov.u32 s18;
	p2 =	por !p3, p1  }
0x15: {  	s20 =	sadd.s32 @!p1 $0xFFFFFF21, s19;
	s19 =	ssub.s32 @!p1 $0xE0, s19;
	s0 =	simm.s32 @!p2 $0x0  }
0x16: {  	p2 =	sgt.s32 @!p1 s18, $0x60;
	p3 =	sgt.s32 @!p1 s20, $0x0;
	s20 =	sshra.s32 @!p1 s18, $0x1F  }
0x17: {  	p2 =	por !p2, p1;
	s18 =	sand.u32 @!p1 s20, s18;
	s20 =	sshra.s32 @!p1 s17, $0x1F  }
0x18: {  	p3 =	por !p3, p1;
	s21 =	simm.s32 @p2 $0x60;
	p2 =	por !p4, p1  }
0x19: {  	s20 =	sand.u32 @!p1 s20, s17;
	s19 =	simm.s32 @!p3 $0x0;
	s17 =	simm.s32 @p2 $0x100  }
0x1a: {  	s18 =	ssub.s32 @!p1 s21, s18;
	s0 =	smul.u32 @!p1 s0, s19;
	s17 =	ssub.s32 @!p1 s17, s20  }
0x1b: {  	s21 =	sadd.s32 $0x80, s13;
	s19 =	sadd.s32 @!p1 $0xFFFFFFA0, s18;
	s20 =	sadd.s32 @!p1 $0xFFFFFF00, s17  }
0x1c: {  	s18 =	ssub.s32 @!p1 $0xE0, s18;
	p2 =	sgt.s32 @!p1 s19, $0x7F;
	p3 =	sgt.s32 @!p1 s20, $0x7F  }
0x1d: {  	s17 =	ssub.s32 @!p1 $0x180, s17;
	s19 =	sadd.s32 $0x80, s14;
	p3 =	por !p3, p1  }
0x1e: {  	p2 =	por !p2, p1;
	s17 =	simm.s32 @!p3 $0x0;
	p3 =	sgt.s32 s21, $0xDF  }
0x1f: {  	p0 =	por !p0, !p0;
	s18 =	simm.s32 @!p2 $0x0;
	s22 =	smov.u32 @p3 s19  }
0x20: {  	s0 =	smul.u32 @!p1 s17, s0;
	s17 =	sadd.s32 $0x4, s15;
	p2 =	sgt.s32 s22, $0x17F  }
0x21: {  	s25 =	simm.s32 @!p1 $0x2;
	s20 =	smov.u32 s12;
	s23 =	smov.u32 @p2 s17  }
0x22: {  	s21 =	simm.s32 @p3 $0x0;
	s17 =	sadd.s32 $0x8, s16;
	p3 =	sgt.s32 s23, $0xDF  }
0x23: {  	s12 =	smov.u32 s16;
	s19 =	smov.u32 s11;
	s24 =	smov.u32 @p3 s17  }
0x24: {  	s11 =	smov.u32 s15;
	s22 =	simm.s32 @p2 $0x0;
	p2 =	sgt.s32 s24, $0x7  }
0x25: {  	s0 =	smul.u32 @!p1 s18, s0;
	s24 =	smov.u32 @p2 s5;
	p2 =	sne.s32 s10, $0x152  }
.Ltmp1:
0x26: {  	s18 =	smov.u32 s8;
	s8 =	smov.u32 s13;
	(pc) =	sbr.rel @!p2 .LBB1_6-.Ltmp1, $4  }
0x27: {  	s13 =	smov.u32 s21;
	s0 =	sand.u32 @!p1 $0x3FFFFFFF, s0;
	s23 =	smov.u32 @p3 s6  }
0x28: {  	s17 =	smov.u32 s9;
	s9 =	smov.u32 s14;
	_ =	swait.ge @!p1 [sflag:s25], s0  }
0x29: {  	s14 =	smov.u32 s22;
	s0 =	ssub.s32 @!p1 $0x0, s0;
	[sflag:s25] =	ssyncset.done @!p1 $0x0  }
0x2a: {  	s15 =	smov.u32 s23;
	[sflag:s25] =	ssyncadd.s32 @!p1 s0;
	s16 =	smov.u32 s24  }
.LBB1_1:
0x2b: {  	p1 =	sgt.u32 s10, $0x14F  }
0x2c: {  	s21 =	sshll.u32 @!p1 s14, $0x8;
	s22 =	sshll.u32 @!p1 s13, $0x3  }
0x2d: {  	s23 =	sshll.u32 @!p1 s14, $0x7;
	s21 =	sand.u32 @!p1 $0xFFFFF800, s21;
	s22 =	sand.u32 @!p1 $0xFFFFFC00, s22  }
0x2e: {  	s21 =	sadd.s32 @!p1 s21, s22;
	s22 =	sand.u32 @!p1 $0x300, s23  }
0x2f: {  	s21 =	sor.u32 @!p1 s22, s21  }
0x30: {  	s21 =	sshrl.u32 @!p1 s21, $0x8  }
0x31: {  	s22 =	smulhi.u32 @!p1 $0xAAAAAB, s21  }
0x32: {  	s24 =	sxor.u32 @!p1 $0xFFFFFFFF, s10;
	s26 =	smul.u32 @!p1 $0x2A0000, s16  }
0x33: {  	s25 =	sand.u32 @!p1 $0x78, s13;
	s23 =	sand.u32 @!p1 $0x80, s23;
	s22 =	smul.u32 @!p1 $0x180, s22  }
0x34: {  	s24 =	sshll.u32 @!p1 s24, $0xE;
	s23 =	sor.u32 @!p1 s25, s23;
	s25 =	smul.u32 @!p1 $0x3000, s15  }
0x35: {  	s21 =	ssub.s32 @!p1 s21, s22;
	s22 =	sand.u32 @!p1 $0x4000, s24;
	s24 =	sadd.s32 @!p1 s2, s26  }
0x36: {  	s23 =	sshrl.u32 @!p1 s23, $0x3;
	s24 =	sadd.s32 @!p1 s25, s24;
	s25 =	sand.u32 @!p1 $0x7, s13  }
0x37: {  	s21 =	sshll.u32 @!p1 s21, $0x5;
	s23 =	sadd.s32 @!p1 s23, s24;
	s24 =	sshll.u32 @!p1 s25, $0x12  }
0x38: {  	s21 =	sadd.s32 @!p1 s21, s23;
	s23 =	sor.u32 @!p1 $0x400, s24;
	s24 =	simm.s32 @!p1 $0x800  }
0x39: {  	[tilespmem:s22], [sflag:$0x1] =	stream.strided.gather @!p1 [hbm4b:s21+s23], $0x4000, s24, s23, $0x38;
	[tilespmem:$0x10100] =	vst v63  }
0x3a: {  	p1 =	seq.s32 s10, $0x0  }
0x3b: {  	p2 =	seq.s32 @!p1 s10, $0x151  }
0x3c: {  	p1 =	por p1, p2  }
.Ltmp2:
0x3d: {  	_ = 	snop;
	(pc) =	sbr.rel @p1 .LBB1_5-.Ltmp2, $1  }
0x3e: {  	_ =	sdelay $0x3  }
0x3f: {  	s21 =	simm.s32 $0x1  }
0x40: {  	_ =	swait.ge [sflag:s4], $0x4000;
	s21 =	simm.s32 @!p0 $0x0  }
0x41: {  	[sflag:s4] =	ssyncset.done $0x0;
	s22 =	sshll.u32 s21, $0xE  }
0x42: {  	[sflag:s4] =	ssyncadd.s32 $0xFFFFC000;
	s22 =	sor.u32 $0x40, s22  }
0x43: {  	s21 =	smul.u32 $0x10200, s21;
	v0 =	vld [tilespmem:s22+$0x30]  }
0x44: {  	v1 =	vld [tilespmem:s22+$0xFFFFFFD0]  }
0x45: {  	s21 =	sshrl.u32 s21, $0x2;
	v5 =	vld [tilespmem:s22+$0xFFFFFFE0]  }
0x46: {  	v6 =	vld [tilespmem:s22+$0xFFFFFFF0];
	s24 =	sor.u32 $0x8000, s21  }
0x47: {  	s31 =	sand.u32 $0x1, s10;
	v4 =	vld [tilespmem:s22+$0x0];
	s23 =	sadd.s32 $0x0, s24  }
0x48: {  	v3 =	vld [tilespmem:s22+$0x10];
	s21 =	smul.u32 $0x10200, s31;
	[tilespmem:s23+$0x3870 ss:$0x81] =	vst.msk $0xffff, v0  }
0x49: {  	v2 =	vld [tilespmem:s22+$0x20];
	[tilespmem:s23+$0x810 ss:$0x81] =	vst.msk $0xffff, v1  }
0x4a: {  	s21 =	sshrl.u32 s21, $0x2;
	v1 =	vld [tilespmem:s22+$0xFFFFFFC0];
	[tilespmem:s23+$0x1020 ss:$0x81] =	vst.msk $0xffff, v5;
	s22 =	sadd.s32 $0x80, s22  }
0x4b: {  	s25 =	simm.s32 $0x4;
	s26 =	simm.s32 $0x8;
	s21 =	sor.u32 $0x8000, s21;
	[tilespmem:s23+$0x1830 ss:$0x81] =	vst.msk $0xffff, v6;
	v0 =	vld [tilespmem:s22+$0x30]  }
.LBB1_3:
0x4c: {  	p1 =	sne.s32 s26, $0x1FC;
	v5 =	vld [tilespmem:s22+$0xFFFFFFD0];
	[tilespmem:s23+$0x2040 ss:$0x81] =	vst.msk $0xffff, v4  }
0x4d: {  	v6 =	vld [tilespmem:s22+$0xFFFFFFE0];
	[tilespmem:s23+$0x2850 ss:$0x81] =	vst.msk $0xffff, v3  }
0x4e: {  	s27 =	sshra.s32 s25, $0x2;
	s25 =	smov.u32 s26;
	v7 =	vld [tilespmem:s22+$0xFFFFFFF0];
	[tilespmem:s23+$0x3060 ss:$0x81] =	vst.msk $0xffff, v2  }
.Ltmp3:
0x4f: {  	v4 =	vld [tilespmem:s22+$0x0];
	[tilespmem:s23+$0x0 ss:$0x81] =	vst.msk $0xffff, v1;
	s23 =	sadd.s32 s27, s24;
	(pc) =	sbr.rel @p1 .LBB1_3-.Ltmp3, $4  }
0x50: {  	v3 =	vld [tilespmem:s22+$0x10];
	[tilespmem:s23+$0x3870 ss:$0x81] =	vst.msk $0xffff, v0  }
0x51: {  	[tilespmem:s23+$0x810 ss:$0x81] =	vst.msk $0xffff, v5;
	v2 =	vld [tilespmem:s22+$0x20]  }
0x52: {  	v1 =	vld [tilespmem:s22+$0xFFFFFFC0];
	[tilespmem:s23+$0x1020 ss:$0x81] =	vst.msk $0xffff, v6;
	s22 =	sadd.s32 $0x80, s22  }
0x53: {  	s26 =	sadd.s32 $0x4, s26;
	v0 =	vld [tilespmem:s22+$0x30];
	[tilespmem:s23+$0x1830 ss:$0x81] =	vst.msk $0xffff, v7  }
0x54: {  	s26 =	sshrl.u32 s8, $0x3  }
0x55: {  	s27 =	sshll.u32 s9, $0x3;
	s26 =	smul.u32 $0xC00, s26  }
0x56: {  	s28 =	sshll.u32 s8, $0x7;
	s27 =	sand.u32 $0xFFFFFC00, s27  }
0x57: {  	s0 =	sand.u32 $0x380, s28;
	s26 =	sadd.s32 s27, s26  }
0x58: {  	s29 =	sand.u32 $0x7F, s9;
	[tilespmem:s23+$0x2040 ss:$0x81] =	vst.msk $0xffff, v4;
	s26 =	sor.u32 s0, s26  }
0x59: {  	s25 =	sshra.s32 s25, $0x2;
	[tilespmem:s23+$0x2850 ss:$0x81] =	vst.msk $0xffff, v3;
	s27 =	sor.u32 s29, s26;
	s26 =	smulhi.u32 $0xAAAAAAAB, s26  }
0x5a: {  	p1 =	sgt.s32 s12, $0x7;
	s24 =	sadd.s32 s25, s24;
	[tilespmem:s23+$0x3060 ss:$0x81] =	vst.msk $0xffff, v2;
	s28 =	smulhi.u32 $0xAAAAAAAB, s27  }
0x5b: {  	[tilespmem:s23+$0x0 ss:$0x81] =	vst.msk $0xffff, v1;
	s23 =	sshra.s32 s8, $0x1F;
	s29 =	sshra.s32 s12, $0x1F;
	s26 =	sshrl.u32 s26, $0x8  }
0x5c: {  	s30 =	sshrl.u32 s28, $0x8;
	s28 =	smov.u32 s12;
	s0 =	smulhi.u32 $0x124924A, s26  }
0x5d: {  	s29 =	sand.u32 s29, s12;
	s25 =	smul.u32 $0x180, s30;
	s28 =	simm.s32 @!p1 $0x7  }
0x5e: {  	p1 =	sgt.s32 s11, $0xDF;
	s30 =	sshra.s32 s11, $0x1F;
	s28 =	ssub.s32 s28, s29  }
0x5f: {  	s29 =	smov.u32 s11;
	s30 =	sand.u32 s30, s11;
	s0 =	smul.u32 $0xE0, s0  }
0x60: {  	s31 =	sadd.s32 $0xFFFFFFF9, s28;
	s29 =	simm.s32 @!p1 $0xDF;
	s28 =	ssub.s32 $0x8, s28  }
0x61: {  	p1 =	sgt.s32 s31, $0x0;
	s29 =	ssub.s32 s29, s30;
	s31 =	smov.u32 s9  }
0x62: {  	s28 =	simm.s32 @p1 $0x0;
	s30 =	sadd.s32 $0xFFFFFF21, s29;
	p1 =	sgt.s32 s9, $0x100  }
0x63: {  	s31 =	simm.s32 @!p1 $0x100;
	p1 =	sgt.s32 s30, $0x0;
	s30 =	sshra.s32 s9, $0x1F  }
0x64: {  	v5 =	vld [tilespmem:s22+$0xFFFFFFD0];
	s0 =	ssub.s32 s26, s0;
	s29 =	ssub.s32 $0xE0, s29;
	s30 =	sand.u32 s30, s9  }
0x65: {  	v58 =	vld [tilespmem:s22+$0xFFFFFFE0];
	s29 =	simm.s32 @p1 $0x0;
	p1 =	sgt.s32 s8, $0x60;
	s30 =	ssub.s32 s31, s30  }
0x66: {  	v59 =	vld [tilespmem:s22+$0xFFFFFFF0];
	s31 =	smov.u32 s8;
	s28 =	smul.u32 s28, s29;
	s29 =	sadd.s32 $0xFFFFFF00, s30  }
0x67: {  	v60 =	vld [tilespmem:s22+$0x0];
	s31 =	simm.s32 @!p1 $0x60;
	p1 =	sgt.s32 s29, $0x7F;
	s29 =	ssub.s32 $0x180, s30  }
0x68: {  	v61 =	vld [tilespmem:s22+$0x10];
	[tilespmem:s24+$0x3870 ss:$0x81] =	vst.msk $0xffff, v0;
	s23 =	sand.u32 s23, s8;
	s0 =	smul.u32 $0x30, s0;
	s29 =	simm.s32 @p1 $0x0  }
0x69: {  	v62 =	vld [tilespmem:s22+$0x20];
	[tilespmem:s24+$0x810 ss:$0x81] =	vst.msk $0xffff, v5;
	s23 =	ssub.s32 s31, s23;
	s31 =	smul.u32 s29, s28  }
0x6a: {  	v63 =	vld [tilespmem:s22+$0xFFFFFFC0];
	[tilespmem:s24+$0x1020 ss:$0x81] =	vst.msk $0xffff, v58;
	s25 =	ssub.s32 s27, s25;
	s26 =	sadd.s32 $0xFFFFFFA0, s23;
	s28 =	smul.u32 $0x24C000, s12  }
0x6b: {  	[tilespmem:s24+$0x1830 ss:$0x81] =	vst.msk $0xffff, v59;
	s22 =	ssub.s32 $0xE0, s23;
	p1 =	sgt.s32 s26, $0x7F;
	s29 =	smul.u32 $0x2A00, s11  }
.Ltmp4:
0x6c: {  	[tilespmem:s24+$0x2040 ss:$0x81] =	vst.msk $0xffff, v60;
	s22 =	simm.s32 @p1 $0x0;
	s26 =	sadd.s32 s3, s28;
	(pc) =	sbr.rel .LBB1_5-.Ltmp4, $4  }
0x6d: {  	[tilespmem:s24+$0x2850 ss:$0x81] =	vst.msk $0xffff, v61;
	s30 =	sand.u32 $0x7, s25;
	s22 =	smul.u32 s22, s31;
	s23 =	sadd.s32 s29, s26  }
0x6e: {  	[tilespmem:s24+$0x3060 ss:$0x81] =	vst.msk $0xffff, v62;
	s25 =	sshrl.u32 s25, $0x3;
	s31 =	sshll.u32 s30, $0x12;
	s0 =	sadd.s32 s0, s23  }
0x6f: {  	[tilespmem:s24+$0x0 ss:$0x81] =	vst.msk $0xffff, v63;
	s22 =	sand.u32 $0x3FFFFFFF, s22;
	s23 =	sor.u32 $0x400, s31;
	s0 =	sadd.s32 s25, s0  }
0x70: {  	[hbm4b:s0+s23] =	stream.strided.scatter [tilespmem:s21], [sflag:$0x2], s22, s7, s23, $0x20;
	[tilespmem:$0x10100] =	vst v63  }
.LBB1_6:
0x71: {  	_ =	sfence.sel $0x180000  }
0x72: {  	s0 =	simm.s32 $0x1;
	[bflag:$0x0] =	sbarrier.arrive $0xFFFF  }
0x73: {  	s31 =	simm.s32 $0x2;
	[sflag:s0] =	ssyncpa.u1 $0x1  }
0x74: {  	[sflag:s31] =	ssyncpa.u1 $0x1  }
0x75: {  	_ =	strace $0x90000047  }
0x76: {  	[bflag:$0x2] =	sbarrier.arrive $0xFFFF  }
0x77: {  	p0 =	sne.s32 s1, $0x0;
	s0 =	rddreg [dreg:$0x1]  }
0x78: {  	s0 =	sadd.s32 @!p0 $0x100000, s0  }
0x79: {  	[sflag:s0] =	ssyncadd.tile.s32 @!p0 $0x1;
	_ =	shalt  }
.Lfunc_end1:
_tile_overlayer_lowered:
.L_overlay_start_2:
0x7a: {  	(tag) =	ssettag $0x2  }
0x7b: {  	s0 =	rddreg [dreg:$0x0];
	s2 =	stileid.u32  }
0x7c: {  	s1 =	rddreg [dreg:$0x1];
	p0 =	sne.s32 s2, $0x0  }
0x7d: {  	s3 =	rddreg [dreg:$0x2];
	[bflag:$0x3] =	sbarrier.arrive $0xFFFF;
	s2 =	simm.s32 @!p0 $0x1C01  }
0x7e: {  	[timem:s3], [sflag:s2] =	dma.local @!p0 [hbm:s0], s1  }
0x7f: {  	s0 =	simm.s32 @!p0 $0x1  }
0x80: {  	_ =	swait.ge @!p0 [sflag:s0], s1  }
0x81: {  	s1 =	ssub.s32 @!p0 $0x0, s1;
	[sflag:s0] =	ssyncset.done @!p0 $0x0  }
0x82: {  	[sflag:s0] =	ssyncadd.s32 @!p0 s1  }
0x83: {  	[bflag:$0x3] =	sbarrier.arrive $0xFFFF  }
0x84: {  	_ =	shalt  }

// kernel: sparse-core-data-format-call.cloned.1.call-start
scs
called_computation_lowered:
.L_overlay_start_0:
0x0: {  	s2 =	sld [smem:$0x3FD9]  }
0x1: {  	s3 =	sld [smem:$0x3FFE];
	_ =	sdelay $0x1  }
0x2: {  	s1 =	srdreg.scid  }
0x3: {  	s0 =	sand.u32 $0x1, s1  }
0x4: {  	s18 =	sshll.u32 s0, $0xA;
	s2 =	sadd.s32 s3, s2  }
0x5: {  	s2 =	sadd.s32 s2, s18  }
0x6: {  	[smem:$0x3FC6] =	sst s2  }
0x7: {  	_ = 	snop  }
0x8: {  	s2 =	sld [smem:$0x3FD0];
	(tm) =	ssettm $0x1  }
0x9: {  	s19 =	sld [smem:$0x3FFB];
	_ =	sdelay $0x3  }
0xa: {  	_ =	strace s19  }
0xb: {  	s3 =	sld [smem:$0x3FFC];
	_ =	sdelay $0x3  }
0xc: {  	_ =	strace s3  }
0xd: {  	s3 =	sld [smem:$0x3FFD];
	_ =	sdelay $0x3  }
0xe: {  	_ =	strace s3  }
0xf: {  	_ =	strace $0x8FFFFFFF  }
0x10: {  	s20 =	sld [smem:$0x3FDB];
	_ =	sdelay $0x1  }
0x11: {  	s4 =	simm.s32 $_scs_section_size  }
0x12: {  	s5 =	simm.s32 $_size__tile_overlayer_lowered;
	s6 =	simm.s32 $_tile_overlayer_lowered  }
0x13: {  	s23 =	simm.s32 $0x1BFF;
	s22 =	sshll.u32 s6, $0x1;
	s3 =	sadd.s32 s4, s20  }
0x14: {  	s7 =	simm.s32 $0x0;
	s21 =	sshll.u32 s5, $0x1;
	s5 =	sadd.s32 s22, s3  }
0x15: {  	[timem:s7], [sflag:s23] =	dma.local [hbm:s5], s21  }
0x16: {  	_ =	swait.ge [sflag:s23], s21  }
0x17: {  	s4 =	ssub.s32 $0x0, s21;
	[sflag:s23] =	ssyncset.done $0x0  }
0x18: {  	[sflag:s23] =	ssyncadd.s32 s4;
	_ =	sdelay $0x1  }
0x19: {  	s24 =	simm.s32 $0x1B8B  }
0x1a: {  	_ =	swait.ge [sflag:s24], $0x1  }
0x1b: {  	[sflag:s24] =	ssyncset.done $0x0  }
0x1c: {  	s26 =	simm.s32 $0x1B8E;
	s25 =	sld [smem:$0x3FFE];
	[sflag:s24] =	ssyncadd.s32 $0xFFFFFFFF  }
0x1d: {  	s27 =	simm.s32 $execute0_lowered;
	[smem:$0x3FD2] =	sst s26  }
0x1e: {  	s5 =	sshll.u32 s27, $0x1;
	_ =	strace $0x8000004C;
	[dreg:$0x1] =	wrdreg $0xFFFFFFFF  }
0x1f: {  	s28 =	simm.s32 $_size_execute0_lowered;
	s3 =	sadd.s32 s3, s5;
	[dreg:$0x0] =	wrdreg $0x0  }
0x20: {  	s5 =	sshll.u32 s28, $0x1;
	[dreg:$0x2] =	wrdreg s3  }
0x21: {  	[dreg:$0x3] =	wrdreg s5  }
0x22: {  	[dreg:$0x4] =	wrdreg $0xC0  }
0x23: {  	_ =	task [dreg:s7], $0x5FFFF  }
0x24: {  	[dreg:$0x1] =	wrdreg $0xFFFFFFFF  }
0x25: {  	[dreg:$0x0] =	wrdreg $0x60  }
0x26: {  	[dreg:$0x2] =	wrdreg s25  }
0x27: {  	[dreg:$0x3] =	wrdreg s2  }
0x28: {  	[dreg:$0x4] =	wrdreg $0x9  }
0x29: {  	_ =	task.clear_ibuf [dreg:s7], $0x5FFFF;
	_ =	strace $0x9000004C  }
0x2a: {  	s29 =	simm.s32 $0x9;
	_ =	strace $0x8000004E  }
0x2b: {  	_ =	swait.ge [sflag:s29], $0x1  }
0x2c: {  	[sflag:s29] =	ssyncadd.s32 $0xFFFFFFFF  }
0x2d: {  	_ =	strace $0x9000004E  }
0x2e: {  	_ =	sfence  }
0x2f: {  	s30 =	sld [smem:$0x0];
	_ =	sdelay $0x2  }
0x30: {  	s31 =	sshll.u32 s1, $0xD;
	s1 =	sshrl.u32 s1, $0x2  }
0x31: {  	s3 =	sand.u32 $0x4000, s31;
	s1 =	sadd.s32 s1, s30  }
0x32: {  	s0 =	sor.u32 s3, s0;
	s1 =	sshll.u32 s1, $0x11  }
0x33: {  	s0 =	sor.u32 s1, s0  }
0x34: {  	s0 =	sadd.s32 $0x8F2B, s0  }
0x35: {  	[sflag:s0] =	ssyncadd.remote.s32 $0x1  }
0x36: {  	_ =	sfence.sel $0xFFFF  }
0x37: {  	[dreg:$0x0] =	wrdreg $0xFFFFFFFF;
	(pc) =	sbr.abs _section_cstart, $3  }
0x38: {  	[dreg:$0x1] =	wrdreg $0xFFFFFFFF  }
0x39: {  	_ =	task.clear_ibuf [dreg:s7], $0x2FFFF;
	_ =	strace $0x9FFFFFFF  }
0x3a: {  	(tm) =	ssettm $0x7FFFFFFF  }
0x3b: {  	_ =	shalt  }
tec
execute0_lowered:
.L_overlay_start_1:
0x0: {  	(tag) =	ssettag $0x1  }
0x1: {  	s0 =	rddreg [dreg:$0x0];
	s1 =	srdreg.scid  }
0x2: {  	_ =	strace $0x8000004D;
	s2 =	stileid.u32;
	s30 =	simm.s32 $0x1  }
0x3: {  	s31 =	simm.s32 $0x2;
	s21 =	simm.s32 $0x0;
	s10 =	simm.s32 $0x800  }
0x4: {  	s20 =	simm.s32 $0x0;
	s22 =	simm.s32 $0x0;
	s23 =	simm.s32 $0x0  }
0x5: {  	s11 =	simm.s32 $0x0;
	s12 =	simm.s32 $0x0;
	s14 =	simm.s32 $0x0  }
0x6: {  	s16 =	simm.s32 $0x0;
	s15 =	simm.s32 $0x0;
	s17 =	simm.s32 $0x0  }
.Ltmp0:
0x7: {  	s0 =	sadd.s32 $0x1000, s0;
	s29 =	sshll.u32 s1, $0x4;
	(pc) =	sbr.rel .LBB1_1-.Ltmp0, $4  }
0x8: {  	s13 =	simm.s32 $0x0;
	[dreg:$0x3] =	wrdreg s0;
	s0 =	sand.u32 $0x10, s29  }
0x9: {  	[sflag:s30] =	ssyncpa.u1 $0x0;
	s8 =	sand.u32 $0x7, s2;
	s0 =	sor.u32 s2, s0  }
0xa: {  	[sflag:s31] =	ssyncpa.u1 $0x0;
	[dreg:$0x4] =	wrdreg s8;
	s9 =	sshrl.u32 s0, $0x3  }
0xb: {  	s19 =	smov.u32 s8;
	s18 =	smov.u32 s9;
	[dreg:$0x5] =	wrdreg s9  }
.LBB1_18:
0xc: {  	s11 =	rddreg [dreg:$0x6]  }
0xd: {  	s12 =	rddreg [dreg:$0x7]  }
0xe: {  	s4 =	rddreg [dreg:$0x14]  }
0xf: {  	s5 =	rddreg [dreg:$0x15]  }
0x10: {  	s23 =	rddreg [dreg:$0x13]  }
0x11: {  	s16 =	rddreg [dreg:$0xb]  }
0x12: {  	s14 =	rddreg [dreg:$0x9]  }
0x13: {  	s27 =	rddreg [dreg:$0x1]  }
0x14: {  	s30 =	rddreg [dreg:$0x16]  }
0x15: {  	s8 =	rddreg [dreg:$0x4]  }
0x16: {  	s9 =	rddreg [dreg:$0x5]  }
0x17: {  	s13 =	rddreg [dreg:$0x8]  }
0x18: {  	s15 =	rddreg [dreg:$0xa]  }
0x19: {  	s17 =	rddreg [dreg:$0xc]  }
0x1a: {  	s18 =	rddreg [dreg:$0xd]  }
0x1b: {  	s19 =	rddreg [dreg:$0xe]  }
0x1c: {  	s10 =	simm.s32 $0x800;
	s20 =	rddreg [dreg:$0xf];
	s0 =	sshll.u32 s11, $0x8  }
0x1d: {  	s1 =	sshll.u32 s12, $0x3;
	s2 =	sshll.u32 s11, $0x7;
	p0 =	sgt.s32 s12, $0x80  }
0x1e: {  	s3 =	smov.u32 s12;
	s24 =	sand.u32 $0x78, s12;
	s25 =	smul.u32 $0x150000, s16  }
0x1f: {  	s26 =	smul.u32 $0x1800, s14;
	s28 =	sand.u32 $0x7, s12;
	s0 =	sand.u32 $0xFFFFF800, s0  }
0x20: {  	s1 =	sand.u32 $0xFFFFFC00, s1;
	s21 =	sand.u32 $0x300, s2;
	s3 =	simm.s32 @!p0 $0x80  }
0x21: {  	p0 =	sgt.s32 s11, $0x40;
	s2 =	sand.u32 $0x80, s2;
	s29 =	sshll.u32 s28, $0x12  }
0x22: {  	s0 =	sadd.s32 s1, s0;
	s1 =	smov.u32 s11;
	s3 =	sadd.s32 s4, s3  }
0x23: {  	s2 =	sor.u32 s24, s2;
	s31 =	sor.u32 $0x400, s29;
	s0 =	sor.u32 s21, s0  }
0x24: {  	s1 =	simm.s32 @!p0 $0x40;
	s4 =	sadd.s32 $0xFFFFFF80, s3;
	s0 =	sshrl.u32 s0, $0x8  }
0x25: {  	s3 =	ssub.s32 $0x100, s3;
	s2 =	sshrl.u32 s2, $0x3;
	s22 =	smulhi.u32 $0x1555556, s0  }
0x26: {  	s21 =	rddreg [dreg:$0x10];
	s1 =	sadd.s32 s5, s1;
	p0 =	sgt.s32 s4, $0x7F  }
0x27: {  	s5 =	sadd.s32 $0xFFFFFFC0, s1;
	s3 =	simm.s32 @p0 $0x0;
	s4 =	smul.u32 $0xC0, s22  }
0x28: {  	s1 =	ssub.s32 $0xC0, s1;
	p0 =	sgt.s32 s5, $0x7F;
	s3 =	smul.u32 s23, s3  }
0x29: {  	s1 =	simm.s32 @p0 $0x0;
	s0 =	ssub.s32 s0, s4;
	s4 =	sadd.s32 s27, s25  }
0x2a: {  	s23 =	rddreg [dreg:$0x12];
	s1 =	smul.u32 s1, s3;
	s3 =	sadd.s32 s26, s4  }
0x2b: {  	s22 =	rddreg [dreg:$0x11];
	s0 =	sshll.u32 s0, $0x5;
	s2 =	sadd.s32 s2, s3  }
0x2c: {  	s1 =	sand.u32 $0x3FFFFFFF, s1;
	s4 =	sor.u32 $0x8000, s30;
	s0 =	sadd.s32 s0, s2  }
0x2d: {  	[hbm4b:s0+s31] =	stream.strided.scatter [tilespmem:s4], [sflag:$0x2], s1, s10, s31, $0x20;
	[tilespmem:$0x10100] =	vst v63  }
.LBB1_19:
0x2e: {  	p0 =	slt.u32 s13, $0x2  }
0x2f: {  	s0 =	smov.u32 s23;
	s2 =	smov.u32 s22;
	s5 =	smov.u32 s20  }
0x30: {  	s13 =	sadd.s32 $0x1, s13;
	p1 =	sgt.s32 @!p0 s23, $0x7;
	s1 =	sshra.s32 @!p0 s23, $0x1F  }
0x31: {  	s3 =	sshra.s32 @!p0 s22, $0x1F;
	p3 =	sgt.s32 @!p0 s20, $0x80;
	p1 =	por !p1, p0  }
0x32: {  	s4 =	sshra.s32 @!p0 s20, $0x1F;
	s1 =	sand.u32 @!p0 s1, s23;
	s0 =	simm.s32 @p1 $0x7  }
0x33: {  	s4 =	sand.u32 @!p0 s4, s20;
	p1 =	sgt.s32 @!p0 s22, $0xDF;
	s0 =	ssub.s32 @!p0 s0, s1  }
0x34: {  	s20 =	smov.u32 s12;
	p1 =	por !p1, p0;
	s1 =	sadd.s32 @!p0 $0xFFFFFFF9, s0  }
0x35: {  	s2 =	simm.s32 @p1 $0xDF;
	p2 =	sgt.s32 @!p0 s1, $0x0;
	s1 =	sand.u32 @!p0 s3, s22  }
0x36: {  	s0 =	ssub.s32 @!p0 $0x8, s0;
	p1 =	por !p2, p0;
	s1 =	ssub.s32 @!p0 s2, s1  }
0x37: {  	s3 =	smov.u32 s21;
	s0 =	simm.s32 @!p1 $0x0;
	s2 =	sadd.s32 @!p0 $0xFFFFFF21, s1  }
0x38: {  	p1 =	sgt.s32 @!p0 s21, $0x40;
	p2 =	sgt.s32 @!p0 s2, $0x0;
	s2 =	sshra.s32 @!p0 s21, $0x1F  }
0x39: {  	s1 =	ssub.s32 @!p0 $0xE0, s1;
	p1 =	por !p1, p0;
	s2 =	sand.u32 @!p0 s2, s21  }
0x3a: {  	s3 =	simm.s32 @p1 $0x40;
	p1 =	por !p3, p0;
	p2 =	por !p2, p0  }
0x3b: {  	s5 =	simm.s32 @p1 $0x80;
	s1 =	simm.s32 @!p2 $0x0;
	s2 =	ssub.s32 @!p0 s3, s2  }
0x3c: {  	s3 =	ssub.s32 @!p0 s5, s4;
	s0 =	smul.u32 @!p0 s0, s1;
	s1 =	sadd.s32 @!p0 $0xFFFFFFC0, s2  }
0x3d: {  	s5 =	smov.u32 s17;
	s4 =	sadd.s32 @!p0 $0xFFFFFF80, s3;
	p1 =	sgt.s32 @!p0 s1, $0x7F  }
0x3e: {  	s1 =	ssub.s32 @!p0 $0xC0, s2;
	s2 =	ssub.s32 @!p0 $0x100, s3;
	p2 =	sgt.s32 @!p0 s4, $0x7F  }
0x3f: {  	s3 =	sadd.s32 $0x80, s15;
	s4 =	sadd.s32 $0x80, s17;
	p2 =	por !p2, p0  }
0x40: {  	p1 =	por !p1, p0;
	s2 =	simm.s32 @!p2 $0x0;
	p2 =	sgt.s32 s3, $0xBF  }
0x41: {  	s1 =	simm.s32 @!p1 $0x0;
	s0 =	smul.u32 @!p0 s2, s0;
	s5 =	smov.u32 @p2 s4  }
0x42: {  	s2 =	sadd.s32 $0x4, s18;
	s4 =	smov.u32 s18;
	p1 =	sgt.s32 s5, $0xDF  }
0x43: {  	s3 =	simm.s32 @p2 $0x0;
	s0 =	smul.u32 @!p0 s1, s0;
	s4 =	smov.u32 @p1 s2  }
0x44: {  	s1 =	sadd.s32 $0x8, s19;
	s2 =	smov.u32 s19;
	p2 =	sgt.s32 s4, $0xDF  }
0x45: {  	s23 =	smov.u32 s16;
	s12 =	smov.u32 s17;
	s2 =	smov.u32 @p2 s1  }
0x46: {  	s16 =	smov.u32 s19;
	s5 =	simm.s32 @p1 $0x0;
	p1 =	sgt.s32 s2, $0x7  }
0x47: {  	s22 =	smov.u32 s14;
	s2 =	smov.u32 @p1 s8;
	p1 =	sne.s32 s13, $0xE2  }
.Ltmp1:
0x48: {  	s14 =	smov.u32 s18;
	s21 =	smov.u32 s11;
	(pc) =	sbr.rel @!p1 .LBB1_20-.Ltmp1, $4  }
0x49: {  	s11 =	smov.u32 s15;
	s0 =	sand.u32 @!p0 $0x3FFFFFFF, s0;
	s1 =	simm.s32 @!p0 $0x2  }
0x4a: {  	s15 =	smov.u32 s3;
	s17 =	smov.u32 s5;
	_ =	swait.ge @!p0 [sflag:s1], s0  }
0x4b: {  	s4 =	smov.u32 @p2 s9;
	s0 =	ssub.s32 @!p0 $0x0, s0;
	[sflag:s1] =	ssyncset.done @!p0 $0x0  }
0x4c: {  	s18 =	smov.u32 s4;
	[sflag:s1] =	ssyncadd.s32 @!p0 s0;
	s19 =	smov.u32 s2  }
.LBB1_1:
0x4d: {  	p0 =	sgt.u32 s13, $0xDF  }
.Ltmp2:
0x4e: {  	_ = 	snop;
	(pc) =	sbr.rel @p0 .LBB1_3-.Ltmp2, $1  }
0x4f: {  	_ =	sdelay $0x3  }
0x50: {  	s0 =	sand.u32 $0x78, s15;
	s1 =	sshll.u32 s17, $0x8  }
0x51: {  	s2 =	sshll.u32 s15, $0x3;
	s3 =	sshll.u32 s17, $0x7;
	p0 =	sgt.s32 s19, $0x7  }
0x52: {  	s26 =	sshra.s32 s19, $0x1F;
	s4 =	smov.u32 s18;
	s5 =	sshra.s32 s18, $0x1F  }
0x53: {  	s29 =	sshra.s32 s17, $0x1F;
	s31 =	sshra.s32 s15, $0x1F;
	s1 =	sand.u32 $0xFFFFF800, s1  }
0x54: {  	s2 =	sand.u32 $0xFFFFFC00, s2;
	s25 =	sand.u32 $0x300, s3;
	s3 =	sand.u32 $0x80, s3  }
0x55: {  	s27 =	sand.u32 s5, s18;
	s30 =	sand.u32 s29, s17;
	s29 =	sand.u32 $0x7, s15  }
0x56: {  	s1 =	sadd.s32 s1, s2;
	s0 =	sor.u32 s0, s3;
	s2 =	smov.u32 s19  }
0x57: {  	s3 =	sand.u32 s26, s19;
	s26 =	smul.u32 $0x1C00, s18;
	s1 =	sor.u32 s25, s1  }
0x58: {  	s2 =	simm.s32 @!p0 $0x7;
	p0 =	sgt.s32 s18, $0xDF;
	s25 =	smul.u32 $0x188000, s19  }
0x59: {  	s0 =	sshrl.u32 s0, $0x3;
	s1 =	sshrl.u32 s1, $0x8;
	s2 =	ssub.s32 s2, s3  }
0x5a: {  	s4 =	simm.s32 @!p0 $0xDF;
	s28 =	smulhi.u32 $0x124924A, s1;
	s6 =	sadd.s32 $0xFFFFFFF9, s2  }
0x5b: {  	s3 =	ssub.s32 s4, s27;
	s2 =	ssub.s32 $0x8, s2;
	p0 =	sgt.s32 s6, $0x0  }
0x5c: {  	s4 =	sadd.s32 $0xFFFFFF21, s3;
	s3 =	ssub.s32 $0xE0, s3;
	s6 =	sand.u32 s31, s15  }
0x5d: {  	s2 =	simm.s32 @p0 $0x0;
	p0 =	sgt.s32 s4, $0x0;
	s4 =	smov.u32 s17  }
0x5e: {  	s5 =	smul.u32 $0xE0, s28;
	s3 =	simm.s32 @p0 $0x0;
	p0 =	sgt.s32 s17, $0x60  }
0x5f: {  	s28 =	rddreg [dreg:$0x3];
	s2 =	smul.u32 s2, s3;
	s4 =	simm.s32 @!p0 $0x60  }
0x60: {  	p0 =	sgt.s32 s15, $0x80;
	s3 =	ssub.s32 s4, s30;
	s4 =	smov.u32 s15  }
0x61: {  	s1 =	ssub.s32 s1, s5;
	s7 =	sadd.s32 $0xFFFFFFA0, s3;
	s4 =	simm.s32 @!p0 $0x80  }
0x62: {  	s3 =	ssub.s32 $0xE0, s3;
	p0 =	sgt.s32 s7, $0x7F;
	s4 =	ssub.s32 s4, s6  }
0x63: {  	s1 =	sshll.u32 s1, $0x5;
	s3 =	simm.s32 @p0 $0x0;
	s24 =	sadd.s32 $0xFFFFFF80, s4  }
0x64: {  	s2 =	smul.u32 s3, s2;
	p0 =	sgt.s32 s24, $0x7F;
	s3 =	ssub.s32 $0x100, s4  }
0x65: {  	s30 =	sshll.u32 s29, $0x12;
	s4 =	sadd.s32 s28, s25;
	s3 =	simm.s32 @p0 $0x0  }
0x66: {  	s7 =	sxor.u32 $0xFFFFFFFF, s13;
	s4 =	sadd.s32 s26, s4;
	s2 =	smul.u32 s3, s2  }
0x67: {  	s31 =	sor.u32 $0x400, s30;
	s6 =	sshll.u32 s7, $0xE;
	s0 =	sadd.s32 s0, s4  }
0x68: {  	s27 =	sand.u32 $0x4000, s6;
	s0 =	sadd.s32 s1, s0;
	s2 =	sand.u32 $0x3FFFFFFF, s2  }
0x69: {  	[tilespmem:s27], [sflag:$0x1] =	stream.strided.gather [hbm4b:s0+s31], s2, s10, s31, $0x38;
	[tilespmem:$0x10100] =	vst v63  }
.LBB1_3:
0x6a: {  	p0 =	seq.s32 s13, $0x0  }
0x6b: {  	p1 =	seq.s32 @!p0 s13, $0xE1  }
0x6c: {  	p0 =	por p0, p1  }
.Ltmp3:
0x6d: {  	_ = 	snop;
	(pc) =	sbr.rel @p0 .LBB1_19-.Ltmp3, $1  }
0x6e: {  	_ =	sdelay $0x3  }
0x6f: {  	[dreg:$0x12] =	wrdreg s23  }
0x70: {  	[dreg:$0x11] =	wrdreg s22  }
0x71: {  	[dreg:$0x10] =	wrdreg s21  }
0x72: {  	[dreg:$0xf] =	wrdreg s20  }
0x73: {  	[dreg:$0xe] =	wrdreg s19  }
0x74: {  	[dreg:$0xd] =	wrdreg s18  }
0x75: {  	[dreg:$0xc] =	wrdreg s17  }
0x76: {  	[dreg:$0xa] =	wrdreg s15;
	p0 =	sgt.s32 s16, $0x7;
	s0 =	smov.u32 s16  }
0x77: {  	s1 =	sshra.s32 s16, $0x1F;
	s2 =	sshra.s32 s14, $0x1F;
	s19 =	ssub.s32 $0x0, s12  }
0x78: {  	s20 =	sshra.s32 s12, $0x1F;
	p1 =	sgt.s32 s12, $0x60;
	s4 =	smov.u32 s12  }
0x79: {  	s23 =	ssub.s32 $0x0, s11;
	s24 =	sshra.s32 s11, $0x1F;
	s0 =	simm.s32 @!p0 $0x7  }
0x7a: {  	s1 =	sand.u32 s1, s16;
	p0 =	sgt.s32 s14, $0xDF;
	s2 =	sand.u32 s2, s14  }
0x7b: {  	s4 =	simm.s32 @!p1 $0x60;
	s0 =	ssub.s32 s0, s1;
	s1 =	smov.u32 s14  }
0x7c: {  	s3 =	sadd.s32 $0xFFFFFFF9, s0;
	s1 =	simm.s32 @!p0 $0xDF;
	s0 =	ssub.s32 $0x8, s0  }
0x7d: {  	p0 =	sgt.s32 s3, $0x0;
	s1 =	ssub.s32 s1, s2;
	s2 =	sand.u32 s19, s20  }
0x7e: {  	s3 =	smov.u32 s11;
	s5 =	sadd.s32 $0xFFFFFF21, s1;
	s1 =	ssub.s32 $0xE0, s1  }
0x7f: {  	[dreg:$0x14] =	wrdreg s2;
	s2 =	sadd.s32 s2, s4;
	s0 =	simm.s32 @p0 $0x0  }
0x80: {  	p1 =	sgt.s32 s5, $0x0;
	s21 =	sadd.s32 $0xFFFFFFA0, s2;
	s2 =	ssub.s32 $0xE0, s2  }
0x81: {  	s1 =	simm.s32 @p1 $0x0;
	p0 =	sgt.s32 s21, $0x7F;
	p1 =	sgt.s32 s11, $0x80  }
0x82: {  	s22 =	smul.u32 s0, s1;
	s0 =	sand.u32 s23, s24;
	s3 =	simm.s32 @!p1 $0x80  }
0x83: {  	s2 =	simm.s32 @p0 $0x0;
	[dreg:$0x15] =	wrdreg s0;
	s0 =	sadd.s32 s0, s3  }
0x84: {  	[dreg:$0x6] =	wrdreg s11;
	s25 =	smul.u32 s2, s22;
	s26 =	sadd.s32 $0xFFFFFF80, s0  }
0x85: {  	s0 =	ssub.s32 $0x100, s0;
	s2 =	sadd.s32 $0x1, s16;
	p0 =	sgt.s32 s26, $0x7F  }
0x86: {  	s3 =	sadd.s32 $0x1, s14;
	s0 =	simm.s32 @p0 $0x0;
	p0 =	slt.s32 s2, $0x8  }
0x87: {  	[dreg:$0xb] =	wrdreg s16;
	s2 =	simm.s32 @!p0 $0x8;
	p0 =	slt.s32 s3, $0xE0  }
0x88: {  	s1 =	sadd.s32 $0x80, s12;
	s2 =	ssub.s32 s2, s16;
	s3 =	simm.s32 @!p0 $0xE0  }
0x89: {  	p1 =	slt.s32 s1, $0xE0;
	s3 =	ssub.s32 s3, s14;
	p0 =	slt.s32 s2, $0x1  }
0x8a: {  	[dreg:$0x9] =	wrdreg s14;
	s1 =	simm.s32 @!p1 $0xE0;
	p1 =	slt.s32 @!p0 s3, $0x1  }
0x8b: {  	[dreg:$0x7] =	wrdreg s12;
	s27 =	ssub.s32 s1, s12;
	p1 =	por p0, p1  }
0x8c: {  	[dreg:$0x8] =	wrdreg s13;
	p2 =	slt.s32 @!p1 s27, $0x1  }
0x8d: {  	[dreg:$0x13] =	wrdreg s22;
	s0 =	smul.u32 s0, s25;
	p1 =	por p1, p2  }
.Ltmp4:
0x8e: {  	s29 =	simm.s32 $0x1;
	[dreg:$0x17] =	wrdreg s2;
	(pc) =	sbr.rel @p1 .LBB1_18-.Ltmp4, $4  }
0x8f: {  	s28 =	sand.u32 $0x3FFFFFFF, s0;
	s0 =	sand.u32 $0x1, s13;
	[dreg:$0x18] =	wrdreg s3  }
0x90: {  	s31 =	smul.u32 $0x4080, s0;
	_ =	swait.ge [sflag:s29], s28  }
0x91: {  	s30 =	ssub.s32 $0x0, s28;
	[sflag:s29] =	ssyncset.done $0x0  }
0x92: {  	[dreg:$0x16] =	wrdreg s31;
	[sflag:s29] =	ssyncadd.s32 s30  }
0x93: {  	s2 =	rddreg [dreg:$0x6]  }
0x94: {  	s1 =	sadd.s32 $0x80, s2  }
0x95: {  	p1 =	slt.s32 s1, $0xC0  }
0x96: {  	s1 =	simm.s32 @!p1 $0xC0  }
.Ltmp5:
0x97: {  	s1 =	ssub.s32 s1, s2;
	(pc) =	sbr.rel .LBB1_6-.Ltmp5, $4  }
0x98: {  	s30 =	sshll.u32 @!p0 s0, $0xE;
	s0 =	rddreg [dreg:$0x16];
	s2 =	sadd.s32 $0xF, s1  }
0x99: {  	s31 =	sor.u32 @!p0 $0x8000, s0;
	s28 =	sand.u32 $0xFFFFFFF0, s2  }
0x9a: {  	s29 =	sand.u32 @!p0 $0xFFFFFF00, s2;
	s1 =	sshll.u32 s2, $0x3;
	p0 =	slt.s32 s2, $0x100  }
0x9b: {  	s0 =	sand.u32 $0xFFFFF800, s1;
	s1 =	simm.s32 $0x0;
	p1 =	sge.s32 s29, s28  }
.LBB1_17:
0x9c: {  	s1 =	sadd.s32 $0x1, s1;
	s2 =	rddreg [dreg:$0x17]  }
0x9d: {  	p2 =	sne.s32 s1, s2  }
.Ltmp6:
0x9e: {  	_ = 	snop;
	(pc) =	sbr.rel @!p2 .LBB1_18-.Ltmp6, $1  }
0x9f: {  	_ =	sdelay $0x3  }
.LBB1_6:
.Ltmp7:
0xa0: {  	(pc) =	sbr.rel .LBB1_7-.Ltmp7, $2  }
0xa1: {  	_ =	sdelay $0x2  }
0xa2: {  	s2 =	simm.s32 $0x0  }
.LBB1_16:
0xa3: {  	s2 =	sadd.s32 $0x1, s2;
	s3 =	rddreg [dreg:$0x18]  }
0xa4: {  	p2 =	sne.s32 s2, s3  }
.Ltmp8:
0xa5: {  	_ = 	snop;
	(pc) =	sbr.rel @!p2 .LBB1_17-.Ltmp8, $1  }
0xa6: {  	_ =	sdelay $0x3  }
.LBB1_7:
.Ltmp9:
0xa7: {  	s3 =	sadd.s32 s1, s2;
	(pc) =	sbr.rel .LBB1_8-.Ltmp9, $3  }
0xa8: {  	s4 =	sshll.u32 s3, $0x10;
	s3 =	smul.u32 $0x10200, s3;
	_ =	sdelay $0x1  }
0xa9: {  	s5 =	simm.s32 $0x400;
	s4 =	sshra.s32 s4, $0x2;
	s3 =	sshra.s32 s3, $0x2  }
0xaa: {  	s7 =	sadd.s32 s4, s30;
	s4 =	simm.s32 $0x0;
	s3 =	sadd.s32 s3, s31  }
.LBB1_15:
0xab: {  	s4 =	sadd.s32 $0x1, s4  }
0xac: {  	p2 =	sne.s32 s4, s27  }
.Ltmp10:
0xad: {  	_ = 	snop;
	(pc) =	sbr.rel @!p2 .LBB1_16-.Ltmp10, $2  }
0xae: {  	_ =	sdelay $0x2  }
0xaf: {  	s5 =	sadd.s32 $0x80, s5  }
.LBB1_8:
.Ltmp11:
0xb0: {  	(pc) =	sbr.rel @p0 .LBB1_12-.Ltmp11, $2  }
0xb1: {  	_ =	sdelay $0x2  }
0xb2: {  	s6 =	sshll.u32 s4, $0x7;
	s24 =	sand.u32 $0x7F, s4  }
0xb3: {  	s10 =	sshll.u32 s4, $0x3  }
0xb4: {  	s13 =	sand.u32 $0x380, s6;
	s8 =	sshrl.u32 s10, $0x7  }
0xb5: {  	s9 =	sadd.s32 $0x800, s10;
	s15 =	sadd.s32 $0x1000, s10;
	s18 =	sadd.s32 $0x1800, s10  }
0xb6: {  	s20 =	sadd.s32 $0x2800, s10;
	s26 =	sadd.s32 $0x3000, s10;
	s10 =	sadd.s32 $0x3800, s10  }
0xb7: {  	s11 =	sand.u32 $0x78, s8;
	s9 =	sshrl.u32 s9, $0x7;
	s17 =	sshrl.u32 s15, $0x7  }
0xb8: {  	s15 =	sshrl.u32 s18, $0x7;
	s25 =	sshrl.u32 s20, $0x7;
	s10 =	sshrl.u32 s10, $0x7  }
0xb9: {  	s16 =	sadd.s32 $0x10, s8;
	s12 =	smul.u32 $0x204, s11;
	s9 =	sand.u32 $0x78, s9  }
0xba: {  	s20 =	sadd.s32 $0x30, s8;
	s11 =	sxor.u32 $0x40, s11;
	s14 =	smul.u32 $0x204, s9  }
0xbb: {  	s19 =	sand.u32 $0x78, s15;
	s10 =	sand.u32 $0x78, s10;
	s11 =	smul.u32 $0x204, s11  }
0xbc: {  	s9 =	sadd.s32 s13, s7;
	s13 =	sand.u32 $0x78, s17;
	s10 =	smul.u32 $0x204, s10  }
0xbd: {  	s12 =	sshrl.u32 s12, $0x2;
	s13 =	smul.u32 $0x204, s13;
	v0 =	vmov s9;
	s9 =	sand.u32 $0x3C00, s5  }
0xbe: {  	s12 =	sadd.s32 s12, s3;
	s14 =	sshrl.u32 s14, $0x2;
	s11 =	sshrl.u32 s11, $0x2  }
0xbf: {  	s10 =	sshrl.u32 s10, $0x2;
	s14 =	sadd.s32 s14, s3;
	s21 =	sadd.s32 s24, s12  }
0xc0: {  	s13 =	sshrl.u32 s13, $0x2;
	s12 =	smul.u32 $0x204, s19;
	s11 =	sadd.s32 s11, s3  }
0xc1: {  	s19 =	sadd.s32 $0x20, s8;
	s10 =	sadd.s32 s10, s3;
	s13 =	sadd.s32 s13, s3  }
0xc2: {  	s23 =	sadd.s32 s24, s13;
	s12 =	sshrl.u32 s12, $0x2;
	s13 =	sand.u32 $0x78, s25  }
0xc3: {  	s22 =	sadd.s32 s24, s14;
	s12 =	sadd.s32 s12, s3;
	s13 =	smul.u32 $0x204, s13  }
0xc4: {  	s17 =	sadd.s32 s24, s11;
	s18 =	sadd.s32 s24, s12;
	s12 =	sshrl.u32 s26, $0x7  }
0xc5: {  	s25 =	sadd.s32 $0x50, s8;
	s14 =	sshrl.u32 s13, $0x2;
	s11 =	sand.u32 $0x78, s12  }
0xc6: {  	s12 =	sadd.s32 s14, s3;
	s15 =	smul.u32 $0x204, s11;
	s14 =	sand.u32 $0x78, s19  }
0xc7: {  	s19 =	sadd.s32 s24, s10;
	s11 =	sadd.s32 s24, s12;
	s12 =	sand.u32 $0x78, s16  }
0xc8: {  	s14 =	smul.u32 $0x204, s14;
	s16 =	sadd.s32 $0x60, s8;
	s8 =	sadd.s32 $0x70, s8  }
0xc9: {  	s13 =	sshrl.u32 s15, $0x2;
	s12 =	smul.u32 $0x204, s12;
	s15 =	sand.u32 $0x78, s25  }
0xca: {  	s26 =	sand.u32 $0x78, s16;
	s8 =	sand.u32 $0x78, s8;
	s25 =	smul.u32 $0x204, s15  }
0xcb: {  	s14 =	sshrl.u32 s14, $0x2;
	s16 =	smul.u32 $0x204, s26;
	s12 =	sshrl.u32 s12, $0x2  }
0xcc: {  	v1 =	vld.idx.msk [tilespmem:v0+s9+$0x0 ss:$0x1], $0xffff;
	s8 =	smul.u32 $0x204, s8;
	s14 =	sadd.s32 s14, s3;
	s10 =	sadd.s32 s12, s3  }
0xcd: {  	s12 =	sand.u32 $0x78, s20;
	s20 =	sadd.s32 s24, s14;
	s14 =	sshrl.u32 s25, $0x2  }
0xce: {  	s25 =	sshrl.u32 s16, $0x2;
	s8 =	sshrl.u32 s8, $0x2;
	s15 =	sadd.s32 s24, s10  }
0xcf: {  	s10 =	sadd.s32 s14, s3;
	s14 =	sadd.s32 s25, s3;
	s26 =	sadd.s32 s8, s3  }
0xd0: {  	s8 =	sadd.s32 s24, s14;
	s14 =	sadd.s32 s24, s26;
	s26 =	sadd.s32 $0xFFFFFC00, s5  }
0xd1: {  	[tilespmem:s21+$0x0 ss:$0x81] =	vst.msk $0xffff, v1;
	v1 =	vld.idx.msk [tilespmem:v0+s9+$0x20 ss:$0x1], $0xffff;
	s16 =	sadd.s32 s24, s10;
	s10 =	sand.u32 $0x3C00, s26  }
0xd2: {  	v2 =	vld.idx.msk [tilespmem:v0+s10+$0x70 ss:$0x1], $0xffff  }
0xd3: {  	v3 =	vld.idx.msk [tilespmem:v0+s10+$0x0 ss:$0x1], $0xffff  }
0xd4: {  	v4 =	vld.idx.msk [tilespmem:v0+s10+$0x10 ss:$0x1], $0xffff  }
0xd5: {  	v5 =	vld.idx.msk [tilespmem:v0+s10+$0x20 ss:$0x1], $0xffff  }
0xd6: {  	v6 =	vld.idx.msk [tilespmem:v0+s10+$0x30 ss:$0x1], $0xffff  }
0xd7: {  	v7 =	vld.idx.msk [tilespmem:v0+s10+$0x40 ss:$0x1], $0xffff;
	[tilespmem:s19+$0x0 ss:$0x81] =	vst.msk $0xffff, v2  }
0xd8: {  	v8 =	vld.idx.msk [tilespmem:v0+s10+$0x50 ss:$0x1], $0xffff;
	[tilespmem:s21+$0x0 ss:$0x81] =	vst.msk $0xffff, v3  }
0xd9: {  	p2 =	sgt.s32 s29, $0x100;
	s12 =	smul.u32 $0x204, s12;
	v9 =	vld.idx.msk [tilespmem:v0+s10+$0x60 ss:$0x1], $0xffff;
	[tilespmem:s22+$0x0 ss:$0x81] =	vst.msk $0xffff, v4  }
.Ltmp12:
0xda: {  	v4 =	vld.idx.msk [tilespmem:v0+s9+$0x10 ss:$0x1], $0xffff;
	[tilespmem:s23+$0x0 ss:$0x81] =	vst.msk $0xffff, v5;
	(pc) =	sbr.rel @!p2 .LBB1_11-.Ltmp12, $4  }
0xdb: {  	[tilespmem:s18+$0x0 ss:$0x81] =	vst.msk $0xffff, v6;
	v2 =	vld.idx.msk [tilespmem:v0+s9+$0x30 ss:$0x1], $0xffff  }
0xdc: {  	s13 =	sadd.s32 s13, s3;
	s12 =	sshrl.u32 s12, $0x2;
	[tilespmem:s17+$0x0 ss:$0x81] =	vst.msk $0xffff, v7;
	v3 =	vld.idx.msk [tilespmem:v0+s9+$0x40 ss:$0x1], $0xffff  }
0xdd: {  	s13 =	sadd.s32 s24, s13;
	s12 =	sadd.s32 s12, s3;
	[tilespmem:s11+$0x0 ss:$0x81] =	vst.msk $0xffff, v8;
	v5 =	vld.idx.msk [tilespmem:v0+s9+$0x50 ss:$0x1], $0xffff  }
0xde: {  	s25 =	sadd.s32 $0x800, s5;
	s10 =	simm.s32 $0x100;
	s12 =	sadd.s32 s24, s12;
	[tilespmem:s13+$0x0 ss:$0x81] =	vst.msk $0xffff, v9;
	v6 =	vld.idx.msk [tilespmem:v0+s9+$0x60 ss:$0x1], $0xffff  }
.LBB1_10:
0xdf: {  	s26 =	sadd.s32 $0xFFFFFC00, s25;
	s10 =	sadd.s32 $0x100, s10;
	[tilespmem:s15+$0x0 ss:$0x81] =	vst.msk $0xffff, v4;
	v4 =	vld.idx.msk [tilespmem:v0+s9+$0x70 ss:$0x1], $0xffff;
	s9 =	sand.u32 $0x3C00, s25  }
0xe0: {  	s26 =	sand.u32 $0x3C00, s26;
	v7 =	vld.idx.msk [tilespmem:v0+s9+$0x0 ss:$0x1], $0xffff;
	p2 =	slt.s32 s10, s29;
	[tilespmem:s20+$0x0 ss:$0x81] =	vst.msk $0xffff, v1  }
0xe1: {  	v1 =	vld.idx.msk [tilespmem:v0+s26+$0x70 ss:$0x1], $0xffff;
	[tilespmem:s12+$0x0 ss:$0x81] =	vst.msk $0xffff, v2  }
0xe2: {  	v2 =	vld.idx.msk [tilespmem:v0+s26+$0x0 ss:$0x1], $0xffff;
	[tilespmem:s17+$0x0 ss:$0x81] =	vst.msk $0xffff, v3  }
0xe3: {  	v3 =	vld.idx.msk [tilespmem:v0+s26+$0x10 ss:$0x1], $0xffff;
	[tilespmem:s16+$0x0 ss:$0x81] =	vst.msk $0xffff, v5  }
0xe4: {  	v5 =	vld.idx.msk [tilespmem:v0+s26+$0x20 ss:$0x1], $0xffff;
	[tilespmem:s8+$0x0 ss:$0x81] =	vst.msk $0xffff, v6  }
0xe5: {  	v6 =	vld.idx.msk [tilespmem:v0+s26+$0x30 ss:$0x1], $0xffff;
	[tilespmem:s14+$0x0 ss:$0x81] =	vst.msk $0xffff, v4  }
0xe6: {  	v8 =	vld.idx.msk [tilespmem:v0+s26+$0x40 ss:$0x1], $0xffff;
	[tilespmem:s21+$0x0 ss:$0x81] =	vst.msk $0xffff, v7  }
0xe7: {  	v7 =	vld.idx.msk [tilespmem:v0+s26+$0x50 ss:$0x1], $0xffff;
	[tilespmem:s19+$0x0 ss:$0x81] =	vst.msk $0xffff, v1  }
0xe8: {  	[tilespmem:s21+$0x0 ss:$0x81] =	vst.msk $0xffff, v2;
	v9 =	vld.idx.msk [tilespmem:v0+s26+$0x60 ss:$0x1], $0xffff  }
0xe9: {  	[tilespmem:s22+$0x0 ss:$0x81] =	vst.msk $0xffff, v3;
	v4 =	vld.idx.msk [tilespmem:v0+s9+$0x10 ss:$0x1], $0xffff  }
.Ltmp13:
0xea: {  	[tilespmem:s23+$0x0 ss:$0x81] =	vst.msk $0xffff, v5;
	v1 =	vld.idx.msk [tilespmem:v0+s9+$0x20 ss:$0x1], $0xffff;
	(pc) =	sbr.rel @p2 .LBB1_10-.Ltmp13, $4  }
0xeb: {  	[tilespmem:s18+$0x0 ss:$0x81] =	vst.msk $0xffff, v6;
	v2 =	vld.idx.msk [tilespmem:v0+s9+$0x30 ss:$0x1], $0xffff  }
0xec: {  	[tilespmem:s17+$0x0 ss:$0x81] =	vst.msk $0xffff, v8;
	v3 =	vld.idx.msk [tilespmem:v0+s9+$0x40 ss:$0x1], $0xffff  }
0xed: {  	[tilespmem:s11+$0x0 ss:$0x81] =	vst.msk $0xffff, v7;
	v5 =	vld.idx.msk [tilespmem:v0+s9+$0x50 ss:$0x1], $0xffff  }
0xee: {  	s25 =	sadd.s32 $0x800, s25;
	[tilespmem:s13+$0x0 ss:$0x81] =	vst.msk $0xffff, v9;
	v6 =	vld.idx.msk [tilespmem:v0+s9+$0x60 ss:$0x1], $0xffff  }
.LBB1_11:
0xef: {  	_ =	sdelay $0x2  }
0xf0: {  	[tilespmem:s15+$0x0 ss:$0x81] =	vst.msk $0xffff, v4  }
0xf1: {  	v0 =	vld.idx.msk [tilespmem:v0+s9+$0x70 ss:$0x1], $0xffff;
	[tilespmem:s20+$0x0 ss:$0x81] =	vst.msk $0xffff, v1  }
0xf2: {  	[tilespmem:s12+$0x0 ss:$0x81] =	vst.msk $0xffff, v2  }
0xf3: {  	[tilespmem:s17+$0x0 ss:$0x81] =	vst.msk $0xffff, v3  }
0xf4: {  	[tilespmem:s16+$0x0 ss:$0x81] =	vst.msk $0xffff, v5  }
0xf5: {  	[tilespmem:s8+$0x0 ss:$0x81] =	vst.msk $0xffff, v6  }
0xf6: {  	[tilespmem:s14+$0x0 ss:$0x81] =	vst.msk $0xffff, v0  }
.LBB1_12:
.Ltmp14:
0xf7: {  	(pc) =	sbr.rel @p1 .LBB1_15-.Ltmp14, $1  }
0xf8: {  	_ =	sdelay $0x3  }
0xf9: {  	s9 =	sand.u32 $0x380, s6;
	s8 =	sshrl.u32 s4, $0x4;
	s10 =	sadd.s32 s24, s3  }
0xfa: {  	s11 =	smov.u32 s0;
	s12 =	smov.u32 s29;
	s9 =	sadd.s32 s9, s7  }
.LBB1_14:
0xfb: {  	s13 =	sand.u32 $0x3C00, s11  }
0xfc: {  	s13 =	sadd.s32 s6, s13  }
0xfd: {  	s13 =	sand.u32 $0x3C00, s13  }
0xfe: {  	s14 =	sand.u32 $0x70, s12;
	s25 =	sadd.s32 s12, s8;
	s13 =	sadd.s32 s13, s9  }
0xff: {  	s12 =	sadd.s32 $0x10, s12;
	s26 =	sand.u32 $0x78, s25;
	s13 =	sadd.s32 s14, s13  }
0x100: {  	p2 =	slt.s32 s12, s28;
	v0 =	vld [tilespmem:s13+$0x0];
	s13 =	smul.u32 $0x204, s26  }
.Ltmp15:
0x101: {  	_ = 	snop;
	(pc) =	sbr.rel @p2 .LBB1_14-.Ltmp15, $4  }
0x102: {  	_ = 	snop  }
0x103: {  	s13 =	sshrl.u32 s13, $0x2  }
0x104: {  	s13 =	sadd.s32 s13, s10  }
0x105: {  	s11 =	sadd.s32 $0x80, s11;
	[tilespmem:s13+$0x0 ss:$0x81] =	vst.msk $0xffff, v0  }
.Ltmp16:
0x106: {  	_ = 	snop;
	(pc) =	sbr.rel .LBB1_15-.Ltmp16, $1  }
0x107: {  	_ =	sdelay $0x3  }
.LBB1_20:
0x108: {  	_ =	sfence.sel $0x180000  }
0x109: {  	s0 =	simm.s32 $0x1;
	[bflag:$0x0] =	sbarrier.arrive $0xFFFF  }
0x10a: {  	s30 =	simm.s32 $0x2;
	[sflag:s0] =	ssyncpa.u1 $0x1  }
0x10b: {  	[sflag:s30] =	ssyncpa.u1 $0x1  }
0x10c: {  	_ =	strace $0x9000004D  }
0x10d: {  	s31 =	stileid.u32;
	[bflag:$0x2] =	sbarrier.arrive $0xFFFF  }
0x10e: {  	p0 =	sne.s32 s31, $0x0;
	s0 =	rddreg [dreg:$0x2]  }
0x10f: {  	s0 =	sadd.s32 @!p0 $0x100000, s0  }
0x110: {  	[sflag:s0] =	ssyncadd.tile.s32 @!p0 $0x1;
	_ =	shalt  }
.Lfunc_end1:
_tile_overlayer_lowered:
.L_overlay_start_2:
0x111: {  	(tag) =	ssettag $0x2  }
0x112: {  	s0 =	rddreg [dreg:$0x0];
	s2 =	stileid.u32  }
0x113: {  	s1 =	rddreg [dreg:$0x1];
	p0 =	sne.s32 s2, $0x0  }
0x114: {  	s3 =	rddreg [dreg:$0x2];
	[bflag:$0x3] =	sbarrier.arrive $0xFFFF;
	s2 =	simm.s32 @!p0 $0x1C01  }
0x115: {  	[timem:s3], [sflag:s2] =	dma.local @!p0 [hbm:s0], s1  }
0x116: {  	s0 =	simm.s32 @!p0 $0x1  }
0x117: {  	_ =	swait.ge @!p0 [sflag:s0], s1  }
0x118: {  	s1 =	ssub.s32 @!p0 $0x0, s1;
	[sflag:s0] =	ssyncset.done @!p0 $0x0  }
0x119: {  	[sflag:s0] =	ssyncadd.s32 @!p0 s1  }
0x11a: {  	[bflag:$0x3] =	sbarrier.arrive $0xFFFF  }
0x11b: {  	_ =	shalt  }

</sc_bundles>
